<compile_context>
chip_gen: v7x
topology: tpu7x:2x2x1
jax: 0.10.2.dev20260603
libtpu: 0.0.44.dev20260713+nightly
codegen_flags: <defaults>
</compile_context>

<pallas_src>
import functools

import jax
import jax.numpy as jnp
from jax import lax
from jax.experimental import pallas as pl
from jax.experimental.pallas import tpu as pltpu
from jax.experimental.pallas import tpu_sc as plsc

_HI = lax.Precision.HIGHEST



def _edge_embed_body(nl, ea_ref, *refs):
    ea = ea_ref[...]
    for j in range(nl):
        w, b = refs[2 * j], refs[2 * j + 1]
        refs[2 * nl + j][...] = jnp.dot(
            ea, w[...], preferred_element_type=jnp.float32,
            precision=_HI) + b[...]


def _edge_embed(edge_attr, ws, bs):
    e_num, d_e = edge_attr.shape
    dins = [w.shape[1] for w in ws]
    nl = len(ws)
    be = 2000
    grid = e_num // be
    full = lambda i: (0, 0)
    wspecs = []
    args = []
    for w, b in zip(ws, bs):
        wspecs += [pl.BlockSpec((d_e, w.shape[1]), full),
                   pl.BlockSpec((1, w.shape[1]), full)]
        args += [w, b[None, :]]
    out = pl.pallas_call(
        functools.partial(_edge_embed_body, nl),
        grid=(grid,),
        in_specs=[pl.BlockSpec((be, d_e), lambda i: (i, 0))] + wspecs,
        out_specs=[pl.BlockSpec((be, d), lambda i: (i, 0)) for d in dins],
        out_shape=[jax.ShapeDtypeStruct((e_num, d), jnp.float32) for d in dins],
    )(edge_attr, *args)
    return out



_IB = 128
_ZC = 80


def _zero_rows(buf, rows, din):
    def _zb(i, _):
        for s in range(din // 16):
            buf[i, pl.ds(s * 16, 16)] = jnp.zeros((16,), jnp.float32)
        return 0
    lax.fori_loop(0, rows, _zb, 0)


def _chunk_loop(sid, ns, n, body):
    nz_tot = n // _ZC
    nch = jnp.where(sid < (nz_tot % ns), nz_tot // ns + 1, nz_tot // ns)

    def _it(j, _):
        off = pl.multiple_of((j * ns + sid) * _ZC, 8)
        body(off)
        return 0
    lax.fori_loop(0, nch, _it, 0)


def _relu_add(hbuf, ebuf, din):
    def _ew(i, _):
        for r in range(2):
            ii = 2 * i + r
            for s in range(din // 16):
                sl = pl.ds(s * 16, 16)
                hbuf[ii, sl] = jnp.maximum(hbuf[ii, sl] + ebuf[ii, sl], 0.0)
        return 0
    lax.fori_loop(0, _IB // 2, _ew, 0)


@functools.cache
def _make_mp(n, ep, din, de=128):
    info = plsc.get_sparse_core_info()
    nc, ns = info.num_cores, info.num_subcores
    nw = nc * ns
    nb = ep // _IB

    mesh = plsc.VectorSubcoreMesh(core_axis_name="c", subcore_axis_name="s")

    @functools.partial(
        pl.kernel,
        out_type=jax.ShapeDtypeStruct((nc, n, din), jnp.float32),
        mesh=mesh,
        scratch_types=[
            pltpu.VMEM_SHARED((n, din), jnp.float32),
            pltpu.VMEM((2, _IB), jnp.int32),
            pltpu.VMEM((_IB, din), jnp.float32),
            pltpu.VMEM((_IB, de), jnp.float32),
            pltpu.SemaphoreType.DMA,
            pltpu.SemaphoreType.DMA,
            pltpu.SemaphoreType.DMA,
        ],
    )
    def mp(h_hbm, ee_hbm, idx_hbm, out_hbm, aggr, idxb, hbuf, ebuf, gs, es, ss):
        cid = lax.axis_index("c")
        sid = lax.axis_index("s")
        wid = cid * ns + sid
        lo = (wid * nb) // nw
        hi = ((wid + 1) * nb) // nw

        _zero_rows(hbuf, _ZC, din)
        _chunk_loop(sid, ns, n, lambda off: pltpu.sync_copy(
            hbuf.at[pl.ds(0, _ZC)], aggr.at[pl.ds(off, _ZC)]))

        plsc.subcore_barrier()

        def _batch(b, _):
            eb = pl.multiple_of(b * _IB, _IB)
            pltpu.sync_copy(idx_hbm.at[b], idxb)
            pltpu.async_copy(ee_hbm.at[pl.ds(eb, _IB)], ebuf, es)

            @pl.when(b > lo)
            def _():
                pltpu.make_async_copy(hbuf, aggr.at[idxb.at[1]], ss).wait()
            pltpu.async_copy(h_hbm.at[idxb.at[0]], hbuf, gs).wait()
            pltpu.make_async_copy(ee_hbm.at[pl.ds(0, _IB)], ebuf, es).wait()
            _relu_add(hbuf, ebuf, de)
            pltpu.async_copy(hbuf, aggr.at[idxb.at[1]], ss, add=True)
            return 0
        lax.fori_loop(lo, hi, _batch, 0)

        @pl.when(hi > lo)
        def _():
            pltpu.make_async_copy(hbuf, aggr.at[idxb.at[1]], ss).wait()
        plsc.subcore_barrier()
        _chunk_loop(sid, ns, n, lambda off: pltpu.sync_copy(
            aggr.at[pl.ds(off, _ZC)], out_hbm.at[cid, pl.ds(off, _ZC)]))

    return mp




def _node_body(h_ref, a_ref, w1, b1, w2, b2, o_ref):
    z = h_ref[...] + a_ref[0] + a_ref[1]
    t = jnp.maximum(jnp.dot(z, w1[...], preferred_element_type=jnp.float32,
                            precision=_HI) + b1[...], 0.0)
    o_ref[...] = jnp.maximum(jnp.dot(t, w2[...], preferred_element_type=jnp.float32,
                                     precision=_HI) + b2[...], 0.0)


def _node_update(h, aggr2, w1, b1, w2, b2, bn_rows=400):
    n, din = h.shape
    dm = w1.shape[1]
    dout = w2.shape[1]
    grid = n // bn_rows
    full = lambda i: (0, 0)
    return pl.pallas_call(
        _node_body,
        grid=(grid,),
        in_specs=[
            pl.BlockSpec((bn_rows, din), lambda i: (i, 0)),
            pl.BlockSpec((2, bn_rows, din), lambda i: (0, i, 0)),
            pl.BlockSpec((din, dm), full), pl.BlockSpec((1, dm), full),
            pl.BlockSpec((dm, dout), full), pl.BlockSpec((1, dout), full),
        ],
        out_specs=pl.BlockSpec((bn_rows, dout), lambda i: (i, 0)),
        out_shape=jax.ShapeDtypeStruct((n, dout), jnp.float32),
    )(h, aggr2, w1, b1[None, :], w2, b2[None, :])


def _node_pool_body(ng, h_ref, a_ref, batch_ref, w1, b1, w2, b2, o_ref, cnt):
    i = pl.program_id(0)

    @pl.when(i == 0)
    def _():
        o_ref[...] = jnp.zeros_like(o_ref)
        cnt[...] = jnp.zeros_like(cnt)

    z = h_ref[...] + a_ref[0] + a_ref[1]
    t = jnp.maximum(jnp.dot(z, w1[...], preferred_element_type=jnp.float32,
                            precision=_HI) + b1[...], 0.0)
    h3 = jnp.maximum(jnp.dot(t, w2[...], preferred_element_type=jnp.float32,
                             precision=_HI) + b2[...], 0.0)
    g = o_ref.shape[0]
    gids = lax.broadcasted_iota(jnp.int32, (g, h3.shape[0]), 0)
    onehot = (gids == batch_ref[0]).astype(jnp.float32)
    o_ref[...] += jnp.dot(onehot, h3, preferred_element_type=jnp.float32,
                          precision=_HI)
    cnt[...] += jnp.sum(onehot, axis=1, keepdims=True)

    @pl.when(i == ng - 1)
    def _():
        o_ref[...] = o_ref[...] / jnp.maximum(cnt[:, :1], 1.0)


def _node_update_pool(h, aggr2, batch3d, num_graphs, w1, b1, w2, b2, bn_rows=400):
    n, din = h.shape
    dm = w1.shape[1]
    dout = w2.shape[1]
    grid = n // bn_rows
    full = lambda i: (0, 0)
    return pl.pallas_call(
        functools.partial(_node_pool_body, grid),
        grid=(grid,),
        in_specs=[
            pl.BlockSpec((bn_rows, din), lambda i: (i, 0)),
            pl.BlockSpec((2, bn_rows, din), lambda i: (0, i, 0)),
            pl.BlockSpec((1, 1, bn_rows), lambda i: (i, 0, 0)),
            pl.BlockSpec((din, dm), full), pl.BlockSpec((1, dm), full),
            pl.BlockSpec((dm, dout), full), pl.BlockSpec((1, dout), full),
        ],
        out_specs=pl.BlockSpec((num_graphs, dout), lambda i: (0, 0)),
        out_shape=jax.ShapeDtypeStruct((num_graphs, dout), jnp.float32),
        scratch_shapes=[pltpu.VMEM((num_graphs, 128), jnp.float32)],
        compiler_params=pltpu.CompilerParams(
            dimension_semantics=("arbitrary",)),
    )(h, aggr2, batch3d, w1, b1[None, :], w2, b2[None, :])




def kernel(x, edge_index, edge_attr, batch, params, bn_stats):
    n, _ = x.shape
    e_num = edge_attr.shape[0]
    num_graphs = 64
    eps_bn = 1e-5

    dpad = 128
    w1p, b1s, fw2, fb2 = [], [], [], []
    for li, (p, st) in enumerate(zip(params, bn_stats)):
        din, dm = p["W1"].shape
        dout = p["W2"].shape[1]
        scale = p["gamma"] / jnp.sqrt(st["var"] + eps_bn)
        w2f = p["W2"] * scale[None, :]
        b2f = (p["b2"] - st["mean"]) * scale + p["beta"]
        w1p.append(jnp.pad(p["W1"], ((0, dpad - din), (0, 0))))
        b1s.append(p["b1"])
        if li < 2:
            w2f = jnp.pad(w2f, ((0, 0), (0, dpad - dout)))
            b2f = jnp.pad(b2f, (0, dpad - dout))
        fw2.append(w2f)
        fb2.append(b2f)

    ep = e_num
    idx3d = jnp.stack((edge_index[0].reshape(ep // _IB, _IB),
                       edge_index[1].reshape(ep // _IB, _IB)), axis=1)

    [e1] = _edge_embed(edge_attr, [params[0]["We"]], [params[0]["be"]])
    batch3d = batch.reshape(n // 400, 1, 400)

    aggr2 = _make_mp(n, ep, 128, 128)(x, e1, idx3d)
    e2, e3 = _edge_embed(edge_attr, [p["We"] for p in params[1:]],
                         [p["be"] for p in params[1:]])
    h = _node_update(x, aggr2, w1p[0], b1s[0], fw2[0], fb2[0])
    for li, ee in ((1, e2), (2, e3)):
        mp = _make_mp(n, ep, 128, params[li]["We"].shape[1])
        aggr2 = mp(h, ee, idx3d)
        if li < 2:
            h = _node_update(h, aggr2, w1p[li], b1s[li], fw2[li], fb2[li])
        else:
            out = _node_update_pool(h, aggr2, batch3d, num_graphs,
                                    w1p[li], b1s[li], fw2[li], fb2[li])
    return out

# --- scband reference (transcript-rebuilt; emitter-appended) ---
"""Pipeline reference for scband-ginestate-encoder-61555471286658 (READ-ONLY COPY).

The authoritative reference and input builder live on the scoring server;
editing this copy changes nothing except your own understanding.
"""

import jax, jax.numpy as jnp
import numpy as np

N = 10000
E = 320000
D_IN, D_H, D_OUT, D_E = 128, 64, 96, 16
NUM_GRAPHS = 64
EPS_BN = 1e-5


def _lin(k, din, dout):
    kw, kb = jax.random.split(k)
    s = 1.0 / np.sqrt(din)
    W = jax.random.uniform(kw, (din, dout), minval=-s, maxval=s, dtype=jnp.float32)
    b = jax.random.uniform(kb, (dout,), minval=-s, maxval=s, dtype=jnp.float32)
    return W, b


def setup_inputs(seed: int = 0):
    key = jax.random.key(seed)
    k = jax.random.split(key, 16)
    x = jax.random.normal(k[0], (N, D_IN), dtype=jnp.float32)
    edge_index = jax.random.randint(k[1], (2, E), 0, N, dtype=jnp.int32)
    edge_attr = jax.random.normal(k[2], (E, D_E), dtype=jnp.float32)
    batch = jnp.sort(jax.random.randint(k[3], (N,), 0, NUM_GRAPHS, dtype=jnp.int32))
    dims = [(D_IN, D_H, D_H), (D_H, D_H, D_H), (D_H, D_OUT, D_OUT)]
    params = []
    for i, (din, dm, dout) in enumerate(dims):
        kk = jax.random.split(k[4 + i], 3)
        We, be = _lin(kk[0], D_E, din)
        W1, b1 = _lin(kk[1], din, dm)
        W2, b2 = _lin(kk[2], dm, dout)
        params.append({"We": We, "be": be, "W1": W1, "b1": b1, "W2": W2, "b2": b2,
                       "gamma": jnp.ones((dout,), jnp.float32), "beta": jnp.zeros((dout,), jnp.float32)})
    bn_stats = [{"mean": jnp.zeros((d,), jnp.float32), "var": jnp.ones((d,), jnp.float32)} for d in (D_H, D_H, D_OUT)]
    return {"x": x, "edge_index": edge_index, "edge_attr": edge_attr, "batch": batch, "params": params, "bn_stats": bn_stats}


def _gine_layer(h, src, dst, edge_attr, p, stats):
    # GINEConv: message = relu(x_j + lin_edge(edge_attr)); sum-aggregate; out = nn((1+eps)*x + aggr), eps=0
    e = edge_attr @ p["We"] + p["be"]
    m = jax.nn.relu(h[src] + e)
    aggr = jax.ops.segment_sum(m, dst, num_segments=N)
    z = h + aggr
    z = jax.nn.relu(z @ p["W1"] + p["b1"]) @ p["W2"] + p["b2"]
    # BatchNorm1d in eval mode (running stats)
    z = (z - stats["mean"]) / jnp.sqrt(stats["var"] + EPS_BN) * p["gamma"] + p["beta"]
    return jax.nn.relu(z)


def reference(x, edge_index, edge_attr, batch, params, bn_stats):
    src, dst = edge_index[0], edge_index[1]
    h = x
    for p, s in zip(params, bn_stats):
        h = _gine_layer(h, src, dst, edge_attr, p, s)
    # global_mean_pool over batch vector
    sums = jax.ops.segment_sum(h, batch, num_segments=NUM_GRAPHS)
    counts = jax.ops.segment_sum(jnp.ones((h.shape[0],), jnp.float32), batch, num_segments=NUM_GRAPHS)
    return sums / jnp.maximum(counts, 1.0)[:, None]

if __name__ == "__main__":
    import jax
    _d = setup_inputs()
    print(jax.jit(kernel)(*tuple(_d.values())))

</pallas_src>

<mosaic_0001>
#map = affine_map<(d0, d1) -> (0, 0)>
#map1 = affine_map<(d0, d1) -> (0, 0, 0)>
module attributes {stable_mosaic.version = 14 : i64} {
  func.func @mp(%arg0: i32, %arg1: i32, %arg2: memref<10000x128xf32, #tpu.memory_space<hbm>>, %arg3: memref<320000x64xf32, #tpu.memory_space<hbm>>, %arg4: memref<2500x2x128xi32, #tpu.memory_space<hbm>>, %arg5: memref<2x10000x128xf32, #tpu.memory_space<hbm>>, %arg6: memref<10000x128xf32, #tpu.memory_space<vmem_shared>>, %arg7: memref<2x128xi32, #tpu.memory_space<vmem>>, %arg8: memref<128x128xf32, #tpu.memory_space<vmem>>, %arg9: memref<128x64xf32, #tpu.memory_space<vmem>>, %arg10: memref<!tpu.dma_semaphore, #tpu.memory_space<semaphore_mem>>, %arg11: memref<!tpu.dma_semaphore, #tpu.memory_space<semaphore_mem>>, %arg12: memref<!tpu.dma_semaphore, #tpu.memory_space<semaphore_mem>>) attributes {dimension_semantics = [#tpu.dimension_semantics<core_parallel>, #tpu.dimension_semantics<subcore_parallel>], iteration_bounds = array<i64: 2, 16>, scalar_prefetch = 0 : i64, scratch_operands = 7 : i64, tpu.core_type = #tpu.core_type<sc_vector_subcore>, window_params = [{transform_indices = #map}, {transform_indices = #map}, {transform_indices = #map1}, {transform_indices = #map1}]} {
    %mul3A = arith.constant 16 : i32
    %mul3A_0 = arith.muli %arg0, %mul3A : i32
    %add3A = arith.addi %mul3A_0, %arg1 : i32
    %mul3A_1 = arith.constant 2500 : i32
    %mul3A_2 = arith.muli %add3A, %mul3A_1 : i32
    %jit3A = arith.constant 32 : i32
    %div3A = arith.divsi %mul3A_2, %jit3A : i32
    %sign3A = arith.constant 0 : i32
    %sign3A_3 = arith.cmpi sgt, %mul3A_2, %sign3A : i32
    %sign3A_4 = arith.extui %sign3A_3 : i1 to i32
    %sign3A_5 = arith.constant 0 : i32
    %sign3A_6 = arith.cmpi slt, %mul3A_2, %sign3A_5 : i32
    %sign3A_7 = arith.extui %sign3A_6 : i1 to i32
    %sign3A_8 = arith.subi %sign3A_4, %sign3A_7 : i32
    %sign3A_9 = arith.constant 0 : i32
    %sign3A_10 = arith.cmpi sgt, %jit3A, %sign3A_9 : i32
    %sign3A_11 = arith.extui %sign3A_10 : i1 to i32
    %sign3A_12 = arith.constant 0 : i32
    %sign3A_13 = arith.cmpi slt, %jit3A, %sign3A_12 : i32
    %sign3A_14 = arith.extui %sign3A_13 : i1 to i32
    %sign3A_15 = arith.subi %sign3A_11, %sign3A_14 : i32
    %ne3A = arith.cmpi ne, %sign3A_8, %sign3A_15 : i32
    %rem3A = arith.remsi %mul3A_2, %jit3A : i32
    %ne3A_16 = arith.constant 0 : i32
    %ne3A_17 = arith.cmpi ne, %rem3A, %ne3A_16 : i32
    %and3A = arith.andi %ne3A, %ne3A_17 : i1
    %sub3A = arith.constant 1 : i32
    %sub3A_18 = arith.subi %div3A, %sub3A : i32
    %select_n3A = arith.select %and3A, %sub3A_18, %div3A : i32
    %add3A_19 = arith.constant 1 : i32
    %add3A_20 = arith.addi %add3A, %add3A_19 : i32
    %mul3A_21 = arith.constant 2500 : i32
    %mul3A_22 = arith.muli %add3A_20, %mul3A_21 : i32
    %jit3A_23 = arith.constant 32 : i32
    %div3A_24 = arith.divsi %mul3A_22, %jit3A_23 : i32
    %sign3A_25 = arith.constant 0 : i32
    %sign3A_26 = arith.cmpi sgt, %mul3A_22, %sign3A_25 : i32
    %sign3A_27 = arith.extui %sign3A_26 : i1 to i32
    %sign3A_28 = arith.constant 0 : i32
    %sign3A_29 = arith.cmpi slt, %mul3A_22, %sign3A_28 : i32
    %sign3A_30 = arith.extui %sign3A_29 : i1 to i32
    %sign3A_31 = arith.subi %sign3A_27, %sign3A_30 : i32
    %sign3A_32 = arith.constant 0 : i32
    %sign3A_33 = arith.cmpi sgt, %jit3A_23, %sign3A_32 : i32
    %sign3A_34 = arith.extui %sign3A_33 : i1 to i32
    %sign3A_35 = arith.constant 0 : i32
    %sign3A_36 = arith.cmpi slt, %jit3A_23, %sign3A_35 : i32
    %sign3A_37 = arith.extui %sign3A_36 : i1 to i32
    %sign3A_38 = arith.subi %sign3A_34, %sign3A_37 : i32
    %ne3A_39 = arith.cmpi ne, %sign3A_31, %sign3A_38 : i32
    %rem3A_40 = arith.remsi %mul3A_22, %jit3A_23 : i32
    %ne3A_41 = arith.constant 0 : i32
    %ne3A_42 = arith.cmpi ne, %rem3A_40, %ne3A_41 : i32
    %and3A_43 = arith.andi %ne3A_39, %ne3A_42 : i1
    %sub3A_44 = arith.constant 1 : i32
    %sub3A_45 = arith.subi %div3A_24, %sub3A_44 : i32
    %select_n3A_46 = arith.select %and3A_43, %sub3A_45, %div3A_24 : i32
    %scan3A = arith.constant 0 : i32
    %scan3A_47 = arith.constant 0 : i32
    %scan3A_48 = arith.constant 80 : i32
    %scan3A_49 = arith.addi %scan3A_47, %scan3A_48 : i32
    %scan3A_50 = arith.constant 1 : i32
    %scan3A_51 = scf.for %scan3A_98 = %scan3A_47 to %scan3A_49 step %scan3A_50 iter_args(%scan3A_99 = %scan3A) -> (i32)  : i32 {
      %broadcast_in_dim3A = arith.constant 0.000000e+00 : f32
      %broadcast_in_dim3A_100 = vector.broadcast %broadcast_in_dim3A : f32 to vector<16xf32>
      %swap3A = arith.index_cast %scan3A_98 : i32 to index
      %swap3A_101 = arith.constant 0 : index
      %swap3A_102 = tpu.vector_load %arg8[%swap3A, %swap3A_101] {strides = array<i32>} : memref<128x128xf32, #tpu.memory_space<vmem>>, vector<1x16xf32>,
      %swap3A_103 = vector.shape_cast %swap3A_102 : vector<1x16xf32> to vector<16xf32>
      %swap3A_104 = vector.shape_cast %broadcast_in_dim3A_100 : vector<16xf32> to vector<1x16xf32>
      tpu.vector_store %arg8[%swap3A, %swap3A_101], %swap3A_104 {strides = array<i32>} : memref<128x128xf32, #tpu.memory_space<vmem>>, vector<1x16xf32>,
      %broadcast_in_dim3A_105 = arith.constant 0.000000e+00 : f32
      %broadcast_in_dim3A_106 = vector.broadcast %broadcast_in_dim3A_105 : f32 to vector<16xf32>
      %swap3A_107 = arith.index_cast %scan3A_98 : i32 to index
      %swap3A_108 = arith.constant 16 : index
      %swap3A_109 = tpu.vector_load %arg8[%swap3A_107, %swap3A_108] {strides = array<i32>} : memref<128x128xf32, #tpu.memory_space<vmem>>, vector<1x16xf32>,
      %swap3A_110 = vector.shape_cast %swap3A_109 : vector<1x16xf32> to vector<16xf32>
      %swap3A_111 = vector.shape_cast %broadcast_in_dim3A_106 : vector<16xf32> to vector<1x16xf32>
      tpu.vector_store %arg8[%swap3A_107, %swap3A_108], %swap3A_111 {strides = array<i32>} : memref<128x128xf32, #tpu.memory_space<vmem>>, vector<1x16xf32>,
      %broadcast_in_dim3A_112 = arith.constant 0.000000e+00 : f32
      %broadcast_in_dim3A_113 = vector.broadcast %broadcast_in_dim3A_112 : f32 to vector<16xf32>
      %swap3A_114 = arith.index_cast %scan3A_98 : i32 to index
      %swap3A_115 = arith.constant 32 : index
      %swap3A_116 = tpu.vector_load %arg8[%swap3A_114, %swap3A_115] {strides = array<i32>} : memref<128x128xf32, #tpu.memory_space<vmem>>, vector<1x16xf32>,
      %swap3A_117 = vector.shape_cast %swap3A_116 : vector<1x16xf32> to vector<16xf32>
      %swap3A_118 = vector.shape_cast %broadcast_in_dim3A_113 : vector<16xf32> to vector<1x16xf32>
      tpu.vector_store %arg8[%swap3A_114, %swap3A_115], %swap3A_118 {strides = array<i32>} : memref<128x128xf32, #tpu.memory_space<vmem>>, vector<1x16xf32>,
      %broadcast_in_dim3A_119 = arith.constant 0.000000e+00 : f32
      %broadcast_in_dim3A_120 = vector.broadcast %broadcast_in_dim3A_119 : f32 to vector<16xf32>
      %swap3A_121 = arith.index_cast %scan3A_98 : i32 to index
      %swap3A_122 = arith.constant 48 : index
      %swap3A_123 = tpu.vector_load %arg8[%swap3A_121, %swap3A_122] {strides = array<i32>} : memref<128x128xf32, #tpu.memory_space<vmem>>, vector<1x16xf32>,
      %swap3A_124 = vector.shape_cast %swap3A_123 : vector<1x16xf32> to vector<16xf32>
      %swap3A_125 = vector.shape_cast %broadcast_in_dim3A_120 : vector<16xf32> to vector<1x16xf32>
      tpu.vector_store %arg8[%swap3A_121, %swap3A_122], %swap3A_125 {strides = array<i32>} : memref<128x128xf32, #tpu.memory_space<vmem>>, vector<1x16xf32>,
      %broadcast_in_dim3A_126 = arith.constant 0.000000e+00 : f32
      %broadcast_in_dim3A_127 = vector.broadcast %broadcast_in_dim3A_126 : f32 to vector<16xf32>
      %swap3A_128 = arith.index_cast %scan3A_98 : i32 to index
      %swap3A_129 = arith.constant 64 : index
      %swap3A_130 = tpu.vector_load %arg8[%swap3A_128, %swap3A_129] {strides = array<i32>} : memref<128x128xf32, #tpu.memory_space<vmem>>, vector<1x16xf32>,
      %swap3A_131 = vector.shape_cast %swap3A_130 : vector<1x16xf32> to vector<16xf32>
      %swap3A_132 = vector.shape_cast %broadcast_in_dim3A_127 : vector<16xf32> to vector<1x16xf32>
      tpu.vector_store %arg8[%swap3A_128, %swap3A_129], %swap3A_132 {strides = array<i32>} : memref<128x128xf32, #tpu.memory_space<vmem>>, vector<1x16xf32>,
      %broadcast_in_dim3A_133 = arith.constant 0.000000e+00 : f32
      %broadcast_in_dim3A_134 = vector.broadcast %broadcast_in_dim3A_133 : f32 to vector<16xf32>
      %swap3A_135 = arith.index_cast %scan3A_98 : i32 to index
      %swap3A_136 = arith.constant 80 : index
      %swap3A_137 = tpu.vector_load %arg8[%swap3A_135, %swap3A_136] {strides = array<i32>} : memref<128x128xf32, #tpu.memory_space<vmem>>, vector<1x16xf32>,
      %swap3A_138 = vector.shape_cast %swap3A_137 : vector<1x16xf32> to vector<16xf32>
      %swap3A_139 = vector.shape_cast %broadcast_in_dim3A_134 : vector<16xf32> to vector<1x16xf32>
      tpu.vector_store %arg8[%swap3A_135, %swap3A_136], %swap3A_139 {strides = array<i32>} : memref<128x128xf32, #tpu.memory_space<vmem>>, vector<1x16xf32>,
      %broadcast_in_dim3A_140 = arith.constant 0.000000e+00 : f32
      %broadcast_in_dim3A_141 = vector.broadcast %broadcast_in_dim3A_140 : f32 to vector<16xf32>
      %swap3A_142 = arith.index_cast %scan3A_98 : i32 to index
      %swap3A_143 = arith.constant 96 : index
      %swap3A_144 = tpu.vector_load %arg8[%swap3A_142, %swap3A_143] {strides = array<i32>} : memref<128x128xf32, #tpu.memory_space<vmem>>, vector<1x16xf32>,
      %swap3A_145 = vector.shape_cast %swap3A_144 : vector<1x16xf32> to vector<16xf32>
      %swap3A_146 = vector.shape_cast %broadcast_in_dim3A_141 : vector<16xf32> to vector<1x16xf32>
      tpu.vector_store %arg8[%swap3A_142, %swap3A_143], %swap3A_146 {strides = array<i32>} : memref<128x128xf32, #tpu.memory_space<vmem>>, vector<1x16xf32>,
      %broadcast_in_dim3A_147 = arith.constant 0.000000e+00 : f32
      %broadcast_in_dim3A_148 = vector.broadcast %broadcast_in_dim3A_147 : f32 to vector<16xf32>
      %swap3A_149 = arith.index_cast %scan3A_98 : i32 to index
      %swap3A_150 = arith.constant 112 : index
      %swap3A_151 = tpu.vector_load %arg8[%swap3A_149, %swap3A_150] {strides = array<i32>} : memref<128x128xf32, #tpu.memory_space<vmem>>, vector<1x16xf32>,
      %swap3A_152 = vector.shape_cast %swap3A_151 : vector<1x16xf32> to vector<16xf32>
      %swap3A_153 = vector.shape_cast %broadcast_in_dim3A_148 : vector<16xf32> to vector<1x16xf32>
      tpu.vector_store %arg8[%swap3A_149, %swap3A_150], %swap3A_153 {strides = array<i32>} : memref<128x128xf32, #tpu.memory_space<vmem>>, vector<1x16xf32>,
      %scan3A_154 = arith.constant 0 : i32
      scf.yield %scan3A_154 : i32
    }
    %scan3A_52 = arith.constant 80 : i32
    %lt3A = arith.constant 13 : i32
    %lt3A_53 = arith.cmpi slt, %arg1, %lt3A : i32
    %jit3A_54 = arith.constant 8 : i32
    %jit3A_55 = arith.constant 7 : i32
    %select_n3A_56 = arith.select %lt3A_53, %jit3A_54, %jit3A_55 : i32
    %while3A = arith.constant 0 : i32
    %while3A_57 = arith.constant 0 : i32
    %while3A_58 = arith.subi %select_n3A_56, %while3A : i32
    %while3A_59 = arith.addi %while3A, %while3A_58 : i32
    %while3A_60 = arith.constant 1 : i32
    %while3A_61 = arith.divsi %while3A_58, %while3A_60 : i32
    %while3A_62 = arith.muli %while3A_61, %while3A_60 : i32
    %while3A_63 = arith.addi %while3A, %while3A_62 : i32
    %while3A_64 = arith.constant 1 : i32
    %while3A_65 = scf.for %while3A_98 = %while3A to %while3A_63 step %while3A_64 iter_args(%while3A_99 = %while3A_57) -> (i32)  : i32 {
      %mul3A_100 = arith.constant 16 : i32
      %mul3A_101 = arith.muli %while3A_98, %mul3A_100 : i32
      %add3A_102 = arith.addi %mul3A_101, %arg1 : i32
      %mul3A_103 = arith.constant 80 : i32
      %mul3A_104 = arith.muli %add3A_102, %mul3A_103 : i32
      %multiple_of3A = tpu.assume_multiple %mul3A_104, 8 : i32
      "tpu.region"() ({
        %run_scoped3A = tpu.sem_alloc : memref<!tpu.dma_semaphore, #tpu.memory_space<semaphore_mem>>
        %dma_start3A = arith.constant 0 : i32
        %dma_start3A_106 = arith.constant 0 : i32
        %dma_start3A_107 = tpu.memref_slice %arg8[%dma_start3A, %dma_start3A_106] : memref<128x128xf32, #tpu.memory_space<vmem>> -> memref<80x128xf32, #tpu.memory_space<vmem>>
        %dma_start3A_108 = arith.constant 0 : i32
        %dma_start3A_109 = tpu.memref_slice %arg6[%multiple_of3A, %dma_start3A_108] : memref<10000x128xf32, #tpu.memory_space<vmem_shared>> -> memref<80x128xf32, #tpu.memory_space<vmem_shared>>
        %dma_start3A_110 = arith.constant 0 : i32
        %dma_start3A_111 = tpu.memref_slice %arg6[%multiple_of3A, %dma_start3A_110] : memref<10000x128xf32, #tpu.memory_space<vmem_shared>> -> memref<80x128xf32, #tpu.memory_space<vmem_shared>>
        %dma_start3A_112 = arith.constant 0 : i32
        %dma_start3A_113 = arith.constant 0 : i32
        %dma_start3A_114 = tpu.memref_slice %arg8[%dma_start3A_112, %dma_start3A_113] : memref<128x128xf32, #tpu.memory_space<vmem>> -> memref<80x128xf32, #tpu.memory_space<vmem>>
        tpu.enqueue_dma source(%dma_start3A_114 : memref<80x128xf32, #tpu.memory_space<vmem>>) target(%dma_start3A_111 : memref<80x128xf32, #tpu.memory_space<vmem_shared>>) target_semaphore(%run_scoped3A : memref<!tpu.dma_semaphore, #tpu.memory_space<semaphore_mem>>)
        %dma_wait3A = arith.constant 0 : i32
        %dma_wait3A_115 = arith.constant 0 : i32
        %dma_wait3A_116 = tpu.memref_slice %arg8[%dma_wait3A, %dma_wait3A_115] : memref<128x128xf32, #tpu.memory_space<vmem>> -> memref<80x128xf32, #tpu.memory_space<vmem>>
        %dma_wait3A_117 = arith.constant 0 : i32
        %dma_wait3A_118 = tpu.memref_slice %arg6[%multiple_of3A, %dma_wait3A_117] : memref<10000x128xf32, #tpu.memory_space<vmem_shared>> -> memref<80x128xf32, #tpu.memory_space<vmem_shared>>
        %dma_wait3A_119 = arith.constant 0 : i32
        %dma_wait3A_120 = tpu.memref_slice %arg6[%multiple_of3A, %dma_wait3A_119] : memref<10000x128xf32, #tpu.memory_space<vmem_shared>> -> memref<80x128xf32, #tpu.memory_space<vmem_shared>>
        %dma_wait3A_121 = arith.constant 0 : i32
        %dma_wait3A_122 = arith.constant 0 : i32
        %dma_wait3A_123 = tpu.memref_slice %arg8[%dma_wait3A_121, %dma_wait3A_122] : memref<128x128xf32, #tpu.memory_space<vmem>> -> memref<80x128xf32, #tpu.memory_space<vmem>>
        tpu.wait_dma2 semaphore(%run_scoped3A : memref<!tpu.dma_semaphore, #tpu.memory_space<semaphore_mem>>) src(%dma_wait3A_123 : memref<80x128xf32, #tpu.memory_space<vmem>>) dst(%dma_wait3A_120 : memref<80x128xf32, #tpu.memory_space<vmem_shared>>)
        tpu.yield
      }) : () -> ()
      %while3A_105 = arith.constant 0 : i32
      scf.yield %while3A_105 : i32
    }
    %while3A_66 = arith.constant 1 : i32
    %while3A_67 = scf.for %while3A_98 = %while3A_63 to %while3A_59 step %while3A_66 iter_args(%while3A_99 = %while3A_65) -> (i32)  : i32 {
      %mul3A_100 = arith.constant 16 : i32
      %mul3A_101 = arith.muli %while3A_98, %mul3A_100 : i32
      %add3A_102 = arith.addi %mul3A_101, %arg1 : i32
      %mul3A_103 = arith.constant 80 : i32
      %mul3A_104 = arith.muli %add3A_102, %mul3A_103 : i32
      %multiple_of3A = tpu.assume_multiple %mul3A_104, 8 : i32
      "tpu.region"() ({
        %run_scoped3A = tpu.sem_alloc : memref<!tpu.dma_semaphore, #tpu.memory_space<semaphore_mem>>
        %dma_start3A = arith.constant 0 : i32
        %dma_start3A_106 = arith.constant 0 : i32
        %dma_start3A_107 = tpu.memref_slice %arg8[%dma_start3A, %dma_start3A_106] : memref<128x128xf32, #tpu.memory_space<vmem>> -> memref<80x128xf32, #tpu.memory_space<vmem>>
        %dma_start3A_108 = arith.constant 0 : i32
        %dma_start3A_109 = tpu.memref_slice %arg6[%multiple_of3A, %dma_start3A_108] : memref<10000x128xf32, #tpu.memory_space<vmem_shared>> -> memref<80x128xf32, #tpu.memory_space<vmem_shared>>
        %dma_start3A_110 = arith.constant 0 : i32
        %dma_start3A_111 = tpu.memref_slice %arg6[%multiple_of3A, %dma_start3A_110] : memref<10000x128xf32, #tpu.memory_space<vmem_shared>> -> memref<80x128xf32, #tpu.memory_space<vmem_shared>>
        %dma_start3A_112 = arith.constant 0 : i32
        %dma_start3A_113 = arith.constant 0 : i32
        %dma_start3A_114 = tpu.memref_slice %arg8[%dma_start3A_112, %dma_start3A_113] : memref<128x128xf32, #tpu.memory_space<vmem>> -> memref<80x128xf32, #tpu.memory_space<vmem>>
        tpu.enqueue_dma source(%dma_start3A_114 : memref<80x128xf32, #tpu.memory_space<vmem>>) target(%dma_start3A_111 : memref<80x128xf32, #tpu.memory_space<vmem_shared>>) target_semaphore(%run_scoped3A : memref<!tpu.dma_semaphore, #tpu.memory_space<semaphore_mem>>)
        %dma_wait3A = arith.constant 0 : i32
        %dma_wait3A_115 = arith.constant 0 : i32
        %dma_wait3A_116 = tpu.memref_slice %arg8[%dma_wait3A, %dma_wait3A_115] : memref<128x128xf32, #tpu.memory_space<vmem>> -> memref<80x128xf32, #tpu.memory_space<vmem>>
        %dma_wait3A_117 = arith.constant 0 : i32
        %dma_wait3A_118 = tpu.memref_slice %arg6[%multiple_of3A, %dma_wait3A_117] : memref<10000x128xf32, #tpu.memory_space<vmem_shared>> -> memref<80x128xf32, #tpu.memory_space<vmem_shared>>
        %dma_wait3A_119 = arith.constant 0 : i32
        %dma_wait3A_120 = tpu.memref_slice %arg6[%multiple_of3A, %dma_wait3A_119] : memref<10000x128xf32, #tpu.memory_space<vmem_shared>> -> memref<80x128xf32, #tpu.memory_space<vmem_shared>>
        %dma_wait3A_121 = arith.constant 0 : i32
        %dma_wait3A_122 = arith.constant 0 : i32
        %dma_wait3A_123 = tpu.memref_slice %arg8[%dma_wait3A_121, %dma_wait3A_122] : memref<128x128xf32, #tpu.memory_space<vmem>> -> memref<80x128xf32, #tpu.memory_space<vmem>>
        tpu.wait_dma2 semaphore(%run_scoped3A : memref<!tpu.dma_semaphore, #tpu.memory_space<semaphore_mem>>) src(%dma_wait3A_123 : memref<80x128xf32, #tpu.memory_space<vmem>>) dst(%dma_wait3A_120 : memref<80x128xf32, #tpu.memory_space<vmem_shared>>)
        tpu.yield
      }) : () -> ()
      %while3A_105 = arith.constant 0 : i32
      scf.yield %while3A_105 : i32
    }
    %barrier3A = arith.constant 0 : index
    tpu.barrier barrier_id(%barrier3A)
    %while3A_68 = arith.constant 0 : i32
    %while3A_69 = arith.subi %select_n3A_46, %select_n3A : i32
    %while3A_70 = arith.addi %select_n3A, %while3A_69 : i32
    %while3A_71 = arith.constant 1 : i32
    %while3A_72 = arith.divsi %while3A_69, %while3A_71 : i32
    %while3A_73 = arith.muli %while3A_72, %while3A_71 : i32
    %while3A_74 = arith.addi %select_n3A, %while3A_73 : i32
    %while3A_75 = arith.constant 1 : i32
    %while3A_76 = scf.for %while3A_98 = %select_n3A to %while3A_74 step %while3A_75 iter_args(%while3A_99 = %while3A_68) -> (i32)  : i32 {
      %mul3A_100 = arith.constant 128 : i32
      %mul3A_101 = arith.muli %while3A_98, %mul3A_100 : i32
      %multiple_of3A = tpu.assume_multiple %mul3A_101, 128 : i32
      "tpu.region"() ({
        %run_scoped3A = tpu.sem_alloc : memref<!tpu.dma_semaphore, #tpu.memory_space<semaphore_mem>>
        %dma_start3A_143 = arith.constant 0 : i32
        %dma_start3A_144 = arith.constant 0 : i32
        %dma_start3A_145 = tpu.memref_slice %arg4[%while3A_98, %dma_start3A_143, %dma_start3A_144] : memref<2500x2x128xi32, #tpu.memory_space<hbm>> -> memref<1x2x128xi32, #tpu.memory_space<hbm>>
        %dma_start3A_146 = tpu.memref_squeeze %dma_start3A_145 : memref<1x2x128xi32, #tpu.memory_space<hbm>> -> memref<2x128xi32, #tpu.memory_space<hbm>>
        %dma_start3A_147 = arith.constant 0 : i32
        %dma_start3A_148 = arith.constant 0 : i32
        %dma_start3A_149 = tpu.memref_slice %arg4[%while3A_98, %dma_start3A_147, %dma_start3A_148] : memref<2500x2x128xi32, #tpu.memory_space<hbm>> -> memref<1x2x128xi32, #tpu.memory_space<hbm>>
        %dma_start3A_150 = tpu.memref_squeeze %dma_start3A_149 : memref<1x2x128xi32, #tpu.memory_space<hbm>> -> memref<2x128xi32, #tpu.memory_space<hbm>>
        tpu.enqueue_dma source(%dma_start3A_150 : memref<2x128xi32, #tpu.memory_space<hbm>>) target(%arg7 : memref<2x128xi32, #tpu.memory_space<vmem>>) target_semaphore(%run_scoped3A : memref<!tpu.dma_semaphore, #tpu.memory_space<semaphore_mem>>)
        %dma_wait3A_151 = arith.constant 0 : i32
        %dma_wait3A_152 = arith.constant 0 : i32
        %dma_wait3A_153 = tpu.memref_slice %arg4[%while3A_98, %dma_wait3A_151, %dma_wait3A_152] : memref<2500x2x128xi32, #tpu.memory_space<hbm>> -> memref<1x2x128xi32, #tpu.memory_space<hbm>>
        %dma_wait3A_154 = tpu.memref_squeeze %dma_wait3A_153 : memref<1x2x128xi32, #tpu.memory_space<hbm>> -> memref<2x128xi32, #tpu.memory_space<hbm>>
        %dma_wait3A_155 = arith.constant 0 : i32
        %dma_wait3A_156 = arith.constant 0 : i32
        %dma_wait3A_157 = tpu.memref_slice %arg4[%while3A_98, %dma_wait3A_155, %dma_wait3A_156] : memref<2500x2x128xi32, #tpu.memory_space<hbm>> -> memref<1x2x128xi32, #tpu.memory_space<hbm>>
        %dma_wait3A_158 = tpu.memref_squeeze %dma_wait3A_157 : memref<1x2x128xi32, #tpu.memory_space<hbm>> -> memref<2x128xi32, #tpu.memory_space<hbm>>
        tpu.wait_dma2 semaphore(%run_scoped3A : memref<!tpu.dma_semaphore, #tpu.memory_space<semaphore_mem>>) src(%dma_wait3A_158 : memref<2x128xi32, #tpu.memory_space<hbm>>) dst(%arg7 : memref<2x128xi32, #tpu.memory_space<vmem>>)
        tpu.yield
      }) : () -> ()
      %dma_start3A = arith.constant 0 : i32
      %dma_start3A_102 = tpu.memref_slice %arg3[%multiple_of3A, %dma_start3A] : memref<320000x64xf32, #tpu.memory_space<hbm>> -> memref<128x64xf32, #tpu.memory_space<hbm>>
      %dma_start3A_103 = arith.constant 0 : i32
      %dma_start3A_104 = tpu.memref_slice %arg3[%multiple_of3A, %dma_start3A_103] : memref<320000x64xf32, #tpu.memory_space<hbm>> -> memref<128x64xf32, #tpu.memory_space<hbm>>
      tpu.enqueue_dma source(%dma_start3A_104 : memref<128x64xf32, #tpu.memory_space<hbm>>) target(%arg9 : memref<128x64xf32, #tpu.memory_space<vmem>>) target_semaphore(%arg11 : memref<!tpu.dma_semaphore, #tpu.memory_space<semaphore_mem>>)
      %gt3A_105 = arith.cmpi sgt, %while3A_98, %select_n3A : i32
      %convert_element_type3A_106 = arith.extui %gt3A_105 : i1 to i32
      %cond3A_107 = arith.constant 0 : i32
      %cond3A_108 = arith.cmpi ne, %convert_element_type3A_106, %cond3A_107 : i32
      scf.if %cond3A_108 {
        %dma_wait3A_143 = arith.constant 1 : i32
        %dma_wait3A_144 = arith.constant 0 : i32
        %dma_wait3A_145 = tpu.memref_slice %arg7[%dma_wait3A_143, %dma_wait3A_144] : memref<2x128xi32, #tpu.memory_space<vmem>> -> memref<1x128xi32, #tpu.memory_space<vmem>>
        %dma_wait3A_146 = tpu.memref_squeeze %dma_wait3A_145 : memref<1x128xi32, #tpu.memory_space<vmem>> -> memref<128xi32, #tpu.memory_space<vmem>>
        %dma_wait3A_147 = arith.constant 0 : i32
        %dma_wait3A_148 = arith.constant 0 : i32
        %dma_wait3A_149 = tpu.memref_slice %arg6[%dma_wait3A_147, %dma_wait3A_148] : memref<10000x128xf32, #tpu.memory_space<vmem_shared>> -> memref<10000x128xf32, #tpu.memory_space<vmem_shared>>
        tpu.wait_indirect_dma semaphore(%arg12 : memref<!tpu.dma_semaphore, #tpu.memory_space<semaphore_mem>>) src(%arg8 : memref<128x128xf32, #tpu.memory_space<vmem>>) dst(%dma_wait3A_149 : memref<10000x128xf32, #tpu.memory_space<vmem_shared>>)
      } else {
      }
      %dma_start3A_109 = arith.constant 0 : i32
      %dma_start3A_110 = arith.constant 0 : i32
      %dma_start3A_111 = tpu.memref_slice %arg7[%dma_start3A_109, %dma_start3A_110] : memref<2x128xi32, #tpu.memory_space<vmem>> -> memref<1x128xi32, #tpu.memory_space<vmem>>
      %dma_start3A_112 = tpu.memref_squeeze %dma_start3A_111 : memref<1x128xi32, #tpu.memory_space<vmem>> -> memref<128xi32, #tpu.memory_space<vmem>>
      %dma_start3A_113 = arith.constant 0 : i32
      %dma_start3A_114 = arith.constant 0 : i32
      %dma_start3A_115 = tpu.memref_slice %arg2[%dma_start3A_113, %dma_start3A_114] : memref<10000x128xf32, #tpu.memory_space<hbm>> -> memref<10000x128xf32, #tpu.memory_space<hbm>>
      tpu.enqueue_indirect_dma source(%dma_start3A_115 : memref<10000x128xf32, #tpu.memory_space<hbm>>) target(%arg8 : memref<128x128xf32, #tpu.memory_space<vmem>>) offsets(%dma_start3A_112 : memref<128xi32, #tpu.memory_space<vmem>>) semaphore(%arg10 : memref<!tpu.dma_semaphore, #tpu.memory_space<semaphore_mem>>)
      %dma_wait3A = arith.constant 0 : i32
      %dma_wait3A_116 = arith.constant 0 : i32
      %dma_wait3A_117 = tpu.memref_slice %arg7[%dma_wait3A, %dma_wait3A_116] : memref<2x128xi32, #tpu.memory_space<vmem>> -> memref<1x128xi32, #tpu.memory_space<vmem>>
      %dma_wait3A_118 = tpu.memref_squeeze %dma_wait3A_117 : memref<1x128xi32, #tpu.memory_space<vmem>> -> memref<128xi32, #tpu.memory_space<vmem>>
      %dma_wait3A_119 = arith.constant 0 : i32
      %dma_wait3A_120 = arith.constant 0 : i32
      %dma_wait3A_121 = tpu.memref_slice %arg2[%dma_wait3A_119, %dma_wait3A_120] : memref<10000x128xf32, #tpu.memory_space<hbm>> -> memref<10000x128xf32, #tpu.memory_space<hbm>>
      tpu.wait_indirect_dma semaphore(%arg10 : memref<!tpu.dma_semaphore, #tpu.memory_space<semaphore_mem>>) src(%dma_wait3A_121 : memref<10000x128xf32, #tpu.memory_space<hbm>>) dst(%arg8 : memref<128x128xf32, #tpu.memory_space<vmem>>)
      %dma_wait3A_122 = arith.constant 0 : i32
      %dma_wait3A_123 = arith.constant 0 : i32
      %dma_wait3A_124 = tpu.memref_slice %arg3[%dma_wait3A_122, %dma_wait3A_123] : memref<320000x64xf32, #tpu.memory_space<hbm>> -> memref<128x64xf32, #tpu.memory_space<hbm>>
      %dma_wait3A_125 = arith.constant 0 : i32
      %dma_wait3A_126 = arith.constant 0 : i32
      %dma_wait3A_127 = tpu.memref_slice %arg3[%dma_wait3A_125, %dma_wait3A_126] : memref<320000x64xf32, #tpu.memory_space<hbm>> -> memref<128x64xf32, #tpu.memory_space<hbm>>
      tpu.wait_dma2 semaphore(%arg11 : memref<!tpu.dma_semaphore, #tpu.memory_space<semaphore_mem>>) src(%dma_wait3A_127 : memref<128x64xf32, #tpu.memory_space<hbm>>) dst(%arg9 : memref<128x64xf32, #tpu.memory_space<vmem>>)
      %scan3A_128 = arith.constant 0 : i32
      %scan3A_129 = arith.constant 0 : i32
      %scan3A_130 = arith.constant 64 : i32
      %scan3A_131 = arith.addi %scan3A_129, %scan3A_130 : i32
      %scan3A_132 = arith.constant 1 : i32
      %scan3A_133 = scf.for %scan3A_143 = %scan3A_129 to %scan3A_131 step %scan3A_132 iter_args(%scan3A_144 = %scan3A_128) -> (i32)  : i32 {
        %mul3A_145 = arith.constant 2 : i32
        %mul3A_146 = arith.muli %mul3A_145, %scan3A_143 : i32
        %add3A_147 = arith.constant 0 : i32
        %add3A_148 = arith.addi %mul3A_146, %add3A_147 : i32
        %get3A = arith.index_cast %add3A_148 : i32 to index
        %get3A_149 = arith.constant 0 : index
        %get3A_150 = tpu.vector_load %arg8[%get3A, %get3A_149] {strides = array<i32>} : memref<128x128xf32, #tpu.memory_space<vmem>>, vector<1x16xf32>,
        %get3A_151 = vector.shape_cast %get3A_150 : vector<1x16xf32> to vector<16xf32>
        %get3A_152 = arith.index_cast %add3A_148 : i32 to index
        %get3A_153 = arith.constant 0 : index
        %get3A_154 = tpu.vector_load %arg9[%get3A_152, %get3A_153] {strides = array<i32>} : memref<128x64xf32, #tpu.memory_space<vmem>>, vector<1x16xf32>,
        %get3A_155 = vector.shape_cast %get3A_154 : vector<1x16xf32> to vector<16xf32>
        %add3A_156 = arith.addf %get3A_151, %get3A_155 : vector<16xf32>
        %max3A = arith.constant 0.000000e+00 : f32
        %max3A_157 = vector.broadcast %max3A : f32 to vector<16xf32>
        %max3A_158 = arith.maximumf %add3A_156, %max3A_157 : vector<16xf32>
        %swap3A = arith.index_cast %add3A_148 : i32 to index
        %swap3A_159 = arith.constant 0 : index
        %swap3A_160 = tpu.vector_load %arg8[%swap3A, %swap3A_159] {strides = array<i32>} : memref<128x128xf32, #tpu.memory_space<vmem>>, vector<1x16xf32>,
        %swap3A_161 = vector.shape_cast %swap3A_160 : vector<1x16xf32> to vector<16xf32>
        %swap3A_162 = vector.shape_cast %max3A_158 : vector<16xf32> to vector<1x16xf32>
        tpu.vector_store %arg8[%swap3A, %swap3A_159], %swap3A_162 {strides = array<i32>} : memref<128x128xf32, #tpu.memory_space<vmem>>, vector<1x16xf32>,
        %get3A_163 = arith.index_cast %add3A_148 : i32 to index
        %get3A_164 = arith.constant 16 : index
        %get3A_165 = tpu.vector_load %arg8[%get3A_163, %get3A_164] {strides = array<i32>} : memref<128x128xf32, #tpu.memory_space<vmem>>, vector<1x16xf32>,
        %get3A_166 = vector.shape_cast %get3A_165 : vector<1x16xf32> to vector<16xf32>
        %get3A_167 = arith.index_cast %add3A_148 : i32 to index
        %get3A_168 = arith.constant 16 : index
        %get3A_169 = tpu.vector_load %arg9[%get3A_167, %get3A_168] {strides = array<i32>} : memref<128x64xf32, #tpu.memory_space<vmem>>, vector<1x16xf32>,
        %get3A_170 = vector.shape_cast %get3A_169 : vector<1x16xf32> to vector<16xf32>
        %add3A_171 = arith.addf %get3A_166, %get3A_170 : vector<16xf32>
        %max3A_172 = arith.constant 0.000000e+00 : f32
        %max3A_173 = vector.broadcast %max3A_172 : f32 to vector<16xf32>
        %max3A_174 = arith.maximumf %add3A_171, %max3A_173 : vector<16xf32>
        %swap3A_175 = arith.index_cast %add3A_148 : i32 to index
        %swap3A_176 = arith.constant 16 : index
        %swap3A_177 = tpu.vector_load %arg8[%swap3A_175, %swap3A_176] {strides = array<i32>} : memref<128x128xf32, #tpu.memory_space<vmem>>, vector<1x16xf32>,
        %swap3A_178 = vector.shape_cast %swap3A_177 : vector<1x16xf32> to vector<16xf32>
        %swap3A_179 = vector.shape_cast %max3A_174 : vector<16xf32> to vector<1x16xf32>
        tpu.vector_store %arg8[%swap3A_175, %swap3A_176], %swap3A_179 {strides = array<i32>} : memref<128x128xf32, #tpu.memory_space<vmem>>, vector<1x16xf32>,
        %get3A_180 = arith.index_cast %add3A_148 : i32 to index
        %get3A_181 = arith.constant 32 : index
        %get3A_182 = tpu.vector_load %arg8[%get3A_180, %get3A_181] {strides = array<i32>} : memref<128x128xf32, #tpu.memory_space<vmem>>, vector<1x16xf32>,
        %get3A_183 = vector.shape_cast %get3A_182 : vector<1x16xf32> to vector<16xf32>
        %get3A_184 = arith.index_cast %add3A_148 : i32 to index
        %get3A_185 = arith.constant 32 : index
        %get3A_186 = tpu.vector_load %arg9[%get3A_184, %get3A_185] {strides = array<i32>} : memref<128x64xf32, #tpu.memory_space<vmem>>, vector<1x16xf32>,
        %get3A_187 = vector.shape_cast %get3A_186 : vector<1x16xf32> to vector<16xf32>
        %add3A_188 = arith.addf %get3A_183, %get3A_187 : vector<16xf32>
        %max3A_189 = arith.constant 0.000000e+00 : f32
        %max3A_190 = vector.broadcast %max3A_189 : f32 to vector<16xf32>
        %max3A_191 = arith.maximumf %add3A_188, %max3A_190 : vector<16xf32>
        %swap3A_192 = arith.index_cast %add3A_148 : i32 to index
        %swap3A_193 = arith.constant 32 : index
        %swap3A_194 = tpu.vector_load %arg8[%swap3A_192, %swap3A_193] {strides = array<i32>} : memref<128x128xf32, #tpu.memory_space<vmem>>, vector<1x16xf32>,
        %swap3A_195 = vector.shape_cast %swap3A_194 : vector<1x16xf32> to vector<16xf32>
        %swap3A_196 = vector.shape_cast %max3A_191 : vector<16xf32> to vector<1x16xf32>
        tpu.vector_store %arg8[%swap3A_192, %swap3A_193], %swap3A_196 {strides = array<i32>} : memref<128x128xf32, #tpu.memory_space<vmem>>, vector<1x16xf32>,
        %get3A_197 = arith.index_cast %add3A_148 : i32 to index
        %get3A_198 = arith.constant 48 : index
        %get3A_199 = tpu.vector_load %arg8[%get3A_197, %get3A_198] {strides = array<i32>} : memref<128x128xf32, #tpu.memory_space<vmem>>, vector<1x16xf32>,
        %get3A_200 = vector.shape_cast %get3A_199 : vector<1x16xf32> to vector<16xf32>
        %get3A_201 = arith.index_cast %add3A_148 : i32 to index
        %get3A_202 = arith.constant 48 : index
        %get3A_203 = tpu.vector_load %arg9[%get3A_201, %get3A_202] {strides = array<i32>} : memref<128x64xf32, #tpu.memory_space<vmem>>, vector<1x16xf32>,
        %get3A_204 = vector.shape_cast %get3A_203 : vector<1x16xf32> to vector<16xf32>
        %add3A_205 = arith.addf %get3A_200, %get3A_204 : vector<16xf32>
        %max3A_206 = arith.constant 0.000000e+00 : f32
        %max3A_207 = vector.broadcast %max3A_206 : f32 to vector<16xf32>
        %max3A_208 = arith.maximumf %add3A_205, %max3A_207 : vector<16xf32>
        %swap3A_209 = arith.index_cast %add3A_148 : i32 to index
        %swap3A_210 = arith.constant 48 : index
        %swap3A_211 = tpu.vector_load %arg8[%swap3A_209, %swap3A_210] {strides = array<i32>} : memref<128x128xf32, #tpu.memory_space<vmem>>, vector<1x16xf32>,
        %swap3A_212 = vector.shape_cast %swap3A_211 : vector<1x16xf32> to vector<16xf32>
        %swap3A_213 = vector.shape_cast %max3A_208 : vector<16xf32> to vector<1x16xf32>
        tpu.vector_store %arg8[%swap3A_209, %swap3A_210], %swap3A_213 {strides = array<i32>} : memref<128x128xf32, #tpu.memory_space<vmem>>, vector<1x16xf32>,
        %mul3A_214 = arith.constant 2 : i32
        %mul3A_215 = arith.muli %mul3A_214, %scan3A_143 : i32
        %add3A_216 = arith.constant 1 : i32
        %add3A_217 = arith.addi %mul3A_215, %add3A_216 : i32
        %get3A_218 = arith.index_cast %add3A_217 : i32 to index
        %get3A_219 = arith.constant 0 : index
        %get3A_220 = tpu.vector_load %arg8[%get3A_218, %get3A_219] {strides = array<i32>} : memref<128x128xf32, #tpu.memory_space<vmem>>, vector<1x16xf32>,
        %get3A_221 = vector.shape_cast %get3A_220 : vector<1x16xf32> to vector<16xf32>
        %get3A_222 = arith.index_cast %add3A_217 : i32 to index
        %get3A_223 = arith.constant 0 : index
        %get3A_224 = tpu.vector_load %arg9[%get3A_222, %get3A_223] {strides = array<i32>} : memref<128x64xf32, #tpu.memory_space<vmem>>, vector<1x16xf32>,
        %get3A_225 = vector.shape_cast %get3A_224 : vector<1x16xf32> to vector<16xf32>
        %add3A_226 = arith.addf %get3A_221, %get3A_225 : vector<16xf32>
        %max3A_227 = arith.constant 0.000000e+00 : f32
        %max3A_228 = vector.broadcast %max3A_227 : f32 to vector<16xf32>
        %max3A_229 = arith.maximumf %add3A_226, %max3A_228 : vector<16xf32>
        %swap3A_230 = arith.index_cast %add3A_217 : i32 to index
        %swap3A_231 = arith.constant 0 : index
        %swap3A_232 = tpu.vector_load %arg8[%swap3A_230, %swap3A_231] {strides = array<i32>} : memref<128x128xf32, #tpu.memory_space<vmem>>, vector<1x16xf32>,
        %swap3A_233 = vector.shape_cast %swap3A_232 : vector<1x16xf32> to vector<16xf32>
        %swap3A_234 = vector.shape_cast %max3A_229 : vector<16xf32> to vector<1x16xf32>
        tpu.vector_store %arg8[%swap3A_230, %swap3A_231], %swap3A_234 {strides = array<i32>} : memref<128x128xf32, #tpu.memory_space<vmem>>, vector<1x16xf32>,
        %get3A_235 = arith.index_cast %add3A_217 : i32 to index
        %get3A_236 = arith.constant 16 : index
        %get3A_237 = tpu.vector_load %arg8[%get3A_235, %get3A_236] {strides = array<i32>} : memref<128x128xf32, #tpu.memory_space<vmem>>, vector<1x16xf32>,
        %get3A_238 = vector.shape_cast %get3A_237 : vector<1x16xf32> to vector<16xf32>
        %get3A_239 = arith.index_cast %add3A_217 : i32 to index
        %get3A_240 = arith.constant 16 : index
        %get3A_241 = tpu.vector_load %arg9[%get3A_239, %get3A_240] {strides = array<i32>} : memref<128x64xf32, #tpu.memory_space<vmem>>, vector<1x16xf32>,
        %get3A_242 = vector.shape_cast %get3A_241 : vector<1x16xf32> to vector<16xf32>
        %add3A_243 = arith.addf %get3A_238, %get3A_242 : vector<16xf32>
        %max3A_244 = arith.constant 0.000000e+00 : f32
        %max3A_245 = vector.broadcast %max3A_244 : f32 to vector<16xf32>
        %max3A_246 = arith.maximumf %add3A_243, %max3A_245 : vector<16xf32>
        %swap3A_247 = arith.index_cast %add3A_217 : i32 to index
        %swap3A_248 = arith.constant 16 : index
        %swap3A_249 = tpu.vector_load %arg8[%swap3A_247, %swap3A_248] {strides = array<i32>} : memref<128x128xf32, #tpu.memory_space<vmem>>, vector<1x16xf32>,
        %swap3A_250 = vector.shape_cast %swap3A_249 : vector<1x16xf32> to vector<16xf32>
        %swap3A_251 = vector.shape_cast %max3A_246 : vector<16xf32> to vector<1x16xf32>
        tpu.vector_store %arg8[%swap3A_247, %swap3A_248], %swap3A_251 {strides = array<i32>} : memref<128x128xf32, #tpu.memory_space<vmem>>, vector<1x16xf32>,
        %get3A_252 = arith.index_cast %add3A_217 : i32 to index
        %get3A_253 = arith.constant 32 : index
        %get3A_254 = tpu.vector_load %arg8[%get3A_252, %get3A_253] {strides = array<i32>} : memref<128x128xf32, #tpu.memory_space<vmem>>, vector<1x16xf32>,
        %get3A_255 = vector.shape_cast %get3A_254 : vector<1x16xf32> to vector<16xf32>
        %get3A_256 = arith.index_cast %add3A_217 : i32 to index
        %get3A_257 = arith.constant 32 : index
        %get3A_258 = tpu.vector_load %arg9[%get3A_256, %get3A_257] {strides = array<i32>} : memref<128x64xf32, #tpu.memory_space<vmem>>, vector<1x16xf32>,
        %get3A_259 = vector.shape_cast %get3A_258 : vector<1x16xf32> to vector<16xf32>
        %add3A_260 = arith.addf %get3A_255, %get3A_259 : vector<16xf32>
        %max3A_261 = arith.constant 0.000000e+00 : f32
        %max3A_262 = vector.broadcast %max3A_261 : f32 to vector<16xf32>
        %max3A_263 = arith.maximumf %add3A_260, %max3A_262 : vector<16xf32>
        %swap3A_264 = arith.index_cast %add3A_217 : i32 to index
        %swap3A_265 = arith.constant 32 : index
        %swap3A_266 = tpu.vector_load %arg8[%swap3A_264, %swap3A_265] {strides = array<i32>} : memref<128x128xf32, #tpu.memory_space<vmem>>, vector<1x16xf32>,
        %swap3A_267 = vector.shape_cast %swap3A_266 : vector<1x16xf32> to vector<16xf32>
        %swap3A_268 = vector.shape_cast %max3A_263 : vector<16xf32> to vector<1x16xf32>
        tpu.vector_store %arg8[%swap3A_264, %swap3A_265], %swap3A_268 {strides = array<i32>} : memref<128x128xf32, #tpu.memory_space<vmem>>, vector<1x16xf32>,
        %get3A_269 = arith.index_cast %add3A_217 : i32 to index
        %get3A_270 = arith.constant 48 : index
        %get3A_271 = tpu.vector_load %arg8[%get3A_269, %get3A_270] {strides = array<i32>} : memref<128x128xf32, #tpu.memory_space<vmem>>, vector<1x16xf32>,
        %get3A_272 = vector.shape_cast %get3A_271 : vector<1x16xf32> to vector<16xf32>
        %get3A_273 = arith.index_cast %add3A_217 : i32 to index
        %get3A_274 = arith.constant 48 : index
        %get3A_275 = tpu.vector_load %arg9[%get3A_273, %get3A_274] {strides = array<i32>} : memref<128x64xf32, #tpu.memory_space<vmem>>, vector<1x16xf32>,
        %get3A_276 = vector.shape_cast %get3A_275 : vector<1x16xf32> to vector<16xf32>
        %add3A_277 = arith.addf %get3A_272, %get3A_276 : vector<16xf32>
        %max3A_278 = arith.constant 0.000000e+00 : f32
        %max3A_279 = vector.broadcast %max3A_278 : f32 to vector<16xf32>
        %max3A_280 = arith.maximumf %add3A_277, %max3A_279 : vector<16xf32>
        %swap3A_281 = arith.index_cast %add3A_217 : i32 to index
        %swap3A_282 = arith.constant 48 : index
        %swap3A_283 = tpu.vector_load %arg8[%swap3A_281, %swap3A_282] {strides = array<i32>} : memref<128x128xf32, #tpu.memory_space<vmem>>, vector<1x16xf32>,
        %swap3A_284 = vector.shape_cast %swap3A_283 : vector<1x16xf32> to vector<16xf32>
        %swap3A_285 = vector.shape_cast %max3A_280 : vector<16xf32> to vector<1x16xf32>
        tpu.vector_store %arg8[%swap3A_281, %swap3A_282], %swap3A_285 {strides = array<i32>} : memref<128x128xf32, #tpu.memory_space<vmem>>, vector<1x16xf32>,
        %scan3A_286 = arith.constant 0 : i32
        scf.yield %scan3A_286 : i32
      }
      %scan3A_134 = arith.constant 64 : i32
      %dma_start3A_135 = arith.constant 1 : i32
      %dma_start3A_136 = arith.constant 0 : i32
      %dma_start3A_137 = tpu.memref_slice %arg7[%dma_start3A_135, %dma_start3A_136] : memref<2x128xi32, #tpu.memory_space<vmem>> -> memref<1x128xi32, #tpu.memory_space<vmem>>
      %dma_start3A_138 = tpu.memref_squeeze %dma_start3A_137 : memref<1x128xi32, #tpu.memory_space<vmem>> -> memref<128xi32, #tpu.memory_space<vmem>>
      %dma_start3A_139 = arith.constant 0 : i32
      %dma_start3A_140 = arith.constant 0 : i32
      %dma_start3A_141 = tpu.memref_slice %arg6[%dma_start3A_139, %dma_start3A_140] : memref<10000x128xf32, #tpu.memory_space<vmem_shared>> -> memref<10000x128xf32, #tpu.memory_space<vmem_shared>>
      tpu.enqueue_indirect_dma source(%arg8 : memref<128x128xf32, #tpu.memory_space<vmem>>) target(%dma_start3A_141 : memref<10000x128xf32, #tpu.memory_space<vmem_shared>>) offsets(%dma_start3A_138 : memref<128xi32, #tpu.memory_space<vmem>>) semaphore(%arg12 : memref<!tpu.dma_semaphore, #tpu.memory_space<semaphore_mem>>) {add = true}
      %while3A_142 = arith.constant 0 : i32
      scf.yield %while3A_142 : i32
    }
    %while3A_77 = arith.constant 1 : i32
    %while3A_78 = scf.for %while3A_98 = %while3A_74 to %while3A_70 step %while3A_77 iter_args(%while3A_99 = %while3A_76) -> (i32)  : i32 {
      %mul3A_100 = arith.constant 128 : i32
      %mul3A_101 = arith.muli %while3A_98, %mul3A_100 : i32
      %multiple_of3A = tpu.assume_multiple %mul3A_101, 128 : i32
      "tpu.region"() ({
        %run_scoped3A = tpu.sem_alloc : memref<!tpu.dma_semaphore, #tpu.memory_space<semaphore_mem>>
        %dma_start3A_143 = arith.constant 0 : i32
        %dma_start3A_144 = arith.constant 0 : i32
        %dma_start3A_145 = tpu.memref_slice %arg4[%while3A_98, %dma_start3A_143, %dma_start3A_144] : memref<2500x2x128xi32, #tpu.memory_space<hbm>> -> memref<1x2x128xi32, #tpu.memory_space<hbm>>
        %dma_start3A_146 = tpu.memref_squeeze %dma_start3A_145 : memref<1x2x128xi32, #tpu.memory_space<hbm>> -> memref<2x128xi32, #tpu.memory_space<hbm>>
        %dma_start3A_147 = arith.constant 0 : i32
        %dma_start3A_148 = arith.constant 0 : i32
        %dma_start3A_149 = tpu.memref_slice %arg4[%while3A_98, %dma_start3A_147, %dma_start3A_148] : memref<2500x2x128xi32, #tpu.memory_space<hbm>> -> memref<1x2x128xi32, #tpu.memory_space<hbm>>
        %dma_start3A_150 = tpu.memref_squeeze %dma_start3A_149 : memref<1x2x128xi32, #tpu.memory_space<hbm>> -> memref<2x128xi32, #tpu.memory_space<hbm>>
        tpu.enqueue_dma source(%dma_start3A_150 : memref<2x128xi32, #tpu.memory_space<hbm>>) target(%arg7 : memref<2x128xi32, #tpu.memory_space<vmem>>) target_semaphore(%run_scoped3A : memref<!tpu.dma_semaphore, #tpu.memory_space<semaphore_mem>>)
        %dma_wait3A_151 = arith.constant 0 : i32
        %dma_wait3A_152 = arith.constant 0 : i32
        %dma_wait3A_153 = tpu.memref_slice %arg4[%while3A_98, %dma_wait3A_151, %dma_wait3A_152] : memref<2500x2x128xi32, #tpu.memory_space<hbm>> -> memref<1x2x128xi32, #tpu.memory_space<hbm>>
        %dma_wait3A_154 = tpu.memref_squeeze %dma_wait3A_153 : memref<1x2x128xi32, #tpu.memory_space<hbm>> -> memref<2x128xi32, #tpu.memory_space<hbm>>
        %dma_wait3A_155 = arith.constant 0 : i32
        %dma_wait3A_156 = arith.constant 0 : i32
        %dma_wait3A_157 = tpu.memref_slice %arg4[%while3A_98, %dma_wait3A_155, %dma_wait3A_156] : memref<2500x2x128xi32, #tpu.memory_space<hbm>> -> memref<1x2x128xi32, #tpu.memory_space<hbm>>
        %dma_wait3A_158 = tpu.memref_squeeze %dma_wait3A_157 : memref<1x2x128xi32, #tpu.memory_space<hbm>> -> memref<2x128xi32, #tpu.memory_space<hbm>>
        tpu.wait_dma2 semaphore(%run_scoped3A : memref<!tpu.dma_semaphore, #tpu.memory_space<semaphore_mem>>) src(%dma_wait3A_158 : memref<2x128xi32, #tpu.memory_space<hbm>>) dst(%arg7 : memref<2x128xi32, #tpu.memory_space<vmem>>)
        tpu.yield
      }) : () -> ()
      %dma_start3A = arith.constant 0 : i32
      %dma_start3A_102 = tpu.memref_slice %arg3[%multiple_of3A, %dma_start3A] : memref<320000x64xf32, #tpu.memory_space<hbm>> -> memref<128x64xf32, #tpu.memory_space<hbm>>
      %dma_start3A_103 = arith.constant 0 : i32
      %dma_start3A_104 = tpu.memref_slice %arg3[%multiple_of3A, %dma_start3A_103] : memref<320000x64xf32, #tpu.memory_space<hbm>> -> memref<128x64xf32, #tpu.memory_space<hbm>>
      tpu.enqueue_dma source(%dma_start3A_104 : memref<128x64xf32, #tpu.memory_space<hbm>>) target(%arg9 : memref<128x64xf32, #tpu.memory_space<vmem>>) target_semaphore(%arg11 : memref<!tpu.dma_semaphore, #tpu.memory_space<semaphore_mem>>)
      %gt3A_105 = arith.cmpi sgt, %while3A_98, %select_n3A : i32
      %convert_element_type3A_106 = arith.extui %gt3A_105 : i1 to i32
      %cond3A_107 = arith.constant 0 : i32
      %cond3A_108 = arith.cmpi ne, %convert_element_type3A_106, %cond3A_107 : i32
      scf.if %cond3A_108 {
        %dma_wait3A_143 = arith.constant 1 : i32
        %dma_wait3A_144 = arith.constant 0 : i32
        %dma_wait3A_145 = tpu.memref_slice %arg7[%dma_wait3A_143, %dma_wait3A_144] : memref<2x128xi32, #tpu.memory_space<vmem>> -> memref<1x128xi32, #tpu.memory_space<vmem>>
        %dma_wait3A_146 = tpu.memref_squeeze %dma_wait3A_145 : memref<1x128xi32, #tpu.memory_space<vmem>> -> memref<128xi32, #tpu.memory_space<vmem>>
        %dma_wait3A_147 = arith.constant 0 : i32
        %dma_wait3A_148 = arith.constant 0 : i32
        %dma_wait3A_149 = tpu.memref_slice %arg6[%dma_wait3A_147, %dma_wait3A_148] : memref<10000x128xf32, #tpu.memory_space<vmem_shared>> -> memref<10000x128xf32, #tpu.memory_space<vmem_shared>>
        tpu.wait_indirect_dma semaphore(%arg12 : memref<!tpu.dma_semaphore, #tpu.memory_space<semaphore_mem>>) src(%arg8 : memref<128x128xf32, #tpu.memory_space<vmem>>) dst(%dma_wait3A_149 : memref<10000x128xf32, #tpu.memory_space<vmem_shared>>)
      } else {
      }
      %dma_start3A_109 = arith.constant 0 : i32
      %dma_start3A_110 = arith.constant 0 : i32
      %dma_start3A_111 = tpu.memref_slice %arg7[%dma_start3A_109, %dma_start3A_110] : memref<2x128xi32, #tpu.memory_space<vmem>> -> memref<1x128xi32, #tpu.memory_space<vmem>>
      %dma_start3A_112 = tpu.memref_squeeze %dma_start3A_111 : memref<1x128xi32, #tpu.memory_space<vmem>> -> memref<128xi32, #tpu.memory_space<vmem>>
      %dma_start3A_113 = arith.constant 0 : i32
      %dma_start3A_114 = arith.constant 0 : i32
      %dma_start3A_115 = tpu.memref_slice %arg2[%dma_start3A_113, %dma_start3A_114] : memref<10000x128xf32, #tpu.memory_space<hbm>> -> memref<10000x128xf32, #tpu.memory_space<hbm>>
      tpu.enqueue_indirect_dma source(%dma_start3A_115 : memref<10000x128xf32, #tpu.memory_space<hbm>>) target(%arg8 : memref<128x128xf32, #tpu.memory_space<vmem>>) offsets(%dma_start3A_112 : memref<128xi32, #tpu.memory_space<vmem>>) semaphore(%arg10 : memref<!tpu.dma_semaphore, #tpu.memory_space<semaphore_mem>>)
      %dma_wait3A = arith.constant 0 : i32
      %dma_wait3A_116 = arith.constant 0 : i32
      %dma_wait3A_117 = tpu.memref_slice %arg7[%dma_wait3A, %dma_wait3A_116] : memref<2x128xi32, #tpu.memory_space<vmem>> -> memref<1x128xi32, #tpu.memory_space<vmem>>
      %dma_wait3A_118 = tpu.memref_squeeze %dma_wait3A_117 : memref<1x128xi32, #tpu.memory_space<vmem>> -> memref<128xi32, #tpu.memory_space<vmem>>
      %dma_wait3A_119 = arith.constant 0 : i32
      %dma_wait3A_120 = arith.constant 0 : i32
      %dma_wait3A_121 = tpu.memref_slice %arg2[%dma_wait3A_119, %dma_wait3A_120] : memref<10000x128xf32, #tpu.memory_space<hbm>> -> memref<10000x128xf32, #tpu.memory_space<hbm>>
      tpu.wait_indirect_dma semaphore(%arg10 : memref<!tpu.dma_semaphore, #tpu.memory_space<semaphore_mem>>) src(%dma_wait3A_121 : memref<10000x128xf32, #tpu.memory_space<hbm>>) dst(%arg8 : memref<128x128xf32, #tpu.memory_space<vmem>>)
      %dma_wait3A_122 = arith.constant 0 : i32
      %dma_wait3A_123 = arith.constant 0 : i32
      %dma_wait3A_124 = tpu.memref_slice %arg3[%dma_wait3A_122, %dma_wait3A_123] : memref<320000x64xf32, #tpu.memory_space<hbm>> -> memref<128x64xf32, #tpu.memory_space<hbm>>
      %dma_wait3A_125 = arith.constant 0 : i32
      %dma_wait3A_126 = arith.constant 0 : i32
      %dma_wait3A_127 = tpu.memref_slice %arg3[%dma_wait3A_125, %dma_wait3A_126] : memref<320000x64xf32, #tpu.memory_space<hbm>> -> memref<128x64xf32, #tpu.memory_space<hbm>>
      tpu.wait_dma2 semaphore(%arg11 : memref<!tpu.dma_semaphore, #tpu.memory_space<semaphore_mem>>) src(%dma_wait3A_127 : memref<128x64xf32, #tpu.memory_space<hbm>>) dst(%arg9 : memref<128x64xf32, #tpu.memory_space<vmem>>)
      %scan3A_128 = arith.constant 0 : i32
      %scan3A_129 = arith.constant 0 : i32
      %scan3A_130 = arith.constant 64 : i32
      %scan3A_131 = arith.addi %scan3A_129, %scan3A_130 : i32
      %scan3A_132 = arith.constant 1 : i32
      %scan3A_133 = scf.for %scan3A_143 = %scan3A_129 to %scan3A_131 step %scan3A_132 iter_args(%scan3A_144 = %scan3A_128) -> (i32)  : i32 {
        %mul3A_145 = arith.constant 2 : i32
        %mul3A_146 = arith.muli %mul3A_145, %scan3A_143 : i32
        %add3A_147 = arith.constant 0 : i32
        %add3A_148 = arith.addi %mul3A_146, %add3A_147 : i32
        %get3A = arith.index_cast %add3A_148 : i32 to index
        %get3A_149 = arith.constant 0 : index
        %get3A_150 = tpu.vector_load %arg8[%get3A, %get3A_149] {strides = array<i32>} : memref<128x128xf32, #tpu.memory_space<vmem>>, vector<1x16xf32>,
        %get3A_151 = vector.shape_cast %get3A_150 : vector<1x16xf32> to vector<16xf32>
        %get3A_152 = arith.index_cast %add3A_148 : i32 to index
        %get3A_153 = arith.constant 0 : index
        %get3A_154 = tpu.vector_load %arg9[%get3A_152, %get3A_153] {strides = array<i32>} : memref<128x64xf32, #tpu.memory_space<vmem>>, vector<1x16xf32>,
        %get3A_155 = vector.shape_cast %get3A_154 : vector<1x16xf32> to vector<16xf32>
        %add3A_156 = arith.addf %get3A_151, %get3A_155 : vector<16xf32>
        %max3A = arith.constant 0.000000e+00 : f32
        %max3A_157 = vector.broadcast %max3A : f32 to vector<16xf32>
        %max3A_158 = arith.maximumf %add3A_156, %max3A_157 : vector<16xf32>
        %swap3A = arith.index_cast %add3A_148 : i32 to index
        %swap3A_159 = arith.constant 0 : index
        %swap3A_160 = tpu.vector_load %arg8[%swap3A, %swap3A_159] {strides = array<i32>} : memref<128x128xf32, #tpu.memory_space<vmem>>, vector<1x16xf32>,
        %swap3A_161 = vector.shape_cast %swap3A_160 : vector<1x16xf32> to vector<16xf32>
        %swap3A_162 = vector.shape_cast %max3A_158 : vector<16xf32> to vector<1x16xf32>
        tpu.vector_store %arg8[%swap3A, %swap3A_159], %swap3A_162 {strides = array<i32>} : memref<128x128xf32, #tpu.memory_space<vmem>>, vector<1x16xf32>,
        %get3A_163 = arith.index_cast %add3A_148 : i32 to index
        %get3A_164 = arith.constant 16 : index
        %get3A_165 = tpu.vector_load %arg8[%get3A_163, %get3A_164] {strides = array<i32>} : memref<128x128xf32, #tpu.memory_space<vmem>>, vector<1x16xf32>,
        %get3A_166 = vector.shape_cast %get3A_165 : vector<1x16xf32> to vector<16xf32>
        %get3A_167 = arith.index_cast %add3A_148 : i32 to index
        %get3A_168 = arith.constant 16 : index
        %get3A_169 = tpu.vector_load %arg9[%get3A_167, %get3A_168] {strides = array<i32>} : memref<128x64xf32, #tpu.memory_space<vmem>>, vector<1x16xf32>,
        %get3A_170 = vector.shape_cast %get3A_169 : vector<1x16xf32> to vector<16xf32>
        %add3A_171 = arith.addf %get3A_166, %get3A_170 : vector<16xf32>
        %max3A_172 = arith.constant 0.000000e+00 : f32
        %max3A_173 = vector.broadcast %max3A_172 : f32 to vector<16xf32>
        %max3A_174 = arith.maximumf %add3A_171, %max3A_173 : vector<16xf32>
        %swap3A_175 = arith.index_cast %add3A_148 : i32 to index
        %swap3A_176 = arith.constant 16 : index
        %swap3A_177 = tpu.vector_load %arg8[%swap3A_175, %swap3A_176] {strides = array<i32>} : memref<128x128xf32, #tpu.memory_space<vmem>>, vector<1x16xf32>,
        %swap3A_178 = vector.shape_cast %swap3A_177 : vector<1x16xf32> to vector<16xf32>
        %swap3A_179 = vector.shape_cast %max3A_174 : vector<16xf32> to vector<1x16xf32>
        tpu.vector_store %arg8[%swap3A_175, %swap3A_176], %swap3A_179 {strides = array<i32>} : memref<128x128xf32, #tpu.memory_space<vmem>>, vector<1x16xf32>,
        %get3A_180 = arith.index_cast %add3A_148 : i32 to index
        %get3A_181 = arith.constant 32 : index
        %get3A_182 = tpu.vector_load %arg8[%get3A_180, %get3A_181] {strides = array<i32>} : memref<128x128xf32, #tpu.memory_space<vmem>>, vector<1x16xf32>,
        %get3A_183 = vector.shape_cast %get3A_182 : vector<1x16xf32> to vector<16xf32>
        %get3A_184 = arith.index_cast %add3A_148 : i32 to index
        %get3A_185 = arith.constant 32 : index
        %get3A_186 = tpu.vector_load %arg9[%get3A_184, %get3A_185] {strides = array<i32>} : memref<128x64xf32, #tpu.memory_space<vmem>>, vector<1x16xf32>,
        %get3A_187 = vector.shape_cast %get3A_186 : vector<1x16xf32> to vector<16xf32>
        %add3A_188 = arith.addf %get3A_183, %get3A_187 : vector<16xf32>
        %max3A_189 = arith.constant 0.000000e+00 : f32
        %max3A_190 = vector.broadcast %max3A_189 : f32 to vector<16xf32>
        %max3A_191 = arith.maximumf %add3A_188, %max3A_190 : vector<16xf32>
        %swap3A_192 = arith.index_cast %add3A_148 : i32 to index
        %swap3A_193 = arith.constant 32 : index
        %swap3A_194 = tpu.vector_load %arg8[%swap3A_192, %swap3A_193] {strides = array<i32>} : memref<128x128xf32, #tpu.memory_space<vmem>>, vector<1x16xf32>,
        %swap3A_195 = vector.shape_cast %swap3A_194 : vector<1x16xf32> to vector<16xf32>
        %swap3A_196 = vector.shape_cast %max3A_191 : vector<16xf32> to vector<1x16xf32>
        tpu.vector_store %arg8[%swap3A_192, %swap3A_193], %swap3A_196 {strides = array<i32>} : memref<128x128xf32, #tpu.memory_space<vmem>>, vector<1x16xf32>,
        %get3A_197 = arith.index_cast %add3A_148 : i32 to index
        %get3A_198 = arith.constant 48 : index
        %get3A_199 = tpu.vector_load %arg8[%get3A_197, %get3A_198] {strides = array<i32>} : memref<128x128xf32, #tpu.memory_space<vmem>>, vector<1x16xf32>,
        %get3A_200 = vector.shape_cast %get3A_199 : vector<1x16xf32> to vector<16xf32>
        %get3A_201 = arith.index_cast %add3A_148 : i32 to index
        %get3A_202 = arith.constant 48 : index
        %get3A_203 = tpu.vector_load %arg9[%get3A_201, %get3A_202] {strides = array<i32>} : memref<128x64xf32, #tpu.memory_space<vmem>>, vector<1x16xf32>,
        %get3A_204 = vector.shape_cast %get3A_203 : vector<1x16xf32> to vector<16xf32>
        %add3A_205 = arith.addf %get3A_200, %get3A_204 : vector<16xf32>
        %max3A_206 = arith.constant 0.000000e+00 : f32
        %max3A_207 = vector.broadcast %max3A_206 : f32 to vector<16xf32>
        %max3A_208 = arith.maximumf %add3A_205, %max3A_207 : vector<16xf32>
        %swap3A_209 = arith.index_cast %add3A_148 : i32 to index
        %swap3A_210 = arith.constant 48 : index
        %swap3A_211 = tpu.vector_load %arg8[%swap3A_209, %swap3A_210] {strides = array<i32>} : memref<128x128xf32, #tpu.memory_space<vmem>>, vector<1x16xf32>,
        %swap3A_212 = vector.shape_cast %swap3A_211 : vector<1x16xf32> to vector<16xf32>
        %swap3A_213 = vector.shape_cast %max3A_208 : vector<16xf32> to vector<1x16xf32>
        tpu.vector_store %arg8[%swap3A_209, %swap3A_210], %swap3A_213 {strides = array<i32>} : memref<128x128xf32, #tpu.memory_space<vmem>>, vector<1x16xf32>,
        %mul3A_214 = arith.constant 2 : i32
        %mul3A_215 = arith.muli %mul3A_214, %scan3A_143 : i32
        %add3A_216 = arith.constant 1 : i32
        %add3A_217 = arith.addi %mul3A_215, %add3A_216 : i32
        %get3A_218 = arith.index_cast %add3A_217 : i32 to index
        %get3A_219 = arith.constant 0 : index
        %get3A_220 = tpu.vector_load %arg8[%get3A_218, %get3A_219] {strides = array<i32>} : memref<128x128xf32, #tpu.memory_space<vmem>>, vector<1x16xf32>,
        %get3A_221 = vector.shape_cast %get3A_220 : vector<1x16xf32> to vector<16xf32>
        %get3A_222 = arith.index_cast %add3A_217 : i32 to index
        %get3A_223 = arith.constant 0 : index
        %get3A_224 = tpu.vector_load %arg9[%get3A_222, %get3A_223] {strides = array<i32>} : memref<128x64xf32, #tpu.memory_space<vmem>>, vector<1x16xf32>,
        %get3A_225 = vector.shape_cast %get3A_224 : vector<1x16xf32> to vector<16xf32>
        %add3A_226 = arith.addf %get3A_221, %get3A_225 : vector<16xf32>
        %max3A_227 = arith.constant 0.000000e+00 : f32
        %max3A_228 = vector.broadcast %max3A_227 : f32 to vector<16xf32>
        %max3A_229 = arith.maximumf %add3A_226, %max3A_228 : vector<16xf32>
        %swap3A_230 = arith.index_cast %add3A_217 : i32 to index
        %swap3A_231 = arith.constant 0 : index
        %swap3A_232 = tpu.vector_load %arg8[%swap3A_230, %swap3A_231] {strides = array<i32>} : memref<128x128xf32, #tpu.memory_space<vmem>>, vector<1x16xf32>,
        %swap3A_233 = vector.shape_cast %swap3A_232 : vector<1x16xf32> to vector<16xf32>
        %swap3A_234 = vector.shape_cast %max3A_229 : vector<16xf32> to vector<1x16xf32>
        tpu.vector_store %arg8[%swap3A_230, %swap3A_231], %swap3A_234 {strides = array<i32>} : memref<128x128xf32, #tpu.memory_space<vmem>>, vector<1x16xf32>,
        %get3A_235 = arith.index_cast %add3A_217 : i32 to index
        %get3A_236 = arith.constant 16 : index
        %get3A_237 = tpu.vector_load %arg8[%get3A_235, %get3A_236] {strides = array<i32>} : memref<128x128xf32, #tpu.memory_space<vmem>>, vector<1x16xf32>,
        %get3A_238 = vector.shape_cast %get3A_237 : vector<1x16xf32> to vector<16xf32>
        %get3A_239 = arith.index_cast %add3A_217 : i32 to index
        %get3A_240 = arith.constant 16 : index
        %get3A_241 = tpu.vector_load %arg9[%get3A_239, %get3A_240] {strides = array<i32>} : memref<128x64xf32, #tpu.memory_space<vmem>>, vector<1x16xf32>,
        %get3A_242 = vector.shape_cast %get3A_241 : vector<1x16xf32> to vector<16xf32>
        %add3A_243 = arith.addf %get3A_238, %get3A_242 : vector<16xf32>
        %max3A_244 = arith.constant 0.000000e+00 : f32
        %max3A_245 = vector.broadcast %max3A_244 : f32 to vector<16xf32>
        %max3A_246 = arith.maximumf %add3A_243, %max3A_245 : vector<16xf32>
        %swap3A_247 = arith.index_cast %add3A_217 : i32 to index
        %swap3A_248 = arith.constant 16 : index
        %swap3A_249 = tpu.vector_load %arg8[%swap3A_247, %swap3A_248] {strides = array<i32>} : memref<128x128xf32, #tpu.memory_space<vmem>>, vector<1x16xf32>,
        %swap3A_250 = vector.shape_cast %swap3A_249 : vector<1x16xf32> to vector<16xf32>
        %swap3A_251 = vector.shape_cast %max3A_246 : vector<16xf32> to vector<1x16xf32>
        tpu.vector_store %arg8[%swap3A_247, %swap3A_248], %swap3A_251 {strides = array<i32>} : memref<128x128xf32, #tpu.memory_space<vmem>>, vector<1x16xf32>,
        %get3A_252 = arith.index_cast %add3A_217 : i32 to index
        %get3A_253 = arith.constant 32 : index
        %get3A_254 = tpu.vector_load %arg8[%get3A_252, %get3A_253] {strides = array<i32>} : memref<128x128xf32, #tpu.memory_space<vmem>>, vector<1x16xf32>,
        %get3A_255 = vector.shape_cast %get3A_254 : vector<1x16xf32> to vector<16xf32>
        %get3A_256 = arith.index_cast %add3A_217 : i32 to index
        %get3A_257 = arith.constant 32 : index
        %get3A_258 = tpu.vector_load %arg9[%get3A_256, %get3A_257] {strides = array<i32>} : memref<128x64xf32, #tpu.memory_space<vmem>>, vector<1x16xf32>,
        %get3A_259 = vector.shape_cast %get3A_258 : vector<1x16xf32> to vector<16xf32>
        %add3A_260 = arith.addf %get3A_255, %get3A_259 : vector<16xf32>
        %max3A_261 = arith.constant 0.000000e+00 : f32
        %max3A_262 = vector.broadcast %max3A_261 : f32 to vector<16xf32>
        %max3A_263 = arith.maximumf %add3A_260, %max3A_262 : vector<16xf32>
        %swap3A_264 = arith.index_cast %add3A_217 : i32 to index
        %swap3A_265 = arith.constant 32 : index
        %swap3A_266 = tpu.vector_load %arg8[%swap3A_264, %swap3A_265] {strides = array<i32>} : memref<128x128xf32, #tpu.memory_space<vmem>>, vector<1x16xf32>,
        %swap3A_267 = vector.shape_cast %swap3A_266 : vector<1x16xf32> to vector<16xf32>
        %swap3A_268 = vector.shape_cast %max3A_263 : vector<16xf32> to vector<1x16xf32>
        tpu.vector_store %arg8[%swap3A_264, %swap3A_265], %swap3A_268 {strides = array<i32>} : memref<128x128xf32, #tpu.memory_space<vmem>>, vector<1x16xf32>,
        %get3A_269 = arith.index_cast %add3A_217 : i32 to index
        %get3A_270 = arith.constant 48 : index
        %get3A_271 = tpu.vector_load %arg8[%get3A_269, %get3A_270] {strides = array<i32>} : memref<128x128xf32, #tpu.memory_space<vmem>>, vector<1x16xf32>,
        %get3A_272 = vector.shape_cast %get3A_271 : vector<1x16xf32> to vector<16xf32>
        %get3A_273 = arith.index_cast %add3A_217 : i32 to index
        %get3A_274 = arith.constant 48 : index
        %get3A_275 = tpu.vector_load %arg9[%get3A_273, %get3A_274] {strides = array<i32>} : memref<128x64xf32, #tpu.memory_space<vmem>>, vector<1x16xf32>,
        %get3A_276 = vector.shape_cast %get3A_275 : vector<1x16xf32> to vector<16xf32>
        %add3A_277 = arith.addf %get3A_272, %get3A_276 : vector<16xf32>
        %max3A_278 = arith.constant 0.000000e+00 : f32
        %max3A_279 = vector.broadcast %max3A_278 : f32 to vector<16xf32>
        %max3A_280 = arith.maximumf %add3A_277, %max3A_279 : vector<16xf32>
        %swap3A_281 = arith.index_cast %add3A_217 : i32 to index
        %swap3A_282 = arith.constant 48 : index
        %swap3A_283 = tpu.vector_load %arg8[%swap3A_281, %swap3A_282] {strides = array<i32>} : memref<128x128xf32, #tpu.memory_space<vmem>>, vector<1x16xf32>,
        %swap3A_284 = vector.shape_cast %swap3A_283 : vector<1x16xf32> to vector<16xf32>
        %swap3A_285 = vector.shape_cast %max3A_280 : vector<16xf32> to vector<1x16xf32>
        tpu.vector_store %arg8[%swap3A_281, %swap3A_282], %swap3A_285 {strides = array<i32>} : memref<128x128xf32, #tpu.memory_space<vmem>>, vector<1x16xf32>,
        %scan3A_286 = arith.constant 0 : i32
        scf.yield %scan3A_286 : i32
      }
      %scan3A_134 = arith.constant 64 : i32
      %dma_start3A_135 = arith.constant 1 : i32
      %dma_start3A_136 = arith.constant 0 : i32
      %dma_start3A_137 = tpu.memref_slice %arg7[%dma_start3A_135, %dma_start3A_136] : memref<2x128xi32, #tpu.memory_space<vmem>> -> memref<1x128xi32, #tpu.memory_space<vmem>>
      %dma_start3A_138 = tpu.memref_squeeze %dma_start3A_137 : memref<1x128xi32, #tpu.memory_space<vmem>> -> memref<128xi32, #tpu.memory_space<vmem>>
      %dma_start3A_139 = arith.constant 0 : i32
      %dma_start3A_140 = arith.constant 0 : i32
      %dma_start3A_141 = tpu.memref_slice %arg6[%dma_start3A_139, %dma_start3A_140] : memref<10000x128xf32, #tpu.memory_space<vmem_shared>> -> memref<10000x128xf32, #tpu.memory_space<vmem_shared>>
      tpu.enqueue_indirect_dma source(%arg8 : memref<128x128xf32, #tpu.memory_space<vmem>>) target(%dma_start3A_141 : memref<10000x128xf32, #tpu.memory_space<vmem_shared>>) offsets(%dma_start3A_138 : memref<128xi32, #tpu.memory_space<vmem>>) semaphore(%arg12 : memref<!tpu.dma_semaphore, #tpu.memory_space<semaphore_mem>>) {add = true}
      %while3A_142 = arith.constant 0 : i32
      scf.yield %while3A_142 : i32
    }
    %gt3A = arith.cmpi sgt, %select_n3A_46, %select_n3A : i32
    %convert_element_type3A = arith.extui %gt3A : i1 to i32
    %cond3A = arith.constant 0 : i32
    %cond3A_79 = arith.cmpi ne, %convert_element_type3A, %cond3A : i32
    scf.if %cond3A_79 {
      %dma_wait3A = arith.constant 1 : i32
      %dma_wait3A_98 = arith.constant 0 : i32
      %dma_wait3A_99 = tpu.memref_slice %arg7[%dma_wait3A, %dma_wait3A_98] : memref<2x128xi32, #tpu.memory_space<vmem>> -> memref<1x128xi32, #tpu.memory_space<vmem>>
      %dma_wait3A_100 = tpu.memref_squeeze %dma_wait3A_99 : memref<1x128xi32, #tpu.memory_space<vmem>> -> memref<128xi32, #tpu.memory_space<vmem>>
      %dma_wait3A_101 = arith.constant 0 : i32
      %dma_wait3A_102 = arith.constant 0 : i32
      %dma_wait3A_103 = tpu.memref_slice %arg6[%dma_wait3A_101, %dma_wait3A_102] : memref<10000x128xf32, #tpu.memory_space<vmem_shared>> -> memref<10000x128xf32, #tpu.memory_space<vmem_shared>>
      tpu.wait_indirect_dma semaphore(%arg12 : memref<!tpu.dma_semaphore, #tpu.memory_space<semaphore_mem>>) src(%arg8 : memref<128x128xf32, #tpu.memory_space<vmem>>) dst(%dma_wait3A_103 : memref<10000x128xf32, #tpu.memory_space<vmem_shared>>)
    } else {
    }
    %barrier3A_80 = arith.constant 0 : index
    tpu.barrier barrier_id(%barrier3A_80)
    %lt3A_81 = arith.constant 13 : i32
    %lt3A_82 = arith.cmpi slt, %arg1, %lt3A_81 : i32
    %jit3A_83 = arith.constant 8 : i32
    %jit3A_84 = arith.constant 7 : i32
    %select_n3A_85 = arith.select %lt3A_82, %jit3A_83, %jit3A_84 : i32
    %while3A_86 = arith.constant 0 : i32
    %while3A_87 = arith.constant 0 : i32
    %while3A_88 = arith.subi %select_n3A_85, %while3A_86 : i32
    %while3A_89 = arith.addi %while3A_86, %while3A_88 : i32
    %while3A_90 = arith.constant 1 : i32
    %while3A_91 = arith.divsi %while3A_88, %while3A_90 : i32
    %while3A_92 = arith.muli %while3A_91, %while3A_90 : i32
    %while3A_93 = arith.addi %while3A_86, %while3A_92 : i32
    %while3A_94 = arith.constant 1 : i32
    %while3A_95 = scf.for %while3A_98 = %while3A_86 to %while3A_93 step %while3A_94 iter_args(%while3A_99 = %while3A_87) -> (i32)  : i32 {
      %mul3A_100 = arith.constant 16 : i32
      %mul3A_101 = arith.muli %while3A_98, %mul3A_100 : i32
      %add3A_102 = arith.addi %mul3A_101, %arg1 : i32
      %mul3A_103 = arith.constant 80 : i32
      %mul3A_104 = arith.muli %add3A_102, %mul3A_103 : i32
      %multiple_of3A = tpu.assume_multiple %mul3A_104, 8 : i32
      "tpu.region"() ({
        %run_scoped3A = tpu.sem_alloc : memref<!tpu.dma_semaphore, #tpu.memory_space<semaphore_mem>>
        %dma_start3A = arith.constant 0 : i32
        %dma_start3A_106 = tpu.memref_slice %arg5[%arg0, %multiple_of3A, %dma_start3A] : memref<2x10000x128xf32, #tpu.memory_space<hbm>> -> memref<1x80x128xf32, #tpu.memory_space<hbm>>
        %dma_start3A_107 = tpu.memref_squeeze %dma_start3A_106 : memref<1x80x128xf32, #tpu.memory_space<hbm>> -> memref<80x128xf32, #tpu.memory_space<hbm>>
        %dma_start3A_108 = arith.constant 0 : i32
        %dma_start3A_109 = tpu.memref_slice %arg6[%multiple_of3A, %dma_start3A_108] : memref<10000x128xf32, #tpu.memory_space<vmem_shared>> -> memref<80x128xf32, #tpu.memory_space<vmem_shared>>
        tpu.enqueue_dma source(%dma_start3A_109 : memref<80x128xf32, #tpu.memory_space<vmem_shared>>) target(%dma_start3A_107 : memref<80x128xf32, #tpu.memory_space<hbm>>) target_semaphore(%run_scoped3A : memref<!tpu.dma_semaphore, #tpu.memory_space<semaphore_mem>>)
        %dma_wait3A = arith.constant 0 : i32
        %dma_wait3A_110 = tpu.memref_slice %arg5[%arg0, %multiple_of3A, %dma_wait3A] : memref<2x10000x128xf32, #tpu.memory_space<hbm>> -> memref<1x80x128xf32, #tpu.memory_space<hbm>>
        %dma_wait3A_111 = tpu.memref_squeeze %dma_wait3A_110 : memref<1x80x128xf32, #tpu.memory_space<hbm>> -> memref<80x128xf32, #tpu.memory_space<hbm>>
        %dma_wait3A_112 = arith.constant 0 : i32
        %dma_wait3A_113 = tpu.memref_slice %arg6[%multiple_of3A, %dma_wait3A_112] : memref<10000x128xf32, #tpu.memory_space<vmem_shared>> -> memref<80x128xf32, #tpu.memory_space<vmem_shared>>
        tpu.wait_dma2 semaphore(%run_scoped3A : memref<!tpu.dma_semaphore, #tpu.memory_space<semaphore_mem>>) src(%dma_wait3A_113 : memref<80x128xf32, #tpu.memory_space<vmem_shared>>) dst(%dma_wait3A_111 : memref<80x128xf32, #tpu.memory_space<hbm>>)
        tpu.yield
      }) : () -> ()
      %while3A_105 = arith.constant 0 : i32
      scf.yield %while3A_105 : i32
    }
    %while3A_96 = arith.constant 1 : i32
    %while3A_97 = scf.for %while3A_98 = %while3A_93 to %while3A_89 step %while3A_96 iter_args(%while3A_99 = %while3A_95) -> (i32)  : i32 {
      %mul3A_100 = arith.constant 16 : i32
      %mul3A_101 = arith.muli %while3A_98, %mul3A_100 : i32
      %add3A_102 = arith.addi %mul3A_101, %arg1 : i32
      %mul3A_103 = arith.constant 80 : i32
      %mul3A_104 = arith.muli %add3A_102, %mul3A_103 : i32
      %multiple_of3A = tpu.assume_multiple %mul3A_104, 8 : i32
      "tpu.region"() ({
        %run_scoped3A = tpu.sem_alloc : memref<!tpu.dma_semaphore, #tpu.memory_space<semaphore_mem>>
        %dma_start3A = arith.constant 0 : i32
        %dma_start3A_106 = tpu.memref_slice %arg5[%arg0, %multiple_of3A, %dma_start3A] : memref<2x10000x128xf32, #tpu.memory_space<hbm>> -> memref<1x80x128xf32, #tpu.memory_space<hbm>>
        %dma_start3A_107 = tpu.memref_squeeze %dma_start3A_106 : memref<1x80x128xf32, #tpu.memory_space<hbm>> -> memref<80x128xf32, #tpu.memory_space<hbm>>
        %dma_start3A_108 = arith.constant 0 : i32
        %dma_start3A_109 = tpu.memref_slice %arg6[%multiple_of3A, %dma_start3A_108] : memref<10000x128xf32, #tpu.memory_space<vmem_shared>> -> memref<80x128xf32, #tpu.memory_space<vmem_shared>>
        tpu.enqueue_dma source(%dma_start3A_109 : memref<80x128xf32, #tpu.memory_space<vmem_shared>>) target(%dma_start3A_107 : memref<80x128xf32, #tpu.memory_space<hbm>>) target_semaphore(%run_scoped3A : memref<!tpu.dma_semaphore, #tpu.memory_space<semaphore_mem>>)
        %dma_wait3A = arith.constant 0 : i32
        %dma_wait3A_110 = tpu.memref_slice %arg5[%arg0, %multiple_of3A, %dma_wait3A] : memref<2x10000x128xf32, #tpu.memory_space<hbm>> -> memref<1x80x128xf32, #tpu.memory_space<hbm>>
        %dma_wait3A_111 = tpu.memref_squeeze %dma_wait3A_110 : memref<1x80x128xf32, #tpu.memory_space<hbm>> -> memref<80x128xf32, #tpu.memory_space<hbm>>
        %dma_wait3A_112 = arith.constant 0 : i32
        %dma_wait3A_113 = tpu.memref_slice %arg6[%multiple_of3A, %dma_wait3A_112] : memref<10000x128xf32, #tpu.memory_space<vmem_shared>> -> memref<80x128xf32, #tpu.memory_space<vmem_shared>>
        tpu.wait_dma2 semaphore(%run_scoped3A : memref<!tpu.dma_semaphore, #tpu.memory_space<semaphore_mem>>) src(%dma_wait3A_113 : memref<80x128xf32, #tpu.memory_space<vmem_shared>>) dst(%dma_wait3A_111 : memref<80x128xf32, #tpu.memory_space<hbm>>)
        tpu.yield
      }) : () -> ()
      %while3A_105 = arith.constant 0 : i32
      scf.yield %while3A_105 : i32
    }
    return
  }
}

#map = affine_map<(d0, d1) -> (0, 0)>
#map1 = affine_map<(d0, d1) -> (0, 0, 0)>
module attributes {stable_mosaic.version = 14 : i64} {
  func.func @mp(%arg0: i32, %arg1: i32, %arg2: memref<10000x128xf32, #tpu.memory_space<hbm>>, %arg3: memref<320000x64xf32, #tpu.memory_space<hbm>>, %arg4: memref<2500x2x128xi32, #tpu.memory_space<hbm>>, %arg5: memref<2x10000x128xf32, #tpu.memory_space<hbm>>, %arg6: memref<10000x128xf32, #tpu.memory_space<vmem_shared>>, %arg7: memref<2x128xi32, #tpu.memory_space<vmem>>, %arg8: memref<128x128xf32, #tpu.memory_space<vmem>>, %arg9: memref<128x64xf32, #tpu.memory_space<vmem>>, %arg10: memref<!tpu.dma_semaphore, #tpu.memory_space<semaphore_mem>>, %arg11: memref<!tpu.dma_semaphore, #tpu.memory_space<semaphore_mem>>, %arg12: memref<!tpu.dma_semaphore, #tpu.memory_space<semaphore_mem>>) attributes {dimension_semantics = [#tpu.dimension_semantics<core_parallel>, #tpu.dimension_semantics<subcore_parallel>], iteration_bounds = array<i64: 2, 16>, scalar_prefetch = 0 : i64, scratch_operands = 7 : i64, tpu.core_type = #tpu.core_type<sc_vector_subcore>, window_params = [{transform_indices = #map}, {transform_indices = #map}, {transform_indices = #map1}, {transform_indices = #map1}]} {
    %mul3A = arith.constant 16 : i32
    %mul3A_0 = arith.muli %arg0, %mul3A : i32
    %add3A = arith.addi %mul3A_0, %arg1 : i32
    %mul3A_1 = arith.constant 2500 : i32
    %mul3A_2 = arith.muli %add3A, %mul3A_1 : i32
    %jit3A = arith.constant 32 : i32
    %div3A = arith.divsi %mul3A_2, %jit3A : i32
    %sign3A = arith.constant 0 : i32
    %sign3A_3 = arith.cmpi sgt, %mul3A_2, %sign3A : i32
    %sign3A_4 = arith.extui %sign3A_3 : i1 to i32
    %sign3A_5 = arith.constant 0 : i32
    %sign3A_6 = arith.cmpi slt, %mul3A_2, %sign3A_5 : i32
    %sign3A_7 = arith.extui %sign3A_6 : i1 to i32
    %sign3A_8 = arith.subi %sign3A_4, %sign3A_7 : i32
    %sign3A_9 = arith.constant 0 : i32
    %sign3A_10 = arith.cmpi sgt, %jit3A, %sign3A_9 : i32
    %sign3A_11 = arith.extui %sign3A_10 : i1 to i32
    %sign3A_12 = arith.constant 0 : i32
    %sign3A_13 = arith.cmpi slt, %jit3A, %sign3A_12 : i32
    %sign3A_14 = arith.extui %sign3A_13 : i1 to i32
    %sign3A_15 = arith.subi %sign3A_11, %sign3A_14 : i32
    %ne3A = arith.cmpi ne, %sign3A_8, %sign3A_15 : i32
    %rem3A = arith.remsi %mul3A_2, %jit3A : i32
    %ne3A_16 = arith.constant 0 : i32
    %ne3A_17 = arith.cmpi ne, %rem3A, %ne3A_16 : i32
    %and3A = arith.andi %ne3A, %ne3A_17 : i1
    %sub3A = arith.constant 1 : i32
    %sub3A_18 = arith.subi %div3A, %sub3A : i32
    %select_n3A = arith.select %and3A, %sub3A_18, %div3A : i32
    %add3A_19 = arith.constant 1 : i32
    %add3A_20 = arith.addi %add3A, %add3A_19 : i32
    %mul3A_21 = arith.constant 2500 : i32
    %mul3A_22 = arith.muli %add3A_20, %mul3A_21 : i32
    %jit3A_23 = arith.constant 32 : i32
    %div3A_24 = arith.divsi %mul3A_22, %jit3A_23 : i32
    %sign3A_25 = arith.constant 0 : i32
    %sign3A_26 = arith.cmpi sgt, %mul3A_22, %sign3A_25 : i32
    %sign3A_27 = arith.extui %sign3A_26 : i1 to i32
    %sign3A_28 = arith.constant 0 : i32
    %sign3A_29 = arith.cmpi slt, %mul3A_22, %sign3A_28 : i32
    %sign3A_30 = arith.extui %sign3A_29 : i1 to i32
    %sign3A_31 = arith.subi %sign3A_27, %sign3A_30 : i32
    %sign3A_32 = arith.constant 0 : i32
    %sign3A_33 = arith.cmpi sgt, %jit3A_23, %sign3A_32 : i32
    %sign3A_34 = arith.extui %sign3A_33 : i1 to i32
    %sign3A_35 = arith.constant 0 : i32
    %sign3A_36 = arith.cmpi slt, %jit3A_23, %sign3A_35 : i32
    %sign3A_37 = arith.extui %sign3A_36 : i1 to i32
    %sign3A_38 = arith.subi %sign3A_34, %sign3A_37 : i32
    %ne3A_39 = arith.cmpi ne, %sign3A_31, %sign3A_38 : i32
    %rem3A_40 = arith.remsi %mul3A_22, %jit3A_23 : i32
    %ne3A_41 = arith.constant 0 : i32
    %ne3A_42 = arith.cmpi ne, %rem3A_40, %ne3A_41 : i32
    %and3A_43 = arith.andi %ne3A_39, %ne3A_42 : i1
    %sub3A_44 = arith.constant 1 : i32
    %sub3A_45 = arith.subi %div3A_24, %sub3A_44 : i32
    %select_n3A_46 = arith.select %and3A_43, %sub3A_45, %div3A_24 : i32
    %scan3A = arith.constant 0 : i32
    %scan3A_47 = arith.constant 0 : i32
    %scan3A_48 = arith.constant 80 : i32
    %scan3A_49 = arith.addi %scan3A_47, %scan3A_48 : i32
    %scan3A_50 = arith.constant 1 : i32
    %scan3A_51 = scf.for %scan3A_98 = %scan3A_47 to %scan3A_49 step %scan3A_50 iter_args(%scan3A_99 = %scan3A) -> (i32)  : i32 {
      %broadcast_in_dim3A = arith.constant 0.000000e+00 : f32
      %broadcast_in_dim3A_100 = vector.broadcast %broadcast_in_dim3A : f32 to vector<16xf32>
      %swap3A = arith.index_cast %scan3A_98 : i32 to index
      %swap3A_101 = arith.constant 0 : index
      %swap3A_102 = tpu.vector_load %arg8[%swap3A, %swap3A_101] {strides = array<i32>} : memref<128x128xf32, #tpu.memory_space<vmem>>, vector<1x16xf32>,
      %swap3A_103 = vector.shape_cast %swap3A_102 : vector<1x16xf32> to vector<16xf32>
      %swap3A_104 = vector.shape_cast %broadcast_in_dim3A_100 : vector<16xf32> to vector<1x16xf32>
      tpu.vector_store %arg8[%swap3A, %swap3A_101], %swap3A_104 {strides = array<i32>} : memref<128x128xf32, #tpu.memory_space<vmem>>, vector<1x16xf32>,
      %broadcast_in_dim3A_105 = arith.constant 0.000000e+00 : f32
      %broadcast_in_dim3A_106 = vector.broadcast %broadcast_in_dim3A_105 : f32 to vector<16xf32>
      %swap3A_107 = arith.index_cast %scan3A_98 : i32 to index
      %swap3A_108 = arith.constant 16 : index
      %swap3A_109 = tpu.vector_load %arg8[%swap3A_107, %swap3A_108] {strides = array<i32>} : memref<128x128xf32, #tpu.memory_space<vmem>>, vector<1x16xf32>,
      %swap3A_110 = vector.shape_cast %swap3A_109 : vector<1x16xf32> to vector<16xf32>
      %swap3A_111 = vector.shape_cast %broadcast_in_dim3A_106 : vector<16xf32> to vector<1x16xf32>
      tpu.vector_store %arg8[%swap3A_107, %swap3A_108], %swap3A_111 {strides = array<i32>} : memref<128x128xf32, #tpu.memory_space<vmem>>, vector<1x16xf32>,
      %broadcast_in_dim3A_112 = arith.constant 0.000000e+00 : f32
      %broadcast_in_dim3A_113 = vector.broadcast %broadcast_in_dim3A_112 : f32 to vector<16xf32>
      %swap3A_114 = arith.index_cast %scan3A_98 : i32 to index
      %swap3A_115 = arith.constant 32 : index
      %swap3A_116 = tpu.vector_load %arg8[%swap3A_114, %swap3A_115] {strides = array<i32>} : memref<128x128xf32, #tpu.memory_space<vmem>>, vector<1x16xf32>,
      %swap3A_117 = vector.shape_cast %swap3A_116 : vector<1x16xf32> to vector<16xf32>
      %swap3A_118 = vector.shape_cast %broadcast_in_dim3A_113 : vector<16xf32> to vector<1x16xf32>
      tpu.vector_store %arg8[%swap3A_114, %swap3A_115], %swap3A_118 {strides = array<i32>} : memref<128x128xf32, #tpu.memory_space<vmem>>, vector<1x16xf32>,
      %broadcast_in_dim3A_119 = arith.constant 0.000000e+00 : f32
      %broadcast_in_dim3A_120 = vector.broadcast %broadcast_in_dim3A_119 : f32 to vector<16xf32>
      %swap3A_121 = arith.index_cast %scan3A_98 : i32 to index
      %swap3A_122 = arith.constant 48 : index
      %swap3A_123 = tpu.vector_load %arg8[%swap3A_121, %swap3A_122] {strides = array<i32>} : memref<128x128xf32, #tpu.memory_space<vmem>>, vector<1x16xf32>,
      %swap3A_124 = vector.shape_cast %swap3A_123 : vector<1x16xf32> to vector<16xf32>
      %swap3A_125 = vector.shape_cast %broadcast_in_dim3A_120 : vector<16xf32> to vector<1x16xf32>
      tpu.vector_store %arg8[%swap3A_121, %swap3A_122], %swap3A_125 {strides = array<i32>} : memref<128x128xf32, #tpu.memory_space<vmem>>, vector<1x16xf32>,
      %broadcast_in_dim3A_126 = arith.constant 0.000000e+00 : f32
      %broadcast_in_dim3A_127 = vector.broadcast %broadcast_in_dim3A_126 : f32 to vector<16xf32>
      %swap3A_128 = arith.index_cast %scan3A_98 : i32 to index
      %swap3A_129 = arith.constant 64 : index
      %swap3A_130 = tpu.vector_load %arg8[%swap3A_128, %swap3A_129] {strides = array<i32>} : memref<128x128xf32, #tpu.memory_space<vmem>>, vector<1x16xf32>,
      %swap3A_131 = vector.shape_cast %swap3A_130 : vector<1x16xf32> to vector<16xf32>
      %swap3A_132 = vector.shape_cast %broadcast_in_dim3A_127 : vector<16xf32> to vector<1x16xf32>
      tpu.vector_store %arg8[%swap3A_128, %swap3A_129], %swap3A_132 {strides = array<i32>} : memref<128x128xf32, #tpu.memory_space<vmem>>, vector<1x16xf32>,
      %broadcast_in_dim3A_133 = arith.constant 0.000000e+00 : f32
      %broadcast_in_dim3A_134 = vector.broadcast %broadcast_in_dim3A_133 : f32 to vector<16xf32>
      %swap3A_135 = arith.index_cast %scan3A_98 : i32 to index
      %swap3A_136 = arith.constant 80 : index
      %swap3A_137 = tpu.vector_load %arg8[%swap3A_135, %swap3A_136] {strides = array<i32>} : memref<128x128xf32, #tpu.memory_space<vmem>>, vector<1x16xf32>,
      %swap3A_138 = vector.shape_cast %swap3A_137 : vector<1x16xf32> to vector<16xf32>
      %swap3A_139 = vector.shape_cast %broadcast_in_dim3A_134 : vector<16xf32> to vector<1x16xf32>
      tpu.vector_store %arg8[%swap3A_135, %swap3A_136], %swap3A_139 {strides = array<i32>} : memref<128x128xf32, #tpu.memory_space<vmem>>, vector<1x16xf32>,
      %broadcast_in_dim3A_140 = arith.constant 0.000000e+00 : f32
      %broadcast_in_dim3A_141 = vector.broadcast %broadcast_in_dim3A_140 : f32 to vector<16xf32>
      %swap3A_142 = arith.index_cast %scan3A_98 : i32 to index
      %swap3A_143 = arith.constant 96 : index
      %swap3A_144 = tpu.vector_load %arg8[%swap3A_142, %swap3A_143] {strides = array<i32>} : memref<128x128xf32, #tpu.memory_space<vmem>>, vector<1x16xf32>,
      %swap3A_145 = vector.shape_cast %swap3A_144 : vector<1x16xf32> to vector<16xf32>
      %swap3A_146 = vector.shape_cast %broadcast_in_dim3A_141 : vector<16xf32> to vector<1x16xf32>
      tpu.vector_store %arg8[%swap3A_142, %swap3A_143], %swap3A_146 {strides = array<i32>} : memref<128x128xf32, #tpu.memory_space<vmem>>, vector<1x16xf32>,
      %broadcast_in_dim3A_147 = arith.constant 0.000000e+00 : f32
      %broadcast_in_dim3A_148 = vector.broadcast %broadcast_in_dim3A_147 : f32 to vector<16xf32>
      %swap3A_149 = arith.index_cast %scan3A_98 : i32 to index
      %swap3A_150 = arith.constant 112 : index
      %swap3A_151 = tpu.vector_load %arg8[%swap3A_149, %swap3A_150] {strides = array<i32>} : memref<128x128xf32, #tpu.memory_space<vmem>>, vector<1x16xf32>,
      %swap3A_152 = vector.shape_cast %swap3A_151 : vector<1x16xf32> to vector<16xf32>
      %swap3A_153 = vector.shape_cast %broadcast_in_dim3A_148 : vector<16xf32> to vector<1x16xf32>
      tpu.vector_store %arg8[%swap3A_149, %swap3A_150], %swap3A_153 {strides = array<i32>} : memref<128x128xf32, #tpu.memory_space<vmem>>, vector<1x16xf32>,
      %scan3A_154 = arith.constant 0 : i32
      scf.yield %scan3A_154 : i32
    }
    %scan3A_52 = arith.constant 80 : i32
    %lt3A = arith.constant 13 : i32
    %lt3A_53 = arith.cmpi slt, %arg1, %lt3A : i32
    %jit3A_54 = arith.constant 8 : i32
    %jit3A_55 = arith.constant 7 : i32
    %select_n3A_56 = arith.select %lt3A_53, %jit3A_54, %jit3A_55 : i32
    %while3A = arith.constant 0 : i32
    %while3A_57 = arith.constant 0 : i32
    %while3A_58 = arith.subi %select_n3A_56, %while3A : i32
    %while3A_59 = arith.addi %while3A, %while3A_58 : i32
    %while3A_60 = arith.constant 1 : i32
    %while3A_61 = arith.divsi %while3A_58, %while3A_60 : i32
    %while3A_62 = arith.muli %while3A_61, %while3A_60 : i32
    %while3A_63 = arith.addi %while3A, %while3A_62 : i32
    %while3A_64 = arith.constant 1 : i32
    %while3A_65 = scf.for %while3A_98 = %while3A to %while3A_63 step %while3A_64 iter_args(%while3A_99 = %while3A_57) -> (i32)  : i32 {
      %mul3A_100 = arith.constant 16 : i32
      %mul3A_101 = arith.muli %while3A_98, %mul3A_100 : i32
      %add3A_102 = arith.addi %mul3A_101, %arg1 : i32
      %mul3A_103 = arith.constant 80 : i32
      %mul3A_104 = arith.muli %add3A_102, %mul3A_103 : i32
      %multiple_of3A = tpu.assume_multiple %mul3A_104, 8 : i32
      "tpu.region"() ({
        %run_scoped3A = tpu.sem_alloc : memref<!tpu.dma_semaphore, #tpu.memory_space<semaphore_mem>>
        %dma_start3A = arith.constant 0 : i32
        %dma_start3A_106 = arith.constant 0 : i32
        %dma_start3A_107 = tpu.memref_slice %arg8[%dma_start3A, %dma_start3A_106] : memref<128x128xf32, #tpu.memory_space<vmem>> -> memref<80x128xf32, #tpu.memory_space<vmem>>
        %dma_start3A_108 = arith.constant 0 : i32
        %dma_start3A_109 = tpu.memref_slice %arg6[%multiple_of3A, %dma_start3A_108] : memref<10000x128xf32, #tpu.memory_space<vmem_shared>> -> memref<80x128xf32, #tpu.memory_space<vmem_shared>>
        %dma_start3A_110 = arith.constant 0 : i32
        %dma_start3A_111 = tpu.memref_slice %arg6[%multiple_of3A, %dma_start3A_110] : memref<10000x128xf32, #tpu.memory_space<vmem_shared>> -> memref<80x128xf32, #tpu.memory_space<vmem_shared>>
        %dma_start3A_112 = arith.constant 0 : i32
        %dma_start3A_113 = arith.constant 0 : i32
        %dma_start3A_114 = tpu.memref_slice %arg8[%dma_start3A_112, %dma_start3A_113] : memref<128x128xf32, #tpu.memory_space<vmem>> -> memref<80x128xf32, #tpu.memory_space<vmem>>
        tpu.enqueue_dma source(%dma_start3A_114 : memref<80x128xf32, #tpu.memory_space<vmem>>) target(%dma_start3A_111 : memref<80x128xf32, #tpu.memory_space<vmem_shared>>) target_semaphore(%run_scoped3A : memref<!tpu.dma_semaphore, #tpu.memory_space<semaphore_mem>>)
        %dma_wait3A = arith.constant 0 : i32
        %dma_wait3A_115 = arith.constant 0 : i32
        %dma_wait3A_116 = tpu.memref_slice %arg8[%dma_wait3A, %dma_wait3A_115] : memref<128x128xf32, #tpu.memory_space<vmem>> -> memref<80x128xf32, #tpu.memory_space<vmem>>
        %dma_wait3A_117 = arith.constant 0 : i32
        %dma_wait3A_118 = tpu.memref_slice %arg6[%multiple_of3A, %dma_wait3A_117] : memref<10000x128xf32, #tpu.memory_space<vmem_shared>> -> memref<80x128xf32, #tpu.memory_space<vmem_shared>>
        %dma_wait3A_119 = arith.constant 0 : i32
        %dma_wait3A_120 = tpu.memref_slice %arg6[%multiple_of3A, %dma_wait3A_119] : memref<10000x128xf32, #tpu.memory_space<vmem_shared>> -> memref<80x128xf32, #tpu.memory_space<vmem_shared>>
        %dma_wait3A_121 = arith.constant 0 : i32
        %dma_wait3A_122 = arith.constant 0 : i32
        %dma_wait3A_123 = tpu.memref_slice %arg8[%dma_wait3A_121, %dma_wait3A_122] : memref<128x128xf32, #tpu.memory_space<vmem>> -> memref<80x128xf32, #tpu.memory_space<vmem>>
        tpu.wait_dma2 semaphore(%run_scoped3A : memref<!tpu.dma_semaphore, #tpu.memory_space<semaphore_mem>>) src(%dma_wait3A_123 : memref<80x128xf32, #tpu.memory_space<vmem>>) dst(%dma_wait3A_120 : memref<80x128xf32, #tpu.memory_space<vmem_shared>>)
        tpu.yield
      }) : () -> ()
      %while3A_105 = arith.constant 0 : i32
      scf.yield %while3A_105 : i32
    }
    %while3A_66 = arith.constant 1 : i32
    %while3A_67 = scf.for %while3A_98 = %while3A_63 to %while3A_59 step %while3A_66 iter_args(%while3A_99 = %while3A_65) -> (i32)  : i32 {
      %mul3A_100 = arith.constant 16 : i32
      %mul3A_101 = arith.muli %while3A_98, %mul3A_100 : i32
      %add3A_102 = arith.addi %mul3A_101, %arg1 : i32
      %mul3A_103 = arith.constant 80 : i32
      %mul3A_104 = arith.muli %add3A_102, %mul3A_103 : i32
      %multiple_of3A = tpu.assume_multiple %mul3A_104, 8 : i32
      "tpu.region"() ({
        %run_scoped3A = tpu.sem_alloc : memref<!tpu.dma_semaphore, #tpu.memory_space<semaphore_mem>>
        %dma_start3A = arith.constant 0 : i32
        %dma_start3A_106 = arith.constant 0 : i32
        %dma_start3A_107 = tpu.memref_slice %arg8[%dma_start3A, %dma_start3A_106] : memref<128x128xf32, #tpu.memory_space<vmem>> -> memref<80x128xf32, #tpu.memory_space<vmem>>
        %dma_start3A_108 = arith.constant 0 : i32
        %dma_start3A_109 = tpu.memref_slice %arg6[%multiple_of3A, %dma_start3A_108] : memref<10000x128xf32, #tpu.memory_space<vmem_shared>> -> memref<80x128xf32, #tpu.memory_space<vmem_shared>>
        %dma_start3A_110 = arith.constant 0 : i32
        %dma_start3A_111 = tpu.memref_slice %arg6[%multiple_of3A, %dma_start3A_110] : memref<10000x128xf32, #tpu.memory_space<vmem_shared>> -> memref<80x128xf32, #tpu.memory_space<vmem_shared>>
        %dma_start3A_112 = arith.constant 0 : i32
        %dma_start3A_113 = arith.constant 0 : i32
        %dma_start3A_114 = tpu.memref_slice %arg8[%dma_start3A_112, %dma_start3A_113] : memref<128x128xf32, #tpu.memory_space<vmem>> -> memref<80x128xf32, #tpu.memory_space<vmem>>
        tpu.enqueue_dma source(%dma_start3A_114 : memref<80x128xf32, #tpu.memory_space<vmem>>) target(%dma_start3A_111 : memref<80x128xf32, #tpu.memory_space<vmem_shared>>) target_semaphore(%run_scoped3A : memref<!tpu.dma_semaphore, #tpu.memory_space<semaphore_mem>>)
        %dma_wait3A = arith.constant 0 : i32
        %dma_wait3A_115 = arith.constant 0 : i32
        %dma_wait3A_116 = tpu.memref_slice %arg8[%dma_wait3A, %dma_wait3A_115] : memref<128x128xf32, #tpu.memory_space<vmem>> -> memref<80x128xf32, #tpu.memory_space<vmem>>
        %dma_wait3A_117 = arith.constant 0 : i32
        %dma_wait3A_118 = tpu.memref_slice %arg6[%multiple_of3A, %dma_wait3A_117] : memref<10000x128xf32, #tpu.memory_space<vmem_shared>> -> memref<80x128xf32, #tpu.memory_space<vmem_shared>>
        %dma_wait3A_119 = arith.constant 0 : i32
        %dma_wait3A_120 = tpu.memref_slice %arg6[%multiple_of3A, %dma_wait3A_119] : memref<10000x128xf32, #tpu.memory_space<vmem_shared>> -> memref<80x128xf32, #tpu.memory_space<vmem_shared>>
        %dma_wait3A_121 = arith.constant 0 : i32
        %dma_wait3A_122 = arith.constant 0 : i32
        %dma_wait3A_123 = tpu.memref_slice %arg8[%dma_wait3A_121, %dma_wait3A_122] : memref<128x128xf32, #tpu.memory_space<vmem>> -> memref<80x128xf32, #tpu.memory_space<vmem>>
        tpu.wait_dma2 semaphore(%run_scoped3A : memref<!tpu.dma_semaphore, #tpu.memory_space<semaphore_mem>>) src(%dma_wait3A_123 : memref<80x128xf32, #tpu.memory_space<vmem>>) dst(%dma_wait3A_120 : memref<80x128xf32, #tpu.memory_space<vmem_shared>>)
        tpu.yield
      }) : () -> ()
      %while3A_105 = arith.constant 0 : i32
      scf.yield %while3A_105 : i32
    }
    %barrier3A = arith.constant 0 : index
    tpu.barrier barrier_id(%barrier3A)
    %while3A_68 = arith.constant 0 : i32
    %while3A_69 = arith.subi %select_n3A_46, %select_n3A : i32
    %while3A_70 = arith.addi %select_n3A, %while3A_69 : i32
    %while3A_71 = arith.constant 1 : i32
    %while3A_72 = arith.divsi %while3A_69, %while3A_71 : i32
    %while3A_73 = arith.muli %while3A_72, %while3A_71 : i32
    %while3A_74 = arith.addi %select_n3A, %while3A_73 : i32
    %while3A_75 = arith.constant 1 : i32
    %while3A_76 = scf.for %while3A_98 = %select_n3A to %while3A_74 step %while3A_75 iter_args(%while3A_99 = %while3A_68) -> (i32)  : i32 {
      %mul3A_100 = arith.constant 128 : i32
      %mul3A_101 = arith.muli %while3A_98, %mul3A_100 : i32
      %multiple_of3A = tpu.assume_multiple %mul3A_101, 128 : i32
      "tpu.region"() ({
        %run_scoped3A = tpu.sem_alloc : memref<!tpu.dma_semaphore, #tpu.memory_space<semaphore_mem>>
        %dma_start3A_143 = arith.constant 0 : i32
        %dma_start3A_144 = arith.constant 0 : i32
        %dma_start3A_145 = tpu.memref_slice %arg4[%while3A_98, %dma_start3A_143, %dma_start3A_144] : memref<2500x2x128xi32, #tpu.memory_space<hbm>> -> memref<1x2x128xi32, #tpu.memory_space<hbm>>
        %dma_start3A_146 = tpu.memref_squeeze %dma_start3A_145 : memref<1x2x128xi32, #tpu.memory_space<hbm>> -> memref<2x128xi32, #tpu.memory_space<hbm>>
        %dma_start3A_147 = arith.constant 0 : i32
        %dma_start3A_148 = arith.constant 0 : i32
        %dma_start3A_149 = tpu.memref_slice %arg4[%while3A_98, %dma_start3A_147, %dma_start3A_148] : memref<2500x2x128xi32, #tpu.memory_space<hbm>> -> memref<1x2x128xi32, #tpu.memory_space<hbm>>
        %dma_start3A_150 = tpu.memref_squeeze %dma_start3A_149 : memref<1x2x128xi32, #tpu.memory_space<hbm>> -> memref<2x128xi32, #tpu.memory_space<hbm>>
        tpu.enqueue_dma source(%dma_start3A_150 : memref<2x128xi32, #tpu.memory_space<hbm>>) target(%arg7 : memref<2x128xi32, #tpu.memory_space<vmem>>) target_semaphore(%run_scoped3A : memref<!tpu.dma_semaphore, #tpu.memory_space<semaphore_mem>>)
        %dma_wait3A_151 = arith.constant 0 : i32
        %dma_wait3A_152 = arith.constant 0 : i32
        %dma_wait3A_153 = tpu.memref_slice %arg4[%while3A_98, %dma_wait3A_151, %dma_wait3A_152] : memref<2500x2x128xi32, #tpu.memory_space<hbm>> -> memref<1x2x128xi32, #tpu.memory_space<hbm>>
        %dma_wait3A_154 = tpu.memref_squeeze %dma_wait3A_153 : memref<1x2x128xi32, #tpu.memory_space<hbm>> -> memref<2x128xi32, #tpu.memory_space<hbm>>
        %dma_wait3A_155 = arith.constant 0 : i32
        %dma_wait3A_156 = arith.constant 0 : i32
        %dma_wait3A_157 = tpu.memref_slice %arg4[%while3A_98, %dma_wait3A_155, %dma_wait3A_156] : memref<2500x2x128xi32, #tpu.memory_space<hbm>> -> memref<1x2x128xi32, #tpu.memory_space<hbm>>
        %dma_wait3A_158 = tpu.memref_squeeze %dma_wait3A_157 : memref<1x2x128xi32, #tpu.memory_space<hbm>> -> memref<2x128xi32, #tpu.memory_space<hbm>>
        tpu.wait_dma2 semaphore(%run_scoped3A : memref<!tpu.dma_semaphore, #tpu.memory_space<semaphore_mem>>) src(%dma_wait3A_158 : memref<2x128xi32, #tpu.memory_space<hbm>>) dst(%arg7 : memref<2x128xi32, #tpu.memory_space<vmem>>)
        tpu.yield
      }) : () -> ()
      %dma_start3A = arith.constant 0 : i32
      %dma_start3A_102 = tpu.memref_slice %arg3[%multiple_of3A, %dma_start3A] : memref<320000x64xf32, #tpu.memory_space<hbm>> -> memref<128x64xf32, #tpu.memory_space<hbm>>
      %dma_start3A_103 = arith.constant 0 : i32
      %dma_start3A_104 = tpu.memref_slice %arg3[%multiple_of3A, %dma_start3A_103] : memref<320000x64xf32, #tpu.memory_space<hbm>> -> memref<128x64xf32, #tpu.memory_space<hbm>>
      tpu.enqueue_dma source(%dma_start3A_104 : memref<128x64xf32, #tpu.memory_space<hbm>>) target(%arg9 : memref<128x64xf32, #tpu.memory_space<vmem>>) target_semaphore(%arg11 : memref<!tpu.dma_semaphore, #tpu.memory_space<semaphore_mem>>)
      %gt3A_105 = arith.cmpi sgt, %while3A_98, %select_n3A : i32
      %convert_element_type3A_106 = arith.extui %gt3A_105 : i1 to i32
      %cond3A_107 = arith.constant 0 : i32
      %cond3A_108 = arith.cmpi ne, %convert_element_type3A_106, %cond3A_107 : i32
      scf.if %cond3A_108 {
        %dma_wait3A_143 = arith.constant 1 : i32
        %dma_wait3A_144 = arith.constant 0 : i32
        %dma_wait3A_145 = tpu.memref_slice %arg7[%dma_wait3A_143, %dma_wait3A_144] : memref<2x128xi32, #tpu.memory_space<vmem>> -> memref<1x128xi32, #tpu.memory_space<vmem>>
        %dma_wait3A_146 = tpu.memref_squeeze %dma_wait3A_145 : memref<1x128xi32, #tpu.memory_space<vmem>> -> memref<128xi32, #tpu.memory_space<vmem>>
        %dma_wait3A_147 = arith.constant 0 : i32
        %dma_wait3A_148 = arith.constant 0 : i32
        %dma_wait3A_149 = tpu.memref_slice %arg6[%dma_wait3A_147, %dma_wait3A_148] : memref<10000x128xf32, #tpu.memory_space<vmem_shared>> -> memref<10000x128xf32, #tpu.memory_space<vmem_shared>>
        tpu.wait_indirect_dma semaphore(%arg12 : memref<!tpu.dma_semaphore, #tpu.memory_space<semaphore_mem>>) src(%arg8 : memref<128x128xf32, #tpu.memory_space<vmem>>) dst(%dma_wait3A_149 : memref<10000x128xf32, #tpu.memory_space<vmem_shared>>)
      } else {
      }
      %dma_start3A_109 = arith.constant 0 : i32
      %dma_start3A_110 = arith.constant 0 : i32
      %dma_start3A_111 = tpu.memref_slice %arg7[%dma_start3A_109, %dma_start3A_110] : memref<2x128xi32, #tpu.memory_space<vmem>> -> memref<1x128xi32, #tpu.memory_space<vmem>>
      %dma_start3A_112 = tpu.memref_squeeze %dma_start3A_111 : memref<1x128xi32, #tpu.memory_space<vmem>> -> memref<128xi32, #tpu.memory_space<vmem>>
      %dma_start3A_113 = arith.constant 0 : i32
      %dma_start3A_114 = arith.constant 0 : i32
      %dma_start3A_115 = tpu.memref_slice %arg2[%dma_start3A_113, %dma_start3A_114] : memref<10000x128xf32, #tpu.memory_space<hbm>> -> memref<10000x128xf32, #tpu.memory_space<hbm>>
      tpu.enqueue_indirect_dma source(%dma_start3A_115 : memref<10000x128xf32, #tpu.memory_space<hbm>>) target(%arg8 : memref<128x128xf32, #tpu.memory_space<vmem>>) offsets(%dma_start3A_112 : memref<128xi32, #tpu.memory_space<vmem>>) semaphore(%arg10 : memref<!tpu.dma_semaphore, #tpu.memory_space<semaphore_mem>>)
      %dma_wait3A = arith.constant 0 : i32
      %dma_wait3A_116 = arith.constant 0 : i32
      %dma_wait3A_117 = tpu.memref_slice %arg7[%dma_wait3A, %dma_wait3A_116] : memref<2x128xi32, #tpu.memory_space<vmem>> -> memref<1x128xi32, #tpu.memory_space<vmem>>
      %dma_wait3A_118 = tpu.memref_squeeze %dma_wait3A_117 : memref<1x128xi32, #tpu.memory_space<vmem>> -> memref<128xi32, #tpu.memory_space<vmem>>
      %dma_wait3A_119 = arith.constant 0 : i32
      %dma_wait3A_120 = arith.constant 0 : i32
      %dma_wait3A_121 = tpu.memref_slice %arg2[%dma_wait3A_119, %dma_wait3A_120] : memref<10000x128xf32, #tpu.memory_space<hbm>> -> memref<10000x128xf32, #tpu.memory_space<hbm>>
      tpu.wait_indirect_dma semaphore(%arg10 : memref<!tpu.dma_semaphore, #tpu.memory_space<semaphore_mem>>) src(%dma_wait3A_121 : memref<10000x128xf32, #tpu.memory_space<hbm>>) dst(%arg8 : memref<128x128xf32, #tpu.memory_space<vmem>>)
      %dma_wait3A_122 = arith.constant 0 : i32
      %dma_wait3A_123 = arith.constant 0 : i32
      %dma_wait3A_124 = tpu.memref_slice %arg3[%dma_wait3A_122, %dma_wait3A_123] : memref<320000x64xf32, #tpu.memory_space<hbm>> -> memref<128x64xf32, #tpu.memory_space<hbm>>
      %dma_wait3A_125 = arith.constant 0 : i32
      %dma_wait3A_126 = arith.constant 0 : i32
      %dma_wait3A_127 = tpu.memref_slice %arg3[%dma_wait3A_125, %dma_wait3A_126] : memref<320000x64xf32, #tpu.memory_space<hbm>> -> memref<128x64xf32, #tpu.memory_space<hbm>>
      tpu.wait_dma2 semaphore(%arg11 : memref<!tpu.dma_semaphore, #tpu.memory_space<semaphore_mem>>) src(%dma_wait3A_127 : memref<128x64xf32, #tpu.memory_space<hbm>>) dst(%arg9 : memref<128x64xf32, #tpu.memory_space<vmem>>)
      %scan3A_128 = arith.constant 0 : i32
      %scan3A_129 = arith.constant 0 : i32
      %scan3A_130 = arith.constant 64 : i32
      %scan3A_131 = arith.addi %scan3A_129, %scan3A_130 : i32
      %scan3A_132 = arith.constant 1 : i32
      %scan3A_133 = scf.for %scan3A_143 = %scan3A_129 to %scan3A_131 step %scan3A_132 iter_args(%scan3A_144 = %scan3A_128) -> (i32)  : i32 {
        %mul3A_145 = arith.constant 2 : i32
        %mul3A_146 = arith.muli %mul3A_145, %scan3A_143 : i32
        %add3A_147 = arith.constant 0 : i32
        %add3A_148 = arith.addi %mul3A_146, %add3A_147 : i32
        %get3A = arith.index_cast %add3A_148 : i32 to index
        %get3A_149 = arith.constant 0 : index
        %get3A_150 = tpu.vector_load %arg8[%get3A, %get3A_149] {strides = array<i32>} : memref<128x128xf32, #tpu.memory_space<vmem>>, vector<1x16xf32>,
        %get3A_151 = vector.shape_cast %get3A_150 : vector<1x16xf32> to vector<16xf32>
        %get3A_152 = arith.index_cast %add3A_148 : i32 to index
        %get3A_153 = arith.constant 0 : index
        %get3A_154 = tpu.vector_load %arg9[%get3A_152, %get3A_153] {strides = array<i32>} : memref<128x64xf32, #tpu.memory_space<vmem>>, vector<1x16xf32>,
        %get3A_155 = vector.shape_cast %get3A_154 : vector<1x16xf32> to vector<16xf32>
        %add3A_156 = arith.addf %get3A_151, %get3A_155 : vector<16xf32>
        %max3A = arith.constant 0.000000e+00 : f32
        %max3A_157 = vector.broadcast %max3A : f32 to vector<16xf32>
        %max3A_158 = arith.maximumf %add3A_156, %max3A_157 : vector<16xf32>
        %swap3A = arith.index_cast %add3A_148 : i32 to index
        %swap3A_159 = arith.constant 0 : index
        %swap3A_160 = tpu.vector_load %arg8[%swap3A, %swap3A_159] {strides = array<i32>} : memref<128x128xf32, #tpu.memory_space<vmem>>, vector<1x16xf32>,
        %swap3A_161 = vector.shape_cast %swap3A_160 : vector<1x16xf32> to vector<16xf32>
        %swap3A_162 = vector.shape_cast %max3A_158 : vector<16xf32> to vector<1x16xf32>
        tpu.vector_store %arg8[%swap3A, %swap3A_159], %swap3A_162 {strides = array<i32>} : memref<128x128xf32, #tpu.memory_space<vmem>>, vector<1x16xf32>,
        %get3A_163 = arith.index_cast %add3A_148 : i32 to index
        %get3A_164 = arith.constant 16 : index
        %get3A_165 = tpu.vector_load %arg8[%get3A_163, %get3A_164] {strides = array<i32>} : memref<128x128xf32, #tpu.memory_space<vmem>>, vector<1x16xf32>,
        %get3A_166 = vector.shape_cast %get3A_165 : vector<1x16xf32> to vector<16xf32>
        %get3A_167 = arith.index_cast %add3A_148 : i32 to index
        %get3A_168 = arith.constant 16 : index
        %get3A_169 = tpu.vector_load %arg9[%get3A_167, %get3A_168] {strides = array<i32>} : memref<128x64xf32, #tpu.memory_space<vmem>>, vector<1x16xf32>,
        %get3A_170 = vector.shape_cast %get3A_169 : vector<1x16xf32> to vector<16xf32>
        %add3A_171 = arith.addf %get3A_166, %get3A_170 : vector<16xf32>
        %max3A_172 = arith.constant 0.000000e+00 : f32
        %max3A_173 = vector.broadcast %max3A_172 : f32 to vector<16xf32>
        %max3A_174 = arith.maximumf %add3A_171, %max3A_173 : vector<16xf32>
        %swap3A_175 = arith.index_cast %add3A_148 : i32 to index
        %swap3A_176 = arith.constant 16 : index
        %swap3A_177 = tpu.vector_load %arg8[%swap3A_175, %swap3A_176] {strides = array<i32>} : memref<128x128xf32, #tpu.memory_space<vmem>>, vector<1x16xf32>,
        %swap3A_178 = vector.shape_cast %swap3A_177 : vector<1x16xf32> to vector<16xf32>
        %swap3A_179 = vector.shape_cast %max3A_174 : vector<16xf32> to vector<1x16xf32>
        tpu.vector_store %arg8[%swap3A_175, %swap3A_176], %swap3A_179 {strides = array<i32>} : memref<128x128xf32, #tpu.memory_space<vmem>>, vector<1x16xf32>,
        %get3A_180 = arith.index_cast %add3A_148 : i32 to index
        %get3A_181 = arith.constant 32 : index
        %get3A_182 = tpu.vector_load %arg8[%get3A_180, %get3A_181] {strides = array<i32>} : memref<128x128xf32, #tpu.memory_space<vmem>>, vector<1x16xf32>,
        %get3A_183 = vector.shape_cast %get3A_182 : vector<1x16xf32> to vector<16xf32>
        %get3A_184 = arith.index_cast %add3A_148 : i32 to index
        %get3A_185 = arith.constant 32 : index
        %get3A_186 = tpu.vector_load %arg9[%get3A_184, %get3A_185] {strides = array<i32>} : memref<128x64xf32, #tpu.memory_space<vmem>>, vector<1x16xf32>,
        %get3A_187 = vector.shape_cast %get3A_186 : vector<1x16xf32> to vector<16xf32>
        %add3A_188 = arith.addf %get3A_183, %get3A_187 : vector<16xf32>
        %max3A_189 = arith.constant 0.000000e+00 : f32
        %max3A_190 = vector.broadcast %max3A_189 : f32 to vector<16xf32>
        %max3A_191 = arith.maximumf %add3A_188, %max3A_190 : vector<16xf32>
        %swap3A_192 = arith.index_cast %add3A_148 : i32 to index
        %swap3A_193 = arith.constant 32 : index
        %swap3A_194 = tpu.vector_load %arg8[%swap3A_192, %swap3A_193] {strides = array<i32>} : memref<128x128xf32, #tpu.memory_space<vmem>>, vector<1x16xf32>,
        %swap3A_195 = vector.shape_cast %swap3A_194 : vector<1x16xf32> to vector<16xf32>
        %swap3A_196 = vector.shape_cast %max3A_191 : vector<16xf32> to vector<1x16xf32>
        tpu.vector_store %arg8[%swap3A_192, %swap3A_193], %swap3A_196 {strides = array<i32>} : memref<128x128xf32, #tpu.memory_space<vmem>>, vector<1x16xf32>,
        %get3A_197 = arith.index_cast %add3A_148 : i32 to index
        %get3A_198 = arith.constant 48 : index
        %get3A_199 = tpu.vector_load %arg8[%get3A_197, %get3A_198] {strides = array<i32>} : memref<128x128xf32, #tpu.memory_space<vmem>>, vector<1x16xf32>,
        %get3A_200 = vector.shape_cast %get3A_199 : vector<1x16xf32> to vector<16xf32>
        %get3A_201 = arith.index_cast %add3A_148 : i32 to index
        %get3A_202 = arith.constant 48 : index
        %get3A_203 = tpu.vector_load %arg9[%get3A_201, %get3A_202] {strides = array<i32>} : memref<128x64xf32, #tpu.memory_space<vmem>>, vector<1x16xf32>,
        %get3A_204 = vector.shape_cast %get3A_203 : vector<1x16xf32> to vector<16xf32>
        %add3A_205 = arith.addf %get3A_200, %get3A_204 : vector<16xf32>
        %max3A_206 = arith.constant 0.000000e+00 : f32
        %max3A_207 = vector.broadcast %max3A_206 : f32 to vector<16xf32>
        %max3A_208 = arith.maximumf %add3A_205, %max3A_207 : vector<16xf32>
        %swap3A_209 = arith.index_cast %add3A_148 : i32 to index
        %swap3A_210 = arith.constant 48 : index
        %swap3A_211 = tpu.vector_load %arg8[%swap3A_209, %swap3A_210] {strides = array<i32>} : memref<128x128xf32, #tpu.memory_space<vmem>>, vector<1x16xf32>,
        %swap3A_212 = vector.shape_cast %swap3A_211 : vector<1x16xf32> to vector<16xf32>
        %swap3A_213 = vector.shape_cast %max3A_208 : vector<16xf32> to vector<1x16xf32>
        tpu.vector_store %arg8[%swap3A_209, %swap3A_210], %swap3A_213 {strides = array<i32>} : memref<128x128xf32, #tpu.memory_space<vmem>>, vector<1x16xf32>,
        %mul3A_214 = arith.constant 2 : i32
        %mul3A_215 = arith.muli %mul3A_214, %scan3A_143 : i32
        %add3A_216 = arith.constant 1 : i32
        %add3A_217 = arith.addi %mul3A_215, %add3A_216 : i32
        %get3A_218 = arith.index_cast %add3A_217 : i32 to index
        %get3A_219 = arith.constant 0 : index
        %get3A_220 = tpu.vector_load %arg8[%get3A_218, %get3A_219] {strides = array<i32>} : memref<128x128xf32, #tpu.memory_space<vmem>>, vector<1x16xf32>,
        %get3A_221 = vector.shape_cast %get3A_220 : vector<1x16xf32> to vector<16xf32>
        %get3A_222 = arith.index_cast %add3A_217 : i32 to index
        %get3A_223 = arith.constant 0 : index
        %get3A_224 = tpu.vector_load %arg9[%get3A_222, %get3A_223] {strides = array<i32>} : memref<128x64xf32, #tpu.memory_space<vmem>>, vector<1x16xf32>,
        %get3A_225 = vector.shape_cast %get3A_224 : vector<1x16xf32> to vector<16xf32>
        %add3A_226 = arith.addf %get3A_221, %get3A_225 : vector<16xf32>
        %max3A_227 = arith.constant 0.000000e+00 : f32
        %max3A_228 = vector.broadcast %max3A_227 : f32 to vector<16xf32>
        %max3A_229 = arith.maximumf %add3A_226, %max3A_228 : vector<16xf32>
        %swap3A_230 = arith.index_cast %add3A_217 : i32 to index
        %swap3A_231 = arith.constant 0 : index
        %swap3A_232 = tpu.vector_load %arg8[%swap3A_230, %swap3A_231] {strides = array<i32>} : memref<128x128xf32, #tpu.memory_space<vmem>>, vector<1x16xf32>,
        %swap3A_233 = vector.shape_cast %swap3A_232 : vector<1x16xf32> to vector<16xf32>
        %swap3A_234 = vector.shape_cast %max3A_229 : vector<16xf32> to vector<1x16xf32>
        tpu.vector_store %arg8[%swap3A_230, %swap3A_231], %swap3A_234 {strides = array<i32>} : memref<128x128xf32, #tpu.memory_space<vmem>>, vector<1x16xf32>,
        %get3A_235 = arith.index_cast %add3A_217 : i32 to index
        %get3A_236 = arith.constant 16 : index
        %get3A_237 = tpu.vector_load %arg8[%get3A_235, %get3A_236] {strides = array<i32>} : memref<128x128xf32, #tpu.memory_space<vmem>>, vector<1x16xf32>,
        %get3A_238 = vector.shape_cast %get3A_237 : vector<1x16xf32> to vector<16xf32>
        %get3A_239 = arith.index_cast %add3A_217 : i32 to index
        %get3A_240 = arith.constant 16 : index
        %get3A_241 = tpu.vector_load %arg9[%get3A_239, %get3A_240] {strides = array<i32>} : memref<128x64xf32, #tpu.memory_space<vmem>>, vector<1x16xf32>,
        %get3A_242 = vector.shape_cast %get3A_241 : vector<1x16xf32> to vector<16xf32>
        %add3A_243 = arith.addf %get3A_238, %get3A_242 : vector<16xf32>
        %max3A_244 = arith.constant 0.000000e+00 : f32
        %max3A_245 = vector.broadcast %max3A_244 : f32 to vector<16xf32>
        %max3A_246 = arith.maximumf %add3A_243, %max3A_245 : vector<16xf32>
        %swap3A_247 = arith.index_cast %add3A_217 : i32 to index
        %swap3A_248 = arith.constant 16 : index
        %swap3A_249 = tpu.vector_load %arg8[%swap3A_247, %swap3A_248] {strides = array<i32>} : memref<128x128xf32, #tpu.memory_space<vmem>>, vector<1x16xf32>,
        %swap3A_250 = vector.shape_cast %swap3A_249 : vector<1x16xf32> to vector<16xf32>
        %swap3A_251 = vector.shape_cast %max3A_246 : vector<16xf32> to vector<1x16xf32>
        tpu.vector_store %arg8[%swap3A_247, %swap3A_248], %swap3A_251 {strides = array<i32>} : memref<128x128xf32, #tpu.memory_space<vmem>>, vector<1x16xf32>,
        %get3A_252 = arith.index_cast %add3A_217 : i32 to index
        %get3A_253 = arith.constant 32 : index
        %get3A_254 = tpu.vector_load %arg8[%get3A_252, %get3A_253] {strides = array<i32>} : memref<128x128xf32, #tpu.memory_space<vmem>>, vector<1x16xf32>,
        %get3A_255 = vector.shape_cast %get3A_254 : vector<1x16xf32> to vector<16xf32>
        %get3A_256 = arith.index_cast %add3A_217 : i32 to index
        %get3A_257 = arith.constant 32 : index
        %get3A_258 = tpu.vector_load %arg9[%get3A_256, %get3A_257] {strides = array<i32>} : memref<128x64xf32, #tpu.memory_space<vmem>>, vector<1x16xf32>,
        %get3A_259 = vector.shape_cast %get3A_258 : vector<1x16xf32> to vector<16xf32>
        %add3A_260 = arith.addf %get3A_255, %get3A_259 : vector<16xf32>
        %max3A_261 = arith.constant 0.000000e+00 : f32
        %max3A_262 = vector.broadcast %max3A_261 : f32 to vector<16xf32>
        %max3A_263 = arith.maximumf %add3A_260, %max3A_262 : vector<16xf32>
        %swap3A_264 = arith.index_cast %add3A_217 : i32 to index
        %swap3A_265 = arith.constant 32 : index
        %swap3A_266 = tpu.vector_load %arg8[%swap3A_264, %swap3A_265] {strides = array<i32>} : memref<128x128xf32, #tpu.memory_space<vmem>>, vector<1x16xf32>,
        %swap3A_267 = vector.shape_cast %swap3A_266 : vector<1x16xf32> to vector<16xf32>
        %swap3A_268 = vector.shape_cast %max3A_263 : vector<16xf32> to vector<1x16xf32>
        tpu.vector_store %arg8[%swap3A_264, %swap3A_265], %swap3A_268 {strides = array<i32>} : memref<128x128xf32, #tpu.memory_space<vmem>>, vector<1x16xf32>,
        %get3A_269 = arith.index_cast %add3A_217 : i32 to index
        %get3A_270 = arith.constant 48 : index
        %get3A_271 = tpu.vector_load %arg8[%get3A_269, %get3A_270] {strides = array<i32>} : memref<128x128xf32, #tpu.memory_space<vmem>>, vector<1x16xf32>,
        %get3A_272 = vector.shape_cast %get3A_271 : vector<1x16xf32> to vector<16xf32>
        %get3A_273 = arith.index_cast %add3A_217 : i32 to index
        %get3A_274 = arith.constant 48 : index
        %get3A_275 = tpu.vector_load %arg9[%get3A_273, %get3A_274] {strides = array<i32>} : memref<128x64xf32, #tpu.memory_space<vmem>>, vector<1x16xf32>,
        %get3A_276 = vector.shape_cast %get3A_275 : vector<1x16xf32> to vector<16xf32>
        %add3A_277 = arith.addf %get3A_272, %get3A_276 : vector<16xf32>
        %max3A_278 = arith.constant 0.000000e+00 : f32
        %max3A_279 = vector.broadcast %max3A_278 : f32 to vector<16xf32>
        %max3A_280 = arith.maximumf %add3A_277, %max3A_279 : vector<16xf32>
        %swap3A_281 = arith.index_cast %add3A_217 : i32 to index
        %swap3A_282 = arith.constant 48 : index
        %swap3A_283 = tpu.vector_load %arg8[%swap3A_281, %swap3A_282] {strides = array<i32>} : memref<128x128xf32, #tpu.memory_space<vmem>>, vector<1x16xf32>,
        %swap3A_284 = vector.shape_cast %swap3A_283 : vector<1x16xf32> to vector<16xf32>
        %swap3A_285 = vector.shape_cast %max3A_280 : vector<16xf32> to vector<1x16xf32>
        tpu.vector_store %arg8[%swap3A_281, %swap3A_282], %swap3A_285 {strides = array<i32>} : memref<128x128xf32, #tpu.memory_space<vmem>>, vector<1x16xf32>,
        %scan3A_286 = arith.constant 0 : i32
        scf.yield %scan3A_286 : i32
      }
      %scan3A_134 = arith.constant 64 : i32
      %dma_start3A_135 = arith.constant 1 : i32
      %dma_start3A_136 = arith.constant 0 : i32
      %dma_start3A_137 = tpu.memref_slice %arg7[%dma_start3A_135, %dma_start3A_136] : memref<2x128xi32, #tpu.memory_space<vmem>> -> memref<1x128xi32, #tpu.memory_space<vmem>>
      %dma_start3A_138 = tpu.memref_squeeze %dma_start3A_137 : memref<1x128xi32, #tpu.memory_space<vmem>> -> memref<128xi32, #tpu.memory_space<vmem>>
      %dma_start3A_139 = arith.constant 0 : i32
      %dma_start3A_140 = arith.constant 0 : i32
      %dma_start3A_141 = tpu.memref_slice %arg6[%dma_start3A_139, %dma_start3A_140] : memref<10000x128xf32, #tpu.memory_space<vmem_shared>> -> memref<10000x128xf32, #tpu.memory_space<vmem_shared>>
      tpu.enqueue_indirect_dma source(%arg8 : memref<128x128xf32, #tpu.memory_space<vmem>>) target(%dma_start3A_141 : memref<10000x128xf32, #tpu.memory_space<vmem_shared>>) offsets(%dma_start3A_138 : memref<128xi32, #tpu.memory_space<vmem>>) semaphore(%arg12 : memref<!tpu.dma_semaphore, #tpu.memory_space<semaphore_mem>>) {add = true}
      %while3A_142 = arith.constant 0 : i32
      scf.yield %while3A_142 : i32
    }
    %while3A_77 = arith.constant 1 : i32
    %while3A_78 = scf.for %while3A_98 = %while3A_74 to %while3A_70 step %while3A_77 iter_args(%while3A_99 = %while3A_76) -> (i32)  : i32 {
      %mul3A_100 = arith.constant 128 : i32
      %mul3A_101 = arith.muli %while3A_98, %mul3A_100 : i32
      %multiple_of3A = tpu.assume_multiple %mul3A_101, 128 : i32
      "tpu.region"() ({
        %run_scoped3A = tpu.sem_alloc : memref<!tpu.dma_semaphore, #tpu.memory_space<semaphore_mem>>
        %dma_start3A_143 = arith.constant 0 : i32
        %dma_start3A_144 = arith.constant 0 : i32
        %dma_start3A_145 = tpu.memref_slice %arg4[%while3A_98, %dma_start3A_143, %dma_start3A_144] : memref<2500x2x128xi32, #tpu.memory_space<hbm>> -> memref<1x2x128xi32, #tpu.memory_space<hbm>>
        %dma_start3A_146 = tpu.memref_squeeze %dma_start3A_145 : memref<1x2x128xi32, #tpu.memory_space<hbm>> -> memref<2x128xi32, #tpu.memory_space<hbm>>
        %dma_start3A_147 = arith.constant 0 : i32
        %dma_start3A_148 = arith.constant 0 : i32
        %dma_start3A_149 = tpu.memref_slice %arg4[%while3A_98, %dma_start3A_147, %dma_start3A_148] : memref<2500x2x128xi32, #tpu.memory_space<hbm>> -> memref<1x2x128xi32, #tpu.memory_space<hbm>>
        %dma_start3A_150 = tpu.memref_squeeze %dma_start3A_149 : memref<1x2x128xi32, #tpu.memory_space<hbm>> -> memref<2x128xi32, #tpu.memory_space<hbm>>
        tpu.enqueue_dma source(%dma_start3A_150 : memref<2x128xi32, #tpu.memory_space<hbm>>) target(%arg7 : memref<2x128xi32, #tpu.memory_space<vmem>>) target_semaphore(%run_scoped3A : memref<!tpu.dma_semaphore, #tpu.memory_space<semaphore_mem>>)
        %dma_wait3A_151 = arith.constant 0 : i32
        %dma_wait3A_152 = arith.constant 0 : i32
        %dma_wait3A_153 = tpu.memref_slice %arg4[%while3A_98, %dma_wait3A_151, %dma_wait3A_152] : memref<2500x2x128xi32, #tpu.memory_space<hbm>> -> memref<1x2x128xi32, #tpu.memory_space<hbm>>
        %dma_wait3A_154 = tpu.memref_squeeze %dma_wait3A_153 : memref<1x2x128xi32, #tpu.memory_space<hbm>> -> memref<2x128xi32, #tpu.memory_space<hbm>>
        %dma_wait3A_155 = arith.constant 0 : i32
        %dma_wait3A_156 = arith.constant 0 : i32
        %dma_wait3A_157 = tpu.memref_slice %arg4[%while3A_98, %dma_wait3A_155, %dma_wait3A_156] : memref<2500x2x128xi32, #tpu.memory_space<hbm>> -> memref<1x2x128xi32, #tpu.memory_space<hbm>>
        %dma_wait3A_158 = tpu.memref_squeeze %dma_wait3A_157 : memref<1x2x128xi32, #tpu.memory_space<hbm>> -> memref<2x128xi32, #tpu.memory_space<hbm>>
        tpu.wait_dma2 semaphore(%run_scoped3A : memref<!tpu.dma_semaphore, #tpu.memory_space<semaphore_mem>>) src(%dma_wait3A_158 : memref<2x128xi32, #tpu.memory_space<hbm>>) dst(%arg7 : memref<2x128xi32, #tpu.memory_space<vmem>>)
        tpu.yield
      }) : () -> ()
      %dma_start3A = arith.constant 0 : i32
      %dma_start3A_102 = tpu.memref_slice %arg3[%multiple_of3A, %dma_start3A] : memref<320000x64xf32, #tpu.memory_space<hbm>> -> memref<128x64xf32, #tpu.memory_space<hbm>>
      %dma_start3A_103 = arith.constant 0 : i32
      %dma_start3A_104 = tpu.memref_slice %arg3[%multiple_of3A, %dma_start3A_103] : memref<320000x64xf32, #tpu.memory_space<hbm>> -> memref<128x64xf32, #tpu.memory_space<hbm>>
      tpu.enqueue_dma source(%dma_start3A_104 : memref<128x64xf32, #tpu.memory_space<hbm>>) target(%arg9 : memref<128x64xf32, #tpu.memory_space<vmem>>) target_semaphore(%arg11 : memref<!tpu.dma_semaphore, #tpu.memory_space<semaphore_mem>>)
      %gt3A_105 = arith.cmpi sgt, %while3A_98, %select_n3A : i32
      %convert_element_type3A_106 = arith.extui %gt3A_105 : i1 to i32
      %cond3A_107 = arith.constant 0 : i32
      %cond3A_108 = arith.cmpi ne, %convert_element_type3A_106, %cond3A_107 : i32
      scf.if %cond3A_108 {
        %dma_wait3A_143 = arith.constant 1 : i32
        %dma_wait3A_144 = arith.constant 0 : i32
        %dma_wait3A_145 = tpu.memref_slice %arg7[%dma_wait3A_143, %dma_wait3A_144] : memref<2x128xi32, #tpu.memory_space<vmem>> -> memref<1x128xi32, #tpu.memory_space<vmem>>
        %dma_wait3A_146 = tpu.memref_squeeze %dma_wait3A_145 : memref<1x128xi32, #tpu.memory_space<vmem>> -> memref<128xi32, #tpu.memory_space<vmem>>
        %dma_wait3A_147 = arith.constant 0 : i32
        %dma_wait3A_148 = arith.constant 0 : i32
        %dma_wait3A_149 = tpu.memref_slice %arg6[%dma_wait3A_147, %dma_wait3A_148] : memref<10000x128xf32, #tpu.memory_space<vmem_shared>> -> memref<10000x128xf32, #tpu.memory_space<vmem_shared>>
        tpu.wait_indirect_dma semaphore(%arg12 : memref<!tpu.dma_semaphore, #tpu.memory_space<semaphore_mem>>) src(%arg8 : memref<128x128xf32, #tpu.memory_space<vmem>>) dst(%dma_wait3A_149 : memref<10000x128xf32, #tpu.memory_space<vmem_shared>>)
      } else {
      }
      %dma_start3A_109 = arith.constant 0 : i32
      %dma_start3A_110 = arith.constant 0 : i32
      %dma_start3A_111 = tpu.memref_slice %arg7[%dma_start3A_109, %dma_start3A_110] : memref<2x128xi32, #tpu.memory_space<vmem>> -> memref<1x128xi32, #tpu.memory_space<vmem>>
      %dma_start3A_112 = tpu.memref_squeeze %dma_start3A_111 : memref<1x128xi32, #tpu.memory_space<vmem>> -> memref<128xi32, #tpu.memory_space<vmem>>
      %dma_start3A_113 = arith.constant 0 : i32
      %dma_start3A_114 = arith.constant 0 : i32
      %dma_start3A_115 = tpu.memref_slice %arg2[%dma_start3A_113, %dma_start3A_114] : memref<10000x128xf32, #tpu.memory_space<hbm>> -> memref<10000x128xf32, #tpu.memory_space<hbm>>
      tpu.enqueue_indirect_dma source(%dma_start3A_115 : memref<10000x128xf32, #tpu.memory_space<hbm>>) target(%arg8 : memref<128x128xf32, #tpu.memory_space<vmem>>) offsets(%dma_start3A_112 : memref<128xi32, #tpu.memory_space<vmem>>) semaphore(%arg10 : memref<!tpu.dma_semaphore, #tpu.memory_space<semaphore_mem>>)
      %dma_wait3A = arith.constant 0 : i32
      %dma_wait3A_116 = arith.constant 0 : i32
      %dma_wait3A_117 = tpu.memref_slice %arg7[%dma_wait3A, %dma_wait3A_116] : memref<2x128xi32, #tpu.memory_space<vmem>> -> memref<1x128xi32, #tpu.memory_space<vmem>>
      %dma_wait3A_118 = tpu.memref_squeeze %dma_wait3A_117 : memref<1x128xi32, #tpu.memory_space<vmem>> -> memref<128xi32, #tpu.memory_space<vmem>>
      %dma_wait3A_119 = arith.constant 0 : i32
      %dma_wait3A_120 = arith.constant 0 : i32
      %dma_wait3A_121 = tpu.memref_slice %arg2[%dma_wait3A_119, %dma_wait3A_120] : memref<10000x128xf32, #tpu.memory_space<hbm>> -> memref<10000x128xf32, #tpu.memory_space<hbm>>
      tpu.wait_indirect_dma semaphore(%arg10 : memref<!tpu.dma_semaphore, #tpu.memory_space<semaphore_mem>>) src(%dma_wait3A_121 : memref<10000x128xf32, #tpu.memory_space<hbm>>) dst(%arg8 : memref<128x128xf32, #tpu.memory_space<vmem>>)
      %dma_wait3A_122 = arith.constant 0 : i32
      %dma_wait3A_123 = arith.constant 0 : i32
      %dma_wait3A_124 = tpu.memref_slice %arg3[%dma_wait3A_122, %dma_wait3A_123] : memref<320000x64xf32, #tpu.memory_space<hbm>> -> memref<128x64xf32, #tpu.memory_space<hbm>>
      %dma_wait3A_125 = arith.constant 0 : i32
      %dma_wait3A_126 = arith.constant 0 : i32
      %dma_wait3A_127 = tpu.memref_slice %arg3[%dma_wait3A_125, %dma_wait3A_126] : memref<320000x64xf32, #tpu.memory_space<hbm>> -> memref<128x64xf32, #tpu.memory_space<hbm>>
      tpu.wait_dma2 semaphore(%arg11 : memref<!tpu.dma_semaphore, #tpu.memory_space<semaphore_mem>>) src(%dma_wait3A_127 : memref<128x64xf32, #tpu.memory_space<hbm>>) dst(%arg9 : memref<128x64xf32, #tpu.memory_space<vmem>>)
      %scan3A_128 = arith.constant 0 : i32
      %scan3A_129 = arith.constant 0 : i32
      %scan3A_130 = arith.constant 64 : i32
      %scan3A_131 = arith.addi %scan3A_129, %scan3A_130 : i32
      %scan3A_132 = arith.constant 1 : i32
      %scan3A_133 = scf.for %scan3A_143 = %scan3A_129 to %scan3A_131 step %scan3A_132 iter_args(%scan3A_144 = %scan3A_128) -> (i32)  : i32 {
        %mul3A_145 = arith.constant 2 : i32
        %mul3A_146 = arith.muli %mul3A_145, %scan3A_143 : i32
        %add3A_147 = arith.constant 0 : i32
        %add3A_148 = arith.addi %mul3A_146, %add3A_147 : i32
        %get3A = arith.index_cast %add3A_148 : i32 to index
        %get3A_149 = arith.constant 0 : index
        %get3A_150 = tpu.vector_load %arg8[%get3A, %get3A_149] {strides = array<i32>} : memref<128x128xf32, #tpu.memory_space<vmem>>, vector<1x16xf32>,
        %get3A_151 = vector.shape_cast %get3A_150 : vector<1x16xf32> to vector<16xf32>
        %get3A_152 = arith.index_cast %add3A_148 : i32 to index
        %get3A_153 = arith.constant 0 : index
        %get3A_154 = tpu.vector_load %arg9[%get3A_152, %get3A_153] {strides = array<i32>} : memref<128x64xf32, #tpu.memory_space<vmem>>, vector<1x16xf32>,
        %get3A_155 = vector.shape_cast %get3A_154 : vector<1x16xf32> to vector<16xf32>
        %add3A_156 = arith.addf %get3A_151, %get3A_155 : vector<16xf32>
        %max3A = arith.constant 0.000000e+00 : f32
        %max3A_157 = vector.broadcast %max3A : f32 to vector<16xf32>
        %max3A_158 = arith.maximumf %add3A_156, %max3A_157 : vector<16xf32>
        %swap3A = arith.index_cast %add3A_148 : i32 to index
        %swap3A_159 = arith.constant 0 : index
        %swap3A_160 = tpu.vector_load %arg8[%swap3A, %swap3A_159] {strides = array<i32>} : memref<128x128xf32, #tpu.memory_space<vmem>>, vector<1x16xf32>,
        %swap3A_161 = vector.shape_cast %swap3A_160 : vector<1x16xf32> to vector<16xf32>
        %swap3A_162 = vector.shape_cast %max3A_158 : vector<16xf32> to vector<1x16xf32>
        tpu.vector_store %arg8[%swap3A, %swap3A_159], %swap3A_162 {strides = array<i32>} : memref<128x128xf32, #tpu.memory_space<vmem>>, vector<1x16xf32>,
        %get3A_163 = arith.index_cast %add3A_148 : i32 to index
        %get3A_164 = arith.constant 16 : index
        %get3A_165 = tpu.vector_load %arg8[%get3A_163, %get3A_164] {strides = array<i32>} : memref<128x128xf32, #tpu.memory_space<vmem>>, vector<1x16xf32>,
        %get3A_166 = vector.shape_cast %get3A_165 : vector<1x16xf32> to vector<16xf32>
        %get3A_167 = arith.index_cast %add3A_148 : i32 to index
        %get3A_168 = arith.constant 16 : index
        %get3A_169 = tpu.vector_load %arg9[%get3A_167, %get3A_168] {strides = array<i32>} : memref<128x64xf32, #tpu.memory_space<vmem>>, vector<1x16xf32>,
        %get3A_170 = vector.shape_cast %get3A_169 : vector<1x16xf32> to vector<16xf32>
        %add3A_171 = arith.addf %get3A_166, %get3A_170 : vector<16xf32>
        %max3A_172 = arith.constant 0.000000e+00 : f32
        %max3A_173 = vector.broadcast %max3A_172 : f32 to vector<16xf32>
        %max3A_174 = arith.maximumf %add3A_171, %max3A_173 : vector<16xf32>
        %swap3A_175 = arith.index_cast %add3A_148 : i32 to index
        %swap3A_176 = arith.constant 16 : index
        %swap3A_177 = tpu.vector_load %arg8[%swap3A_175, %swap3A_176] {strides = array<i32>} : memref<128x128xf32, #tpu.memory_space<vmem>>, vector<1x16xf32>,
        %swap3A_178 = vector.shape_cast %swap3A_177 : vector<1x16xf32> to vector<16xf32>
        %swap3A_179 = vector.shape_cast %max3A_174 : vector<16xf32> to vector<1x16xf32>
        tpu.vector_store %arg8[%swap3A_175, %swap3A_176], %swap3A_179 {strides = array<i32>} : memref<128x128xf32, #tpu.memory_space<vmem>>, vector<1x16xf32>,
        %get3A_180 = arith.index_cast %add3A_148 : i32 to index
        %get3A_181 = arith.constant 32 : index
        %get3A_182 = tpu.vector_load %arg8[%get3A_180, %get3A_181] {strides = array<i32>} : memref<128x128xf32, #tpu.memory_space<vmem>>, vector<1x16xf32>,
        %get3A_183 = vector.shape_cast %get3A_182 : vector<1x16xf32> to vector<16xf32>
        %get3A_184 = arith.index_cast %add3A_148 : i32 to index
        %get3A_185 = arith.constant 32 : index
        %get3A_186 = tpu.vector_load %arg9[%get3A_184, %get3A_185] {strides = array<i32>} : memref<128x64xf32, #tpu.memory_space<vmem>>, vector<1x16xf32>,
        %get3A_187 = vector.shape_cast %get3A_186 : vector<1x16xf32> to vector<16xf32>
        %add3A_188 = arith.addf %get3A_183, %get3A_187 : vector<16xf32>
        %max3A_189 = arith.constant 0.000000e+00 : f32
        %max3A_190 = vector.broadcast %max3A_189 : f32 to vector<16xf32>
        %max3A_191 = arith.maximumf %add3A_188, %max3A_190 : vector<16xf32>
        %swap3A_192 = arith.index_cast %add3A_148 : i32 to index
        %swap3A_193 = arith.constant 32 : index
        %swap3A_194 = tpu.vector_load %arg8[%swap3A_192, %swap3A_193] {strides = array<i32>} : memref<128x128xf32, #tpu.memory_space<vmem>>, vector<1x16xf32>,
        %swap3A_195 = vector.shape_cast %swap3A_194 : vector<1x16xf32> to vector<16xf32>
        %swap3A_196 = vector.shape_cast %max3A_191 : vector<16xf32> to vector<1x16xf32>
        tpu.vector_store %arg8[%swap3A_192, %swap3A_193], %swap3A_196 {strides = array<i32>} : memref<128x128xf32, #tpu.memory_space<vmem>>, vector<1x16xf32>,
        %get3A_197 = arith.index_cast %add3A_148 : i32 to index
        %get3A_198 = arith.constant 48 : index
        %get3A_199 = tpu.vector_load %arg8[%get3A_197, %get3A_198] {strides = array<i32>} : memref<128x128xf32, #tpu.memory_space<vmem>>, vector<1x16xf32>,
        %get3A_200 = vector.shape_cast %get3A_199 : vector<1x16xf32> to vector<16xf32>
        %get3A_201 = arith.index_cast %add3A_148 : i32 to index
        %get3A_202 = arith.constant 48 : index
        %get3A_203 = tpu.vector_load %arg9[%get3A_201, %get3A_202] {strides = array<i32>} : memref<128x64xf32, #tpu.memory_space<vmem>>, vector<1x16xf32>,
        %get3A_204 = vector.shape_cast %get3A_203 : vector<1x16xf32> to vector<16xf32>
        %add3A_205 = arith.addf %get3A_200, %get3A_204 : vector<16xf32>
        %max3A_206 = arith.constant 0.000000e+00 : f32
        %max3A_207 = vector.broadcast %max3A_206 : f32 to vector<16xf32>
        %max3A_208 = arith.maximumf %add3A_205, %max3A_207 : vector<16xf32>
        %swap3A_209 = arith.index_cast %add3A_148 : i32 to index
        %swap3A_210 = arith.constant 48 : index
        %swap3A_211 = tpu.vector_load %arg8[%swap3A_209, %swap3A_210] {strides = array<i32>} : memref<128x128xf32, #tpu.memory_space<vmem>>, vector<1x16xf32>,
        %swap3A_212 = vector.shape_cast %swap3A_211 : vector<1x16xf32> to vector<16xf32>
        %swap3A_213 = vector.shape_cast %max3A_208 : vector<16xf32> to vector<1x16xf32>
        tpu.vector_store %arg8[%swap3A_209, %swap3A_210], %swap3A_213 {strides = array<i32>} : memref<128x128xf32, #tpu.memory_space<vmem>>, vector<1x16xf32>,
        %mul3A_214 = arith.constant 2 : i32
        %mul3A_215 = arith.muli %mul3A_214, %scan3A_143 : i32
        %add3A_216 = arith.constant 1 : i32
        %add3A_217 = arith.addi %mul3A_215, %add3A_216 : i32
        %get3A_218 = arith.index_cast %add3A_217 : i32 to index
        %get3A_219 = arith.constant 0 : index
        %get3A_220 = tpu.vector_load %arg8[%get3A_218, %get3A_219] {strides = array<i32>} : memref<128x128xf32, #tpu.memory_space<vmem>>, vector<1x16xf32>,
        %get3A_221 = vector.shape_cast %get3A_220 : vector<1x16xf32> to vector<16xf32>
        %get3A_222 = arith.index_cast %add3A_217 : i32 to index
        %get3A_223 = arith.constant 0 : index
        %get3A_224 = tpu.vector_load %arg9[%get3A_222, %get3A_223] {strides = array<i32>} : memref<128x64xf32, #tpu.memory_space<vmem>>, vector<1x16xf32>,
        %get3A_225 = vector.shape_cast %get3A_224 : vector<1x16xf32> to vector<16xf32>
        %add3A_226 = arith.addf %get3A_221, %get3A_225 : vector<16xf32>
        %max3A_227 = arith.constant 0.000000e+00 : f32
        %max3A_228 = vector.broadcast %max3A_227 : f32 to vector<16xf32>
        %max3A_229 = arith.maximumf %add3A_226, %max3A_228 : vector<16xf32>
        %swap3A_230 = arith.index_cast %add3A_217 : i32 to index
        %swap3A_231 = arith.constant 0 : index
        %swap3A_232 = tpu.vector_load %arg8[%swap3A_230, %swap3A_231] {strides = array<i32>} : memref<128x128xf32, #tpu.memory_space<vmem>>, vector<1x16xf32>,
        %swap3A_233 = vector.shape_cast %swap3A_232 : vector<1x16xf32> to vector<16xf32>
        %swap3A_234 = vector.shape_cast %max3A_229 : vector<16xf32> to vector<1x16xf32>
        tpu.vector_store %arg8[%swap3A_230, %swap3A_231], %swap3A_234 {strides = array<i32>} : memref<128x128xf32, #tpu.memory_space<vmem>>, vector<1x16xf32>,
        %get3A_235 = arith.index_cast %add3A_217 : i32 to index
        %get3A_236 = arith.constant 16 : index
        %get3A_237 = tpu.vector_load %arg8[%get3A_235, %get3A_236] {strides = array<i32>} : memref<128x128xf32, #tpu.memory_space<vmem>>, vector<1x16xf32>,
        %get3A_238 = vector.shape_cast %get3A_237 : vector<1x16xf32> to vector<16xf32>
        %get3A_239 = arith.index_cast %add3A_217 : i32 to index
        %get3A_240 = arith.constant 16 : index
        %get3A_241 = tpu.vector_load %arg9[%get3A_239, %get3A_240] {strides = array<i32>} : memref<128x64xf32, #tpu.memory_space<vmem>>, vector<1x16xf32>,
        %get3A_242 = vector.shape_cast %get3A_241 : vector<1x16xf32> to vector<16xf32>
        %add3A_243 = arith.addf %get3A_238, %get3A_242 : vector<16xf32>
        %max3A_244 = arith.constant 0.000000e+00 : f32
        %max3A_245 = vector.broadcast %max3A_244 : f32 to vector<16xf32>
        %max3A_246 = arith.maximumf %add3A_243, %max3A_245 : vector<16xf32>
        %swap3A_247 = arith.index_cast %add3A_217 : i32 to index
        %swap3A_248 = arith.constant 16 : index
        %swap3A_249 = tpu.vector_load %arg8[%swap3A_247, %swap3A_248] {strides = array<i32>} : memref<128x128xf32, #tpu.memory_space<vmem>>, vector<1x16xf32>,
        %swap3A_250 = vector.shape_cast %swap3A_249 : vector<1x16xf32> to vector<16xf32>
        %swap3A_251 = vector.shape_cast %max3A_246 : vector<16xf32> to vector<1x16xf32>
        tpu.vector_store %arg8[%swap3A_247, %swap3A_248], %swap3A_251 {strides = array<i32>} : memref<128x128xf32, #tpu.memory_space<vmem>>, vector<1x16xf32>,
        %get3A_252 = arith.index_cast %add3A_217 : i32 to index
        %get3A_253 = arith.constant 32 : index
        %get3A_254 = tpu.vector_load %arg8[%get3A_252, %get3A_253] {strides = array<i32>} : memref<128x128xf32, #tpu.memory_space<vmem>>, vector<1x16xf32>,
        %get3A_255 = vector.shape_cast %get3A_254 : vector<1x16xf32> to vector<16xf32>
        %get3A_256 = arith.index_cast %add3A_217 : i32 to index
        %get3A_257 = arith.constant 32 : index
        %get3A_258 = tpu.vector_load %arg9[%get3A_256, %get3A_257] {strides = array<i32>} : memref<128x64xf32, #tpu.memory_space<vmem>>, vector<1x16xf32>,
        %get3A_259 = vector.shape_cast %get3A_258 : vector<1x16xf32> to vector<16xf32>
        %add3A_260 = arith.addf %get3A_255, %get3A_259 : vector<16xf32>
        %max3A_261 = arith.constant 0.000000e+00 : f32
        %max3A_262 = vector.broadcast %max3A_261 : f32 to vector<16xf32>
        %max3A_263 = arith.maximumf %add3A_260, %max3A_262 : vector<16xf32>
        %swap3A_264 = arith.index_cast %add3A_217 : i32 to index
        %swap3A_265 = arith.constant 32 : index
        %swap3A_266 = tpu.vector_load %arg8[%swap3A_264, %swap3A_265] {strides = array<i32>} : memref<128x128xf32, #tpu.memory_space<vmem>>, vector<1x16xf32>,
        %swap3A_267 = vector.shape_cast %swap3A_266 : vector<1x16xf32> to vector<16xf32>
        %swap3A_268 = vector.shape_cast %max3A_263 : vector<16xf32> to vector<1x16xf32>
        tpu.vector_store %arg8[%swap3A_264, %swap3A_265], %swap3A_268 {strides = array<i32>} : memref<128x128xf32, #tpu.memory_space<vmem>>, vector<1x16xf32>,
        %get3A_269 = arith.index_cast %add3A_217 : i32 to index
        %get3A_270 = arith.constant 48 : index
        %get3A_271 = tpu.vector_load %arg8[%get3A_269, %get3A_270] {strides = array<i32>} : memref<128x128xf32, #tpu.memory_space<vmem>>, vector<1x16xf32>,
        %get3A_272 = vector.shape_cast %get3A_271 : vector<1x16xf32> to vector<16xf32>
        %get3A_273 = arith.index_cast %add3A_217 : i32 to index
        %get3A_274 = arith.constant 48 : index
        %get3A_275 = tpu.vector_load %arg9[%get3A_273, %get3A_274] {strides = array<i32>} : memref<128x64xf32, #tpu.memory_space<vmem>>, vector<1x16xf32>,
        %get3A_276 = vector.shape_cast %get3A_275 : vector<1x16xf32> to vector<16xf32>
        %add3A_277 = arith.addf %get3A_272, %get3A_276 : vector<16xf32>
        %max3A_278 = arith.constant 0.000000e+00 : f32
        %max3A_279 = vector.broadcast %max3A_278 : f32 to vector<16xf32>
        %max3A_280 = arith.maximumf %add3A_277, %max3A_279 : vector<16xf32>
        %swap3A_281 = arith.index_cast %add3A_217 : i32 to index
        %swap3A_282 = arith.constant 48 : index
        %swap3A_283 = tpu.vector_load %arg8[%swap3A_281, %swap3A_282] {strides = array<i32>} : memref<128x128xf32, #tpu.memory_space<vmem>>, vector<1x16xf32>,
        %swap3A_284 = vector.shape_cast %swap3A_283 : vector<1x16xf32> to vector<16xf32>
        %swap3A_285 = vector.shape_cast %max3A_280 : vector<16xf32> to vector<1x16xf32>
        tpu.vector_store %arg8[%swap3A_281, %swap3A_282], %swap3A_285 {strides = array<i32>} : memref<128x128xf32, #tpu.memory_space<vmem>>, vector<1x16xf32>,
        %scan3A_286 = arith.constant 0 : i32
        scf.yield %scan3A_286 : i32
      }
      %scan3A_134 = arith.constant 64 : i32
      %dma_start3A_135 = arith.constant 1 : i32
      %dma_start3A_136 = arith.constant 0 : i32
      %dma_start3A_137 = tpu.memref_slice %arg7[%dma_start3A_135, %dma_start3A_136] : memref<2x128xi32, #tpu.memory_space<vmem>> -> memref<1x128xi32, #tpu.memory_space<vmem>>
      %dma_start3A_138 = tpu.memref_squeeze %dma_start3A_137 : memref<1x128xi32, #tpu.memory_space<vmem>> -> memref<128xi32, #tpu.memory_space<vmem>>
      %dma_start3A_139 = arith.constant 0 : i32
      %dma_start3A_140 = arith.constant 0 : i32
      %dma_start3A_141 = tpu.memref_slice %arg6[%dma_start3A_139, %dma_start3A_140] : memref<10000x128xf32, #tpu.memory_space<vmem_shared>> -> memref<10000x128xf32, #tpu.memory_space<vmem_shared>>
      tpu.enqueue_indirect_dma source(%arg8 : memref<128x128xf32, #tpu.memory_space<vmem>>) target(%dma_start3A_141 : memref<10000x128xf32, #tpu.memory_space<vmem_shared>>) offsets(%dma_start3A_138 : memref<128xi32, #tpu.memory_space<vmem>>) semaphore(%arg12 : memref<!tpu.dma_semaphore, #tpu.memory_space<semaphore_mem>>) {add = true}
      %while3A_142 = arith.constant 0 : i32
      scf.yield %while3A_142 : i32
    }
    %gt3A = arith.cmpi sgt, %select_n3A_46, %select_n3A : i32
    %convert_element_type3A = arith.extui %gt3A : i1 to i32
    %cond3A = arith.constant 0 : i32
    %cond3A_79 = arith.cmpi ne, %convert_element_type3A, %cond3A : i32
    scf.if %cond3A_79 {
      %dma_wait3A = arith.constant 1 : i32
      %dma_wait3A_98 = arith.constant 0 : i32
      %dma_wait3A_99 = tpu.memref_slice %arg7[%dma_wait3A, %dma_wait3A_98] : memref<2x128xi32, #tpu.memory_space<vmem>> -> memref<1x128xi32, #tpu.memory_space<vmem>>
      %dma_wait3A_100 = tpu.memref_squeeze %dma_wait3A_99 : memref<1x128xi32, #tpu.memory_space<vmem>> -> memref<128xi32, #tpu.memory_space<vmem>>
      %dma_wait3A_101 = arith.constant 0 : i32
      %dma_wait3A_102 = arith.constant 0 : i32
      %dma_wait3A_103 = tpu.memref_slice %arg6[%dma_wait3A_101, %dma_wait3A_102] : memref<10000x128xf32, #tpu.memory_space<vmem_shared>> -> memref<10000x128xf32, #tpu.memory_space<vmem_shared>>
      tpu.wait_indirect_dma semaphore(%arg12 : memref<!tpu.dma_semaphore, #tpu.memory_space<semaphore_mem>>) src(%arg8 : memref<128x128xf32, #tpu.memory_space<vmem>>) dst(%dma_wait3A_103 : memref<10000x128xf32, #tpu.memory_space<vmem_shared>>)
    } else {
    }
    %barrier3A_80 = arith.constant 0 : index
    tpu.barrier barrier_id(%barrier3A_80)
    %lt3A_81 = arith.constant 13 : i32
    %lt3A_82 = arith.cmpi slt, %arg1, %lt3A_81 : i32
    %jit3A_83 = arith.constant 8 : i32
    %jit3A_84 = arith.constant 7 : i32
    %select_n3A_85 = arith.select %lt3A_82, %jit3A_83, %jit3A_84 : i32
    %while3A_86 = arith.constant 0 : i32
    %while3A_87 = arith.constant 0 : i32
    %while3A_88 = arith.subi %select_n3A_85, %while3A_86 : i32
    %while3A_89 = arith.addi %while3A_86, %while3A_88 : i32
    %while3A_90 = arith.constant 1 : i32
    %while3A_91 = arith.divsi %while3A_88, %while3A_90 : i32
    %while3A_92 = arith.muli %while3A_91, %while3A_90 : i32
    %while3A_93 = arith.addi %while3A_86, %while3A_92 : i32
    %while3A_94 = arith.constant 1 : i32
    %while3A_95 = scf.for %while3A_98 = %while3A_86 to %while3A_93 step %while3A_94 iter_args(%while3A_99 = %while3A_87) -> (i32)  : i32 {
      %mul3A_100 = arith.constant 16 : i32
      %mul3A_101 = arith.muli %while3A_98, %mul3A_100 : i32
      %add3A_102 = arith.addi %mul3A_101, %arg1 : i32
      %mul3A_103 = arith.constant 80 : i32
      %mul3A_104 = arith.muli %add3A_102, %mul3A_103 : i32
      %multiple_of3A = tpu.assume_multiple %mul3A_104, 8 : i32
      "tpu.region"() ({
        %run_scoped3A = tpu.sem_alloc : memref<!tpu.dma_semaphore, #tpu.memory_space<semaphore_mem>>
        %dma_start3A = arith.constant 0 : i32
        %dma_start3A_106 = tpu.memref_slice %arg5[%arg0, %multiple_of3A, %dma_start3A] : memref<2x10000x128xf32, #tpu.memory_space<hbm>> -> memref<1x80x128xf32, #tpu.memory_space<hbm>>
        %dma_start3A_107 = tpu.memref_squeeze %dma_start3A_106 : memref<1x80x128xf32, #tpu.memory_space<hbm>> -> memref<80x128xf32, #tpu.memory_space<hbm>>
        %dma_start3A_108 = arith.constant 0 : i32
        %dma_start3A_109 = tpu.memref_slice %arg6[%multiple_of3A, %dma_start3A_108] : memref<10000x128xf32, #tpu.memory_space<vmem_shared>> -> memref<80x128xf32, #tpu.memory_space<vmem_shared>>
        tpu.enqueue_dma source(%dma_start3A_109 : memref<80x128xf32, #tpu.memory_space<vmem_shared>>) target(%dma_start3A_107 : memref<80x128xf32, #tpu.memory_space<hbm>>) target_semaphore(%run_scoped3A : memref<!tpu.dma_semaphore, #tpu.memory_space<semaphore_mem>>)
        %dma_wait3A = arith.constant 0 : i32
        %dma_wait3A_110 = tpu.memref_slice %arg5[%arg0, %multiple_of3A, %dma_wait3A] : memref<2x10000x128xf32, #tpu.memory_space<hbm>> -> memref<1x80x128xf32, #tpu.memory_space<hbm>>
        %dma_wait3A_111 = tpu.memref_squeeze %dma_wait3A_110 : memref<1x80x128xf32, #tpu.memory_space<hbm>> -> memref<80x128xf32, #tpu.memory_space<hbm>>
        %dma_wait3A_112 = arith.constant 0 : i32
        %dma_wait3A_113 = tpu.memref_slice %arg6[%multiple_of3A, %dma_wait3A_112] : memref<10000x128xf32, #tpu.memory_space<vmem_shared>> -> memref<80x128xf32, #tpu.memory_space<vmem_shared>>
        tpu.wait_dma2 semaphore(%run_scoped3A : memref<!tpu.dma_semaphore, #tpu.memory_space<semaphore_mem>>) src(%dma_wait3A_113 : memref<80x128xf32, #tpu.memory_space<vmem_shared>>) dst(%dma_wait3A_111 : memref<80x128xf32, #tpu.memory_space<hbm>>)
        tpu.yield
      }) : () -> ()
      %while3A_105 = arith.constant 0 : i32
      scf.yield %while3A_105 : i32
    }
    %while3A_96 = arith.constant 1 : i32
    %while3A_97 = scf.for %while3A_98 = %while3A_93 to %while3A_89 step %while3A_96 iter_args(%while3A_99 = %while3A_95) -> (i32)  : i32 {
      %mul3A_100 = arith.constant 16 : i32
      %mul3A_101 = arith.muli %while3A_98, %mul3A_100 : i32
      %add3A_102 = arith.addi %mul3A_101, %arg1 : i32
      %mul3A_103 = arith.constant 80 : i32
      %mul3A_104 = arith.muli %add3A_102, %mul3A_103 : i32
      %multiple_of3A = tpu.assume_multiple %mul3A_104, 8 : i32
      "tpu.region"() ({
        %run_scoped3A = tpu.sem_alloc : memref<!tpu.dma_semaphore, #tpu.memory_space<semaphore_mem>>
        %dma_start3A = arith.constant 0 : i32
        %dma_start3A_106 = tpu.memref_slice %arg5[%arg0, %multiple_of3A, %dma_start3A] : memref<2x10000x128xf32, #tpu.memory_space<hbm>> -> memref<1x80x128xf32, #tpu.memory_space<hbm>>
        %dma_start3A_107 = tpu.memref_squeeze %dma_start3A_106 : memref<1x80x128xf32, #tpu.memory_space<hbm>> -> memref<80x128xf32, #tpu.memory_space<hbm>>
        %dma_start3A_108 = arith.constant 0 : i32
        %dma_start3A_109 = tpu.memref_slice %arg6[%multiple_of3A, %dma_start3A_108] : memref<10000x128xf32, #tpu.memory_space<vmem_shared>> -> memref<80x128xf32, #tpu.memory_space<vmem_shared>>
        tpu.enqueue_dma source(%dma_start3A_109 : memref<80x128xf32, #tpu.memory_space<vmem_shared>>) target(%dma_start3A_107 : memref<80x128xf32, #tpu.memory_space<hbm>>) target_semaphore(%run_scoped3A : memref<!tpu.dma_semaphore, #tpu.memory_space<semaphore_mem>>)
        %dma_wait3A = arith.constant 0 : i32
        %dma_wait3A_110 = tpu.memref_slice %arg5[%arg0, %multiple_of3A, %dma_wait3A] : memref<2x10000x128xf32, #tpu.memory_space<hbm>> -> memref<1x80x128xf32, #tpu.memory_space<hbm>>
        %dma_wait3A_111 = tpu.memref_squeeze %dma_wait3A_110 : memref<1x80x128xf32, #tpu.memory_space<hbm>> -> memref<80x128xf32, #tpu.memory_space<hbm>>
        %dma_wait3A_112 = arith.constant 0 : i32
        %dma_wait3A_113 = tpu.memref_slice %arg6[%multiple_of3A, %dma_wait3A_112] : memref<10000x128xf32, #tpu.memory_space<vmem_shared>> -> memref<80x128xf32, #tpu.memory_space<vmem_shared>>
        tpu.wait_dma2 semaphore(%run_scoped3A : memref<!tpu.dma_semaphore, #tpu.memory_space<semaphore_mem>>) src(%dma_wait3A_113 : memref<80x128xf32, #tpu.memory_space<vmem_shared>>) dst(%dma_wait3A_111 : memref<80x128xf32, #tpu.memory_space<hbm>>)
        tpu.yield
      }) : () -> ()
      %while3A_105 = arith.constant 0 : i32
      scf.yield %while3A_105 : i32
    }
    return
  }
}

#map = affine_map<(d0, d1) -> (0, 0)>
#map1 = affine_map<(d0, d1) -> (0, 0, 0)>
module attributes {stable_mosaic.version = 14 : i64} {
  func.func @mp(%arg0: i32, %arg1: i32, %arg2: memref<10000x128xf32, #tpu.memory_space<hbm>>, %arg3: memref<320000x128xf32, #tpu.memory_space<hbm>>, %arg4: memref<2500x2x128xi32, #tpu.memory_space<hbm>>, %arg5: memref<2x10000x128xf32, #tpu.memory_space<hbm>>, %arg6: memref<10000x128xf32, #tpu.memory_space<vmem_shared>>, %arg7: memref<2x128xi32, #tpu.memory_space<vmem>>, %arg8: memref<128x128xf32, #tpu.memory_space<vmem>>, %arg9: memref<128x128xf32, #tpu.memory_space<vmem>>, %arg10: memref<!tpu.dma_semaphore, #tpu.memory_space<semaphore_mem>>, %arg11: memref<!tpu.dma_semaphore, #tpu.memory_space<semaphore_mem>>, %arg12: memref<!tpu.dma_semaphore, #tpu.memory_space<semaphore_mem>>) attributes {dimension_semantics = [#tpu.dimension_semantics<core_parallel>, #tpu.dimension_semantics<subcore_parallel>], iteration_bounds = array<i64: 2, 16>, scalar_prefetch = 0 : i64, scratch_operands = 7 : i64, tpu.core_type = #tpu.core_type<sc_vector_subcore>, window_params = [{transform_indices = #map}, {transform_indices = #map}, {transform_indices = #map1}, {transform_indices = #map1}]} {
    %mul3A = arith.constant 16 : i32
    %mul3A_0 = arith.muli %arg0, %mul3A : i32
    %add3A = arith.addi %mul3A_0, %arg1 : i32
    %mul3A_1 = arith.constant 2500 : i32
    %mul3A_2 = arith.muli %add3A, %mul3A_1 : i32
    %jit3A = arith.constant 32 : i32
    %div3A = arith.divsi %mul3A_2, %jit3A : i32
    %sign3A = arith.constant 0 : i32
    %sign3A_3 = arith.cmpi sgt, %mul3A_2, %sign3A : i32
    %sign3A_4 = arith.extui %sign3A_3 : i1 to i32
    %sign3A_5 = arith.constant 0 : i32
    %sign3A_6 = arith.cmpi slt, %mul3A_2, %sign3A_5 : i32
    %sign3A_7 = arith.extui %sign3A_6 : i1 to i32
    %sign3A_8 = arith.subi %sign3A_4, %sign3A_7 : i32
    %sign3A_9 = arith.constant 0 : i32
    %sign3A_10 = arith.cmpi sgt, %jit3A, %sign3A_9 : i32
    %sign3A_11 = arith.extui %sign3A_10 : i1 to i32
    %sign3A_12 = arith.constant 0 : i32
    %sign3A_13 = arith.cmpi slt, %jit3A, %sign3A_12 : i32
    %sign3A_14 = arith.extui %sign3A_13 : i1 to i32
    %sign3A_15 = arith.subi %sign3A_11, %sign3A_14 : i32
    %ne3A = arith.cmpi ne, %sign3A_8, %sign3A_15 : i32
    %rem3A = arith.remsi %mul3A_2, %jit3A : i32
    %ne3A_16 = arith.constant 0 : i32
    %ne3A_17 = arith.cmpi ne, %rem3A, %ne3A_16 : i32
    %and3A = arith.andi %ne3A, %ne3A_17 : i1
    %sub3A = arith.constant 1 : i32
    %sub3A_18 = arith.subi %div3A, %sub3A : i32
    %select_n3A = arith.select %and3A, %sub3A_18, %div3A : i32
    %add3A_19 = arith.constant 1 : i32
    %add3A_20 = arith.addi %add3A, %add3A_19 : i32
    %mul3A_21 = arith.constant 2500 : i32
    %mul3A_22 = arith.muli %add3A_20, %mul3A_21 : i32
    %jit3A_23 = arith.constant 32 : i32
    %div3A_24 = arith.divsi %mul3A_22, %jit3A_23 : i32
    %sign3A_25 = arith.constant 0 : i32
    %sign3A_26 = arith.cmpi sgt, %mul3A_22, %sign3A_25 : i32
    %sign3A_27 = arith.extui %sign3A_26 : i1 to i32
    %sign3A_28 = arith.constant 0 : i32
    %sign3A_29 = arith.cmpi slt, %mul3A_22, %sign3A_28 : i32
    %sign3A_30 = arith.extui %sign3A_29 : i1 to i32
    %sign3A_31 = arith.subi %sign3A_27, %sign3A_30 : i32
    %sign3A_32 = arith.constant 0 : i32
    %sign3A_33 = arith.cmpi sgt, %jit3A_23, %sign3A_32 : i32
    %sign3A_34 = arith.extui %sign3A_33 : i1 to i32
    %sign3A_35 = arith.constant 0 : i32
    %sign3A_36 = arith.cmpi slt, %jit3A_23, %sign3A_35 : i32
    %sign3A_37 = arith.extui %sign3A_36 : i1 to i32
    %sign3A_38 = arith.subi %sign3A_34, %sign3A_37 : i32
    %ne3A_39 = arith.cmpi ne, %sign3A_31, %sign3A_38 : i32
    %rem3A_40 = arith.remsi %mul3A_22, %jit3A_23 : i32
    %ne3A_41 = arith.constant 0 : i32
    %ne3A_42 = arith.cmpi ne, %rem3A_40, %ne3A_41 : i32
    %and3A_43 = arith.andi %ne3A_39, %ne3A_42 : i1
    %sub3A_44 = arith.constant 1 : i32
    %sub3A_45 = arith.subi %div3A_24, %sub3A_44 : i32
    %select_n3A_46 = arith.select %and3A_43, %sub3A_45, %div3A_24 : i32
    %scan3A = arith.constant 0 : i32
    %scan3A_47 = arith.constant 0 : i32
    %scan3A_48 = arith.constant 80 : i32
    %scan3A_49 = arith.addi %scan3A_47, %scan3A_48 : i32
    %scan3A_50 = arith.constant 1 : i32
    %scan3A_51 = scf.for %scan3A_98 = %scan3A_47 to %scan3A_49 step %scan3A_50 iter_args(%scan3A_99 = %scan3A) -> (i32)  : i32 {
      %broadcast_in_dim3A = arith.constant 0.000000e+00 : f32
      %broadcast_in_dim3A_100 = vector.broadcast %broadcast_in_dim3A : f32 to vector<16xf32>
      %swap3A = arith.index_cast %scan3A_98 : i32 to index
      %swap3A_101 = arith.constant 0 : index
      %swap3A_102 = tpu.vector_load %arg8[%swap3A, %swap3A_101] {strides = array<i32>} : memref<128x128xf32, #tpu.memory_space<vmem>>, vector<1x16xf32>,
      %swap3A_103 = vector.shape_cast %swap3A_102 : vector<1x16xf32> to vector<16xf32>
      %swap3A_104 = vector.shape_cast %broadcast_in_dim3A_100 : vector<16xf32> to vector<1x16xf32>
      tpu.vector_store %arg8[%swap3A, %swap3A_101], %swap3A_104 {strides = array<i32>} : memref<128x128xf32, #tpu.memory_space<vmem>>, vector<1x16xf32>,
      %broadcast_in_dim3A_105 = arith.constant 0.000000e+00 : f32
      %broadcast_in_dim3A_106 = vector.broadcast %broadcast_in_dim3A_105 : f32 to vector<16xf32>
      %swap3A_107 = arith.index_cast %scan3A_98 : i32 to index
      %swap3A_108 = arith.constant 16 : index
      %swap3A_109 = tpu.vector_load %arg8[%swap3A_107, %swap3A_108] {strides = array<i32>} : memref<128x128xf32, #tpu.memory_space<vmem>>, vector<1x16xf32>,
      %swap3A_110 = vector.shape_cast %swap3A_109 : vector<1x16xf32> to vector<16xf32>
      %swap3A_111 = vector.shape_cast %broadcast_in_dim3A_106 : vector<16xf32> to vector<1x16xf32>
      tpu.vector_store %arg8[%swap3A_107, %swap3A_108], %swap3A_111 {strides = array<i32>} : memref<128x128xf32, #tpu.memory_space<vmem>>, vector<1x16xf32>,
      %broadcast_in_dim3A_112 = arith.constant 0.000000e+00 : f32
      %broadcast_in_dim3A_113 = vector.broadcast %broadcast_in_dim3A_112 : f32 to vector<16xf32>
      %swap3A_114 = arith.index_cast %scan3A_98 : i32 to index
      %swap3A_115 = arith.constant 32 : index
      %swap3A_116 = tpu.vector_load %arg8[%swap3A_114, %swap3A_115] {strides = array<i32>} : memref<128x128xf32, #tpu.memory_space<vmem>>, vector<1x16xf32>,
      %swap3A_117 = vector.shape_cast %swap3A_116 : vector<1x16xf32> to vector<16xf32>
      %swap3A_118 = vector.shape_cast %broadcast_in_dim3A_113 : vector<16xf32> to vector<1x16xf32>
      tpu.vector_store %arg8[%swap3A_114, %swap3A_115], %swap3A_118 {strides = array<i32>} : memref<128x128xf32, #tpu.memory_space<vmem>>, vector<1x16xf32>,
      %broadcast_in_dim3A_119 = arith.constant 0.000000e+00 : f32
      %broadcast_in_dim3A_120 = vector.broadcast %broadcast_in_dim3A_119 : f32 to vector<16xf32>
      %swap3A_121 = arith.index_cast %scan3A_98 : i32 to index
      %swap3A_122 = arith.constant 48 : index
      %swap3A_123 = tpu.vector_load %arg8[%swap3A_121, %swap3A_122] {strides = array<i32>} : memref<128x128xf32, #tpu.memory_space<vmem>>, vector<1x16xf32>,
      %swap3A_124 = vector.shape_cast %swap3A_123 : vector<1x16xf32> to vector<16xf32>
      %swap3A_125 = vector.shape_cast %broadcast_in_dim3A_120 : vector<16xf32> to vector<1x16xf32>
      tpu.vector_store %arg8[%swap3A_121, %swap3A_122], %swap3A_125 {strides = array<i32>} : memref<128x128xf32, #tpu.memory_space<vmem>>, vector<1x16xf32>,
      %broadcast_in_dim3A_126 = arith.constant 0.000000e+00 : f32
      %broadcast_in_dim3A_127 = vector.broadcast %broadcast_in_dim3A_126 : f32 to vector<16xf32>
      %swap3A_128 = arith.index_cast %scan3A_98 : i32 to index
      %swap3A_129 = arith.constant 64 : index
      %swap3A_130 = tpu.vector_load %arg8[%swap3A_128, %swap3A_129] {strides = array<i32>} : memref<128x128xf32, #tpu.memory_space<vmem>>, vector<1x16xf32>,
      %swap3A_131 = vector.shape_cast %swap3A_130 : vector<1x16xf32> to vector<16xf32>
      %swap3A_132 = vector.shape_cast %broadcast_in_dim3A_127 : vector<16xf32> to vector<1x16xf32>
      tpu.vector_store %arg8[%swap3A_128, %swap3A_129], %swap3A_132 {strides = array<i32>} : memref<128x128xf32, #tpu.memory_space<vmem>>, vector<1x16xf32>,
      %broadcast_in_dim3A_133 = arith.constant 0.000000e+00 : f32
      %broadcast_in_dim3A_134 = vector.broadcast %broadcast_in_dim3A_133 : f32 to vector<16xf32>
      %swap3A_135 = arith.index_cast %scan3A_98 : i32 to index
      %swap3A_136 = arith.constant 80 : index
      %swap3A_137 = tpu.vector_load %arg8[%swap3A_135, %swap3A_136] {strides = array<i32>} : memref<128x128xf32, #tpu.memory_space<vmem>>, vector<1x16xf32>,
      %swap3A_138 = vector.shape_cast %swap3A_137 : vector<1x16xf32> to vector<16xf32>
      %swap3A_139 = vector.shape_cast %broadcast_in_dim3A_134 : vector<16xf32> to vector<1x16xf32>
      tpu.vector_store %arg8[%swap3A_135, %swap3A_136], %swap3A_139 {strides = array<i32>} : memref<128x128xf32, #tpu.memory_space<vmem>>, vector<1x16xf32>,
      %broadcast_in_dim3A_140 = arith.constant 0.000000e+00 : f32
      %broadcast_in_dim3A_141 = vector.broadcast %broadcast_in_dim3A_140 : f32 to vector<16xf32>
      %swap3A_142 = arith.index_cast %scan3A_98 : i32 to index
      %swap3A_143 = arith.constant 96 : index
      %swap3A_144 = tpu.vector_load %arg8[%swap3A_142, %swap3A_143] {strides = array<i32>} : memref<128x128xf32, #tpu.memory_space<vmem>>, vector<1x16xf32>,
      %swap3A_145 = vector.shape_cast %swap3A_144 : vector<1x16xf32> to vector<16xf32>
      %swap3A_146 = vector.shape_cast %broadcast_in_dim3A_141 : vector<16xf32> to vector<1x16xf32>
      tpu.vector_store %arg8[%swap3A_142, %swap3A_143], %swap3A_146 {strides = array<i32>} : memref<128x128xf32, #tpu.memory_space<vmem>>, vector<1x16xf32>,
      %broadcast_in_dim3A_147 = arith.constant 0.000000e+00 : f32
      %broadcast_in_dim3A_148 = vector.broadcast %broadcast_in_dim3A_147 : f32 to vector<16xf32>
      %swap3A_149 = arith.index_cast %scan3A_98 : i32 to index
      %swap3A_150 = arith.constant 112 : index
      %swap3A_151 = tpu.vector_load %arg8[%swap3A_149, %swap3A_150] {strides = array<i32>} : memref<128x128xf32, #tpu.memory_space<vmem>>, vector<1x16xf32>,
      %swap3A_152 = vector.shape_cast %swap3A_151 : vector<1x16xf32> to vector<16xf32>
      %swap3A_153 = vector.shape_cast %broadcast_in_dim3A_148 : vector<16xf32> to vector<1x16xf32>
      tpu.vector_store %arg8[%swap3A_149, %swap3A_150], %swap3A_153 {strides = array<i32>} : memref<128x128xf32, #tpu.memory_space<vmem>>, vector<1x16xf32>,
      %scan3A_154 = arith.constant 0 : i32
      scf.yield %scan3A_154 : i32
    }
    %scan3A_52 = arith.constant 80 : i32
    %lt3A = arith.constant 13 : i32
    %lt3A_53 = arith.cmpi slt, %arg1, %lt3A : i32
    %jit3A_54 = arith.constant 8 : i32
    %jit3A_55 = arith.constant 7 : i32
    %select_n3A_56 = arith.select %lt3A_53, %jit3A_54, %jit3A_55 : i32
    %while3A = arith.constant 0 : i32
    %while3A_57 = arith.constant 0 : i32
    %while3A_58 = arith.subi %select_n3A_56, %while3A : i32
    %while3A_59 = arith.addi %while3A, %while3A_58 : i32
    %while3A_60 = arith.constant 1 : i32
    %while3A_61 = arith.divsi %while3A_58, %while3A_60 : i32
    %while3A_62 = arith.muli %while3A_61, %while3A_60 : i32
    %while3A_63 = arith.addi %while3A, %while3A_62 : i32
    %while3A_64 = arith.constant 1 : i32
    %while3A_65 = scf.for %while3A_98 = %while3A to %while3A_63 step %while3A_64 iter_args(%while3A_99 = %while3A_57) -> (i32)  : i32 {
      %mul3A_100 = arith.constant 16 : i32
      %mul3A_101 = arith.muli %while3A_98, %mul3A_100 : i32
      %add3A_102 = arith.addi %mul3A_101, %arg1 : i32
      %mul3A_103 = arith.constant 80 : i32
      %mul3A_104 = arith.muli %add3A_102, %mul3A_103 : i32
      %multiple_of3A = tpu.assume_multiple %mul3A_104, 8 : i32
      "tpu.region"() ({
        %run_scoped3A = tpu.sem_alloc : memref<!tpu.dma_semaphore, #tpu.memory_space<semaphore_mem>>
        %dma_start3A = arith.constant 0 : i32
        %dma_start3A_106 = arith.constant 0 : i32
        %dma_start3A_107 = tpu.memref_slice %arg8[%dma_start3A, %dma_start3A_106] : memref<128x128xf32, #tpu.memory_space<vmem>> -> memref<80x128xf32, #tpu.memory_space<vmem>>
        %dma_start3A_108 = arith.constant 0 : i32
        %dma_start3A_109 = tpu.memref_slice %arg6[%multiple_of3A, %dma_start3A_108] : memref<10000x128xf32, #tpu.memory_space<vmem_shared>> -> memref<80x128xf32, #tpu.memory_space<vmem_shared>>
        %dma_start3A_110 = arith.constant 0 : i32
        %dma_start3A_111 = tpu.memref_slice %arg6[%multiple_of3A, %dma_start3A_110] : memref<10000x128xf32, #tpu.memory_space<vmem_shared>> -> memref<80x128xf32, #tpu.memory_space<vmem_shared>>
        %dma_start3A_112 = arith.constant 0 : i32
        %dma_start3A_113 = arith.constant 0 : i32
        %dma_start3A_114 = tpu.memref_slice %arg8[%dma_start3A_112, %dma_start3A_113] : memref<128x128xf32, #tpu.memory_space<vmem>> -> memref<80x128xf32, #tpu.memory_space<vmem>>
        tpu.enqueue_dma source(%dma_start3A_114 : memref<80x128xf32, #tpu.memory_space<vmem>>) target(%dma_start3A_111 : memref<80x128xf32, #tpu.memory_space<vmem_shared>>) target_semaphore(%run_scoped3A : memref<!tpu.dma_semaphore, #tpu.memory_space<semaphore_mem>>)
        %dma_wait3A = arith.constant 0 : i32
        %dma_wait3A_115 = arith.constant 0 : i32
        %dma_wait3A_116 = tpu.memref_slice %arg8[%dma_wait3A, %dma_wait3A_115] : memref<128x128xf32, #tpu.memory_space<vmem>> -> memref<80x128xf32, #tpu.memory_space<vmem>>
        %dma_wait3A_117 = arith.constant 0 : i32
        %dma_wait3A_118 = tpu.memref_slice %arg6[%multiple_of3A, %dma_wait3A_117] : memref<10000x128xf32, #tpu.memory_space<vmem_shared>> -> memref<80x128xf32, #tpu.memory_space<vmem_shared>>
        %dma_wait3A_119 = arith.constant 0 : i32
        %dma_wait3A_120 = tpu.memref_slice %arg6[%multiple_of3A, %dma_wait3A_119] : memref<10000x128xf32, #tpu.memory_space<vmem_shared>> -> memref<80x128xf32, #tpu.memory_space<vmem_shared>>
        %dma_wait3A_121 = arith.constant 0 : i32
        %dma_wait3A_122 = arith.constant 0 : i32
        %dma_wait3A_123 = tpu.memref_slice %arg8[%dma_wait3A_121, %dma_wait3A_122] : memref<128x128xf32, #tpu.memory_space<vmem>> -> memref<80x128xf32, #tpu.memory_space<vmem>>
        tpu.wait_dma2 semaphore(%run_scoped3A : memref<!tpu.dma_semaphore, #tpu.memory_space<semaphore_mem>>) src(%dma_wait3A_123 : memref<80x128xf32, #tpu.memory_space<vmem>>) dst(%dma_wait3A_120 : memref<80x128xf32, #tpu.memory_space<vmem_shared>>)
        tpu.yield
      }) : () -> ()
      %while3A_105 = arith.constant 0 : i32
      scf.yield %while3A_105 : i32
    }
    %while3A_66 = arith.constant 1 : i32
    %while3A_67 = scf.for %while3A_98 = %while3A_63 to %while3A_59 step %while3A_66 iter_args(%while3A_99 = %while3A_65) -> (i32)  : i32 {
      %mul3A_100 = arith.constant 16 : i32
      %mul3A_101 = arith.muli %while3A_98, %mul3A_100 : i32
      %add3A_102 = arith.addi %mul3A_101, %arg1 : i32
      %mul3A_103 = arith.constant 80 : i32
      %mul3A_104 = arith.muli %add3A_102, %mul3A_103 : i32
      %multiple_of3A = tpu.assume_multiple %mul3A_104, 8 : i32
      "tpu.region"() ({
        %run_scoped3A = tpu.sem_alloc : memref<!tpu.dma_semaphore, #tpu.memory_space<semaphore_mem>>
        %dma_start3A = arith.constant 0 : i32
        %dma_start3A_106 = arith.constant 0 : i32
        %dma_start3A_107 = tpu.memref_slice %arg8[%dma_start3A, %dma_start3A_106] : memref<128x128xf32, #tpu.memory_space<vmem>> -> memref<80x128xf32, #tpu.memory_space<vmem>>
        %dma_start3A_108 = arith.constant 0 : i32
        %dma_start3A_109 = tpu.memref_slice %arg6[%multiple_of3A, %dma_start3A_108] : memref<10000x128xf32, #tpu.memory_space<vmem_shared>> -> memref<80x128xf32, #tpu.memory_space<vmem_shared>>
        %dma_start3A_110 = arith.constant 0 : i32
        %dma_start3A_111 = tpu.memref_slice %arg6[%multiple_of3A, %dma_start3A_110] : memref<10000x128xf32, #tpu.memory_space<vmem_shared>> -> memref<80x128xf32, #tpu.memory_space<vmem_shared>>
        %dma_start3A_112 = arith.constant 0 : i32
        %dma_start3A_113 = arith.constant 0 : i32
        %dma_start3A_114 = tpu.memref_slice %arg8[%dma_start3A_112, %dma_start3A_113] : memref<128x128xf32, #tpu.memory_space<vmem>> -> memref<80x128xf32, #tpu.memory_space<vmem>>
        tpu.enqueue_dma source(%dma_start3A_114 : memref<80x128xf32, #tpu.memory_space<vmem>>) target(%dma_start3A_111 : memref<80x128xf32, #tpu.memory_space<vmem_shared>>) target_semaphore(%run_scoped3A : memref<!tpu.dma_semaphore, #tpu.memory_space<semaphore_mem>>)
        %dma_wait3A = arith.constant 0 : i32
        %dma_wait3A_115 = arith.constant 0 : i32
        %dma_wait3A_116 = tpu.memref_slice %arg8[%dma_wait3A, %dma_wait3A_115] : memref<128x128xf32, #tpu.memory_space<vmem>> -> memref<80x128xf32, #tpu.memory_space<vmem>>
        %dma_wait3A_117 = arith.constant 0 : i32
        %dma_wait3A_118 = tpu.memref_slice %arg6[%multiple_of3A, %dma_wait3A_117] : memref<10000x128xf32, #tpu.memory_space<vmem_shared>> -> memref<80x128xf32, #tpu.memory_space<vmem_shared>>
        %dma_wait3A_119 = arith.constant 0 : i32
        %dma_wait3A_120 = tpu.memref_slice %arg6[%multiple_of3A, %dma_wait3A_119] : memref<10000x128xf32, #tpu.memory_space<vmem_shared>> -> memref<80x128xf32, #tpu.memory_space<vmem_shared>>
        %dma_wait3A_121 = arith.constant 0 : i32
        %dma_wait3A_122 = arith.constant 0 : i32
        %dma_wait3A_123 = tpu.memref_slice %arg8[%dma_wait3A_121, %dma_wait3A_122] : memref<128x128xf32, #tpu.memory_space<vmem>> -> memref<80x128xf32, #tpu.memory_space<vmem>>
        tpu.wait_dma2 semaphore(%run_scoped3A : memref<!tpu.dma_semaphore, #tpu.memory_space<semaphore_mem>>) src(%dma_wait3A_123 : memref<80x128xf32, #tpu.memory_space<vmem>>) dst(%dma_wait3A_120 : memref<80x128xf32, #tpu.memory_space<vmem_shared>>)
        tpu.yield
      }) : () -> ()
      %while3A_105 = arith.constant 0 : i32
      scf.yield %while3A_105 : i32
    }
    %barrier3A = arith.constant 0 : index
    tpu.barrier barrier_id(%barrier3A)
    %while3A_68 = arith.constant 0 : i32
    %while3A_69 = arith.subi %select_n3A_46, %select_n3A : i32
    %while3A_70 = arith.addi %select_n3A, %while3A_69 : i32
    %while3A_71 = arith.constant 1 : i32
    %while3A_72 = arith.divsi %while3A_69, %while3A_71 : i32
    %while3A_73 = arith.muli %while3A_72, %while3A_71 : i32
    %while3A_74 = arith.addi %select_n3A, %while3A_73 : i32
    %while3A_75 = arith.constant 1 : i32
    %while3A_76 = scf.for %while3A_98 = %select_n3A to %while3A_74 step %while3A_75 iter_args(%while3A_99 = %while3A_68) -> (i32)  : i32 {
      %mul3A_100 = arith.constant 128 : i32
      %mul3A_101 = arith.muli %while3A_98, %mul3A_100 : i32
      %multiple_of3A = tpu.assume_multiple %mul3A_101, 128 : i32
      "tpu.region"() ({
        %run_scoped3A = tpu.sem_alloc : memref<!tpu.dma_semaphore, #tpu.memory_space<semaphore_mem>>
        %dma_start3A_143 = arith.constant 0 : i32
        %dma_start3A_144 = arith.constant 0 : i32
        %dma_start3A_145 = tpu.memref_slice %arg4[%while3A_98, %dma_start3A_143, %dma_start3A_144] : memref<2500x2x128xi32, #tpu.memory_space<hbm>> -> memref<1x2x128xi32, #tpu.memory_space<hbm>>
        %dma_start3A_146 = tpu.memref_squeeze %dma_start3A_145 : memref<1x2x128xi32, #tpu.memory_space<hbm>> -> memref<2x128xi32, #tpu.memory_space<hbm>>
        %dma_start3A_147 = arith.constant 0 : i32
        %dma_start3A_148 = arith.constant 0 : i32
        %dma_start3A_149 = tpu.memref_slice %arg4[%while3A_98, %dma_start3A_147, %dma_start3A_148] : memref<2500x2x128xi32, #tpu.memory_space<hbm>> -> memref<1x2x128xi32, #tpu.memory_space<hbm>>
        %dma_start3A_150 = tpu.memref_squeeze %dma_start3A_149 : memref<1x2x128xi32, #tpu.memory_space<hbm>> -> memref<2x128xi32, #tpu.memory_space<hbm>>
        tpu.enqueue_dma source(%dma_start3A_150 : memref<2x128xi32, #tpu.memory_space<hbm>>) target(%arg7 : memref<2x128xi32, #tpu.memory_space<vmem>>) target_semaphore(%run_scoped3A : memref<!tpu.dma_semaphore, #tpu.memory_space<semaphore_mem>>)
        %dma_wait3A_151 = arith.constant 0 : i32
        %dma_wait3A_152 = arith.constant 0 : i32
        %dma_wait3A_153 = tpu.memref_slice %arg4[%while3A_98, %dma_wait3A_151, %dma_wait3A_152] : memref<2500x2x128xi32, #tpu.memory_space<hbm>> -> memref<1x2x128xi32, #tpu.memory_space<hbm>>
        %dma_wait3A_154 = tpu.memref_squeeze %dma_wait3A_153 : memref<1x2x128xi32, #tpu.memory_space<hbm>> -> memref<2x128xi32, #tpu.memory_space<hbm>>
        %dma_wait3A_155 = arith.constant 0 : i32
        %dma_wait3A_156 = arith.constant 0 : i32
        %dma_wait3A_157 = tpu.memref_slice %arg4[%while3A_98, %dma_wait3A_155, %dma_wait3A_156] : memref<2500x2x128xi32, #tpu.memory_space<hbm>> -> memref<1x2x128xi32, #tpu.memory_space<hbm>>
        %dma_wait3A_158 = tpu.memref_squeeze %dma_wait3A_157 : memref<1x2x128xi32, #tpu.memory_space<hbm>> -> memref<2x128xi32, #tpu.memory_space<hbm>>
        tpu.wait_dma2 semaphore(%run_scoped3A : memref<!tpu.dma_semaphore, #tpu.memory_space<semaphore_mem>>) src(%dma_wait3A_158 : memref<2x128xi32, #tpu.memory_space<hbm>>) dst(%arg7 : memref<2x128xi32, #tpu.memory_space<vmem>>)
        tpu.yield
      }) : () -> ()
      %dma_start3A = arith.constant 0 : i32
      %dma_start3A_102 = tpu.memref_slice %arg3[%multiple_of3A, %dma_start3A] : memref<320000x128xf32, #tpu.memory_space<hbm>> -> memref<128x128xf32, #tpu.memory_space<hbm>>
      %dma_start3A_103 = arith.constant 0 : i32
      %dma_start3A_104 = tpu.memref_slice %arg3[%multiple_of3A, %dma_start3A_103] : memref<320000x128xf32, #tpu.memory_space<hbm>> -> memref<128x128xf32, #tpu.memory_space<hbm>>
      tpu.enqueue_dma source(%dma_start3A_104 : memref<128x128xf32, #tpu.memory_space<hbm>>) target(%arg9 : memref<128x128xf32, #tpu.memory_space<vmem>>) target_semaphore(%arg11 : memref<!tpu.dma_semaphore, #tpu.memory_space<semaphore_mem>>)
      %gt3A_105 = arith.cmpi sgt, %while3A_98, %select_n3A : i32
      %convert_element_type3A_106 = arith.extui %gt3A_105 : i1 to i32
      %cond3A_107 = arith.constant 0 : i32
      %cond3A_108 = arith.cmpi ne, %convert_element_type3A_106, %cond3A_107 : i32
      scf.if %cond3A_108 {
        %dma_wait3A_143 = arith.constant 1 : i32
        %dma_wait3A_144 = arith.constant 0 : i32
        %dma_wait3A_145 = tpu.memref_slice %arg7[%dma_wait3A_143, %dma_wait3A_144] : memref<2x128xi32, #tpu.memory_space<vmem>> -> memref<1x128xi32, #tpu.memory_space<vmem>>
        %dma_wait3A_146 = tpu.memref_squeeze %dma_wait3A_145 : memref<1x128xi32, #tpu.memory_space<vmem>> -> memref<128xi32, #tpu.memory_space<vmem>>
        %dma_wait3A_147 = arith.constant 0 : i32
        %dma_wait3A_148 = arith.constant 0 : i32
        %dma_wait3A_149 = tpu.memref_slice %arg6[%dma_wait3A_147, %dma_wait3A_148] : memref<10000x128xf32, #tpu.memory_space<vmem_shared>> -> memref<10000x128xf32, #tpu.memory_space<vmem_shared>>
        tpu.wait_indirect_dma semaphore(%arg12 : memref<!tpu.dma_semaphore, #tpu.memory_space<semaphore_mem>>) src(%arg8 : memref<128x128xf32, #tpu.memory_space<vmem>>) dst(%dma_wait3A_149 : memref<10000x128xf32, #tpu.memory_space<vmem_shared>>)
      } else {
      }
      %dma_start3A_109 = arith.constant 0 : i32
      %dma_start3A_110 = arith.constant 0 : i32
      %dma_start3A_111 = tpu.memref_slice %arg7[%dma_start3A_109, %dma_start3A_110] : memref<2x128xi32, #tpu.memory_space<vmem>> -> memref<1x128xi32, #tpu.memory_space<vmem>>
      %dma_start3A_112 = tpu.memref_squeeze %dma_start3A_111 : memref<1x128xi32, #tpu.memory_space<vmem>> -> memref<128xi32, #tpu.memory_space<vmem>>
      %dma_start3A_113 = arith.constant 0 : i32
      %dma_start3A_114 = arith.constant 0 : i32
      %dma_start3A_115 = tpu.memref_slice %arg2[%dma_start3A_113, %dma_start3A_114] : memref<10000x128xf32, #tpu.memory_space<hbm>> -> memref<10000x128xf32, #tpu.memory_space<hbm>>
      tpu.enqueue_indirect_dma source(%dma_start3A_115 : memref<10000x128xf32, #tpu.memory_space<hbm>>) target(%arg8 : memref<128x128xf32, #tpu.memory_space<vmem>>) offsets(%dma_start3A_112 : memref<128xi32, #tpu.memory_space<vmem>>) semaphore(%arg10 : memref<!tpu.dma_semaphore, #tpu.memory_space<semaphore_mem>>)
      %dma_wait3A = arith.constant 0 : i32
      %dma_wait3A_116 = arith.constant 0 : i32
      %dma_wait3A_117 = tpu.memref_slice %arg7[%dma_wait3A, %dma_wait3A_116] : memref<2x128xi32, #tpu.memory_space<vmem>> -> memref<1x128xi32, #tpu.memory_space<vmem>>
      %dma_wait3A_118 = tpu.memref_squeeze %dma_wait3A_117 : memref<1x128xi32, #tpu.memory_space<vmem>> -> memref<128xi32, #tpu.memory_space<vmem>>
      %dma_wait3A_119 = arith.constant 0 : i32
      %dma_wait3A_120 = arith.constant 0 : i32
      %dma_wait3A_121 = tpu.memref_slice %arg2[%dma_wait3A_119, %dma_wait3A_120] : memref<10000x128xf32, #tpu.memory_space<hbm>> -> memref<10000x128xf32, #tpu.memory_space<hbm>>
      tpu.wait_indirect_dma semaphore(%arg10 : memref<!tpu.dma_semaphore, #tpu.memory_space<semaphore_mem>>) src(%dma_wait3A_121 : memref<10000x128xf32, #tpu.memory_space<hbm>>) dst(%arg8 : memref<128x128xf32, #tpu.memory_space<vmem>>)
      %dma_wait3A_122 = arith.constant 0 : i32
      %dma_wait3A_123 = arith.constant 0 : i32
      %dma_wait3A_124 = tpu.memref_slice %arg3[%dma_wait3A_122, %dma_wait3A_123] : memref<320000x128xf32, #tpu.memory_space<hbm>> -> memref<128x128xf32, #tpu.memory_space<hbm>>
      %dma_wait3A_125 = arith.constant 0 : i32
      %dma_wait3A_126 = arith.constant 0 : i32
      %dma_wait3A_127 = tpu.memref_slice %arg3[%dma_wait3A_125, %dma_wait3A_126] : memref<320000x128xf32, #tpu.memory_space<hbm>> -> memref<128x128xf32, #tpu.memory_space<hbm>>
      tpu.wait_dma2 semaphore(%arg11 : memref<!tpu.dma_semaphore, #tpu.memory_space<semaphore_mem>>) src(%dma_wait3A_127 : memref<128x128xf32, #tpu.memory_space<hbm>>) dst(%arg9 : memref<128x128xf32, #tpu.memory_space<vmem>>)
      %scan3A_128 = arith.constant 0 : i32
      %scan3A_129 = arith.constant 0 : i32
      %scan3A_130 = arith.constant 64 : i32
      %scan3A_131 = arith.addi %scan3A_129, %scan3A_130 : i32
      %scan3A_132 = arith.constant 1 : i32
      %scan3A_133 = scf.for %scan3A_143 = %scan3A_129 to %scan3A_131 step %scan3A_132 iter_args(%scan3A_144 = %scan3A_128) -> (i32)  : i32 {
        %mul3A_145 = arith.constant 2 : i32
        %mul3A_146 = arith.muli %mul3A_145, %scan3A_143 : i32
        %add3A_147 = arith.constant 0 : i32
        %add3A_148 = arith.addi %mul3A_146, %add3A_147 : i32
        %get3A = arith.index_cast %add3A_148 : i32 to index
        %get3A_149 = arith.constant 0 : index
        %get3A_150 = tpu.vector_load %arg8[%get3A, %get3A_149] {strides = array<i32>} : memref<128x128xf32, #tpu.memory_space<vmem>>, vector<1x16xf32>,
        %get3A_151 = vector.shape_cast %get3A_150 : vector<1x16xf32> to vector<16xf32>
        %get3A_152 = arith.index_cast %add3A_148 : i32 to index
        %get3A_153 = arith.constant 0 : index
        %get3A_154 = tpu.vector_load %arg9[%get3A_152, %get3A_153] {strides = array<i32>} : memref<128x128xf32, #tpu.memory_space<vmem>>, vector<1x16xf32>,
        %get3A_155 = vector.shape_cast %get3A_154 : vector<1x16xf32> to vector<16xf32>
        %add3A_156 = arith.addf %get3A_151, %get3A_155 : vector<16xf32>
        %max3A = arith.constant 0.000000e+00 : f32
        %max3A_157 = vector.broadcast %max3A : f32 to vector<16xf32>
        %max3A_158 = arith.maximumf %add3A_156, %max3A_157 : vector<16xf32>
        %swap3A = arith.index_cast %add3A_148 : i32 to index
        %swap3A_159 = arith.constant 0 : index
        %swap3A_160 = tpu.vector_load %arg8[%swap3A, %swap3A_159] {strides = array<i32>} : memref<128x128xf32, #tpu.memory_space<vmem>>, vector<1x16xf32>,
        %swap3A_161 = vector.shape_cast %swap3A_160 : vector<1x16xf32> to vector<16xf32>
        %swap3A_162 = vector.shape_cast %max3A_158 : vector<16xf32> to vector<1x16xf32>
        tpu.vector_store %arg8[%swap3A, %swap3A_159], %swap3A_162 {strides = array<i32>} : memref<128x128xf32, #tpu.memory_space<vmem>>, vector<1x16xf32>,
        %get3A_163 = arith.index_cast %add3A_148 : i32 to index
        %get3A_164 = arith.constant 16 : index
        %get3A_165 = tpu.vector_load %arg8[%get3A_163, %get3A_164] {strides = array<i32>} : memref<128x128xf32, #tpu.memory_space<vmem>>, vector<1x16xf32>,
        %get3A_166 = vector.shape_cast %get3A_165 : vector<1x16xf32> to vector<16xf32>
        %get3A_167 = arith.index_cast %add3A_148 : i32 to index
        %get3A_168 = arith.constant 16 : index
        %get3A_169 = tpu.vector_load %arg9[%get3A_167, %get3A_168] {strides = array<i32>} : memref<128x128xf32, #tpu.memory_space<vmem>>, vector<1x16xf32>,
        %get3A_170 = vector.shape_cast %get3A_169 : vector<1x16xf32> to vector<16xf32>
        %add3A_171 = arith.addf %get3A_166, %get3A_170 : vector<16xf32>
        %max3A_172 = arith.constant 0.000000e+00 : f32
        %max3A_173 = vector.broadcast %max3A_172 : f32 to vector<16xf32>
        %max3A_174 = arith.maximumf %add3A_171, %max3A_173 : vector<16xf32>
        %swap3A_175 = arith.index_cast %add3A_148 : i32 to index
        %swap3A_176 = arith.constant 16 : index
        %swap3A_177 = tpu.vector_load %arg8[%swap3A_175, %swap3A_176] {strides = array<i32>} : memref<128x128xf32, #tpu.memory_space<vmem>>, vector<1x16xf32>,
        %swap3A_178 = vector.shape_cast %swap3A_177 : vector<1x16xf32> to vector<16xf32>
        %swap3A_179 = vector.shape_cast %max3A_174 : vector<16xf32> to vector<1x16xf32>
        tpu.vector_store %arg8[%swap3A_175, %swap3A_176], %swap3A_179 {strides = array<i32>} : memref<128x128xf32, #tpu.memory_space<vmem>>, vector<1x16xf32>,
        %get3A_180 = arith.index_cast %add3A_148 : i32 to index
        %get3A_181 = arith.constant 32 : index
        %get3A_182 = tpu.vector_load %arg8[%get3A_180, %get3A_181] {strides = array<i32>} : memref<128x128xf32, #tpu.memory_space<vmem>>, vector<1x16xf32>,
        %get3A_183 = vector.shape_cast %get3A_182 : vector<1x16xf32> to vector<16xf32>
        %get3A_184 = arith.index_cast %add3A_148 : i32 to index
        %get3A_185 = arith.constant 32 : index
        %get3A_186 = tpu.vector_load %arg9[%get3A_184, %get3A_185] {strides = array<i32>} : memref<128x128xf32, #tpu.memory_space<vmem>>, vector<1x16xf32>,
        %get3A_187 = vector.shape_cast %get3A_186 : vector<1x16xf32> to vector<16xf32>
        %add3A_188 = arith.addf %get3A_183, %get3A_187 : vector<16xf32>
        %max3A_189 = arith.constant 0.000000e+00 : f32
        %max3A_190 = vector.broadcast %max3A_189 : f32 to vector<16xf32>
        %max3A_191 = arith.maximumf %add3A_188, %max3A_190 : vector<16xf32>
        %swap3A_192 = arith.index_cast %add3A_148 : i32 to index
        %swap3A_193 = arith.constant 32 : index
        %swap3A_194 = tpu.vector_load %arg8[%swap3A_192, %swap3A_193] {strides = array<i32>} : memref<128x128xf32, #tpu.memory_space<vmem>>, vector<1x16xf32>,
        %swap3A_195 = vector.shape_cast %swap3A_194 : vector<1x16xf32> to vector<16xf32>
        %swap3A_196 = vector.shape_cast %max3A_191 : vector<16xf32> to vector<1x16xf32>
        tpu.vector_store %arg8[%swap3A_192, %swap3A_193], %swap3A_196 {strides = array<i32>} : memref<128x128xf32, #tpu.memory_space<vmem>>, vector<1x16xf32>,
        %get3A_197 = arith.index_cast %add3A_148 : i32 to index
        %get3A_198 = arith.constant 48 : index
        %get3A_199 = tpu.vector_load %arg8[%get3A_197, %get3A_198] {strides = array<i32>} : memref<128x128xf32, #tpu.memory_space<vmem>>, vector<1x16xf32>,
        %get3A_200 = vector.shape_cast %get3A_199 : vector<1x16xf32> to vector<16xf32>
        %get3A_201 = arith.index_cast %add3A_148 : i32 to index
        %get3A_202 = arith.constant 48 : index
        %get3A_203 = tpu.vector_load %arg9[%get3A_201, %get3A_202] {strides = array<i32>} : memref<128x128xf32, #tpu.memory_space<vmem>>, vector<1x16xf32>,
        %get3A_204 = vector.shape_cast %get3A_203 : vector<1x16xf32> to vector<16xf32>
        %add3A_205 = arith.addf %get3A_200, %get3A_204 : vector<16xf32>
        %max3A_206 = arith.constant 0.000000e+00 : f32
        %max3A_207 = vector.broadcast %max3A_206 : f32 to vector<16xf32>
        %max3A_208 = arith.maximumf %add3A_205, %max3A_207 : vector<16xf32>
        %swap3A_209 = arith.index_cast %add3A_148 : i32 to index
        %swap3A_210 = arith.constant 48 : index
        %swap3A_211 = tpu.vector_load %arg8[%swap3A_209, %swap3A_210] {strides = array<i32>} : memref<128x128xf32, #tpu.memory_space<vmem>>, vector<1x16xf32>,
        %swap3A_212 = vector.shape_cast %swap3A_211 : vector<1x16xf32> to vector<16xf32>
        %swap3A_213 = vector.shape_cast %max3A_208 : vector<16xf32> to vector<1x16xf32>
        tpu.vector_store %arg8[%swap3A_209, %swap3A_210], %swap3A_213 {strides = array<i32>} : memref<128x128xf32, #tpu.memory_space<vmem>>, vector<1x16xf32>,
        %get3A_214 = arith.index_cast %add3A_148 : i32 to index
        %get3A_215 = arith.constant 64 : index
        %get3A_216 = tpu.vector_load %arg8[%get3A_214, %get3A_215] {strides = array<i32>} : memref<128x128xf32, #tpu.memory_space<vmem>>, vector<1x16xf32>,
        %get3A_217 = vector.shape_cast %get3A_216 : vector<1x16xf32> to vector<16xf32>
        %get3A_218 = arith.index_cast %add3A_148 : i32 to index
        %get3A_219 = arith.constant 64 : index
        %get3A_220 = tpu.vector_load %arg9[%get3A_218, %get3A_219] {strides = array<i32>} : memref<128x128xf32, #tpu.memory_space<vmem>>, vector<1x16xf32>,
        %get3A_221 = vector.shape_cast %get3A_220 : vector<1x16xf32> to vector<16xf32>
        %add3A_222 = arith.addf %get3A_217, %get3A_221 : vector<16xf32>
        %max3A_223 = arith.constant 0.000000e+00 : f32
        %max3A_224 = vector.broadcast %max3A_223 : f32 to vector<16xf32>
        %max3A_225 = arith.maximumf %add3A_222, %max3A_224 : vector<16xf32>
        %swap3A_226 = arith.index_cast %add3A_148 : i32 to index
        %swap3A_227 = arith.constant 64 : index
        %swap3A_228 = tpu.vector_load %arg8[%swap3A_226, %swap3A_227] {strides = array<i32>} : memref<128x128xf32, #tpu.memory_space<vmem>>, vector<1x16xf32>,
        %swap3A_229 = vector.shape_cast %swap3A_228 : vector<1x16xf32> to vector<16xf32>
        %swap3A_230 = vector.shape_cast %max3A_225 : vector<16xf32> to vector<1x16xf32>
        tpu.vector_store %arg8[%swap3A_226, %swap3A_227], %swap3A_230 {strides = array<i32>} : memref<128x128xf32, #tpu.memory_space<vmem>>, vector<1x16xf32>,
        %get3A_231 = arith.index_cast %add3A_148 : i32 to index
        %get3A_232 = arith.constant 80 : index
        %get3A_233 = tpu.vector_load %arg8[%get3A_231, %get3A_232] {strides = array<i32>} : memref<128x128xf32, #tpu.memory_space<vmem>>, vector<1x16xf32>,
        %get3A_234 = vector.shape_cast %get3A_233 : vector<1x16xf32> to vector<16xf32>
        %get3A_235 = arith.index_cast %add3A_148 : i32 to index
        %get3A_236 = arith.constant 80 : index
        %get3A_237 = tpu.vector_load %arg9[%get3A_235, %get3A_236] {strides = array<i32>} : memref<128x128xf32, #tpu.memory_space<vmem>>, vector<1x16xf32>,
        %get3A_238 = vector.shape_cast %get3A_237 : vector<1x16xf32> to vector<16xf32>
        %add3A_239 = arith.addf %get3A_234, %get3A_238 : vector<16xf32>
        %max3A_240 = arith.constant 0.000000e+00 : f32
        %max3A_241 = vector.broadcast %max3A_240 : f32 to vector<16xf32>
        %max3A_242 = arith.maximumf %add3A_239, %max3A_241 : vector<16xf32>
        %swap3A_243 = arith.index_cast %add3A_148 : i32 to index
        %swap3A_244 = arith.constant 80 : index
        %swap3A_245 = tpu.vector_load %arg8[%swap3A_243, %swap3A_244] {strides = array<i32>} : memref<128x128xf32, #tpu.memory_space<vmem>>, vector<1x16xf32>,
        %swap3A_246 = vector.shape_cast %swap3A_245 : vector<1x16xf32> to vector<16xf32>
        %swap3A_247 = vector.shape_cast %max3A_242 : vector<16xf32> to vector<1x16xf32>
        tpu.vector_store %arg8[%swap3A_243, %swap3A_244], %swap3A_247 {strides = array<i32>} : memref<128x128xf32, #tpu.memory_space<vmem>>, vector<1x16xf32>,
        %get3A_248 = arith.index_cast %add3A_148 : i32 to index
        %get3A_249 = arith.constant 96 : index
        %get3A_250 = tpu.vector_load %arg8[%get3A_248, %get3A_249] {strides = array<i32>} : memref<128x128xf32, #tpu.memory_space<vmem>>, vector<1x16xf32>,
        %get3A_251 = vector.shape_cast %get3A_250 : vector<1x16xf32> to vector<16xf32>
        %get3A_252 = arith.index_cast %add3A_148 : i32 to index
        %get3A_253 = arith.constant 96 : index
        %get3A_254 = tpu.vector_load %arg9[%get3A_252, %get3A_253] {strides = array<i32>} : memref<128x128xf32, #tpu.memory_space<vmem>>, vector<1x16xf32>,
        %get3A_255 = vector.shape_cast %get3A_254 : vector<1x16xf32> to vector<16xf32>
        %add3A_256 = arith.addf %get3A_251, %get3A_255 : vector<16xf32>
        %max3A_257 = arith.constant 0.000000e+00 : f32
        %max3A_258 = vector.broadcast %max3A_257 : f32 to vector<16xf32>
        %max3A_259 = arith.maximumf %add3A_256, %max3A_258 : vector<16xf32>
        %swap3A_260 = arith.index_cast %add3A_148 : i32 to index
        %swap3A_261 = arith.constant 96 : index
        %swap3A_262 = tpu.vector_load %arg8[%swap3A_260, %swap3A_261] {strides = array<i32>} : memref<128x128xf32, #tpu.memory_space<vmem>>, vector<1x16xf32>,
        %swap3A_263 = vector.shape_cast %swap3A_262 : vector<1x16xf32> to vector<16xf32>
        %swap3A_264 = vector.shape_cast %max3A_259 : vector<16xf32> to vector<1x16xf32>
        tpu.vector_store %arg8[%swap3A_260, %swap3A_261], %swap3A_264 {strides = array<i32>} : memref<128x128xf32, #tpu.memory_space<vmem>>, vector<1x16xf32>,
        %get3A_265 = arith.index_cast %add3A_148 : i32 to index
        %get3A_266 = arith.constant 112 : index
        %get3A_267 = tpu.vector_load %arg8[%get3A_265, %get3A_266] {strides = array<i32>} : memref<128x128xf32, #tpu.memory_space<vmem>>, vector<1x16xf32>,
        %get3A_268 = vector.shape_cast %get3A_267 : vector<1x16xf32> to vector<16xf32>
        %get3A_269 = arith.index_cast %add3A_148 : i32 to index
        %get3A_270 = arith.constant 112 : index
        %get3A_271 = tpu.vector_load %arg9[%get3A_269, %get3A_270] {strides = array<i32>} : memref<128x128xf32, #tpu.memory_space<vmem>>, vector<1x16xf32>,
        %get3A_272 = vector.shape_cast %get3A_271 : vector<1x16xf32> to vector<16xf32>
        %add3A_273 = arith.addf %get3A_268, %get3A_272 : vector<16xf32>
        %max3A_274 = arith.constant 0.000000e+00 : f32
        %max3A_275 = vector.broadcast %max3A_274 : f32 to vector<16xf32>
        %max3A_276 = arith.maximumf %add3A_273, %max3A_275 : vector<16xf32>
        %swap3A_277 = arith.index_cast %add3A_148 : i32 to index
        %swap3A_278 = arith.constant 112 : index
        %swap3A_279 = tpu.vector_load %arg8[%swap3A_277, %swap3A_278] {strides = array<i32>} : memref<128x128xf32, #tpu.memory_space<vmem>>, vector<1x16xf32>,
        %swap3A_280 = vector.shape_cast %swap3A_279 : vector<1x16xf32> to vector<16xf32>
        %swap3A_281 = vector.shape_cast %max3A_276 : vector<16xf32> to vector<1x16xf32>
        tpu.vector_store %arg8[%swap3A_277, %swap3A_278], %swap3A_281 {strides = array<i32>} : memref<128x128xf32, #tpu.memory_space<vmem>>, vector<1x16xf32>,
        %mul3A_282 = arith.constant 2 : i32
        %mul3A_283 = arith.muli %mul3A_282, %scan3A_143 : i32
        %add3A_284 = arith.constant 1 : i32
        %add3A_285 = arith.addi %mul3A_283, %add3A_284 : i32
        %get3A_286 = arith.index_cast %add3A_285 : i32 to index
        %get3A_287 = arith.constant 0 : index
        %get3A_288 = tpu.vector_load %arg8[%get3A_286, %get3A_287] {strides = array<i32>} : memref<128x128xf32, #tpu.memory_space<vmem>>, vector<1x16xf32>,
        %get3A_289 = vector.shape_cast %get3A_288 : vector<1x16xf32> to vector<16xf32>
        %get3A_290 = arith.index_cast %add3A_285 : i32 to index
        %get3A_291 = arith.constant 0 : index
        %get3A_292 = tpu.vector_load %arg9[%get3A_290, %get3A_291] {strides = array<i32>} : memref<128x128xf32, #tpu.memory_space<vmem>>, vector<1x16xf32>,
        %get3A_293 = vector.shape_cast %get3A_292 : vector<1x16xf32> to vector<16xf32>
        %add3A_294 = arith.addf %get3A_289, %get3A_293 : vector<16xf32>
        %max3A_295 = arith.constant 0.000000e+00 : f32
        %max3A_296 = vector.broadcast %max3A_295 : f32 to vector<16xf32>
        %max3A_297 = arith.maximumf %add3A_294, %max3A_296 : vector<16xf32>
        %swap3A_298 = arith.index_cast %add3A_285 : i32 to index
        %swap3A_299 = arith.constant 0 : index
        %swap3A_300 = tpu.vector_load %arg8[%swap3A_298, %swap3A_299] {strides = array<i32>} : memref<128x128xf32, #tpu.memory_space<vmem>>, vector<1x16xf32>,
        %swap3A_301 = vector.shape_cast %swap3A_300 : vector<1x16xf32> to vector<16xf32>
        %swap3A_302 = vector.shape_cast %max3A_297 : vector<16xf32> to vector<1x16xf32>
        tpu.vector_store %arg8[%swap3A_298, %swap3A_299], %swap3A_302 {strides = array<i32>} : memref<128x128xf32, #tpu.memory_space<vmem>>, vector<1x16xf32>,
        %get3A_303 = arith.index_cast %add3A_285 : i32 to index
        %get3A_304 = arith.constant 16 : index
        %get3A_305 = tpu.vector_load %arg8[%get3A_303, %get3A_304] {strides = array<i32>} : memref<128x128xf32, #tpu.memory_space<vmem>>, vector<1x16xf32>,
        %get3A_306 = vector.shape_cast %get3A_305 : vector<1x16xf32> to vector<16xf32>
        %get3A_307 = arith.index_cast %add3A_285 : i32 to index
        %get3A_308 = arith.constant 16 : index
        %get3A_309 = tpu.vector_load %arg9[%get3A_307, %get3A_308] {strides = array<i32>} : memref<128x128xf32, #tpu.memory_space<vmem>>, vector<1x16xf32>,
        %get3A_310 = vector.shape_cast %get3A_309 : vector<1x16xf32> to vector<16xf32>
        %add3A_311 = arith.addf %get3A_306, %get3A_310 : vector<16xf32>
        %max3A_312 = arith.constant 0.000000e+00 : f32
        %max3A_313 = vector.broadcast %max3A_312 : f32 to vector<16xf32>
        %max3A_314 = arith.maximumf %add3A_311, %max3A_313 : vector<16xf32>
        %swap3A_315 = arith.index_cast %add3A_285 : i32 to index
        %swap3A_316 = arith.constant 16 : index
        %swap3A_317 = tpu.vector_load %arg8[%swap3A_315, %swap3A_316] {strides = array<i32>} : memref<128x128xf32, #tpu.memory_space<vmem>>, vector<1x16xf32>,
        %swap3A_318 = vector.shape_cast %swap3A_317 : vector<1x16xf32> to vector<16xf32>
        %swap3A_319 = vector.shape_cast %max3A_314 : vector<16xf32> to vector<1x16xf32>
        tpu.vector_store %arg8[%swap3A_315, %swap3A_316], %swap3A_319 {strides = array<i32>} : memref<128x128xf32, #tpu.memory_space<vmem>>, vector<1x16xf32>,
        %get3A_320 = arith.index_cast %add3A_285 : i32 to index
        %get3A_321 = arith.constant 32 : index
        %get3A_322 = tpu.vector_load %arg8[%get3A_320, %get3A_321] {strides = array<i32>} : memref<128x128xf32, #tpu.memory_space<vmem>>, vector<1x16xf32>,
        %get3A_323 = vector.shape_cast %get3A_322 : vector<1x16xf32> to vector<16xf32>
        %get3A_324 = arith.index_cast %add3A_285 : i32 to index
        %get3A_325 = arith.constant 32 : index
        %get3A_326 = tpu.vector_load %arg9[%get3A_324, %get3A_325] {strides = array<i32>} : memref<128x128xf32, #tpu.memory_space<vmem>>, vector<1x16xf32>,
        %get3A_327 = vector.shape_cast %get3A_326 : vector<1x16xf32> to vector<16xf32>
        %add3A_328 = arith.addf %get3A_323, %get3A_327 : vector<16xf32>
        %max3A_329 = arith.constant 0.000000e+00 : f32
        %max3A_330 = vector.broadcast %max3A_329 : f32 to vector<16xf32>
        %max3A_331 = arith.maximumf %add3A_328, %max3A_330 : vector<16xf32>
        %swap3A_332 = arith.index_cast %add3A_285 : i32 to index
        %swap3A_333 = arith.constant 32 : index
        %swap3A_334 = tpu.vector_load %arg8[%swap3A_332, %swap3A_333] {strides = array<i32>} : memref<128x128xf32, #tpu.memory_space<vmem>>, vector<1x16xf32>,
        %swap3A_335 = vector.shape_cast %swap3A_334 : vector<1x16xf32> to vector<16xf32>
        %swap3A_336 = vector.shape_cast %max3A_331 : vector<16xf32> to vector<1x16xf32>
        tpu.vector_store %arg8[%swap3A_332, %swap3A_333], %swap3A_336 {strides = array<i32>} : memref<128x128xf32, #tpu.memory_space<vmem>>, vector<1x16xf32>,
        %get3A_337 = arith.index_cast %add3A_285 : i32 to index
        %get3A_338 = arith.constant 48 : index
        %get3A_339 = tpu.vector_load %arg8[%get3A_337, %get3A_338] {strides = array<i32>} : memref<128x128xf32, #tpu.memory_space<vmem>>, vector<1x16xf32>,
        %get3A_340 = vector.shape_cast %get3A_339 : vector<1x16xf32> to vector<16xf32>
        %get3A_341 = arith.index_cast %add3A_285 : i32 to index
        %get3A_342 = arith.constant 48 : index
        %get3A_343 = tpu.vector_load %arg9[%get3A_341, %get3A_342] {strides = array<i32>} : memref<128x128xf32, #tpu.memory_space<vmem>>, vector<1x16xf32>,
        %get3A_344 = vector.shape_cast %get3A_343 : vector<1x16xf32> to vector<16xf32>
        %add3A_345 = arith.addf %get3A_340, %get3A_344 : vector<16xf32>
        %max3A_346 = arith.constant 0.000000e+00 : f32
        %max3A_347 = vector.broadcast %max3A_346 : f32 to vector<16xf32>
        %max3A_348 = arith.maximumf %add3A_345, %max3A_347 : vector<16xf32>
        %swap3A_349 = arith.index_cast %add3A_285 : i32 to index
        %swap3A_350 = arith.constant 48 : index
        %swap3A_351 = tpu.vector_load %arg8[%swap3A_349, %swap3A_350] {strides = array<i32>} : memref<128x128xf32, #tpu.memory_space<vmem>>, vector<1x16xf32>,
        %swap3A_352 = vector.shape_cast %swap3A_351 : vector<1x16xf32> to vector<16xf32>
        %swap3A_353 = vector.shape_cast %max3A_348 : vector<16xf32> to vector<1x16xf32>
        tpu.vector_store %arg8[%swap3A_349, %swap3A_350], %swap3A_353 {strides = array<i32>} : memref<128x128xf32, #tpu.memory_space<vmem>>, vector<1x16xf32>,
        %get3A_354 = arith.index_cast %add3A_285 : i32 to index
        %get3A_355 = arith.constant 64 : index
        %get3A_356 = tpu.vector_load %arg8[%get3A_354, %get3A_355] {strides = array<i32>} : memref<128x128xf32, #tpu.memory_space<vmem>>, vector<1x16xf32>,
        %get3A_357 = vector.shape_cast %get3A_356 : vector<1x16xf32> to vector<16xf32>
        %get3A_358 = arith.index_cast %add3A_285 : i32 to index
        %get3A_359 = arith.constant 64 : index
        %get3A_360 = tpu.vector_load %arg9[%get3A_358, %get3A_359] {strides = array<i32>} : memref<128x128xf32, #tpu.memory_space<vmem>>, vector<1x16xf32>,
        %get3A_361 = vector.shape_cast %get3A_360 : vector<1x16xf32> to vector<16xf32>
        %add3A_362 = arith.addf %get3A_357, %get3A_361 : vector<16xf32>
        %max3A_363 = arith.constant 0.000000e+00 : f32
        %max3A_364 = vector.broadcast %max3A_363 : f32 to vector<16xf32>
        %max3A_365 = arith.maximumf %add3A_362, %max3A_364 : vector<16xf32>
        %swap3A_366 = arith.index_cast %add3A_285 : i32 to index
        %swap3A_367 = arith.constant 64 : index
        %swap3A_368 = tpu.vector_load %arg8[%swap3A_366, %swap3A_367] {strides = array<i32>} : memref<128x128xf32, #tpu.memory_space<vmem>>, vector<1x16xf32>,
        %swap3A_369 = vector.shape_cast %swap3A_368 : vector<1x16xf32> to vector<16xf32>
        %swap3A_370 = vector.shape_cast %max3A_365 : vector<16xf32> to vector<1x16xf32>
        tpu.vector_store %arg8[%swap3A_366, %swap3A_367], %swap3A_370 {strides = array<i32>} : memref<128x128xf32, #tpu.memory_space<vmem>>, vector<1x16xf32>,
        %get3A_371 = arith.index_cast %add3A_285 : i32 to index
        %get3A_372 = arith.constant 80 : index
        %get3A_373 = tpu.vector_load %arg8[%get3A_371, %get3A_372] {strides = array<i32>} : memref<128x128xf32, #tpu.memory_space<vmem>>, vector<1x16xf32>,
        %get3A_374 = vector.shape_cast %get3A_373 : vector<1x16xf32> to vector<16xf32>
        %get3A_375 = arith.index_cast %add3A_285 : i32 to index
        %get3A_376 = arith.constant 80 : index
        %get3A_377 = tpu.vector_load %arg9[%get3A_375, %get3A_376] {strides = array<i32>} : memref<128x128xf32, #tpu.memory_space<vmem>>, vector<1x16xf32>,
        %get3A_378 = vector.shape_cast %get3A_377 : vector<1x16xf32> to vector<16xf32>
        %add3A_379 = arith.addf %get3A_374, %get3A_378 : vector<16xf32>
        %max3A_380 = arith.constant 0.000000e+00 : f32
        %max3A_381 = vector.broadcast %max3A_380 : f32 to vector<16xf32>
        %max3A_382 = arith.maximumf %add3A_379, %max3A_381 : vector<16xf32>
        %swap3A_383 = arith.index_cast %add3A_285 : i32 to index
        %swap3A_384 = arith.constant 80 : index
        %swap3A_385 = tpu.vector_load %arg8[%swap3A_383, %swap3A_384] {strides = array<i32>} : memref<128x128xf32, #tpu.memory_space<vmem>>, vector<1x16xf32>,
        %swap3A_386 = vector.shape_cast %swap3A_385 : vector<1x16xf32> to vector<16xf32>
        %swap3A_387 = vector.shape_cast %max3A_382 : vector<16xf32> to vector<1x16xf32>
        tpu.vector_store %arg8[%swap3A_383, %swap3A_384], %swap3A_387 {strides = array<i32>} : memref<128x128xf32, #tpu.memory_space<vmem>>, vector<1x16xf32>,
        %get3A_388 = arith.index_cast %add3A_285 : i32 to index
        %get3A_389 = arith.constant 96 : index
        %get3A_390 = tpu.vector_load %arg8[%get3A_388, %get3A_389] {strides = array<i32>} : memref<128x128xf32, #tpu.memory_space<vmem>>, vector<1x16xf32>,
        %get3A_391 = vector.shape_cast %get3A_390 : vector<1x16xf32> to vector<16xf32>
        %get3A_392 = arith.index_cast %add3A_285 : i32 to index
        %get3A_393 = arith.constant 96 : index
        %get3A_394 = tpu.vector_load %arg9[%get3A_392, %get3A_393] {strides = array<i32>} : memref<128x128xf32, #tpu.memory_space<vmem>>, vector<1x16xf32>,
        %get3A_395 = vector.shape_cast %get3A_394 : vector<1x16xf32> to vector<16xf32>
        %add3A_396 = arith.addf %get3A_391, %get3A_395 : vector<16xf32>
        %max3A_397 = arith.constant 0.000000e+00 : f32
        %max3A_398 = vector.broadcast %max3A_397 : f32 to vector<16xf32>
        %max3A_399 = arith.maximumf %add3A_396, %max3A_398 : vector<16xf32>
        %swap3A_400 = arith.index_cast %add3A_285 : i32 to index
        %swap3A_401 = arith.constant 96 : index
        %swap3A_402 = tpu.vector_load %arg8[%swap3A_400, %swap3A_401] {strides = array<i32>} : memref<128x128xf32, #tpu.memory_space<vmem>>, vector<1x16xf32>,
        %swap3A_403 = vector.shape_cast %swap3A_402 : vector<1x16xf32> to vector<16xf32>
        %swap3A_404 = vector.shape_cast %max3A_399 : vector<16xf32> to vector<1x16xf32>
        tpu.vector_store %arg8[%swap3A_400, %swap3A_401], %swap3A_404 {strides = array<i32>} : memref<128x128xf32, #tpu.memory_space<vmem>>, vector<1x16xf32>,
        %get3A_405 = arith.index_cast %add3A_285 : i32 to index
        %get3A_406 = arith.constant 112 : index
        %get3A_407 = tpu.vector_load %arg8[%get3A_405, %get3A_406] {strides = array<i32>} : memref<128x128xf32, #tpu.memory_space<vmem>>, vector<1x16xf32>,
        %get3A_408 = vector.shape_cast %get3A_407 : vector<1x16xf32> to vector<16xf32>
        %get3A_409 = arith.index_cast %add3A_285 : i32 to index
        %get3A_410 = arith.constant 112 : index
        %get3A_411 = tpu.vector_load %arg9[%get3A_409, %get3A_410] {strides = array<i32>} : memref<128x128xf32, #tpu.memory_space<vmem>>, vector<1x16xf32>,
        %get3A_412 = vector.shape_cast %get3A_411 : vector<1x16xf32> to vector<16xf32>
        %add3A_413 = arith.addf %get3A_408, %get3A_412 : vector<16xf32>
        %max3A_414 = arith.constant 0.000000e+00 : f32
        %max3A_415 = vector.broadcast %max3A_414 : f32 to vector<16xf32>
        %max3A_416 = arith.maximumf %add3A_413, %max3A_415 : vector<16xf32>
        %swap3A_417 = arith.index_cast %add3A_285 : i32 to index
        %swap3A_418 = arith.constant 112 : index
        %swap3A_419 = tpu.vector_load %arg8[%swap3A_417, %swap3A_418] {strides = array<i32>} : memref<128x128xf32, #tpu.memory_space<vmem>>, vector<1x16xf32>,
        %swap3A_420 = vector.shape_cast %swap3A_419 : vector<1x16xf32> to vector<16xf32>
        %swap3A_421 = vector.shape_cast %max3A_416 : vector<16xf32> to vector<1x16xf32>
        tpu.vector_store %arg8[%swap3A_417, %swap3A_418], %swap3A_421 {strides = array<i32>} : memref<128x128xf32, #tpu.memory_space<vmem>>, vector<1x16xf32>,
        %scan3A_422 = arith.constant 0 : i32
        scf.yield %scan3A_422 : i32
      }
      %scan3A_134 = arith.constant 64 : i32
      %dma_start3A_135 = arith.constant 1 : i32
      %dma_start3A_136 = arith.constant 0 : i32
      %dma_start3A_137 = tpu.memref_slice %arg7[%dma_start3A_135, %dma_start3A_136] : memref<2x128xi32, #tpu.memory_space<vmem>> -> memref<1x128xi32, #tpu.memory_space<vmem>>
      %dma_start3A_138 = tpu.memref_squeeze %dma_start3A_137 : memref<1x128xi32, #tpu.memory_space<vmem>> -> memref<128xi32, #tpu.memory_space<vmem>>
      %dma_start3A_139 = arith.constant 0 : i32
      %dma_start3A_140 = arith.constant 0 : i32
      %dma_start3A_141 = tpu.memref_slice %arg6[%dma_start3A_139, %dma_start3A_140] : memref<10000x128xf32, #tpu.memory_space<vmem_shared>> -> memref<10000x128xf32, #tpu.memory_space<vmem_shared>>
      tpu.enqueue_indirect_dma source(%arg8 : memref<128x128xf32, #tpu.memory_space<vmem>>) target(%dma_start3A_141 : memref<10000x128xf32, #tpu.memory_space<vmem_shared>>) offsets(%dma_start3A_138 : memref<128xi32, #tpu.memory_space<vmem>>) semaphore(%arg12 : memref<!tpu.dma_semaphore, #tpu.memory_space<semaphore_mem>>) {add = true}
      %while3A_142 = arith.constant 0 : i32
      scf.yield %while3A_142 : i32
    }
    %while3A_77 = arith.constant 1 : i32
    %while3A_78 = scf.for %while3A_98 = %while3A_74 to %while3A_70 step %while3A_77 iter_args(%while3A_99 = %while3A_76) -> (i32)  : i32 {
      %mul3A_100 = arith.constant 128 : i32
      %mul3A_101 = arith.muli %while3A_98, %mul3A_100 : i32
      %multiple_of3A = tpu.assume_multiple %mul3A_101, 128 : i32
      "tpu.region"() ({
        %run_scoped3A = tpu.sem_alloc : memref<!tpu.dma_semaphore, #tpu.memory_space<semaphore_mem>>
        %dma_start3A_143 = arith.constant 0 : i32
        %dma_start3A_144 = arith.constant 0 : i32
        %dma_start3A_145 = tpu.memref_slice %arg4[%while3A_98, %dma_start3A_143, %dma_start3A_144] : memref<2500x2x128xi32, #tpu.memory_space<hbm>> -> memref<1x2x128xi32, #tpu.memory_space<hbm>>
        %dma_start3A_146 = tpu.memref_squeeze %dma_start3A_145 : memref<1x2x128xi32, #tpu.memory_space<hbm>> -> memref<2x128xi32, #tpu.memory_space<hbm>>
        %dma_start3A_147 = arith.constant 0 : i32
        %dma_start3A_148 = arith.constant 0 : i32
        %dma_start3A_149 = tpu.memref_slice %arg4[%while3A_98, %dma_start3A_147, %dma_start3A_148] : memref<2500x2x128xi32, #tpu.memory_space<hbm>> -> memref<1x2x128xi32, #tpu.memory_space<hbm>>
        %dma_start3A_150 = tpu.memref_squeeze %dma_start3A_149 : memref<1x2x128xi32, #tpu.memory_space<hbm>> -> memref<2x128xi32, #tpu.memory_space<hbm>>
        tpu.enqueue_dma source(%dma_start3A_150 : memref<2x128xi32, #tpu.memory_space<hbm>>) target(%arg7 : memref<2x128xi32, #tpu.memory_space<vmem>>) target_semaphore(%run_scoped3A : memref<!tpu.dma_semaphore, #tpu.memory_space<semaphore_mem>>)
        %dma_wait3A_151 = arith.constant 0 : i32
        %dma_wait3A_152 = arith.constant 0 : i32
        %dma_wait3A_153 = tpu.memref_slice %arg4[%while3A_98, %dma_wait3A_151, %dma_wait3A_152] : memref<2500x2x128xi32, #tpu.memory_space<hbm>> -> memref<1x2x128xi32, #tpu.memory_space<hbm>>
        %dma_wait3A_154 = tpu.memref_squeeze %dma_wait3A_153 : memref<1x2x128xi32, #tpu.memory_space<hbm>> -> memref<2x128xi32, #tpu.memory_space<hbm>>
        %dma_wait3A_155 = arith.constant 0 : i32
        %dma_wait3A_156 = arith.constant 0 : i32
        %dma_wait3A_157 = tpu.memref_slice %arg4[%while3A_98, %dma_wait3A_155, %dma_wait3A_156] : memref<2500x2x128xi32, #tpu.memory_space<hbm>> -> memref<1x2x128xi32, #tpu.memory_space<hbm>>
        %dma_wait3A_158 = tpu.memref_squeeze %dma_wait3A_157 : memref<1x2x128xi32, #tpu.memory_space<hbm>> -> memref<2x128xi32, #tpu.memory_space<hbm>>
        tpu.wait_dma2 semaphore(%run_scoped3A : memref<!tpu.dma_semaphore, #tpu.memory_space<semaphore_mem>>) src(%dma_wait3A_158 : memref<2x128xi32, #tpu.memory_space<hbm>>) dst(%arg7 : memref<2x128xi32, #tpu.memory_space<vmem>>)
        tpu.yield
      }) : () -> ()
      %dma_start3A = arith.constant 0 : i32
      %dma_start3A_102 = tpu.memref_slice %arg3[%multiple_of3A, %dma_start3A] : memref<320000x128xf32, #tpu.memory_space<hbm>> -> memref<128x128xf32, #tpu.memory_space<hbm>>
      %dma_start3A_103 = arith.constant 0 : i32
      %dma_start3A_104 = tpu.memref_slice %arg3[%multiple_of3A, %dma_start3A_103] : memref<320000x128xf32, #tpu.memory_space<hbm>> -> memref<128x128xf32, #tpu.memory_space<hbm>>
      tpu.enqueue_dma source(%dma_start3A_104 : memref<128x128xf32, #tpu.memory_space<hbm>>) target(%arg9 : memref<128x128xf32, #tpu.memory_space<vmem>>) target_semaphore(%arg11 : memref<!tpu.dma_semaphore, #tpu.memory_space<semaphore_mem>>)
      %gt3A_105 = arith.cmpi sgt, %while3A_98, %select_n3A : i32
      %convert_element_type3A_106 = arith.extui %gt3A_105 : i1 to i32
      %cond3A_107 = arith.constant 0 : i32
      %cond3A_108 = arith.cmpi ne, %convert_element_type3A_106, %cond3A_107 : i32
      scf.if %cond3A_108 {
        %dma_wait3A_143 = arith.constant 1 : i32
        %dma_wait3A_144 = arith.constant 0 : i32
        %dma_wait3A_145 = tpu.memref_slice %arg7[%dma_wait3A_143, %dma_wait3A_144] : memref<2x128xi32, #tpu.memory_space<vmem>> -> memref<1x128xi32, #tpu.memory_space<vmem>>
        %dma_wait3A_146 = tpu.memref_squeeze %dma_wait3A_145 : memref<1x128xi32, #tpu.memory_space<vmem>> -> memref<128xi32, #tpu.memory_space<vmem>>
        %dma_wait3A_147 = arith.constant 0 : i32
        %dma_wait3A_148 = arith.constant 0 : i32
        %dma_wait3A_149 = tpu.memref_slice %arg6[%dma_wait3A_147, %dma_wait3A_148] : memref<10000x128xf32, #tpu.memory_space<vmem_shared>> -> memref<10000x128xf32, #tpu.memory_space<vmem_shared>>
        tpu.wait_indirect_dma semaphore(%arg12 : memref<!tpu.dma_semaphore, #tpu.memory_space<semaphore_mem>>) src(%arg8 : memref<128x128xf32, #tpu.memory_space<vmem>>) dst(%dma_wait3A_149 : memref<10000x128xf32, #tpu.memory_space<vmem_shared>>)
      } else {
      }
      %dma_start3A_109 = arith.constant 0 : i32
      %dma_start3A_110 = arith.constant 0 : i32
      %dma_start3A_111 = tpu.memref_slice %arg7[%dma_start3A_109, %dma_start3A_110] : memref<2x128xi32, #tpu.memory_space<vmem>> -> memref<1x128xi32, #tpu.memory_space<vmem>>
      %dma_start3A_112 = tpu.memref_squeeze %dma_start3A_111 : memref<1x128xi32, #tpu.memory_space<vmem>> -> memref<128xi32, #tpu.memory_space<vmem>>
      %dma_start3A_113 = arith.constant 0 : i32
      %dma_start3A_114 = arith.constant 0 : i32
      %dma_start3A_115 = tpu.memref_slice %arg2[%dma_start3A_113, %dma_start3A_114] : memref<10000x128xf32, #tpu.memory_space<hbm>> -> memref<10000x128xf32, #tpu.memory_space<hbm>>
      tpu.enqueue_indirect_dma source(%dma_start3A_115 : memref<10000x128xf32, #tpu.memory_space<hbm>>) target(%arg8 : memref<128x128xf32, #tpu.memory_space<vmem>>) offsets(%dma_start3A_112 : memref<128xi32, #tpu.memory_space<vmem>>) semaphore(%arg10 : memref<!tpu.dma_semaphore, #tpu.memory_space<semaphore_mem>>)
      %dma_wait3A = arith.constant 0 : i32
      %dma_wait3A_116 = arith.constant 0 : i32
      %dma_wait3A_117 = tpu.memref_slice %arg7[%dma_wait3A, %dma_wait3A_116] : memref<2x128xi32, #tpu.memory_space<vmem>> -> memref<1x128xi32, #tpu.memory_space<vmem>>
      %dma_wait3A_118 = tpu.memref_squeeze %dma_wait3A_117 : memref<1x128xi32, #tpu.memory_space<vmem>> -> memref<128xi32, #tpu.memory_space<vmem>>
      %dma_wait3A_119 = arith.constant 0 : i32
      %dma_wait3A_120 = arith.constant 0 : i32
      %dma_wait3A_121 = tpu.memref_slice %arg2[%dma_wait3A_119, %dma_wait3A_120] : memref<10000x128xf32, #tpu.memory_space<hbm>> -> memref<10000x128xf32, #tpu.memory_space<hbm>>
      tpu.wait_indirect_dma semaphore(%arg10 : memref<!tpu.dma_semaphore, #tpu.memory_space<semaphore_mem>>) src(%dma_wait3A_121 : memref<10000x128xf32, #tpu.memory_space<hbm>>) dst(%arg8 : memref<128x128xf32, #tpu.memory_space<vmem>>)
      %dma_wait3A_122 = arith.constant 0 : i32
      %dma_wait3A_123 = arith.constant 0 : i32
      %dma_wait3A_124 = tpu.memref_slice %arg3[%dma_wait3A_122, %dma_wait3A_123] : memref<320000x128xf32, #tpu.memory_space<hbm>> -> memref<128x128xf32, #tpu.memory_space<hbm>>
      %dma_wait3A_125 = arith.constant 0 : i32
      %dma_wait3A_126 = arith.constant 0 : i32
      %dma_wait3A_127 = tpu.memref_slice %arg3[%dma_wait3A_125, %dma_wait3A_126] : memref<320000x128xf32, #tpu.memory_space<hbm>> -> memref<128x128xf32, #tpu.memory_space<hbm>>
      tpu.wait_dma2 semaphore(%arg11 : memref<!tpu.dma_semaphore, #tpu.memory_space<semaphore_mem>>) src(%dma_wait3A_127 : memref<128x128xf32, #tpu.memory_space<hbm>>) dst(%arg9 : memref<128x128xf32, #tpu.memory_space<vmem>>)
      %scan3A_128 = arith.constant 0 : i32
      %scan3A_129 = arith.constant 0 : i32
      %scan3A_130 = arith.constant 64 : i32
      %scan3A_131 = arith.addi %scan3A_129, %scan3A_130 : i32
      %scan3A_132 = arith.constant 1 : i32
      %scan3A_133 = scf.for %scan3A_143 = %scan3A_129 to %scan3A_131 step %scan3A_132 iter_args(%scan3A_144 = %scan3A_128) -> (i32)  : i32 {
        %mul3A_145 = arith.constant 2 : i32
        %mul3A_146 = arith.muli %mul3A_145, %scan3A_143 : i32
        %add3A_147 = arith.constant 0 : i32
        %add3A_148 = arith.addi %mul3A_146, %add3A_147 : i32
        %get3A = arith.index_cast %add3A_148 : i32 to index
        %get3A_149 = arith.constant 0 : index
        %get3A_150 = tpu.vector_load %arg8[%get3A, %get3A_149] {strides = array<i32>} : memref<128x128xf32, #tpu.memory_space<vmem>>, vector<1x16xf32>,
        %get3A_151 = vector.shape_cast %get3A_150 : vector<1x16xf32> to vector<16xf32>
        %get3A_152 = arith.index_cast %add3A_148 : i32 to index
        %get3A_153 = arith.constant 0 : index
        %get3A_154 = tpu.vector_load %arg9[%get3A_152, %get3A_153] {strides = array<i32>} : memref<128x128xf32, #tpu.memory_space<vmem>>, vector<1x16xf32>,
        %get3A_155 = vector.shape_cast %get3A_154 : vector<1x16xf32> to vector<16xf32>
        %add3A_156 = arith.addf %get3A_151, %get3A_155 : vector<16xf32>
        %max3A = arith.constant 0.000000e+00 : f32
        %max3A_157 = vector.broadcast %max3A : f32 to vector<16xf32>
        %max3A_158 = arith.maximumf %add3A_156, %max3A_157 : vector<16xf32>
        %swap3A = arith.index_cast %add3A_148 : i32 to index
        %swap3A_159 = arith.constant 0 : index
        %swap3A_160 = tpu.vector_load %arg8[%swap3A, %swap3A_159] {strides = array<i32>} : memref<128x128xf32, #tpu.memory_space<vmem>>, vector<1x16xf32>,
        %swap3A_161 = vector.shape_cast %swap3A_160 : vector<1x16xf32> to vector<16xf32>
        %swap3A_162 = vector.shape_cast %max3A_158 : vector<16xf32> to vector<1x16xf32>
        tpu.vector_store %arg8[%swap3A, %swap3A_159], %swap3A_162 {strides = array<i32>} : memref<128x128xf32, #tpu.memory_space<vmem>>, vector<1x16xf32>,
        %get3A_163 = arith.index_cast %add3A_148 : i32 to index
        %get3A_164 = arith.constant 16 : index
        %get3A_165 = tpu.vector_load %arg8[%get3A_163, %get3A_164] {strides = array<i32>} : memref<128x128xf32, #tpu.memory_space<vmem>>, vector<1x16xf32>,
        %get3A_166 = vector.shape_cast %get3A_165 : vector<1x16xf32> to vector<16xf32>
        %get3A_167 = arith.index_cast %add3A_148 : i32 to index
        %get3A_168 = arith.constant 16 : index
        %get3A_169 = tpu.vector_load %arg9[%get3A_167, %get3A_168] {strides = array<i32>} : memref<128x128xf32, #tpu.memory_space<vmem>>, vector<1x16xf32>,
        %get3A_170 = vector.shape_cast %get3A_169 : vector<1x16xf32> to vector<16xf32>
        %add3A_171 = arith.addf %get3A_166, %get3A_170 : vector<16xf32>
        %max3A_172 = arith.constant 0.000000e+00 : f32
        %max3A_173 = vector.broadcast %max3A_172 : f32 to vector<16xf32>
        %max3A_174 = arith.maximumf %add3A_171, %max3A_173 : vector<16xf32>
        %swap3A_175 = arith.index_cast %add3A_148 : i32 to index
        %swap3A_176 = arith.constant 16 : index
        %swap3A_177 = tpu.vector_load %arg8[%swap3A_175, %swap3A_176] {strides = array<i32>} : memref<128x128xf32, #tpu.memory_space<vmem>>, vector<1x16xf32>,
        %swap3A_178 = vector.shape_cast %swap3A_177 : vector<1x16xf32> to vector<16xf32>
        %swap3A_179 = vector.shape_cast %max3A_174 : vector<16xf32> to vector<1x16xf32>
        tpu.vector_store %arg8[%swap3A_175, %swap3A_176], %swap3A_179 {strides = array<i32>} : memref<128x128xf32, #tpu.memory_space<vmem>>, vector<1x16xf32>,
        %get3A_180 = arith.index_cast %add3A_148 : i32 to index
        %get3A_181 = arith.constant 32 : index
        %get3A_182 = tpu.vector_load %arg8[%get3A_180, %get3A_181] {strides = array<i32>} : memref<128x128xf32, #tpu.memory_space<vmem>>, vector<1x16xf32>,
        %get3A_183 = vector.shape_cast %get3A_182 : vector<1x16xf32> to vector<16xf32>
        %get3A_184 = arith.index_cast %add3A_148 : i32 to index
        %get3A_185 = arith.constant 32 : index
        %get3A_186 = tpu.vector_load %arg9[%get3A_184, %get3A_185] {strides = array<i32>} : memref<128x128xf32, #tpu.memory_space<vmem>>, vector<1x16xf32>,
        %get3A_187 = vector.shape_cast %get3A_186 : vector<1x16xf32> to vector<16xf32>
        %add3A_188 = arith.addf %get3A_183, %get3A_187 : vector<16xf32>
        %max3A_189 = arith.constant 0.000000e+00 : f32
        %max3A_190 = vector.broadcast %max3A_189 : f32 to vector<16xf32>
        %max3A_191 = arith.maximumf %add3A_188, %max3A_190 : vector<16xf32>
        %swap3A_192 = arith.index_cast %add3A_148 : i32 to index
        %swap3A_193 = arith.constant 32 : index
        %swap3A_194 = tpu.vector_load %arg8[%swap3A_192, %swap3A_193] {strides = array<i32>} : memref<128x128xf32, #tpu.memory_space<vmem>>, vector<1x16xf32>,
        %swap3A_195 = vector.shape_cast %swap3A_194 : vector<1x16xf32> to vector<16xf32>
        %swap3A_196 = vector.shape_cast %max3A_191 : vector<16xf32> to vector<1x16xf32>
        tpu.vector_store %arg8[%swap3A_192, %swap3A_193], %swap3A_196 {strides = array<i32>} : memref<128x128xf32, #tpu.memory_space<vmem>>, vector<1x16xf32>,
        %get3A_197 = arith.index_cast %add3A_148 : i32 to index
        %get3A_198 = arith.constant 48 : index
        %get3A_199 = tpu.vector_load %arg8[%get3A_197, %get3A_198] {strides = array<i32>} : memref<128x128xf32, #tpu.memory_space<vmem>>, vector<1x16xf32>,
        %get3A_200 = vector.shape_cast %get3A_199 : vector<1x16xf32> to vector<16xf32>
        %get3A_201 = arith.index_cast %add3A_148 : i32 to index
        %get3A_202 = arith.constant 48 : index
        %get3A_203 = tpu.vector_load %arg9[%get3A_201, %get3A_202] {strides = array<i32>} : memref<128x128xf32, #tpu.memory_space<vmem>>, vector<1x16xf32>,
        %get3A_204 = vector.shape_cast %get3A_203 : vector<1x16xf32> to vector<16xf32>
        %add3A_205 = arith.addf %get3A_200, %get3A_204 : vector<16xf32>
        %max3A_206 = arith.constant 0.000000e+00 : f32
        %max3A_207 = vector.broadcast %max3A_206 : f32 to vector<16xf32>
        %max3A_208 = arith.maximumf %add3A_205, %max3A_207 : vector<16xf32>
        %swap3A_209 = arith.index_cast %add3A_148 : i32 to index
        %swap3A_210 = arith.constant 48 : index
        %swap3A_211 = tpu.vector_load %arg8[%swap3A_209, %swap3A_210] {strides = array<i32>} : memref<128x128xf32, #tpu.memory_space<vmem>>, vector<1x16xf32>,
        %swap3A_212 = vector.shape_cast %swap3A_211 : vector<1x16xf32> to vector<16xf32>
        %swap3A_213 = vector.shape_cast %max3A_208 : vector<16xf32> to vector<1x16xf32>
        tpu.vector_store %arg8[%swap3A_209, %swap3A_210], %swap3A_213 {strides = array<i32>} : memref<128x128xf32, #tpu.memory_space<vmem>>, vector<1x16xf32>,
        %get3A_214 = arith.index_cast %add3A_148 : i32 to index
        %get3A_215 = arith.constant 64 : index
        %get3A_216 = tpu.vector_load %arg8[%get3A_214, %get3A_215] {strides = array<i32>} : memref<128x128xf32, #tpu.memory_space<vmem>>, vector<1x16xf32>,
        %get3A_217 = vector.shape_cast %get3A_216 : vector<1x16xf32> to vector<16xf32>
        %get3A_218 = arith.index_cast %add3A_148 : i32 to index
        %get3A_219 = arith.constant 64 : index
        %get3A_220 = tpu.vector_load %arg9[%get3A_218, %get3A_219] {strides = array<i32>} : memref<128x128xf32, #tpu.memory_space<vmem>>, vector<1x16xf32>,
        %get3A_221 = vector.shape_cast %get3A_220 : vector<1x16xf32> to vector<16xf32>
        %add3A_222 = arith.addf %get3A_217, %get3A_221 : vector<16xf32>
        %max3A_223 = arith.constant 0.000000e+00 : f32
        %max3A_224 = vector.broadcast %max3A_223 : f32 to vector<16xf32>
        %max3A_225 = arith.maximumf %add3A_222, %max3A_224 : vector<16xf32>
        %swap3A_226 = arith.index_cast %add3A_148 : i32 to index
        %swap3A_227 = arith.constant 64 : index
        %swap3A_228 = tpu.vector_load %arg8[%swap3A_226, %swap3A_227] {strides = array<i32>} : memref<128x128xf32, #tpu.memory_space<vmem>>, vector<1x16xf32>,
        %swap3A_229 = vector.shape_cast %swap3A_228 : vector<1x16xf32> to vector<16xf32>
        %swap3A_230 = vector.shape_cast %max3A_225 : vector<16xf32> to vector<1x16xf32>
        tpu.vector_store %arg8[%swap3A_226, %swap3A_227], %swap3A_230 {strides = array<i32>} : memref<128x128xf32, #tpu.memory_space<vmem>>, vector<1x16xf32>,
        %get3A_231 = arith.index_cast %add3A_148 : i32 to index
        %get3A_232 = arith.constant 80 : index
        %get3A_233 = tpu.vector_load %arg8[%get3A_231, %get3A_232] {strides = array<i32>} : memref<128x128xf32, #tpu.memory_space<vmem>>, vector<1x16xf32>,
        %get3A_234 = vector.shape_cast %get3A_233 : vector<1x16xf32> to vector<16xf32>
        %get3A_235 = arith.index_cast %add3A_148 : i32 to index
        %get3A_236 = arith.constant 80 : index
        %get3A_237 = tpu.vector_load %arg9[%get3A_235, %get3A_236] {strides = array<i32>} : memref<128x128xf32, #tpu.memory_space<vmem>>, vector<1x16xf32>,
        %get3A_238 = vector.shape_cast %get3A_237 : vector<1x16xf32> to vector<16xf32>
        %add3A_239 = arith.addf %get3A_234, %get3A_238 : vector<16xf32>
        %max3A_240 = arith.constant 0.000000e+00 : f32
        %max3A_241 = vector.broadcast %max3A_240 : f32 to vector<16xf32>
        %max3A_242 = arith.maximumf %add3A_239, %max3A_241 : vector<16xf32>
        %swap3A_243 = arith.index_cast %add3A_148 : i32 to index
        %swap3A_244 = arith.constant 80 : index
        %swap3A_245 = tpu.vector_load %arg8[%swap3A_243, %swap3A_244] {strides = array<i32>} : memref<128x128xf32, #tpu.memory_space<vmem>>, vector<1x16xf32>,
        %swap3A_246 = vector.shape_cast %swap3A_245 : vector<1x16xf32> to vector<16xf32>
        %swap3A_247 = vector.shape_cast %max3A_242 : vector<16xf32> to vector<1x16xf32>
        tpu.vector_store %arg8[%swap3A_243, %swap3A_244], %swap3A_247 {strides = array<i32>} : memref<128x128xf32, #tpu.memory_space<vmem>>, vector<1x16xf32>,
        %get3A_248 = arith.index_cast %add3A_148 : i32 to index
        %get3A_249 = arith.constant 96 : index
        %get3A_250 = tpu.vector_load %arg8[%get3A_248, %get3A_249] {strides = array<i32>} : memref<128x128xf32, #tpu.memory_space<vmem>>, vector<1x16xf32>,
        %get3A_251 = vector.shape_cast %get3A_250 : vector<1x16xf32> to vector<16xf32>
        %get3A_252 = arith.index_cast %add3A_148 : i32 to index
        %get3A_253 = arith.constant 96 : index
        %get3A_254 = tpu.vector_load %arg9[%get3A_252, %get3A_253] {strides = array<i32>} : memref<128x128xf32, #tpu.memory_space<vmem>>, vector<1x16xf32>,
        %get3A_255 = vector.shape_cast %get3A_254 : vector<1x16xf32> to vector<16xf32>
        %add3A_256 = arith.addf %get3A_251, %get3A_255 : vector<16xf32>
        %max3A_257 = arith.constant 0.000000e+00 : f32
        %max3A_258 = vector.broadcast %max3A_257 : f32 to vector<16xf32>
        %max3A_259 = arith.maximumf %add3A_256, %max3A_258 : vector<16xf32>
        %swap3A_260 = arith.index_cast %add3A_148 : i32 to index
        %swap3A_261 = arith.constant 96 : index
        %swap3A_262 = tpu.vector_load %arg8[%swap3A_260, %swap3A_261] {strides = array<i32>} : memref<128x128xf32, #tpu.memory_space<vmem>>, vector<1x16xf32>,
        %swap3A_263 = vector.shape_cast %swap3A_262 : vector<1x16xf32> to vector<16xf32>
        %swap3A_264 = vector.shape_cast %max3A_259 : vector<16xf32> to vector<1x16xf32>
        tpu.vector_store %arg8[%swap3A_260, %swap3A_261], %swap3A_264 {strides = array<i32>} : memref<128x128xf32, #tpu.memory_space<vmem>>, vector<1x16xf32>,
        %get3A_265 = arith.index_cast %add3A_148 : i32 to index
        %get3A_266 = arith.constant 112 : index
        %get3A_267 = tpu.vector_load %arg8[%get3A_265, %get3A_266] {strides = array<i32>} : memref<128x128xf32, #tpu.memory_space<vmem>>, vector<1x16xf32>,
        %get3A_268 = vector.shape_cast %get3A_267 : vector<1x16xf32> to vector<16xf32>
        %get3A_269 = arith.index_cast %add3A_148 : i32 to index
        %get3A_270 = arith.constant 112 : index
        %get3A_271 = tpu.vector_load %arg9[%get3A_269, %get3A_270] {strides = array<i32>} : memref<128x128xf32, #tpu.memory_space<vmem>>, vector<1x16xf32>,
        %get3A_272 = vector.shape_cast %get3A_271 : vector<1x16xf32> to vector<16xf32>
        %add3A_273 = arith.addf %get3A_268, %get3A_272 : vector<16xf32>
        %max3A_274 = arith.constant 0.000000e+00 : f32
        %max3A_275 = vector.broadcast %max3A_274 : f32 to vector<16xf32>
        %max3A_276 = arith.maximumf %add3A_273, %max3A_275 : vector<16xf32>
        %swap3A_277 = arith.index_cast %add3A_148 : i32 to index
        %swap3A_278 = arith.constant 112 : index
        %swap3A_279 = tpu.vector_load %arg8[%swap3A_277, %swap3A_278] {strides = array<i32>} : memref<128x128xf32, #tpu.memory_space<vmem>>, vector<1x16xf32>,
        %swap3A_280 = vector.shape_cast %swap3A_279 : vector<1x16xf32> to vector<16xf32>
        %swap3A_281 = vector.shape_cast %max3A_276 : vector<16xf32> to vector<1x16xf32>
        tpu.vector_store %arg8[%swap3A_277, %swap3A_278], %swap3A_281 {strides = array<i32>} : memref<128x128xf32, #tpu.memory_space<vmem>>, vector<1x16xf32>,
        %mul3A_282 = arith.constant 2 : i32
        %mul3A_283 = arith.muli %mul3A_282, %scan3A_143 : i32
        %add3A_284 = arith.constant 1 : i32
        %add3A_285 = arith.addi %mul3A_283, %add3A_284 : i32
        %get3A_286 = arith.index_cast %add3A_285 : i32 to index
        %get3A_287 = arith.constant 0 : index
        %get3A_288 = tpu.vector_load %arg8[%get3A_286, %get3A_287] {strides = array<i32>} : memref<128x128xf32, #tpu.memory_space<vmem>>, vector<1x16xf32>,
        %get3A_289 = vector.shape_cast %get3A_288 : vector<1x16xf32> to vector<16xf32>
        %get3A_290 = arith.index_cast %add3A_285 : i32 to index
        %get3A_291 = arith.constant 0 : index
        %get3A_292 = tpu.vector_load %arg9[%get3A_290, %get3A_291] {strides = array<i32>} : memref<128x128xf32, #tpu.memory_space<vmem>>, vector<1x16xf32>,
        %get3A_293 = vector.shape_cast %get3A_292 : vector<1x16xf32> to vector<16xf32>
        %add3A_294 = arith.addf %get3A_289, %get3A_293 : vector<16xf32>
        %max3A_295 = arith.constant 0.000000e+00 : f32
        %max3A_296 = vector.broadcast %max3A_295 : f32 to vector<16xf32>
        %max3A_297 = arith.maximumf %add3A_294, %max3A_296 : vector<16xf32>
        %swap3A_298 = arith.index_cast %add3A_285 : i32 to index
        %swap3A_299 = arith.constant 0 : index
        %swap3A_300 = tpu.vector_load %arg8[%swap3A_298, %swap3A_299] {strides = array<i32>} : memref<128x128xf32, #tpu.memory_space<vmem>>, vector<1x16xf32>,
        %swap3A_301 = vector.shape_cast %swap3A_300 : vector<1x16xf32> to vector<16xf32>
        %swap3A_302 = vector.shape_cast %max3A_297 : vector<16xf32> to vector<1x16xf32>
        tpu.vector_store %arg8[%swap3A_298, %swap3A_299], %swap3A_302 {strides = array<i32>} : memref<128x128xf32, #tpu.memory_space<vmem>>, vector<1x16xf32>,
        %get3A_303 = arith.index_cast %add3A_285 : i32 to index
        %get3A_304 = arith.constant 16 : index
        %get3A_305 = tpu.vector_load %arg8[%get3A_303, %get3A_304] {strides = array<i32>} : memref<128x128xf32, #tpu.memory_space<vmem>>, vector<1x16xf32>,
        %get3A_306 = vector.shape_cast %get3A_305 : vector<1x16xf32> to vector<16xf32>
        %get3A_307 = arith.index_cast %add3A_285 : i32 to index
        %get3A_308 = arith.constant 16 : index
        %get3A_309 = tpu.vector_load %arg9[%get3A_307, %get3A_308] {strides = array<i32>} : memref<128x128xf32, #tpu.memory_space<vmem>>, vector<1x16xf32>,
        %get3A_310 = vector.shape_cast %get3A_309 : vector<1x16xf32> to vector<16xf32>
        %add3A_311 = arith.addf %get3A_306, %get3A_310 : vector<16xf32>
        %max3A_312 = arith.constant 0.000000e+00 : f32
        %max3A_313 = vector.broadcast %max3A_312 : f32 to vector<16xf32>
        %max3A_314 = arith.maximumf %add3A_311, %max3A_313 : vector<16xf32>
        %swap3A_315 = arith.index_cast %add3A_285 : i32 to index
        %swap3A_316 = arith.constant 16 : index
        %swap3A_317 = tpu.vector_load %arg8[%swap3A_315, %swap3A_316] {strides = array<i32>} : memref<128x128xf32, #tpu.memory_space<vmem>>, vector<1x16xf32>,
        %swap3A_318 = vector.shape_cast %swap3A_317 : vector<1x16xf32> to vector<16xf32>
        %swap3A_319 = vector.shape_cast %max3A_314 : vector<16xf32> to vector<1x16xf32>
        tpu.vector_store %arg8[%swap3A_315, %swap3A_316], %swap3A_319 {strides = array<i32>} : memref<128x128xf32, #tpu.memory_space<vmem>>, vector<1x16xf32>,
        %get3A_320 = arith.index_cast %add3A_285 : i32 to index
        %get3A_321 = arith.constant 32 : index
        %get3A_322 = tpu.vector_load %arg8[%get3A_320, %get3A_321] {strides = array<i32>} : memref<128x128xf32, #tpu.memory_space<vmem>>, vector<1x16xf32>,
        %get3A_323 = vector.shape_cast %get3A_322 : vector<1x16xf32> to vector<16xf32>
        %get3A_324 = arith.index_cast %add3A_285 : i32 to index
        %get3A_325 = arith.constant 32 : index
        %get3A_326 = tpu.vector_load %arg9[%get3A_324, %get3A_325] {strides = array<i32>} : memref<128x128xf32, #tpu.memory_space<vmem>>, vector<1x16xf32>,
        %get3A_327 = vector.shape_cast %get3A_326 : vector<1x16xf32> to vector<16xf32>
        %add3A_328 = arith.addf %get3A_323, %get3A_327 : vector<16xf32>
        %max3A_329 = arith.constant 0.000000e+00 : f32
        %max3A_330 = vector.broadcast %max3A_329 : f32 to vector<16xf32>
        %max3A_331 = arith.maximumf %add3A_328, %max3A_330 : vector<16xf32>
        %swap3A_332 = arith.index_cast %add3A_285 : i32 to index
        %swap3A_333 = arith.constant 32 : index
        %swap3A_334 = tpu.vector_load %arg8[%swap3A_332, %swap3A_333] {strides = array<i32>} : memref<128x128xf32, #tpu.memory_space<vmem>>, vector<1x16xf32>,
        %swap3A_335 = vector.shape_cast %swap3A_334 : vector<1x16xf32> to vector<16xf32>
        %swap3A_336 = vector.shape_cast %max3A_331 : vector<16xf32> to vector<1x16xf32>
        tpu.vector_store %arg8[%swap3A_332, %swap3A_333], %swap3A_336 {strides = array<i32>} : memref<128x128xf32, #tpu.memory_space<vmem>>, vector<1x16xf32>,
        %get3A_337 = arith.index_cast %add3A_285 : i32 to index
        %get3A_338 = arith.constant 48 : index
        %get3A_339 = tpu.vector_load %arg8[%get3A_337, %get3A_338] {strides = array<i32>} : memref<128x128xf32, #tpu.memory_space<vmem>>, vector<1x16xf32>,
        %get3A_340 = vector.shape_cast %get3A_339 : vector<1x16xf32> to vector<16xf32>
        %get3A_341 = arith.index_cast %add3A_285 : i32 to index
        %get3A_342 = arith.constant 48 : index
        %get3A_343 = tpu.vector_load %arg9[%get3A_341, %get3A_342] {strides = array<i32>} : memref<128x128xf32, #tpu.memory_space<vmem>>, vector<1x16xf32>,
        %get3A_344 = vector.shape_cast %get3A_343 : vector<1x16xf32> to vector<16xf32>
        %add3A_345 = arith.addf %get3A_340, %get3A_344 : vector<16xf32>
        %max3A_346 = arith.constant 0.000000e+00 : f32
        %max3A_347 = vector.broadcast %max3A_346 : f32 to vector<16xf32>
        %max3A_348 = arith.maximumf %add3A_345, %max3A_347 : vector<16xf32>
        %swap3A_349 = arith.index_cast %add3A_285 : i32 to index
        %swap3A_350 = arith.constant 48 : index
        %swap3A_351 = tpu.vector_load %arg8[%swap3A_349, %swap3A_350] {strides = array<i32>} : memref<128x128xf32, #tpu.memory_space<vmem>>, vector<1x16xf32>,
        %swap3A_352 = vector.shape_cast %swap3A_351 : vector<1x16xf32> to vector<16xf32>
        %swap3A_353 = vector.shape_cast %max3A_348 : vector<16xf32> to vector<1x16xf32>
        tpu.vector_store %arg8[%swap3A_349, %swap3A_350], %swap3A_353 {strides = array<i32>} : memref<128x128xf32, #tpu.memory_space<vmem>>, vector<1x16xf32>,
        %get3A_354 = arith.index_cast %add3A_285 : i32 to index
        %get3A_355 = arith.constant 64 : index
        %get3A_356 = tpu.vector_load %arg8[%get3A_354, %get3A_355] {strides = array<i32>} : memref<128x128xf32, #tpu.memory_space<vmem>>, vector<1x16xf32>,
        %get3A_357 = vector.shape_cast %get3A_356 : vector<1x16xf32> to vector<16xf32>
        %get3A_358 = arith.index_cast %add3A_285 : i32 to index
        %get3A_359 = arith.constant 64 : index
        %get3A_360 = tpu.vector_load %arg9[%get3A_358, %get3A_359] {strides = array<i32>} : memref<128x128xf32, #tpu.memory_space<vmem>>, vector<1x16xf32>,
        %get3A_361 = vector.shape_cast %get3A_360 : vector<1x16xf32> to vector<16xf32>
        %add3A_362 = arith.addf %get3A_357, %get3A_361 : vector<16xf32>
        %max3A_363 = arith.constant 0.000000e+00 : f32
        %max3A_364 = vector.broadcast %max3A_363 : f32 to vector<16xf32>
        %max3A_365 = arith.maximumf %add3A_362, %max3A_364 : vector<16xf32>
        %swap3A_366 = arith.index_cast %add3A_285 : i32 to index
        %swap3A_367 = arith.constant 64 : index
        %swap3A_368 = tpu.vector_load %arg8[%swap3A_366, %swap3A_367] {strides = array<i32>} : memref<128x128xf32, #tpu.memory_space<vmem>>, vector<1x16xf32>,
        %swap3A_369 = vector.shape_cast %swap3A_368 : vector<1x16xf32> to vector<16xf32>
        %swap3A_370 = vector.shape_cast %max3A_365 : vector<16xf32> to vector<1x16xf32>
        tpu.vector_store %arg8[%swap3A_366, %swap3A_367], %swap3A_370 {strides = array<i32>} : memref<128x128xf32, #tpu.memory_space<vmem>>, vector<1x16xf32>,
        %get3A_371 = arith.index_cast %add3A_285 : i32 to index
        %get3A_372 = arith.constant 80 : index
        %get3A_373 = tpu.vector_load %arg8[%get3A_371, %get3A_372] {strides = array<i32>} : memref<128x128xf32, #tpu.memory_space<vmem>>, vector<1x16xf32>,
        %get3A_374 = vector.shape_cast %get3A_373 : vector<1x16xf32> to vector<16xf32>
        %get3A_375 = arith.index_cast %add3A_285 : i32 to index
        %get3A_376 = arith.constant 80 : index
        %get3A_377 = tpu.vector_load %arg9[%get3A_375, %get3A_376] {strides = array<i32>} : memref<128x128xf32, #tpu.memory_space<vmem>>, vector<1x16xf32>,
        %get3A_378 = vector.shape_cast %get3A_377 : vector<1x16xf32> to vector<16xf32>
        %add3A_379 = arith.addf %get3A_374, %get3A_378 : vector<16xf32>
        %max3A_380 = arith.constant 0.000000e+00 : f32
        %max3A_381 = vector.broadcast %max3A_380 : f32 to vector<16xf32>
        %max3A_382 = arith.maximumf %add3A_379, %max3A_381 : vector<16xf32>
        %swap3A_383 = arith.index_cast %add3A_285 : i32 to index
        %swap3A_384 = arith.constant 80 : index
        %swap3A_385 = tpu.vector_load %arg8[%swap3A_383, %swap3A_384] {strides = array<i32>} : memref<128x128xf32, #tpu.memory_space<vmem>>, vector<1x16xf32>,
        %swap3A_386 = vector.shape_cast %swap3A_385 : vector<1x16xf32> to vector<16xf32>
        %swap3A_387 = vector.shape_cast %max3A_382 : vector<16xf32> to vector<1x16xf32>
        tpu.vector_store %arg8[%swap3A_383, %swap3A_384], %swap3A_387 {strides = array<i32>} : memref<128x128xf32, #tpu.memory_space<vmem>>, vector<1x16xf32>,
        %get3A_388 = arith.index_cast %add3A_285 : i32 to index
        %get3A_389 = arith.constant 96 : index
        %get3A_390 = tpu.vector_load %arg8[%get3A_388, %get3A_389] {strides = array<i32>} : memref<128x128xf32, #tpu.memory_space<vmem>>, vector<1x16xf32>,
        %get3A_391 = vector.shape_cast %get3A_390 : vector<1x16xf32> to vector<16xf32>
        %get3A_392 = arith.index_cast %add3A_285 : i32 to index
        %get3A_393 = arith.constant 96 : index
        %get3A_394 = tpu.vector_load %arg9[%get3A_392, %get3A_393] {strides = array<i32>} : memref<128x128xf32, #tpu.memory_space<vmem>>, vector<1x16xf32>,
        %get3A_395 = vector.shape_cast %get3A_394 : vector<1x16xf32> to vector<16xf32>
        %add3A_396 = arith.addf %get3A_391, %get3A_395 : vector<16xf32>
        %max3A_397 = arith.constant 0.000000e+00 : f32
        %max3A_398 = vector.broadcast %max3A_397 : f32 to vector<16xf32>
        %max3A_399 = arith.maximumf %add3A_396, %max3A_398 : vector<16xf32>
        %swap3A_400 = arith.index_cast %add3A_285 : i32 to index
        %swap3A_401 = arith.constant 96 : index
        %swap3A_402 = tpu.vector_load %arg8[%swap3A_400, %swap3A_401] {strides = array<i32>} : memref<128x128xf32, #tpu.memory_space<vmem>>, vector<1x16xf32>,
        %swap3A_403 = vector.shape_cast %swap3A_402 : vector<1x16xf32> to vector<16xf32>
        %swap3A_404 = vector.shape_cast %max3A_399 : vector<16xf32> to vector<1x16xf32>
        tpu.vector_store %arg8[%swap3A_400, %swap3A_401], %swap3A_404 {strides = array<i32>} : memref<128x128xf32, #tpu.memory_space<vmem>>, vector<1x16xf32>,
        %get3A_405 = arith.index_cast %add3A_285 : i32 to index
        %get3A_406 = arith.constant 112 : index
        %get3A_407 = tpu.vector_load %arg8[%get3A_405, %get3A_406] {strides = array<i32>} : memref<128x128xf32, #tpu.memory_space<vmem>>, vector<1x16xf32>,
        %get3A_408 = vector.shape_cast %get3A_407 : vector<1x16xf32> to vector<16xf32>
        %get3A_409 = arith.index_cast %add3A_285 : i32 to index
        %get3A_410 = arith.constant 112 : index
        %get3A_411 = tpu.vector_load %arg9[%get3A_409, %get3A_410] {strides = array<i32>} : memref<128x128xf32, #tpu.memory_space<vmem>>, vector<1x16xf32>,
        %get3A_412 = vector.shape_cast %get3A_411 : vector<1x16xf32> to vector<16xf32>
        %add3A_413 = arith.addf %get3A_408, %get3A_412 : vector<16xf32>
        %max3A_414 = arith.constant 0.000000e+00 : f32
        %max3A_415 = vector.broadcast %max3A_414 : f32 to vector<16xf32>
        %max3A_416 = arith.maximumf %add3A_413, %max3A_415 : vector<16xf32>
        %swap3A_417 = arith.index_cast %add3A_285 : i32 to index
        %swap3A_418 = arith.constant 112 : index
        %swap3A_419 = tpu.vector_load %arg8[%swap3A_417, %swap3A_418] {strides = array<i32>} : memref<128x128xf32, #tpu.memory_space<vmem>>, vector<1x16xf32>,
        %swap3A_420 = vector.shape_cast %swap3A_419 : vector<1x16xf32> to vector<16xf32>
        %swap3A_421 = vector.shape_cast %max3A_416 : vector<16xf32> to vector<1x16xf32>
        tpu.vector_store %arg8[%swap3A_417, %swap3A_418], %swap3A_421 {strides = array<i32>} : memref<128x128xf32, #tpu.memory_space<vmem>>, vector<1x16xf32>,
        %scan3A_422 = arith.constant 0 : i32
        scf.yield %scan3A_422 : i32
      }
      %scan3A_134 = arith.constant 64 : i32
      %dma_start3A_135 = arith.constant 1 : i32
      %dma_start3A_136 = arith.constant 0 : i32
      %dma_start3A_137 = tpu.memref_slice %arg7[%dma_start3A_135, %dma_start3A_136] : memref<2x128xi32, #tpu.memory_space<vmem>> -> memref<1x128xi32, #tpu.memory_space<vmem>>
      %dma_start3A_138 = tpu.memref_squeeze %dma_start3A_137 : memref<1x128xi32, #tpu.memory_space<vmem>> -> memref<128xi32, #tpu.memory_space<vmem>>
      %dma_start3A_139 = arith.constant 0 : i32
      %dma_start3A_140 = arith.constant 0 : i32
      %dma_start3A_141 = tpu.memref_slice %arg6[%dma_start3A_139, %dma_start3A_140] : memref<10000x128xf32, #tpu.memory_space<vmem_shared>> -> memref<10000x128xf32, #tpu.memory_space<vmem_shared>>
      tpu.enqueue_indirect_dma source(%arg8 : memref<128x128xf32, #tpu.memory_space<vmem>>) target(%dma_start3A_141 : memref<10000x128xf32, #tpu.memory_space<vmem_shared>>) offsets(%dma_start3A_138 : memref<128xi32, #tpu.memory_space<vmem>>) semaphore(%arg12 : memref<!tpu.dma_semaphore, #tpu.memory_space<semaphore_mem>>) {add = true}
      %while3A_142 = arith.constant 0 : i32
      scf.yield %while3A_142 : i32
    }
    %gt3A = arith.cmpi sgt, %select_n3A_46, %select_n3A : i32
    %convert_element_type3A = arith.extui %gt3A : i1 to i32
    %cond3A = arith.constant 0 : i32
    %cond3A_79 = arith.cmpi ne, %convert_element_type3A, %cond3A : i32
    scf.if %cond3A_79 {
      %dma_wait3A = arith.constant 1 : i32
      %dma_wait3A_98 = arith.constant 0 : i32
      %dma_wait3A_99 = tpu.memref_slice %arg7[%dma_wait3A, %dma_wait3A_98] : memref<2x128xi32, #tpu.memory_space<vmem>> -> memref<1x128xi32, #tpu.memory_space<vmem>>
      %dma_wait3A_100 = tpu.memref_squeeze %dma_wait3A_99 : memref<1x128xi32, #tpu.memory_space<vmem>> -> memref<128xi32, #tpu.memory_space<vmem>>
      %dma_wait3A_101 = arith.constant 0 : i32
      %dma_wait3A_102 = arith.constant 0 : i32
      %dma_wait3A_103 = tpu.memref_slice %arg6[%dma_wait3A_101, %dma_wait3A_102] : memref<10000x128xf32, #tpu.memory_space<vmem_shared>> -> memref<10000x128xf32, #tpu.memory_space<vmem_shared>>
      tpu.wait_indirect_dma semaphore(%arg12 : memref<!tpu.dma_semaphore, #tpu.memory_space<semaphore_mem>>) src(%arg8 : memref<128x128xf32, #tpu.memory_space<vmem>>) dst(%dma_wait3A_103 : memref<10000x128xf32, #tpu.memory_space<vmem_shared>>)
    } else {
    }
    %barrier3A_80 = arith.constant 0 : index
    tpu.barrier barrier_id(%barrier3A_80)
    %lt3A_81 = arith.constant 13 : i32
    %lt3A_82 = arith.cmpi slt, %arg1, %lt3A_81 : i32
    %jit3A_83 = arith.constant 8 : i32
    %jit3A_84 = arith.constant 7 : i32
    %select_n3A_85 = arith.select %lt3A_82, %jit3A_83, %jit3A_84 : i32
    %while3A_86 = arith.constant 0 : i32
    %while3A_87 = arith.constant 0 : i32
    %while3A_88 = arith.subi %select_n3A_85, %while3A_86 : i32
    %while3A_89 = arith.addi %while3A_86, %while3A_88 : i32
    %while3A_90 = arith.constant 1 : i32
    %while3A_91 = arith.divsi %while3A_88, %while3A_90 : i32
    %while3A_92 = arith.muli %while3A_91, %while3A_90 : i32
    %while3A_93 = arith.addi %while3A_86, %while3A_92 : i32
    %while3A_94 = arith.constant 1 : i32
    %while3A_95 = scf.for %while3A_98 = %while3A_86 to %while3A_93 step %while3A_94 iter_args(%while3A_99 = %while3A_87) -> (i32)  : i32 {
      %mul3A_100 = arith.constant 16 : i32
      %mul3A_101 = arith.muli %while3A_98, %mul3A_100 : i32
      %add3A_102 = arith.addi %mul3A_101, %arg1 : i32
      %mul3A_103 = arith.constant 80 : i32
      %mul3A_104 = arith.muli %add3A_102, %mul3A_103 : i32
      %multiple_of3A = tpu.assume_multiple %mul3A_104, 8 : i32
      "tpu.region"() ({
        %run_scoped3A = tpu.sem_alloc : memref<!tpu.dma_semaphore, #tpu.memory_space<semaphore_mem>>
        %dma_start3A = arith.constant 0 : i32
        %dma_start3A_106 = tpu.memref_slice %arg5[%arg0, %multiple_of3A, %dma_start3A] : memref<2x10000x128xf32, #tpu.memory_space<hbm>> -> memref<1x80x128xf32, #tpu.memory_space<hbm>>
        %dma_start3A_107 = tpu.memref_squeeze %dma_start3A_106 : memref<1x80x128xf32, #tpu.memory_space<hbm>> -> memref<80x128xf32, #tpu.memory_space<hbm>>
        %dma_start3A_108 = arith.constant 0 : i32
        %dma_start3A_109 = tpu.memref_slice %arg6[%multiple_of3A, %dma_start3A_108] : memref<10000x128xf32, #tpu.memory_space<vmem_shared>> -> memref<80x128xf32, #tpu.memory_space<vmem_shared>>
        tpu.enqueue_dma source(%dma_start3A_109 : memref<80x128xf32, #tpu.memory_space<vmem_shared>>) target(%dma_start3A_107 : memref<80x128xf32, #tpu.memory_space<hbm>>) target_semaphore(%run_scoped3A : memref<!tpu.dma_semaphore, #tpu.memory_space<semaphore_mem>>)
        %dma_wait3A = arith.constant 0 : i32
        %dma_wait3A_110 = tpu.memref_slice %arg5[%arg0, %multiple_of3A, %dma_wait3A] : memref<2x10000x128xf32, #tpu.memory_space<hbm>> -> memref<1x80x128xf32, #tpu.memory_space<hbm>>
        %dma_wait3A_111 = tpu.memref_squeeze %dma_wait3A_110 : memref<1x80x128xf32, #tpu.memory_space<hbm>> -> memref<80x128xf32, #tpu.memory_space<hbm>>
        %dma_wait3A_112 = arith.constant 0 : i32
        %dma_wait3A_113 = tpu.memref_slice %arg6[%multiple_of3A, %dma_wait3A_112] : memref<10000x128xf32, #tpu.memory_space<vmem_shared>> -> memref<80x128xf32, #tpu.memory_space<vmem_shared>>
        tpu.wait_dma2 semaphore(%run_scoped3A : memref<!tpu.dma_semaphore, #tpu.memory_space<semaphore_mem>>) src(%dma_wait3A_113 : memref<80x128xf32, #tpu.memory_space<vmem_shared>>) dst(%dma_wait3A_111 : memref<80x128xf32, #tpu.memory_space<hbm>>)
        tpu.yield
      }) : () -> ()
      %while3A_105 = arith.constant 0 : i32
      scf.yield %while3A_105 : i32
    }
    %while3A_96 = arith.constant 1 : i32
    %while3A_97 = scf.for %while3A_98 = %while3A_93 to %while3A_89 step %while3A_96 iter_args(%while3A_99 = %while3A_95) -> (i32)  : i32 {
      %mul3A_100 = arith.constant 16 : i32
      %mul3A_101 = arith.muli %while3A_98, %mul3A_100 : i32
      %add3A_102 = arith.addi %mul3A_101, %arg1 : i32
      %mul3A_103 = arith.constant 80 : i32
      %mul3A_104 = arith.muli %add3A_102, %mul3A_103 : i32
      %multiple_of3A = tpu.assume_multiple %mul3A_104, 8 : i32
      "tpu.region"() ({
        %run_scoped3A = tpu.sem_alloc : memref<!tpu.dma_semaphore, #tpu.memory_space<semaphore_mem>>
        %dma_start3A = arith.constant 0 : i32
        %dma_start3A_106 = tpu.memref_slice %arg5[%arg0, %multiple_of3A, %dma_start3A] : memref<2x10000x128xf32, #tpu.memory_space<hbm>> -> memref<1x80x128xf32, #tpu.memory_space<hbm>>
        %dma_start3A_107 = tpu.memref_squeeze %dma_start3A_106 : memref<1x80x128xf32, #tpu.memory_space<hbm>> -> memref<80x128xf32, #tpu.memory_space<hbm>>
        %dma_start3A_108 = arith.constant 0 : i32
        %dma_start3A_109 = tpu.memref_slice %arg6[%multiple_of3A, %dma_start3A_108] : memref<10000x128xf32, #tpu.memory_space<vmem_shared>> -> memref<80x128xf32, #tpu.memory_space<vmem_shared>>
        tpu.enqueue_dma source(%dma_start3A_109 : memref<80x128xf32, #tpu.memory_space<vmem_shared>>) target(%dma_start3A_107 : memref<80x128xf32, #tpu.memory_space<hbm>>) target_semaphore(%run_scoped3A : memref<!tpu.dma_semaphore, #tpu.memory_space<semaphore_mem>>)
        %dma_wait3A = arith.constant 0 : i32
        %dma_wait3A_110 = tpu.memref_slice %arg5[%arg0, %multiple_of3A, %dma_wait3A] : memref<2x10000x128xf32, #tpu.memory_space<hbm>> -> memref<1x80x128xf32, #tpu.memory_space<hbm>>
        %dma_wait3A_111 = tpu.memref_squeeze %dma_wait3A_110 : memref<1x80x128xf32, #tpu.memory_space<hbm>> -> memref<80x128xf32, #tpu.memory_space<hbm>>
        %dma_wait3A_112 = arith.constant 0 : i32
        %dma_wait3A_113 = tpu.memref_slice %arg6[%multiple_of3A, %dma_wait3A_112] : memref<10000x128xf32, #tpu.memory_space<vmem_shared>> -> memref<80x128xf32, #tpu.memory_space<vmem_shared>>
        tpu.wait_dma2 semaphore(%run_scoped3A : memref<!tpu.dma_semaphore, #tpu.memory_space<semaphore_mem>>) src(%dma_wait3A_113 : memref<80x128xf32, #tpu.memory_space<vmem_shared>>) dst(%dma_wait3A_111 : memref<80x128xf32, #tpu.memory_space<hbm>>)
        tpu.yield
      }) : () -> ()
      %while3A_105 = arith.constant 0 : i32
      scf.yield %while3A_105 : i32
    }
    return
  }
}

module attributes {stable_mosaic.version = 14 : i64} {
  func.func @_edge_embed_body(%arg0: i32, %arg1: memref<2000x16xf32, #tpu.memory_space<vmem>>, %arg2: memref<16x128xf32, #tpu.memory_space<vmem>>, %arg3: memref<1x128xf32, #tpu.memory_space<vmem>>, %arg4: memref<2000x128xf32, #tpu.memory_space<vmem>>) attributes {dimension_semantics = [#tpu.dimension_semantics<arbitrary>], iteration_bounds = array<i64: 160>, scalar_prefetch = 0 : i64, scratch_operands = 0 : i64, tpu.core_type = #tpu.core_type<tc>, window_params = [{transform_indices = @transform_0, window_bounds = array<i64: 2000, 16>}, {pipeline_mode = #tpu.pipeline_mode<synchronous>, transform_indices = @transform_1, window_bounds = array<i64: 16, 128>}, {pipeline_mode = #tpu.pipeline_mode<synchronous>, transform_indices = @transform_2, window_bounds = array<i64: 1, 128>}, {transform_indices = @transform_3, window_bounds = array<i64: 2000, 128>}]} {
    %get3A = arith.constant 0 : index
    %get3A_0 = arith.constant 0 : index
    %get3A_1 = vector.load %arg1[%get3A, %get3A_0] : memref<2000x16xf32, #tpu.memory_space<vmem>>, vector<2000x16xf32>
    %get3A_2 = arith.constant 0 : index
    %get3A_3 = arith.constant 0 : index
    %get3A_4 = vector.load %arg2[%get3A_2, %get3A_3] : memref<16x128xf32, #tpu.memory_space<vmem>>, vector<16x128xf32>
    %dot_general3A = arith.constant dense<0.000000e+00> : vector<2000x128xf32>
    %dot_general3A_5 = tpu.matmul %get3A_1, %get3A_4, %dot_general3A {dimension_numbers = #tpu.dot_dimension_numbers<[1], [0], [0], [1], [0, 0, 1, 1], [], []>, precision = #tpu.contract_precision<fp32>, transpose_lhs_hint = false} : vector<2000x16xf32>, vector<16x128xf32>, vector<2000x128xf32> -> vector<2000x128xf32>
    %get3A_6 = arith.constant 0 : index
    %get3A_7 = arith.constant 0 : index
    %get3A_8 = vector.load %arg3[%get3A_6, %get3A_7] : memref<1x128xf32, #tpu.memory_space<vmem>>, vector<1x128xf32>
    %add3A = vector.broadcast %get3A_8 : vector<1x128xf32> to vector<2000x128xf32>
    %add3A_9 = arith.addf %dot_general3A_5, %add3A : vector<2000x128xf32>
    %swap3A = arith.constant 0 : index
    %swap3A_10 = arith.constant 0 : index
    %swap3A_11 = vector.load %arg4[%swap3A, %swap3A_10] : memref<2000x128xf32, #tpu.memory_space<vmem>>, vector<2000x128xf32>
    tpu.vector_store %arg4[%swap3A, %swap3A_10], %add3A_9 {strides = array<i32>} : memref<2000x128xf32, #tpu.memory_space<vmem>>, vector<2000x128xf32>,
    return
  }
  func.func @transform_0(%arg0: i32) -> (i32, i32) {
    %c0_i32 = arith.constant 0 : i32
    %c0_i32_0 = arith.constant 0 : i32
    return %arg0, %c0_i32 : i32, i32
  }
  func.func @transform_1(%arg0: i32) -> (i32, i32) {
    %c0_i32 = arith.constant 0 : i32
    %c0_i32_0 = arith.constant 0 : i32
    %c0_i32_1 = arith.constant 0 : i32
    return %c0_i32, %c0_i32_0 : i32, i32
  }
  func.func @transform_2(%arg0: i32) -> (i32, i32) {
    %c0_i32 = arith.constant 0 : i32
    %c0_i32_0 = arith.constant 0 : i32
    %c0_i32_1 = arith.constant 0 : i32
    return %c0_i32, %c0_i32_0 : i32, i32
  }
  func.func @transform_3(%arg0: i32) -> (i32, i32) {
    %c0_i32 = arith.constant 0 : i32
    %c0_i32_0 = arith.constant 0 : i32
    return %arg0, %c0_i32 : i32, i32
  }
}

module attributes {stable_mosaic.version = 14 : i64} {
  func.func @_edge_embed_body(%arg0: i32, %arg1: memref<2000x16xf32, #tpu.memory_space<vmem>>, %arg2: memref<16x64xf32, #tpu.memory_space<vmem>>, %arg3: memref<1x64xf32, #tpu.memory_space<vmem>>, %arg4: memref<16x64xf32, #tpu.memory_space<vmem>>, %arg5: memref<1x64xf32, #tpu.memory_space<vmem>>, %arg6: memref<2000x64xf32, #tpu.memory_space<vmem>>, %arg7: memref<2000x64xf32, #tpu.memory_space<vmem>>) attributes {dimension_semantics = [#tpu.dimension_semantics<arbitrary>], iteration_bounds = array<i64: 160>, scalar_prefetch = 0 : i64, scratch_operands = 0 : i64, tpu.core_type = #tpu.core_type<tc>, window_params = [{transform_indices = @transform_0, window_bounds = array<i64: 2000, 16>}, {pipeline_mode = #tpu.pipeline_mode<synchronous>, transform_indices = @transform_1, window_bounds = array<i64: 16, 64>}, {pipeline_mode = #tpu.pipeline_mode<synchronous>, transform_indices = @transform_2, window_bounds = array<i64: 1, 64>}, {pipeline_mode = #tpu.pipeline_mode<synchronous>, transform_indices = @transform_3, window_bounds = array<i64: 16, 64>}, {pipeline_mode = #tpu.pipeline_mode<synchronous>, transform_indices = @transform_4, window_bounds = array<i64: 1, 64>}, {transform_indices = @transform_5, window_bounds = array<i64: 2000, 64>}, {transform_indices = @transform_6, window_bounds = array<i64: 2000, 64>}]} {
    %get3A = arith.constant 0 : index
    %get3A_0 = arith.constant 0 : index
    %get3A_1 = vector.load %arg1[%get3A, %get3A_0] : memref<2000x16xf32, #tpu.memory_space<vmem>>, vector<2000x16xf32>
    %get3A_2 = arith.constant 0 : index
    %get3A_3 = arith.constant 0 : index
    %get3A_4 = vector.load %arg2[%get3A_2, %get3A_3] : memref<16x64xf32, #tpu.memory_space<vmem>>, vector<16x64xf32>
    %dot_general3A = arith.constant dense<0.000000e+00> : vector<2000x64xf32>
    %dot_general3A_5 = tpu.matmul %get3A_1, %get3A_4, %dot_general3A {dimension_numbers = #tpu.dot_dimension_numbers<[1], [0], [0], [1], [0, 0, 1, 1], [], []>, precision = #tpu.contract_precision<fp32>, transpose_lhs_hint = false} : vector<2000x16xf32>, vector<16x64xf32>, vector<2000x64xf32> -> vector<2000x64xf32>
    %get3A_6 = arith.constant 0 : index
    %get3A_7 = arith.constant 0 : index
    %get3A_8 = vector.load %arg3[%get3A_6, %get3A_7] : memref<1x64xf32, #tpu.memory_space<vmem>>, vector<1x64xf32>
    %add3A = vector.broadcast %get3A_8 : vector<1x64xf32> to vector<2000x64xf32>
    %add3A_9 = arith.addf %dot_general3A_5, %add3A : vector<2000x64xf32>
    %swap3A = arith.constant 0 : index
    %swap3A_10 = arith.constant 0 : index
    %swap3A_11 = vector.load %arg6[%swap3A, %swap3A_10] : memref<2000x64xf32, #tpu.memory_space<vmem>>, vector<2000x64xf32>
    tpu.vector_store %arg6[%swap3A, %swap3A_10], %add3A_9 {strides = array<i32>} : memref<2000x64xf32, #tpu.memory_space<vmem>>, vector<2000x64xf32>,
    %get3A_12 = arith.constant 0 : index
    %get3A_13 = arith.constant 0 : index
    %get3A_14 = vector.load %arg4[%get3A_12, %get3A_13] : memref<16x64xf32, #tpu.memory_space<vmem>>, vector<16x64xf32>
    %dot_general3A_15 = arith.constant dense<0.000000e+00> : vector<2000x64xf32>
    %dot_general3A_16 = tpu.matmul %get3A_1, %get3A_14, %dot_general3A_15 {dimension_numbers = #tpu.dot_dimension_numbers<[1], [0], [0], [1], [0, 0, 1, 1], [], []>, precision = #tpu.contract_precision<fp32>, transpose_lhs_hint = false} : vector<2000x16xf32>, vector<16x64xf32>, vector<2000x64xf32> -> vector<2000x64xf32>
    %get3A_17 = arith.constant 0 : index
    %get3A_18 = arith.constant 0 : index
    %get3A_19 = vector.load %arg5[%get3A_17, %get3A_18] : memref<1x64xf32, #tpu.memory_space<vmem>>, vector<1x64xf32>
    %add3A_20 = vector.broadcast %get3A_19 : vector<1x64xf32> to vector<2000x64xf32>
    %add3A_21 = arith.addf %dot_general3A_16, %add3A_20 : vector<2000x64xf32>
    %swap3A_22 = arith.constant 0 : index
    %swap3A_23 = arith.constant 0 : index
    %swap3A_24 = vector.load %arg7[%swap3A_22, %swap3A_23] : memref<2000x64xf32, #tpu.memory_space<vmem>>, vector<2000x64xf32>
    tpu.vector_store %arg7[%swap3A_22, %swap3A_23], %add3A_21 {strides = array<i32>} : memref<2000x64xf32, #tpu.memory_space<vmem>>, vector<2000x64xf32>,
    return
  }
  func.func @transform_0(%arg0: i32) -> (i32, i32) {
    %c0_i32 = arith.constant 0 : i32
    %c0_i32_0 = arith.constant 0 : i32
    return %arg0, %c0_i32 : i32, i32
  }
  func.func @transform_1(%arg0: i32) -> (i32, i32) {
    %c0_i32 = arith.constant 0 : i32
    %c0_i32_0 = arith.constant 0 : i32
    %c0_i32_1 = arith.constant 0 : i32
    return %c0_i32, %c0_i32_0 : i32, i32
  }
  func.func @transform_2(%arg0: i32) -> (i32, i32) {
    %c0_i32 = arith.constant 0 : i32
    %c0_i32_0 = arith.constant 0 : i32
    %c0_i32_1 = arith.constant 0 : i32
    return %c0_i32, %c0_i32_0 : i32, i32
  }
  func.func @transform_3(%arg0: i32) -> (i32, i32) {
    %c0_i32 = arith.constant 0 : i32
    %c0_i32_0 = arith.constant 0 : i32
    %c0_i32_1 = arith.constant 0 : i32
    return %c0_i32, %c0_i32_0 : i32, i32
  }
  func.func @transform_4(%arg0: i32) -> (i32, i32) {
    %c0_i32 = arith.constant 0 : i32
    %c0_i32_0 = arith.constant 0 : i32
    %c0_i32_1 = arith.constant 0 : i32
    return %c0_i32, %c0_i32_0 : i32, i32
  }
  func.func @transform_5(%arg0: i32) -> (i32, i32) {
    %c0_i32 = arith.constant 0 : i32
    %c0_i32_0 = arith.constant 0 : i32
    return %arg0, %c0_i32 : i32, i32
  }
  func.func @transform_6(%arg0: i32) -> (i32, i32) {
    %c0_i32 = arith.constant 0 : i32
    %c0_i32_0 = arith.constant 0 : i32
    return %arg0, %c0_i32 : i32, i32
  }
}

module attributes {stable_mosaic.version = 14 : i64} {
  func.func @_node_body(%arg0: i32, %arg1: memref<400x128xf32, #tpu.memory_space<vmem>>, %arg2: memref<2x400x128xf32, #tpu.memory_space<vmem>>, %arg3: memref<128x64xf32, #tpu.memory_space<vmem>>, %arg4: memref<1x64xf32, #tpu.memory_space<vmem>>, %arg5: memref<64x128xf32, #tpu.memory_space<vmem>>, %arg6: memref<1x128xf32, #tpu.memory_space<vmem>>, %arg7: memref<400x128xf32, #tpu.memory_space<vmem>>) attributes {dimension_semantics = [#tpu.dimension_semantics<arbitrary>], iteration_bounds = array<i64: 25>, scalar_prefetch = 0 : i64, scratch_operands = 0 : i64, tpu.core_type = #tpu.core_type<tc>, window_params = [{transform_indices = @transform_0, window_bounds = array<i64: 400, 128>}, {transform_indices = @transform_1, window_bounds = array<i64: 2, 400, 128>}, {pipeline_mode = #tpu.pipeline_mode<synchronous>, transform_indices = @transform_2, window_bounds = array<i64: 128, 64>}, {pipeline_mode = #tpu.pipeline_mode<synchronous>, transform_indices = @transform_3, window_bounds = array<i64: 1, 64>}, {pipeline_mode = #tpu.pipeline_mode<synchronous>, transform_indices = @transform_4, window_bounds = array<i64: 64, 128>}, {pipeline_mode = #tpu.pipeline_mode<synchronous>, transform_indices = @transform_5, window_bounds = array<i64: 1, 128>}, {transform_indices = @transform_6, window_bounds = array<i64: 400, 128>}]} {
    %get3A = arith.constant 0 : index
    %get3A_0 = arith.constant 0 : index
    %get3A_1 = vector.load %arg1[%get3A, %get3A_0] : memref<400x128xf32, #tpu.memory_space<vmem>>, vector<400x128xf32>
    %get3A_2 = arith.constant 0 : index
    %get3A_3 = arith.constant 0 : index
    %get3A_4 = arith.constant 0 : index
    %get3A_5 = vector.load %arg2[%get3A_2, %get3A_3, %get3A_4] : memref<2x400x128xf32, #tpu.memory_space<vmem>>, vector<1x400x128xf32>
    %get3A_6 = vector.shape_cast %get3A_5 : vector<1x400x128xf32> to vector<400x128xf32>
    %add3A = arith.addf %get3A_1, %get3A_6 : vector<400x128xf32>
    %get3A_7 = arith.constant 1 : index
    %get3A_8 = arith.constant 0 : index
    %get3A_9 = arith.constant 0 : index
    %get3A_10 = vector.load %arg2[%get3A_7, %get3A_8, %get3A_9] : memref<2x400x128xf32, #tpu.memory_space<vmem>>, vector<1x400x128xf32>
    %get3A_11 = vector.shape_cast %get3A_10 : vector<1x400x128xf32> to vector<400x128xf32>
    %add3A_12 = arith.addf %add3A, %get3A_11 : vector<400x128xf32>
    %get3A_13 = arith.constant 0 : index
    %get3A_14 = arith.constant 0 : index
    %get3A_15 = vector.load %arg3[%get3A_13, %get3A_14] : memref<128x64xf32, #tpu.memory_space<vmem>>, vector<128x64xf32>
    %dot_general3A = arith.constant dense<0.000000e+00> : vector<400x64xf32>
    %dot_general3A_16 = tpu.matmul %add3A_12, %get3A_15, %dot_general3A {dimension_numbers = #tpu.dot_dimension_numbers<[1], [0], [0], [1], [0, 0, 1, 1], [], []>, precision = #tpu.contract_precision<fp32>, transpose_lhs_hint = false} : vector<400x128xf32>, vector<128x64xf32>, vector<400x64xf32> -> vector<400x64xf32>
    %get3A_17 = arith.constant 0 : index
    %get3A_18 = arith.constant 0 : index
    %get3A_19 = vector.load %arg4[%get3A_17, %get3A_18] : memref<1x64xf32, #tpu.memory_space<vmem>>, vector<1x64xf32>
    %add3A_20 = vector.broadcast %get3A_19 : vector<1x64xf32> to vector<400x64xf32>
    %add3A_21 = arith.addf %dot_general3A_16, %add3A_20 : vector<400x64xf32>
    %max3A = arith.constant 0.000000e+00 : f32
    %max3A_22 = vector.broadcast %max3A : f32 to vector<400x64xf32>
    %max3A_23 = arith.maximumf %add3A_21, %max3A_22 : vector<400x64xf32>
    %get3A_24 = arith.constant 0 : index
    %get3A_25 = arith.constant 0 : index
    %get3A_26 = vector.load %arg5[%get3A_24, %get3A_25] : memref<64x128xf32, #tpu.memory_space<vmem>>, vector<64x128xf32>
    %dot_general3A_27 = arith.constant dense<0.000000e+00> : vector<400x128xf32>
    %dot_general3A_28 = tpu.matmul %max3A_23, %get3A_26, %dot_general3A_27 {dimension_numbers = #tpu.dot_dimension_numbers<[1], [0], [0], [1], [0, 0, 1, 1], [], []>, precision = #tpu.contract_precision<fp32>, transpose_lhs_hint = false} : vector<400x64xf32>, vector<64x128xf32>, vector<400x128xf32> -> vector<400x128xf32>
    %get3A_29 = arith.constant 0 : index
    %get3A_30 = arith.constant 0 : index
    %get3A_31 = vector.load %arg6[%get3A_29, %get3A_30] : memref<1x128xf32, #tpu.memory_space<vmem>>, vector<1x128xf32>
    %add3A_32 = vector.broadcast %get3A_31 : vector<1x128xf32> to vector<400x128xf32>
    %add3A_33 = arith.addf %dot_general3A_28, %add3A_32 : vector<400x128xf32>
    %max3A_34 = arith.constant 0.000000e+00 : f32
    %max3A_35 = vector.broadcast %max3A_34 : f32 to vector<400x128xf32>
    %max3A_36 = arith.maximumf %add3A_33, %max3A_35 : vector<400x128xf32>
    %swap3A = arith.constant 0 : index
    %swap3A_37 = arith.constant 0 : index
    %swap3A_38 = vector.load %arg7[%swap3A, %swap3A_37] : memref<400x128xf32, #tpu.memory_space<vmem>>, vector<400x128xf32>
    tpu.vector_store %arg7[%swap3A, %swap3A_37], %max3A_36 {strides = array<i32>} : memref<400x128xf32, #tpu.memory_space<vmem>>, vector<400x128xf32>,
    return
  }
  func.func @transform_0(%arg0: i32) -> (i32, i32) {
    %c0_i32 = arith.constant 0 : i32
    %c0_i32_0 = arith.constant 0 : i32
    return %arg0, %c0_i32 : i32, i32
  }
  func.func @transform_1(%arg0: i32) -> (i32, i32, i32) {
    %c0_i32 = arith.constant 0 : i32
    %c0_i32_0 = arith.constant 0 : i32
    %c0_i32_1 = arith.constant 0 : i32
    return %c0_i32, %arg0, %c0_i32_0 : i32, i32, i32
  }
  func.func @transform_2(%arg0: i32) -> (i32, i32) {
    %c0_i32 = arith.constant 0 : i32
    %c0_i32_0 = arith.constant 0 : i32
    %c0_i32_1 = arith.constant 0 : i32
    return %c0_i32, %c0_i32_0 : i32, i32
  }
  func.func @transform_3(%arg0: i32) -> (i32, i32) {
    %c0_i32 = arith.constant 0 : i32
    %c0_i32_0 = arith.constant 0 : i32
    %c0_i32_1 = arith.constant 0 : i32
    return %c0_i32, %c0_i32_0 : i32, i32
  }
  func.func @transform_4(%arg0: i32) -> (i32, i32) {
    %c0_i32 = arith.constant 0 : i32
    %c0_i32_0 = arith.constant 0 : i32
    %c0_i32_1 = arith.constant 0 : i32
    return %c0_i32, %c0_i32_0 : i32, i32
  }
  func.func @transform_5(%arg0: i32) -> (i32, i32) {
    %c0_i32 = arith.constant 0 : i32
    %c0_i32_0 = arith.constant 0 : i32
    %c0_i32_1 = arith.constant 0 : i32
    return %c0_i32, %c0_i32_0 : i32, i32
  }
  func.func @transform_6(%arg0: i32) -> (i32, i32) {
    %c0_i32 = arith.constant 0 : i32
    %c0_i32_0 = arith.constant 0 : i32
    return %arg0, %c0_i32 : i32, i32
  }
}

module attributes {stable_mosaic.version = 14 : i64} {
  func.func @_node_pool_body(%arg0: i32, %arg1: memref<400x128xf32, #tpu.memory_space<vmem>>, %arg2: memref<2x400x128xf32, #tpu.memory_space<vmem>>, %arg3: memref<1x1x400xi32, #tpu.memory_space<vmem>>, %arg4: memref<128x96xf32, #tpu.memory_space<vmem>>, %arg5: memref<1x96xf32, #tpu.memory_space<vmem>>, %arg6: memref<96x96xf32, #tpu.memory_space<vmem>>, %arg7: memref<1x96xf32, #tpu.memory_space<vmem>>, %arg8: memref<64x96xf32, #tpu.memory_space<vmem>>, %arg9: memref<64x128xf32, #tpu.memory_space<vmem>>) attributes {dimension_semantics = [#tpu.dimension_semantics<arbitrary>], iteration_bounds = array<i64: 25>, scalar_prefetch = 0 : i64, scratch_operands = 1 : i64, tpu.core_type = #tpu.core_type<tc>, window_params = [{transform_indices = @transform_0, window_bounds = array<i64: 400, 128>}, {transform_indices = @transform_1, window_bounds = array<i64: 2, 400, 128>}, {transform_indices = @transform_2, window_bounds = array<i64: 1, 1, 400>}, {pipeline_mode = #tpu.pipeline_mode<synchronous>, transform_indices = @transform_3, window_bounds = array<i64: 128, 96>}, {pipeline_mode = #tpu.pipeline_mode<synchronous>, transform_indices = @transform_4, window_bounds = array<i64: 1, 96>}, {pipeline_mode = #tpu.pipeline_mode<synchronous>, transform_indices = @transform_5, window_bounds = array<i64: 96, 96>}, {pipeline_mode = #tpu.pipeline_mode<synchronous>, transform_indices = @transform_6, window_bounds = array<i64: 1, 96>}, {pipeline_mode = #tpu.pipeline_mode<synchronous>, transform_indices = @transform_7, window_bounds = array<i64: 64, 96>}]} {
    %eq3A = arith.constant 0 : i32
    %eq3A_0 = arith.cmpi eq, %arg0, %eq3A : i32
    %convert_element_type3A = arith.extui %eq3A_0 : i1 to i32
    %cond3A = arith.constant 0 : i32
    %cond3A_1 = arith.cmpi ne, %convert_element_type3A, %cond3A : i32
    scf.if %cond3A_1 {
      %broadcast_in_dim3A_70 = arith.constant 0.000000e+00 : f32
      %broadcast_in_dim3A_71 = vector.broadcast %broadcast_in_dim3A_70 : f32 to vector<64x96xf32>
      %swap3A_72 = arith.constant 0 : index
      %swap3A_73 = arith.constant 0 : index
      %swap3A_74 = vector.load %arg8[%swap3A_72, %swap3A_73] : memref<64x96xf32, #tpu.memory_space<vmem>>, vector<64x96xf32>
      tpu.vector_store %arg8[%swap3A_72, %swap3A_73], %broadcast_in_dim3A_71 {strides = array<i32>} : memref<64x96xf32, #tpu.memory_space<vmem>>, vector<64x96xf32>,
      %broadcast_in_dim3A_75 = arith.constant 0.000000e+00 : f32
      %broadcast_in_dim3A_76 = vector.broadcast %broadcast_in_dim3A_75 : f32 to vector<64x128xf32>
      %swap3A_77 = arith.constant 0 : index
      %swap3A_78 = arith.constant 0 : index
      %swap3A_79 = vector.load %arg9[%swap3A_77, %swap3A_78] : memref<64x128xf32, #tpu.memory_space<vmem>>, vector<64x128xf32>
      tpu.vector_store %arg9[%swap3A_77, %swap3A_78], %broadcast_in_dim3A_76 {strides = array<i32>} : memref<64x128xf32, #tpu.memory_space<vmem>>, vector<64x128xf32>,
    } else {
    }
    %get3A = arith.constant 0 : index
    %get3A_2 = arith.constant 0 : index
    %get3A_3 = vector.load %arg1[%get3A, %get3A_2] : memref<400x128xf32, #tpu.memory_space<vmem>>, vector<400x128xf32>
    %get3A_4 = arith.constant 0 : index
    %get3A_5 = arith.constant 0 : index
    %get3A_6 = arith.constant 0 : index
    %get3A_7 = vector.load %arg2[%get3A_4, %get3A_5, %get3A_6] : memref<2x400x128xf32, #tpu.memory_space<vmem>>, vector<1x400x128xf32>
    %get3A_8 = vector.shape_cast %get3A_7 : vector<1x400x128xf32> to vector<400x128xf32>
    %add3A = arith.addf %get3A_3, %get3A_8 : vector<400x128xf32>
    %get3A_9 = arith.constant 1 : index
    %get3A_10 = arith.constant 0 : index
    %get3A_11 = arith.constant 0 : index
    %get3A_12 = vector.load %arg2[%get3A_9, %get3A_10, %get3A_11] : memref<2x400x128xf32, #tpu.memory_space<vmem>>, vector<1x400x128xf32>
    %get3A_13 = vector.shape_cast %get3A_12 : vector<1x400x128xf32> to vector<400x128xf32>
    %add3A_14 = arith.addf %add3A, %get3A_13 : vector<400x128xf32>
    %get3A_15 = arith.constant 0 : index
    %get3A_16 = arith.constant 0 : index
    %get3A_17 = vector.load %arg4[%get3A_15, %get3A_16] : memref<128x96xf32, #tpu.memory_space<vmem>>, vector<128x96xf32>
    %dot_general3A = arith.constant dense<0.000000e+00> : vector<400x96xf32>
    %dot_general3A_18 = tpu.matmul %add3A_14, %get3A_17, %dot_general3A {dimension_numbers = #tpu.dot_dimension_numbers<[1], [0], [0], [1], [0, 0, 1, 1], [], []>, precision = #tpu.contract_precision<fp32>, transpose_lhs_hint = false} : vector<400x128xf32>, vector<128x96xf32>, vector<400x96xf32> -> vector<400x96xf32>
    %get3A_19 = arith.constant 0 : index
    %get3A_20 = arith.constant 0 : index
    %get3A_21 = vector.load %arg5[%get3A_19, %get3A_20] : memref<1x96xf32, #tpu.memory_space<vmem>>, vector<1x96xf32>
    %add3A_22 = vector.broadcast %get3A_21 : vector<1x96xf32> to vector<400x96xf32>
    %add3A_23 = arith.addf %dot_general3A_18, %add3A_22 : vector<400x96xf32>
    %max3A = arith.constant 0.000000e+00 : f32
    %max3A_24 = vector.broadcast %max3A : f32 to vector<400x96xf32>
    %max3A_25 = arith.maximumf %add3A_23, %max3A_24 : vector<400x96xf32>
    %get3A_26 = arith.constant 0 : index
    %get3A_27 = arith.constant 0 : index
    %get3A_28 = vector.load %arg6[%get3A_26, %get3A_27] : memref<96x96xf32, #tpu.memory_space<vmem>>, vector<96x96xf32>
    %dot_general3A_29 = arith.constant dense<0.000000e+00> : vector<400x96xf32>
    %dot_general3A_30 = tpu.matmul %max3A_25, %get3A_28, %dot_general3A_29 {dimension_numbers = #tpu.dot_dimension_numbers<[1], [0], [0], [1], [0, 0, 1, 1], [], []>, precision = #tpu.contract_precision<fp32>, transpose_lhs_hint = false} : vector<400x96xf32>, vector<96x96xf32>, vector<400x96xf32> -> vector<400x96xf32>
    %get3A_31 = arith.constant 0 : index
    %get3A_32 = arith.constant 0 : index
    %get3A_33 = vector.load %arg7[%get3A_31, %get3A_32] : memref<1x96xf32, #tpu.memory_space<vmem>>, vector<1x96xf32>
    %add3A_34 = vector.broadcast %get3A_33 : vector<1x96xf32> to vector<400x96xf32>
    %add3A_35 = arith.addf %dot_general3A_30, %add3A_34 : vector<400x96xf32>
    %max3A_36 = arith.constant 0.000000e+00 : f32
    %max3A_37 = vector.broadcast %max3A_36 : f32 to vector<400x96xf32>
    %max3A_38 = arith.maximumf %add3A_35, %max3A_37 : vector<400x96xf32>
    %iota3A = tpu.iota {dimensions = array<i32: 0>} : vector<64x400xi32>
    %get3A_39 = arith.constant 0 : index
    %get3A_40 = arith.constant 0 : index
    %get3A_41 = arith.constant 0 : index
    %get3A_42 = vector.load %arg3[%get3A_39, %get3A_40, %get3A_41] : memref<1x1x400xi32, #tpu.memory_space<vmem>>, vector<1x1x400xi32>
    %get3A_43 = vector.shape_cast %get3A_42 : vector<1x1x400xi32> to vector<1x400xi32>
    %eq3A_44 = vector.broadcast %get3A_43 : vector<1x400xi32> to vector<64x400xi32>
    %eq3A_45 = arith.cmpi eq, %iota3A, %eq3A_44 : vector<64x400xi32>
    %convert_element_type3A_46 = arith.extui %eq3A_45 : vector<64x400xi1> to vector<64x400xi32>
    %convert_element_type3A_47 = arith.sitofp %convert_element_type3A_46 : vector<64x400xi32> to vector<64x400xf32>
    %get3A_48 = arith.constant 0 : index
    %get3A_49 = arith.constant 0 : index
    %get3A_50 = vector.load %arg8[%get3A_48, %get3A_49] : memref<64x96xf32, #tpu.memory_space<vmem>>, vector<64x96xf32>
    %dot_general3A_51 = arith.constant dense<0.000000e+00> : vector<64x96xf32>
    %dot_general3A_52 = tpu.matmul %convert_element_type3A_47, %max3A_38, %dot_general3A_51 {dimension_numbers = #tpu.dot_dimension_numbers<[1], [0], [0], [1], [0, 0, 1, 1], [], []>, precision = #tpu.contract_precision<fp32>, transpose_lhs_hint = false} : vector<64x400xf32>, vector<400x96xf32>, vector<64x96xf32> -> vector<64x96xf32>
    %add3A_53 = arith.addf %get3A_50, %dot_general3A_52 : vector<64x96xf32>
    %swap3A = arith.constant 0 : index
    %swap3A_54 = arith.constant 0 : index
    %swap3A_55 = vector.load %arg8[%swap3A, %swap3A_54] : memref<64x96xf32, #tpu.memory_space<vmem>>, vector<64x96xf32>
    tpu.vector_store %arg8[%swap3A, %swap3A_54], %add3A_53 {strides = array<i32>} : memref<64x96xf32, #tpu.memory_space<vmem>>, vector<64x96xf32>,
    %get3A_56 = arith.constant 0 : index
    %get3A_57 = arith.constant 0 : index
    %get3A_58 = vector.load %arg9[%get3A_56, %get3A_57] : memref<64x128xf32, #tpu.memory_space<vmem>>, vector<64x128xf32>
    %reduce_sum3A = arith.constant dense<0.000000e+00> : vector<64xf32>
    %reduce_sum3A_59 = vector.multi_reduction <add>, %convert_element_type3A_47, %reduce_sum3A [1] : vector<64x400xf32> to vector<64xf32>
    %broadcast_in_dim3A = vector.shape_cast %reduce_sum3A_59 : vector<64xf32> to vector<64x1xf32>
    %add3A_60 = vector.broadcast %broadcast_in_dim3A : vector<64x1xf32> to vector<64x128xf32>
    %add3A_61 = arith.addf %get3A_58, %add3A_60 : vector<64x128xf32>
    %swap3A_62 = arith.constant 0 : index
    %swap3A_63 = arith.constant 0 : index
    %swap3A_64 = vector.load %arg9[%swap3A_62, %swap3A_63] : memref<64x128xf32, #tpu.memory_space<vmem>>, vector<64x128xf32>
    tpu.vector_store %arg9[%swap3A_62, %swap3A_63], %add3A_61 {strides = array<i32>} : memref<64x128xf32, #tpu.memory_space<vmem>>, vector<64x128xf32>,
    %eq3A_65 = arith.constant 24 : i32
    %eq3A_66 = arith.cmpi eq, %arg0, %eq3A_65 : i32
    %convert_element_type3A_67 = arith.extui %eq3A_66 : i1 to i32
    %cond3A_68 = arith.constant 0 : i32
    %cond3A_69 = arith.cmpi ne, %convert_element_type3A_67, %cond3A_68 : i32
    scf.if %cond3A_69 {
      %get3A_70 = arith.constant 0 : index
      %get3A_71 = arith.constant 0 : index
      %get3A_72 = vector.load %arg8[%get3A_70, %get3A_71] : memref<64x96xf32, #tpu.memory_space<vmem>>, vector<64x96xf32>
      %get3A_73 = arith.constant 0 : index
      %get3A_74 = arith.constant 0 : index
      %get3A_75 = vector.load %arg9[%get3A_73, %get3A_74] : memref<64x128xf32, #tpu.memory_space<vmem>>, vector<64x1xf32>
      %max3A_76 = arith.constant 1.000000e+00 : f32
      %max3A_77 = vector.broadcast %max3A_76 : f32 to vector<64x1xf32>
      %max3A_78 = arith.maximumf %get3A_75, %max3A_77 : vector<64x1xf32>
      %div3A = vector.broadcast %max3A_78 : vector<64x1xf32> to vector<64x96xf32>
      %div3A_79 = arith.divf %get3A_72, %div3A : vector<64x96xf32>
      %swap3A_80 = arith.constant 0 : index
      %swap3A_81 = arith.constant 0 : index
      %swap3A_82 = vector.load %arg8[%swap3A_80, %swap3A_81] : memref<64x96xf32, #tpu.memory_space<vmem>>, vector<64x96xf32>
      tpu.vector_store %arg8[%swap3A_80, %swap3A_81], %div3A_79 {strides = array<i32>} : memref<64x96xf32, #tpu.memory_space<vmem>>, vector<64x96xf32>,
    } else {
    }
    return
  }
  func.func @transform_0(%arg0: i32) -> (i32, i32) {
    %c0_i32 = arith.constant 0 : i32
    %c0_i32_0 = arith.constant 0 : i32
    return %arg0, %c0_i32 : i32, i32
  }
  func.func @transform_1(%arg0: i32) -> (i32, i32, i32) {
    %c0_i32 = arith.constant 0 : i32
    %c0_i32_0 = arith.constant 0 : i32
    %c0_i32_1 = arith.constant 0 : i32
    return %c0_i32, %arg0, %c0_i32_0 : i32, i32, i32
  }
  func.func @transform_2(%arg0: i32) -> (i32, i32, i32) {
    %c0_i32 = arith.constant 0 : i32
    %c0_i32_0 = arith.constant 0 : i32
    %c0_i32_1 = arith.constant 0 : i32
    return %arg0, %c0_i32, %c0_i32_0 : i32, i32, i32
  }
  func.func @transform_3(%arg0: i32) -> (i32, i32) {
    %c0_i32 = arith.constant 0 : i32
    %c0_i32_0 = arith.constant 0 : i32
    %c0_i32_1 = arith.constant 0 : i32
    return %c0_i32, %c0_i32_0 : i32, i32
  }
  func.func @transform_4(%arg0: i32) -> (i32, i32) {
    %c0_i32 = arith.constant 0 : i32
    %c0_i32_0 = arith.constant 0 : i32
    %c0_i32_1 = arith.constant 0 : i32
    return %c0_i32, %c0_i32_0 : i32, i32
  }
  func.func @transform_5(%arg0: i32) -> (i32, i32) {
    %c0_i32 = arith.constant 0 : i32
    %c0_i32_0 = arith.constant 0 : i32
    %c0_i32_1 = arith.constant 0 : i32
    return %c0_i32, %c0_i32_0 : i32, i32
  }
  func.func @transform_6(%arg0: i32) -> (i32, i32) {
    %c0_i32 = arith.constant 0 : i32
    %c0_i32_0 = arith.constant 0 : i32
    %c0_i32_1 = arith.constant 0 : i32
    return %c0_i32, %c0_i32_0 : i32, i32
  }
  func.func @transform_7(%arg0: i32) -> (i32, i32) {
    %c0_i32 = arith.constant 0 : i32
    %c0_i32_0 = arith.constant 0 : i32
    %c0_i32_1 = arith.constant 0 : i32
    return %c0_i32, %c0_i32_0 : i32, i32
  }
}

</mosaic_0001>

<sc_bundles>
// kernel: kernel.10.cloned.1.call-start
scs
__scs_entry_jumppad:
0x0: {  	(pc) =	sbr.rel $0x88, $3  }
0x1: {  	(tag) =	ssettag $0x0;
	lr =	simm.s32 $0x1  }
0x2: {  	[smem:$0x3F7F] =	sst lr;
	_ =	strace $0xD0000000  }
0x3: {  	_ = 	snop  }
0x4: {  	_ = 	snop  }
0x5: {  	_ = 	snop  }
0x6: {  	_ = 	snop  }
0x7: {  	_ = 	snop  }
__scs_overlays_trampoline_lowered:
0x8: {  	[smem:$0x3F8E] =	sst s0  }
0x9: {  	[smem:$0x3F8F] =	sst s1  }
0xa: {  	[smem:$0x3F90] =	sst s2  }
0xb: {  	[smem:$0x3F91] =	sst s3  }
0xc: {  	[smem:$0x3F92] =	sst s4  }
0xd: {  	[smem:$0x3F93] =	sst s5  }
0xe: {  	[smem:$0x3F94] =	sst s6  }
0xf: {  	[smem:$0x3F95] =	sst s7  }
0x10: {  	[smem:$0x3F96] =	sst s8  }
0x11: {  	[smem:$0x3F97] =	sst s9;
	s0 =	simm.s32 @!p0 $0x0  }
0x12: {  	s1 =	sld [smem:$0x3F7D];
	s0 =	simm.s32 @p0 $0x1  }
0x13: {  	[smem:$0x3F98] =	sst s0;
	s0 =	simm.s32 @!p1 $0x0  }
0x14: {  	s2 =	sld [smem:$0x3F7C];
	s0 =	simm.s32 @p1 $0x1  }
0x15: {  	[smem:$0x3F99] =	sst s0;
	s0 =	simm.s32 @!p2 $0x0  }
0x16: {  	s3 =	sld [smem:$0x3FDB];
	s0 =	simm.s32 @p2 $0x1  }
0x17: {  	s4 =	simm.s32 $0x1BF5;
	[smem:$0x3F9B] =	sst s0  }
0x18: {  	s0 =	sld [smem:$0x3F7E];
	_ =	swait.ge [sflag:s4], $0x0  }
0x19: {  	s7 =	sld [smem:$0x3F7F]  }
0x1a: {  	s8 =	sadd.s32 $0xFFFFE003, lr  }
0x1b: {  	s9 =	sadd.s32 $0xFFFFFEF7, lr;
	s5 =	simm.s32 $0xFFFFFFFF;
	p2 =	slt.u32 s8, $0xFFFFF086  }
0x1c: {  	p1 =	slt.u32 s9, $0xF7A;
	s5 =	simm.s32 @!p2 $0x0  }
0x1d: {  	s5 =	simm.s32 @p1 $0x1;
	p0 =	seq.s32 s7, s2  }
0x1e: {  	s7 =	smul.u32 @!p0 $0xF7A, s2;
	p2 =	seq.s32 @!p0 s5, $0x0  }
0x1f: {  	s9 =	smul.u32 $0xF7A, s1;
	s8 =	simm.s32 @!p0 $0x1BF5;
	p2 =	por !p2, p0  }
0x20: {  	[sflag:s8] =	ssyncset.s32 @!p0 $0xFFFFF086;
	s6 =	sadd.s32 @!p0 s3, s7;
	s7 =	simm.s32 @!p0 $0x108  }
0x21: {  	s3 =	sadd.s32 s3, s9;
	s6 =	sadd.s32 @!p0 $0x88, s6;
	s7 =	simm.s32 @p2 $0x1082  }
0x22: {  	[simem:s7], [sflag:s8] =	dma.local @!p0 [hbm:s6], $0xF7A  }
0x23: {  	s9 =	sor.u32 $0xD0000000, s2;
	s6 =	simm.s32 $0x108;
	_ =	swait.ge @!p0 [sflag:s8], $0x0  }
0x24: {  	s3 =	sadd.s32 $0x88, s3;
	s6 =	simm.s32 @!p1 $0x1082;
	[sflag:s4] =	ssyncset.s32 $0xFFFFF086  }
0x25: {  	[simem:s6], [sflag:s4] =	dma.local [hbm:s3], $0xF7A  }
0x26: {  	[smem:$0x3F7F] =	sst s1;
	(tag) =	ssettag s2;
	_ =	strace s9  }
0x27: {  	s1 =	sld [smem:$0x3F8F]  }
0x28: {  	s2 =	sld [smem:$0x3F90]  }
0x29: {  	s4 =	sld [smem:$0x3F92]  }
0x2a: {  	p0 =	seq.s32 s5, $0x0;
	s5 =	sld [smem:$0x3F93]  }
0x2b: {  	s6 =	sld [smem:$0x3F94]  }
0x2c: {  	s7 =	sld [smem:$0x3F95]  }
0x2d: {  	s3 =	simm.s32 $0x108;
	s8 =	sld [smem:$0x3F96]  }
0x2e: {  	s3 =	simm.s32 @!p0 $0x1082;
	s9 =	sld [smem:$0x3F97]  }
0x2f: {  	lr =	sadd.s32 s0, s3;
	s0 =	sld [smem:$0x3F8E]  }
0x30: {  	s3 =	sld [smem:$0x3F91]  }
0x31: {  	[smem:$0x3F9A] =	sst s10  }
0x32: {  	s10 =	sld [smem:$0x3F98];
	_ =	sdelay $0x3  }
0x33: {  	p0 =	seq.s32 s10, $0x1;
	s10 =	sld [smem:$0x3F9A];
	_ =	sdelay $0x3  }
0x34: {  	[smem:$0x3F9A] =	sst s10  }
0x35: {  	s10 =	sld [smem:$0x3F99];
	_ =	sdelay $0x3  }
0x36: {  	p1 =	seq.s32 s10, $0x1;
	s10 =	sld [smem:$0x3F9A];
	_ =	sdelay $0x3  }
0x37: {  	[smem:$0x3F9A] =	sst s10  }
0x38: {  	s10 =	sld [smem:$0x3F9B]  }
0x39: {  	_ = 	snop;
	(pc) =	sbr.ind lr, $3  }
0x3a: {  	_ = 	snop  }
0x3b: {  	_ = 	snop  }
0x3c: {  	p2 =	seq.s32 s10, $0x1;
	s10 =	sld [smem:$0x3F9A]  }
0x3d: {  	_ =	shalt  }
0x3e: {  	_ =	shalt  }
0x3f: {  	_ =	shalt  }
0x40: {  	_ =	shalt  }
0x41: {  	_ =	shalt  }
0x42: {  	_ =	shalt  }
0x43: {  	_ =	shalt  }
0x44: {  	_ =	shalt  }
0x45: {  	_ =	shalt  }
0x46: {  	_ =	shalt  }
0x47: {  	_ =	shalt  }
0x48: {  	_ =	shalt  }
0x49: {  	_ =	shalt  }
0x4a: {  	_ =	shalt  }
0x4b: {  	_ =	shalt  }
0x4c: {  	_ =	shalt  }
0x4d: {  	_ =	shalt  }
0x4e: {  	_ =	shalt  }
0x4f: {  	_ =	shalt  }
0x50: {  	_ =	shalt  }
0x51: {  	_ =	shalt  }
0x52: {  	_ =	shalt  }
0x53: {  	_ =	shalt  }
0x54: {  	_ =	shalt  }
0x55: {  	_ =	shalt  }
0x56: {  	_ =	shalt  }
0x57: {  	_ =	shalt  }
0x58: {  	_ =	shalt  }
0x59: {  	_ =	shalt  }
0x5a: {  	_ =	shalt  }
0x5b: {  	_ =	shalt  }
0x5c: {  	_ =	shalt  }
0x5d: {  	_ =	shalt  }
0x5e: {  	_ =	shalt  }
0x5f: {  	_ =	shalt  }
0x60: {  	_ =	shalt  }
0x61: {  	_ =	shalt  }
0x62: {  	_ =	shalt  }
0x63: {  	_ =	shalt  }
0x64: {  	_ =	shalt  }
0x65: {  	_ =	shalt  }
0x66: {  	_ =	shalt  }
0x67: {  	_ =	shalt  }
0x68: {  	_ =	shalt  }
0x69: {  	_ =	shalt  }
0x6a: {  	_ =	shalt  }
0x6b: {  	_ =	shalt  }
0x6c: {  	_ =	shalt  }
0x6d: {  	_ =	shalt  }
0x6e: {  	_ =	shalt  }
0x6f: {  	_ =	shalt  }
0x70: {  	_ =	shalt  }
0x71: {  	_ =	shalt  }
0x72: {  	_ =	shalt  }
0x73: {  	_ =	shalt  }
0x74: {  	_ =	shalt  }
0x75: {  	_ =	shalt  }
0x76: {  	_ =	shalt  }
0x77: {  	_ =	shalt  }
0x78: {  	_ =	shalt  }
0x79: {  	_ =	shalt  }
0x7a: {  	_ =	shalt  }
0x7b: {  	_ =	shalt  }
0x7c: {  	_ =	shalt  }
0x7d: {  	_ =	shalt  }
0x7e: {  	_ =	shalt  }
0x7f: {  	_ =	shalt  }
0x80: {  	_ =	shalt  }
0x81: {  	_ =	shalt  }
0x82: {  	_ =	shalt  }
0x83: {  	_ =	shalt  }
0x84: {  	_ =	shalt  }
0x85: {  	_ =	shalt  }
0x86: {  	_ =	shalt  }
0x87: {  	_ =	shalt  }
.Lfunc_end0:
.L_simem_size_0:
called_computation_lowered:
.L_overlay_start_0:
0x88: {  	s2 =	sld [smem:$0x3FD9]  }
0x89: {  	s3 =	sld [smem:$0x3FFE];
	_ =	sdelay $0x1  }
0x8a: {  	s1 =	srdreg.scid  }
0x8b: {  	s0 =	sand.u32 $0x1, s1  }
0x8c: {  	s17 =	sshll.u32 s0, $0xA;
	s2 =	sadd.s32 s3, s2  }
0x8d: {  	s2 =	sadd.s32 s2, s17  }
0x8e: {  	[smem:$0x3FA6] =	sst s2  }
0x8f: {  	_ = 	snop  }
0x90: {  	s2 =	sld [smem:$0x3FC9];
	(tm) =	ssettm $0x1  }
0x91: {  	s18 =	sld [smem:$0x3FFB];
	_ =	sdelay $0x3  }
0x92: {  	_ =	strace s18  }
0x93: {  	s3 =	sld [smem:$0x3FFC];
	_ =	sdelay $0x3  }
0x94: {  	_ =	strace s3  }
0x95: {  	s3 =	sld [smem:$0x3FFD];
	_ =	sdelay $0x3  }
0x96: {  	_ =	strace s3  }
0x97: {  	_ =	strace $0x8FFFFFFF  }
0x98: {  	s19 =	sld [smem:$0x3FDB];
	_ =	sdelay $0x1  }
0x99: {  	s4 =	simm.s32 $_scs_section_size  }
0x9a: {  	s5 =	simm.s32 $_size__tile_overlayer_lowered;
	s6 =	simm.s32 $_tile_overlayer_lowered  }
0x9b: {  	s22 =	simm.s32 $0x1BFF;
	s21 =	sshll.u32 s6, $0x1;
	s3 =	sadd.s32 s4, s19  }
0x9c: {  	s7 =	simm.s32 $0x0;
	s20 =	sshll.u32 s5, $0x1;
	s5 =	sadd.s32 s21, s3  }
0x9d: {  	[timem:s7], [sflag:s22] =	dma.local [hbm:s5], s20  }
0x9e: {  	_ =	swait.ge [sflag:s22], s20  }
0x9f: {  	s4 =	ssub.s32 $0x0, s20;
	[sflag:s22] =	ssyncset.done $0x0  }
0xa0: {  	[sflag:s22] =	ssyncadd.s32 s4;
	_ =	sdelay $0x1  }
0xa1: {  	s23 =	simm.s32 $0x1B8B  }
0xa2: {  	_ =	swait.ge [sflag:s23], $0x1  }
0xa3: {  	[sflag:s23] =	ssyncset.done $0x0  }
0xa4: {  	s25 =	simm.s32 $0x1B8E;
	s24 =	sld [smem:$0x3FFE];
	[sflag:s23] =	ssyncadd.s32 $0xFFFFFFFF  }
0xa5: {  	s26 =	simm.s32 $execute0_lowered;
	[smem:$0x3FD2] =	sst s25  }
0xa6: {  	s5 =	sshll.u32 s26, $0x1;
	_ =	strace $0x80000046;
	[dreg:$0x1] =	wrdreg $0xFFFFFFFF  }
0xa7: {  	s28 =	simm.s32 $_size_execute0_lowered;
	s3 =	sadd.s32 s3, s5;
	[dreg:$0x0] =	wrdreg $0x0  }
0xa8: {  	s5 =	sshll.u32 s28, $0x1;
	[dreg:$0x2] =	wrdreg s3  }
0xa9: {  	[dreg:$0x3] =	wrdreg s5  }
0xaa: {  	[dreg:$0x4] =	wrdreg $0xC0  }
0xab: {  	_ =	task [dreg:s7], $0x5FFFF  }
0xac: {  	[dreg:$0x1] =	wrdreg $0xFFFFFFFF  }
0xad: {  	[dreg:$0x0] =	wrdreg $0x60  }
0xae: {  	[dreg:$0x2] =	wrdreg s2  }
0xaf: {  	[dreg:$0x3] =	wrdreg s24  }
0xb0: {  	[dreg:$0x4] =	wrdreg $0x0  }
0xb1: {  	[dreg:$0x5] =	wrdreg $0x9  }
0xb2: {  	_ =	task.clear_ibuf [dreg:s7], $0x6FFFF;
	_ =	strace $0x90000046  }
0xb3: {  	s29 =	simm.s32 $0x9;
	_ =	strace $0x80000048  }
0xb4: {  	_ =	swait.ge [sflag:s29], $0x1  }
0xb5: {  	[sflag:s29] =	ssyncadd.s32 $0xFFFFFFFF  }
0xb6: {  	_ =	strace $0x90000048  }
0xb7: {  	_ =	sfence  }
0xb8: {  	s30 =	sld [smem:$0x0];
	_ =	sdelay $0x2  }
0xb9: {  	s31 =	sshll.u32 s1, $0xD;
	s1 =	sshrl.u32 s1, $0x2  }
0xba: {  	s3 =	sand.u32 $0x4000, s31;
	s1 =	sadd.s32 s1, s30  }
0xbb: {  	s0 =	sor.u32 s3, s0;
	s1 =	sshll.u32 s1, $0x11  }
0xbc: {  	s0 =	sor.u32 s1, s0  }
0xbd: {  	s0 =	sadd.s32 $0x8F2B, s0  }
0xbe: {  	[sflag:s0] =	ssyncadd.remote.s32 $0x1  }
0xbf: {  	_ =	sfence.sel $0xFFFF  }
0xc0: {  	[dreg:$0x0] =	wrdreg $0xFFFFFFFF;
	(pc) =	sbr.abs _section_cstart, $3  }
0xc1: {  	[dreg:$0x1] =	wrdreg $0xFFFFFFFF  }
0xc2: {  	_ =	task.clear_ibuf [dreg:s7], $0x2FFFF;
	_ =	strace $0x9FFFFFFF  }
0xc3: {  	(tm) =	ssettm $0x7FFFFFFF  }
tec
execute0_lowered:
.L_overlay_start_1:
0x0: {  	(tag) =	ssettag $0x1  }
0x1: {  	s1 =	rddreg [dreg:$0x0]  }
0x2: {  	s7 =	rddreg [dreg:$0x1]  }
0x3: {  	s2 =	rddreg [dreg:$0x2];
	s3 =	srdreg.scid  }
0x4: {  	s0 =	rddreg [dreg:$0x3];
	s4 =	simm.s32 $0x0;
	s16 =	simm.s32 $0x13880  }
0x5: {  	s17 =	simm.s32 $0x17980;
	s18 =	simm.s32 $0x80;
	s19 =	simm.s32 $0x1  }
0x6: {  	s20 =	simm.s32 $0x2;
	s21 =	simm.s32 $0x13900;
	s22 =	simm.s32 $0x3  }
0x7: {  	s23 =	simm.s32 $0x0;
	s10 =	sand.u32 $0x1, s3;
	s3 =	stileid.u32  }
0x8: {  	[smem:$0x7FF] =	sst s4;
	s5 =	sshll.u32 s10, $0x4;
	s31 =	smul.u32 $0xA000, s3  }
0x9: {  	_ =	strace $0x80000047;
	s8 =	ssub.s32 $0x2, s10;
	s13 =	smul.u32 $0x138800, s10  }
0xa: {  	p0 =	slt.u32 s3, $0xD;
	s10 =	simm.s32 $0x8;
	s15 =	smul.u32 $0x2800, s3  }
0xb: {  	s6 =	sor.u32 s3, s5;
	s5 =	sadd.s32 $0x4FC400, s7;
	s9 =	sshrl.u32 s8, $0x1  }
0xc: {  	s10 =	simm.s32 @!p0 $0x7;
	s11 =	smul.u32 $0x9C4, s6;
	s6 =	sadd.s32 $0x4E8A00, s7  }
0xd: {  	s7 =	sadd.s32 $0x9DE400, s7;
	s12 =	ssub.s32 s8, s9;
	s14 =	sshrl.u32 s31, $0x2  }
0xe: {  	s13 =	sadd.s32 s15, s13;
	s15 =	simm.s32 $0x4;
	s30 =	sadd.s32 $0x9C4, s11  }
0xf: {  	s8 =	sshrl.u32 s11, $0x5;
	s11 =	smax.u32 s12, $0x1;
	s9 =	sshrl.u32 s30, $0x5  }
0x10: {  	v0 =	vimm.f32 $0.0e+00;
	s12 =	sadd.s32 s14, s2;
	s14 =	simm.s32 $0x13980;
	p0 =	sge.u32 s8, s9  }
.LBB2_1:
0x11: {  	s24 =	simm.s32 $0x0;
	s25 =	simm.s32 $0x200  }
.LBB2_2:
0x12: {  	p1 =	sne.s32 s25, $0x9E00;
	[tilespmem:s24+$0x139F0] =	vst v0  }
0x13: {  	[tilespmem:s24+$0x13980] =	vst v0  }
0x14: {  	[tilespmem:s24+$0x13990] =	vst v0  }
.Ltmp0:
0x15: {  	[tilespmem:s24+$0x139A0] =	vst v0;
	(pc) =	sbr.rel @p1 .LBB2_2-.Ltmp0, $4  }
0x16: {  	[tilespmem:s24+$0x139B0] =	vst v0  }
0x17: {  	[tilespmem:s24+$0x139C0] =	vst v0  }
0x18: {  	[tilespmem:s24+$0x139D0] =	vst v0  }
0x19: {  	[tilespmem:s24+$0x139E0] =	vst v0;
	s24 =	sshra.s32 s25, $0x2;
	s25 =	sadd.s32 $0x200, s25  }
0x1a: {  	[tilespmem:s24+$0x139F0] =	vst v0  }
0x1b: {  	[tilespmem:s24+$0x13980] =	vst v0  }
0x1c: {  	[tilespmem:s24+$0x13990] =	vst v0  }
0x1d: {  	[tilespmem:s24+$0x139A0] =	vst v0  }
0x1e: {  	[tilespmem:s24+$0x139B0] =	vst v0  }
0x1f: {  	[tilespmem:s24+$0x139C0] =	vst v0;
	p1 =	sne.s32 s10, $0x1  }
.Ltmp1:
0x20: {  	[tilespmem:s24+$0x139D0] =	vst v0;
	(pc) =	sbr.rel @!p1 .LBB2_5-.Ltmp1, $4  }
0x21: {  	[tilespmem:s24+$0x139E0] =	vst v0  }
0x22: {  	[spmem:s12] =	stream.linear.scatter [tilespmem:s14], [sflag:$0x4], $0x2800, $0x38;
	[tilespmem:$0x1B980] =	vst v63  }
0x23: {  	_ =	swait.ge [sflag:s15], $0x2800  }
0x24: {  	s24 =	sadd.s32 $0xFFFFFFFF, s10;
	s25 =	smov.u32 s12;
	[sflag:s15] =	ssyncset.done $0x0  }
.LBB2_4:
0x25: {  	p2 =	sne.s32 s24, $0x1;
	[sflag:s15] =	ssyncadd.s32 $0xFFFFD800;
	s25 =	sadd.s32 $0x28000, s25  }
.Ltmp2:
0x26: {  	s24 =	sadd.s32 $0xFFFFFFFF, s24;
	(pc) =	sbr.rel @p2 .LBB2_4-.Ltmp2, $4  }
0x27: {  	_ = 	snop  }
0x28: {  	[spmem:s25] =	stream.linear.scatter [tilespmem:s14], [sflag:$0x4], $0x2800, $0x38;
	[tilespmem:$0x1B980] =	vst v63  }
0x29: {  	_ =	swait.ge [sflag:s15], $0x2800  }
0x2a: {  	[sflag:s15] =	ssyncset.done $0x0  }
.LBB2_5:
.Ltmp3:
0x2b: {  	(pc) =	sbr.rel @p0 .LBB2_10-.Ltmp3, $4  }
0x2c: {  	_ = 	snop  }
0x2d: {  	[sflag:s15] =	ssyncadd.s32 $0xFFFFD800  }
0x2e: {  	[bflag:$0x0] =	sbarrier.arrive $0xFFFF  }
0x2f: {  	s24 =	smov.u32 s8  }
.LBB2_6:
0x30: {  	s25 =	sshll.u32 s24, $0x5  }
0x31: {  	s25 =	sadd.s32 s6, s25  }
0x32: {  	[tilespmem:s16], [sflag:$0x4] =	stream.linear.gather [hbm4b:s25+s4], $0x100, $0x38;
	[tilespmem:$0x1B980] =	vst v63  }
0x33: {  	_ =	swait.ge [sflag:s15], $0x100  }
0x34: {  	s31 =	sshll.u32 s24, $0xB;
	[sflag:s15] =	ssyncset.done $0x0  }
0x35: {  	p2 =	sle.u32 s24, s8;
	s25 =	sadd.s32 s5, s31;
	[sflag:s15] =	ssyncadd.s32 $0xFFFFFF00  }
0x36: {  	[tilespmem:s17], [sflag:$0x2] =	stream.linear.gather [hbm4b:s25+s4], $0x4000, $0x38;
	[tilespmem:$0x1B980] =	vst v63  }
0x37: {  	s25 =	simm.s32 @!p2 $0x3  }
0x38: {  	_ =	swait.ge @!p2 [sflag:s25], $0x4000  }
0x39: {  	[sflag:s25] =	ssyncset.done @!p2 $0x0  }
0x3a: {  	[sflag:s25] =	ssyncadd.s32 @!p2 $0xFFFFC000  }
0x3b: {  	[tilespmem:s14], [sflag:$0x1] =	stream.indirect.gather [hbm4b:s1+s18], $0x80, s16, s18, $0xb8;
	[tilespmem:$0x1B980] =	vst v63  }
0x3c: {  	_ =	swait.ge [sflag:s19], $0x4000  }
0x3d: {  	[sflag:s19] =	ssyncset.done $0x0  }
0x3e: {  	[sflag:s19] =	ssyncadd.s32 $0xFFFFC000  }
0x3f: {  	_ =	swait.ge [sflag:s20], $0x4000  }
0x40: {  	[sflag:s20] =	ssyncset.done $0x0  }
0x41: {  	s25 =	simm.s32 $0x0;
	[sflag:s20] =	ssyncadd.s32 $0xFFFFC000  }
0x42: {  	v7 =	vld [tilespmem:s25+$0x17980]  }
0x43: {  	v8 =	vld [tilespmem:s25+$0x17990]  }
0x44: {  	v9 =	vld [tilespmem:s25+$0x179A0]  }
0x45: {  	v10 =	vld [tilespmem:s25+$0x179B0]  }
0x46: {  	v11 =	vld [tilespmem:s25+$0x179C0]  }
0x47: {  	v12 =	vld [tilespmem:s25+$0x179D0]  }
0x48: {  	v13 =	vld [tilespmem:s25+$0x179E0]  }
0x49: {  	v14 =	vld [tilespmem:s25+$0x179F0]  }
0x4a: {  	v15 =	vld [tilespmem:s25+$0x17A00]  }
0x4b: {  	v16 =	vld [tilespmem:s25+$0x17A10]  }
0x4c: {  	v6 =	vld [tilespmem:s25+$0x17A20]  }
0x4d: {  	v5 =	vld [tilespmem:s25+$0x17A30]  }
0x4e: {  	v4 =	vld [tilespmem:s25+$0x17A40]  }
0x4f: {  	v17 =	vld [tilespmem:s25+$0x13980]  }
0x50: {  	v18 =	vld [tilespmem:s25+$0x13990]  }
0x51: {  	v3 =	vld [tilespmem:s25+$0x17A50]  }
0x52: {  	v19 =	vld [tilespmem:s25+$0x139A0]  }
0x53: {  	v20 =	vld [tilespmem:s25+$0x139B0]  }
0x54: {  	v2 =	vld [tilespmem:s25+$0x17A60];
	v7 =	vadd.f32 v7, v17  }
0x55: {  	v21 =	vld [tilespmem:s25+$0x139C0];
	v8 =	vadd.f32 v8, v18  }
0x56: {  	v60 =	vld [tilespmem:s25+$0x139D0];
	v7 =	vmax.f32 v7, $0.0e+00  }
0x57: {  	v1 =	vld [tilespmem:s25+$0x17A70];
	v8 =	vmax.f32 v8, $0.0e+00;
	[tilespmem:s25+$0x13980] =	vst v7;
	v7 =	vadd.f32 v9, v19  }
0x58: {  	v22 =	vld [tilespmem:s25+$0x139E0];
	[tilespmem:s25+$0x13990] =	vst v8;
	v8 =	vadd.f32 v10, v20  }
0x59: {  	v61 =	vld [tilespmem:s25+$0x139F0];
	v7 =	vmax.f32 v7, $0.0e+00  }
0x5a: {  	v62 =	vld [tilespmem:s25+$0x13A00];
	v9 =	vmax.f32 v8, $0.0e+00;
	[tilespmem:s25+$0x139A0] =	vst v7;
	v7 =	vadd.f32 v11, v21  }
0x5b: {  	v63 =	vld [tilespmem:s25+$0x13A10];
	[tilespmem:s25+$0x139B0] =	vst v9;
	v9 =	vadd.f32 v12, v60  }
0x5c: {  	v8 =	vld [tilespmem:s25+$0x13A20];
	v10 =	vmax.f32 v7, $0.0e+00  }
0x5d: {  	v7 =	vld [tilespmem:s25+$0x13A30];
	v11 =	vmax.f32 v9, $0.0e+00;
	[tilespmem:s25+$0x139C0] =	vst v10;
	v10 =	vadd.f32 v13, v22  }
0x5e: {  	v9 =	vld [tilespmem:s25+$0x13A40];
	[tilespmem:s25+$0x139D0] =	vst v11;
	v11 =	vadd.f32 v14, v61  }
0x5f: {  	v13 =	vadd.f32 v15, v62;
	v12 =	vmax.f32 v10, $0.0e+00;
	v10 =	vld [tilespmem:s25+$0x13A50]  }
0x60: {  	s26 =	simm.s32 $0x400;
	v14 =	vmax.f32 v11, $0.0e+00;
	v11 =	vld [tilespmem:s25+$0x13A60];
	[tilespmem:s25+$0x139E0] =	vst v12;
	v12 =	vadd.f32 v16, v63  }
.LBB2_7:
0x61: {  	s28 =	sshra.s32 s26, $0x2;
	p2 =	sne.s32 s26, $0xFC00;
	[tilespmem:s25+$0x139F0] =	vst v14;
	v13 =	vmax.f32 v13, $0.0e+00;
	v6 =	vadd.f32 v6, v8;
	v8 =	vld [tilespmem:s25+$0x13A70]  }
0x62: {  	v14 =	vld [tilespmem:s28+$0x17980];
	[tilespmem:s25+$0x13A00] =	vst v13;
	v12 =	vmax.f32 v12, $0.0e+00;
	v5 =	vadd.f32 v5, v7  }
0x63: {  	v7 =	vld [tilespmem:s28+$0x17990];
	[tilespmem:s25+$0x13A10] =	vst v12;
	v6 =	vmax.f32 v6, $0.0e+00;
	v4 =	vadd.f32 v4, v9  }
0x64: {  	v9 =	vld [tilespmem:s28+$0x179A0];
	[tilespmem:s25+$0x13A20] =	vst v6;
	v5 =	vmax.f32 v5, $0.0e+00;
	v3 =	vadd.f32 v3, v10  }
0x65: {  	v10 =	vld [tilespmem:s28+$0x179B0];
	[tilespmem:s25+$0x13A30] =	vst v5;
	v4 =	vmax.f32 v4, $0.0e+00;
	v2 =	vadd.f32 v2, v11  }
0x66: {  	v11 =	vld [tilespmem:s28+$0x179C0];
	[tilespmem:s25+$0x13A40] =	vst v4;
	v3 =	vmax.f32 v3, $0.0e+00;
	v1 =	vadd.f32 v1, v8  }
0x67: {  	v8 =	vld [tilespmem:s28+$0x179D0];
	[tilespmem:s25+$0x13A50] =	vst v3;
	v2 =	vmax.f32 v2, $0.0e+00  }
0x68: {  	v12 =	vld [tilespmem:s28+$0x179E0];
	[tilespmem:s25+$0x13A60] =	vst v2;
	v1 =	vmax.f32 v1, $0.0e+00  }
0x69: {  	v13 =	vld [tilespmem:s28+$0x179F0];
	[tilespmem:s25+$0x13A70] =	vst v1;
	s25 =	smov.u32 s28  }
0x6a: {  	v15 =	vld [tilespmem:s25+$0x17A00]  }
0x6b: {  	v16 =	vld [tilespmem:s25+$0x17A10]  }
0x6c: {  	v6 =	vld [tilespmem:s25+$0x17A20]  }
0x6d: {  	v5 =	vld [tilespmem:s25+$0x17A30]  }
0x6e: {  	v4 =	vld [tilespmem:s25+$0x17A40]  }
0x6f: {  	v3 =	vld [tilespmem:s25+$0x17A50]  }
0x70: {  	v2 =	vld [tilespmem:s25+$0x17A60]  }
0x71: {  	v1 =	vld [tilespmem:s25+$0x17A70]  }
0x72: {  	v17 =	vld [tilespmem:s25+$0x13980]  }
0x73: {  	v18 =	vld [tilespmem:s25+$0x13990]  }
0x74: {  	v19 =	vld [tilespmem:s25+$0x139A0]  }
0x75: {  	v20 =	vld [tilespmem:s25+$0x139B0]  }
0x76: {  	v21 =	vld [tilespmem:s25+$0x139C0]  }
0x77: {  	v14 =	vadd.f32 v14, v17;
	v17 =	vld [tilespmem:s25+$0x139D0]  }
0x78: {  	v7 =	vadd.f32 v7, v18;
	v18 =	vld [tilespmem:s25+$0x139E0]  }
0x79: {  	v14 =	vmax.f32 v14, $0.0e+00;
	v9 =	vadd.f32 v9, v19;
	v19 =	vld [tilespmem:s25+$0x139F0]  }
0x7a: {  	[tilespmem:s25+$0x13980] =	vst v14;
	v7 =	vmax.f32 v7, $0.0e+00;
	v10 =	vadd.f32 v10, v20;
	v14 =	vld [tilespmem:s25+$0x13A00]  }
0x7b: {  	[tilespmem:s25+$0x13990] =	vst v7;
	v7 =	vmax.f32 v9, $0.0e+00;
	v9 =	vadd.f32 v11, v21;
	v11 =	vld [tilespmem:s25+$0x13A10]  }
.Ltmp4:
0x7c: {  	[tilespmem:s25+$0x139A0] =	vst v7;
	v7 =	vmax.f32 v10, $0.0e+00;
	v10 =	vadd.f32 v8, v17;
	v8 =	vld [tilespmem:s25+$0x13A20];
	(pc) =	sbr.rel @p2 .LBB2_7-.Ltmp4, $4  }
0x7d: {  	[tilespmem:s25+$0x139B0] =	vst v7;
	v9 =	vmax.f32 v9, $0.0e+00;
	v12 =	vadd.f32 v12, v18;
	v7 =	vld [tilespmem:s25+$0x13A30]  }
0x7e: {  	[tilespmem:s25+$0x139C0] =	vst v9;
	v10 =	vmax.f32 v10, $0.0e+00;
	v17 =	vadd.f32 v13, v19;
	v9 =	vld [tilespmem:s25+$0x13A40]  }
0x7f: {  	[tilespmem:s25+$0x139D0] =	vst v10;
	v12 =	vmax.f32 v12, $0.0e+00;
	v13 =	vadd.f32 v15, v14;
	v10 =	vld [tilespmem:s25+$0x13A50]  }
0x80: {  	s26 =	sadd.s32 $0x400, s26;
	[tilespmem:s25+$0x139E0] =	vst v12;
	v14 =	vmax.f32 v17, $0.0e+00;
	v12 =	vadd.f32 v16, v11;
	v11 =	vld [tilespmem:s25+$0x13A60]  }
0x81: {  	[tilespmem:s25+$0x139F0] =	vst v14;
	v13 =	vmax.f32 v13, $0.0e+00;
	v6 =	vadd.f32 v6, v8;
	v63 =	vld [tilespmem:s25+$0x13A70]  }
0x82: {  	[tilespmem:s25+$0x13A00] =	vst v13;
	v12 =	vmax.f32 v12, $0.0e+00;
	v5 =	vadd.f32 v5, v7  }
0x83: {  	[tilespmem:s25+$0x13A10] =	vst v12;
	v6 =	vmax.f32 v6, $0.0e+00;
	v4 =	vadd.f32 v4, v9  }
0x84: {  	s24 =	sadd.s32 $0x1, s24;
	[tilespmem:s25+$0x13A20] =	vst v6;
	v5 =	vmax.f32 v5, $0.0e+00;
	v3 =	vadd.f32 v3, v10  }
0x85: {  	p2 =	slt.u32 s24, s9;
	[tilespmem:s25+$0x13A30] =	vst v5;
	v4 =	vmax.f32 v4, $0.0e+00;
	v2 =	vadd.f32 v2, v11  }
.Ltmp5:
0x86: {  	[tilespmem:s25+$0x13A40] =	vst v4;
	v3 =	vmax.f32 v3, $0.0e+00;
	v1 =	vadd.f32 v1, v63;
	(pc) =	sbr.rel @p2 .LBB2_6-.Ltmp5, $4  }
0x87: {  	[tilespmem:s25+$0x13A50] =	vst v3;
	v2 =	vmax.f32 v2, $0.0e+00  }
0x88: {  	[tilespmem:s25+$0x13A60] =	vst v2;
	v1 =	vmax.f32 v1, $0.0e+00  }
0x89: {  	[tilespmem:s25+$0x13A70] =	vst v1  }
0x8a: {  	[spmem:s2] =	stream.indirect.scatter.add.f32 [tilespmem:s14], [sflag:$0x3], $0x80, s21, s18, $0xb8;
	[tilespmem:$0x1B980] =	vst v63  }
0x8b: {  	_ =	swait.ge [sflag:s22], $0x4000  }
0x8c: {  	[sflag:s22] =	ssyncset.done $0x0  }
0x8d: {  	[sflag:s22] =	ssyncadd.s32 $0xFFFFC000  }
.LBB2_10:
.Ltmp6:
0x8e: {  	(pc) =	sbr.rel @!p1 .LBB2_12-.Ltmp6, $4  }
0x8f: {  	[bflag:$0x0] =	sbarrier.arrive $0xFFFF;
	s24 =	sshll.u32 s3, $0x6;
	s25 =	sshrl.u32 s13, $0x3  }
0x90: {  	s26 =	sshrl.u32 s12, $0x3;
	s25 =	sadd.s32 s7, s25;
	s24 =	sor.u32 $0x1C04, s24  }
0x91: {  	[hbm:s25], [sflag:s24] =	dma.local [spmem:s26], $0x500  }
0x92: {  	s28 =	smov.u32 s12;
	s25 =	sadd.s32 $0xFFFFFFFF, s10;
	s26 =	sadd.s32 $0x28000, s13  }
.LBB2_11:
0x93: {  	_ =	swait.ge [sflag:s15], $0x500  }
0x94: {  	s28 =	sadd.s32 $0x28000, s28;
	s29 =	sshrl.u32 s26, $0x3;
	p1 =	sne.s32 s25, $0x1  }
.Ltmp7:
0x95: {  	s30 =	sshrl.u32 s28, $0x3;
	[sflag:s15] =	ssyncset.done $0x0;
	(pc) =	sbr.rel @p1 .LBB2_11-.Ltmp7, $4  }
0x96: {  	s29 =	sadd.s32 s7, s29;
	[sflag:s15] =	ssyncadd.s32 $0xFFFFFB00  }
0x97: {  	[hbm:s29], [sflag:s24] =	dma.local [spmem:s30], $0x500  }
0x98: {  	s25 =	sadd.s32 $0xFFFFFFFF, s25  }
0x99: {  	s26 =	sadd.s32 $0x28000, s26  }
.LBB2_12:
0x9a: {  	s23 =	sadd.s32 $0x1, s23  }
0x9b: {  	p1 =	sne.s32 s23, s11  }
.Ltmp8:
0x9c: {  	_ = 	snop;
	(pc) =	sbr.rel @p1 .LBB2_1-.Ltmp8, $4  }
0x9d: {  	_ = 	snop  }
0x9e: {  	_ =	swait.ge [sflag:s15], $0x500  }
0x9f: {  	[sflag:s15] =	ssyncset.done $0x0  }
0xa0: {  	[sflag:s15] =	ssyncadd.s32 $0xFFFFFB00  }
0xa1: {  	_ =	sfence.sel $0x180000  }
0xa2: {  	[bflag:$0x0] =	sbarrier.arrive $0xFFFF  }
0xa3: {  	p0 =	sne.s32 s3, $0x0;
	_ =	strace $0x90000047  }
0xa4: {  	s0 =	sadd.s32 @!p0 $0x100000, s0;
	[bflag:$0x2] =	sbarrier.arrive $0xFFFF  }
0xa5: {  	[sflag:s0] =	ssyncadd.tile.s32 @!p0 $0x1;
	_ =	shalt  }
.Lfunc_end2:
_tile_overlayer_lowered:
.L_overlay_start_2:
0xa6: {  	(tag) =	ssettag $0x2  }
0xa7: {  	s0 =	rddreg [dreg:$0x0];
	s2 =	stileid.u32  }
0xa8: {  	s1 =	rddreg [dreg:$0x1];
	p0 =	sne.s32 s2, $0x0  }
0xa9: {  	s3 =	rddreg [dreg:$0x2];
	[bflag:$0x3] =	sbarrier.arrive $0xFFFF;
	s2 =	simm.s32 @!p0 $0x1C04  }
0xaa: {  	[timem:s3], [sflag:s2] =	dma.local @!p0 [hbm:s0], s1  }
0xab: {  	s0 =	simm.s32 @!p0 $0x4  }
0xac: {  	_ =	swait.ge @!p0 [sflag:s0], s1  }
0xad: {  	s1 =	ssub.s32 @!p0 $0x0, s1;
	[sflag:s0] =	ssyncset.done @!p0 $0x0  }
0xae: {  	[sflag:s0] =	ssyncadd.s32 @!p0 s1  }
0xaf: {  	[bflag:$0x3] =	sbarrier.arrive $0xFFFF  }
0xb0: {  	_ =	shalt  }

// kernel: kernel.13.cloned.1.call-start
scs
__scs_entry_jumppad:
0x0: {  	(pc) =	sbr.rel $0x88, $3  }
0x1: {  	(tag) =	ssettag $0x0;
	lr =	simm.s32 $0x1  }
0x2: {  	[smem:$0x3F7F] =	sst lr;
	_ =	strace $0xD0000000  }
0x3: {  	_ = 	snop  }
0x4: {  	_ = 	snop  }
0x5: {  	_ = 	snop  }
0x6: {  	_ = 	snop  }
0x7: {  	_ = 	snop  }
__scs_overlays_trampoline_lowered:
0x8: {  	[smem:$0x3F8E] =	sst s0  }
0x9: {  	[smem:$0x3F8F] =	sst s1  }
0xa: {  	[smem:$0x3F90] =	sst s2  }
0xb: {  	[smem:$0x3F91] =	sst s3  }
0xc: {  	[smem:$0x3F92] =	sst s4  }
0xd: {  	[smem:$0x3F93] =	sst s5  }
0xe: {  	[smem:$0x3F94] =	sst s6  }
0xf: {  	[smem:$0x3F95] =	sst s7  }
0x10: {  	[smem:$0x3F96] =	sst s8  }
0x11: {  	[smem:$0x3F97] =	sst s9;
	s0 =	simm.s32 @!p0 $0x0  }
0x12: {  	s1 =	sld [smem:$0x3F7D];
	s0 =	simm.s32 @p0 $0x1  }
0x13: {  	[smem:$0x3F98] =	sst s0;
	s0 =	simm.s32 @!p1 $0x0  }
0x14: {  	s2 =	sld [smem:$0x3F7C];
	s0 =	simm.s32 @p1 $0x1  }
0x15: {  	[smem:$0x3F99] =	sst s0;
	s0 =	simm.s32 @!p2 $0x0  }
0x16: {  	s3 =	sld [smem:$0x3FDB];
	s0 =	simm.s32 @p2 $0x1  }
0x17: {  	s4 =	simm.s32 $0x1BF5;
	[smem:$0x3F9B] =	sst s0  }
0x18: {  	s0 =	sld [smem:$0x3F7E];
	_ =	swait.ge [sflag:s4], $0x0  }
0x19: {  	s7 =	sld [smem:$0x3F7F]  }
0x1a: {  	s8 =	sadd.s32 $0xFFFFE003, lr  }
0x1b: {  	s9 =	sadd.s32 $0xFFFFFEF7, lr;
	s5 =	simm.s32 $0xFFFFFFFF;
	p2 =	slt.u32 s8, $0xFFFFF086  }
0x1c: {  	p1 =	slt.u32 s9, $0xF7A;
	s5 =	simm.s32 @!p2 $0x0  }
0x1d: {  	s5 =	simm.s32 @p1 $0x1;
	p0 =	seq.s32 s7, s2  }
0x1e: {  	s7 =	smul.u32 @!p0 $0xF7A, s2;
	p2 =	seq.s32 @!p0 s5, $0x0  }
0x1f: {  	s9 =	smul.u32 $0xF7A, s1;
	s8 =	simm.s32 @!p0 $0x1BF5;
	p2 =	por !p2, p0  }
0x20: {  	[sflag:s8] =	ssyncset.s32 @!p0 $0xFFFFF086;
	s6 =	sadd.s32 @!p0 s3, s7;
	s7 =	simm.s32 @!p0 $0x108  }
0x21: {  	s3 =	sadd.s32 s3, s9;
	s6 =	sadd.s32 @!p0 $0x88, s6;
	s7 =	simm.s32 @p2 $0x1082  }
0x22: {  	[simem:s7], [sflag:s8] =	dma.local @!p0 [hbm:s6], $0xF7A  }
0x23: {  	s9 =	sor.u32 $0xD0000000, s2;
	s6 =	simm.s32 $0x108;
	_ =	swait.ge @!p0 [sflag:s8], $0x0  }
0x24: {  	s3 =	sadd.s32 $0x88, s3;
	s6 =	simm.s32 @!p1 $0x1082;
	[sflag:s4] =	ssyncset.s32 $0xFFFFF086  }
0x25: {  	[simem:s6], [sflag:s4] =	dma.local [hbm:s3], $0xF7A  }
0x26: {  	[smem:$0x3F7F] =	sst s1;
	(tag) =	ssettag s2;
	_ =	strace s9  }
0x27: {  	s1 =	sld [smem:$0x3F8F]  }
0x28: {  	s2 =	sld [smem:$0x3F90]  }
0x29: {  	s4 =	sld [smem:$0x3F92]  }
0x2a: {  	p0 =	seq.s32 s5, $0x0;
	s5 =	sld [smem:$0x3F93]  }
0x2b: {  	s6 =	sld [smem:$0x3F94]  }
0x2c: {  	s7 =	sld [smem:$0x3F95]  }
0x2d: {  	s3 =	simm.s32 $0x108;
	s8 =	sld [smem:$0x3F96]  }
0x2e: {  	s3 =	simm.s32 @!p0 $0x1082;
	s9 =	sld [smem:$0x3F97]  }
0x2f: {  	lr =	sadd.s32 s0, s3;
	s0 =	sld [smem:$0x3F8E]  }
0x30: {  	s3 =	sld [smem:$0x3F91]  }
0x31: {  	[smem:$0x3F9A] =	sst s10  }
0x32: {  	s10 =	sld [smem:$0x3F98];
	_ =	sdelay $0x3  }
0x33: {  	p0 =	seq.s32 s10, $0x1;
	s10 =	sld [smem:$0x3F9A];
	_ =	sdelay $0x3  }
0x34: {  	[smem:$0x3F9A] =	sst s10  }
0x35: {  	s10 =	sld [smem:$0x3F99];
	_ =	sdelay $0x3  }
0x36: {  	p1 =	seq.s32 s10, $0x1;
	s10 =	sld [smem:$0x3F9A];
	_ =	sdelay $0x3  }
0x37: {  	[smem:$0x3F9A] =	sst s10  }
0x38: {  	s10 =	sld [smem:$0x3F9B]  }
0x39: {  	_ = 	snop;
	(pc) =	sbr.ind lr, $3  }
0x3a: {  	_ = 	snop  }
0x3b: {  	_ = 	snop  }
0x3c: {  	p2 =	seq.s32 s10, $0x1;
	s10 =	sld [smem:$0x3F9A]  }
0x3d: {  	_ =	shalt  }
0x3e: {  	_ =	shalt  }
0x3f: {  	_ =	shalt  }
0x40: {  	_ =	shalt  }
0x41: {  	_ =	shalt  }
0x42: {  	_ =	shalt  }
0x43: {  	_ =	shalt  }
0x44: {  	_ =	shalt  }
0x45: {  	_ =	shalt  }
0x46: {  	_ =	shalt  }
0x47: {  	_ =	shalt  }
0x48: {  	_ =	shalt  }
0x49: {  	_ =	shalt  }
0x4a: {  	_ =	shalt  }
0x4b: {  	_ =	shalt  }
0x4c: {  	_ =	shalt  }
0x4d: {  	_ =	shalt  }
0x4e: {  	_ =	shalt  }
0x4f: {  	_ =	shalt  }
0x50: {  	_ =	shalt  }
0x51: {  	_ =	shalt  }
0x52: {  	_ =	shalt  }
0x53: {  	_ =	shalt  }
0x54: {  	_ =	shalt  }
0x55: {  	_ =	shalt  }
0x56: {  	_ =	shalt  }
0x57: {  	_ =	shalt  }
0x58: {  	_ =	shalt  }
0x59: {  	_ =	shalt  }
0x5a: {  	_ =	shalt  }
0x5b: {  	_ =	shalt  }
0x5c: {  	_ =	shalt  }
0x5d: {  	_ =	shalt  }
0x5e: {  	_ =	shalt  }
0x5f: {  	_ =	shalt  }
0x60: {  	_ =	shalt  }
0x61: {  	_ =	shalt  }
0x62: {  	_ =	shalt  }
0x63: {  	_ =	shalt  }
0x64: {  	_ =	shalt  }
0x65: {  	_ =	shalt  }
0x66: {  	_ =	shalt  }
0x67: {  	_ =	shalt  }
0x68: {  	_ =	shalt  }
0x69: {  	_ =	shalt  }
0x6a: {  	_ =	shalt  }
0x6b: {  	_ =	shalt  }
0x6c: {  	_ =	shalt  }
0x6d: {  	_ =	shalt  }
0x6e: {  	_ =	shalt  }
0x6f: {  	_ =	shalt  }
0x70: {  	_ =	shalt  }
0x71: {  	_ =	shalt  }
0x72: {  	_ =	shalt  }
0x73: {  	_ =	shalt  }
0x74: {  	_ =	shalt  }
0x75: {  	_ =	shalt  }
0x76: {  	_ =	shalt  }
0x77: {  	_ =	shalt  }
0x78: {  	_ =	shalt  }
0x79: {  	_ =	shalt  }
0x7a: {  	_ =	shalt  }
0x7b: {  	_ =	shalt  }
0x7c: {  	_ =	shalt  }
0x7d: {  	_ =	shalt  }
0x7e: {  	_ =	shalt  }
0x7f: {  	_ =	shalt  }
0x80: {  	_ =	shalt  }
0x81: {  	_ =	shalt  }
0x82: {  	_ =	shalt  }
0x83: {  	_ =	shalt  }
0x84: {  	_ =	shalt  }
0x85: {  	_ =	shalt  }
0x86: {  	_ =	shalt  }
0x87: {  	_ =	shalt  }
.Lfunc_end0:
.L_simem_size_0:
called_computation.1_lowered:
.L_overlay_start_0:
0x88: {  	s2 =	sld [smem:$0x3FD9]  }
0x89: {  	s3 =	sld [smem:$0x3FFE];
	_ =	sdelay $0x1  }
0x8a: {  	s1 =	srdreg.scid  }
0x8b: {  	s0 =	sand.u32 $0x1, s1  }
0x8c: {  	s16 =	sshll.u32 s0, $0xA;
	s2 =	sadd.s32 s3, s2  }
0x8d: {  	s2 =	sadd.s32 s2, s16  }
0x8e: {  	[smem:$0x3FA6] =	sst s2  }
0x8f: {  	_ = 	snop  }
0x90: {  	(tm) =	ssettm $0x1  }
0x91: {  	s17 =	sld [smem:$0x3FFB];
	_ =	sdelay $0x3  }
0x92: {  	_ =	strace s17  }
0x93: {  	s2 =	sld [smem:$0x3FFC];
	_ =	sdelay $0x3  }
0x94: {  	_ =	strace s2  }
0x95: {  	s2 =	sld [smem:$0x3FFD];
	_ =	sdelay $0x3  }
0x96: {  	_ =	strace s2  }
0x97: {  	_ =	strace $0x8FFFFFFF  }
0x98: {  	s18 =	sld [smem:$0x3FDB];
	_ =	sdelay $0x1  }
0x99: {  	s19 =	simm.s32 $_scs_section_size  }
0x9a: {  	s4 =	simm.s32 $_size__tile_overlayer_lowered;
	s5 =	simm.s32 $_tile_overlayer_lowered  }
0x9b: {  	s22 =	simm.s32 $0x1BFF;
	s21 =	sshll.u32 s5, $0x1;
	s2 =	sadd.s32 s19, s18  }
0x9c: {  	s6 =	simm.s32 $0x0;
	s20 =	sshll.u32 s4, $0x1;
	s4 =	sadd.s32 s21, s2  }
0x9d: {  	[timem:s6], [sflag:s22] =	dma.local [hbm:s4], s20  }
0x9e: {  	_ =	swait.ge [sflag:s22], s20  }
0x9f: {  	s3 =	ssub.s32 $0x0, s20;
	[sflag:s22] =	ssyncset.done $0x0  }
0xa0: {  	[sflag:s22] =	ssyncadd.s32 s3;
	_ =	sdelay $0x1  }
0xa1: {  	s23 =	simm.s32 $0x1B8B  }
0xa2: {  	_ =	swait.ge [sflag:s23], $0x1  }
0xa3: {  	[sflag:s23] =	ssyncset.done $0x0  }
0xa4: {  	s25 =	simm.s32 $0x1B8E;
	s24 =	sld [smem:$0x3FFE];
	[sflag:s23] =	ssyncadd.s32 $0xFFFFFFFF  }
0xa5: {  	s26 =	simm.s32 $execute0_lowered;
	[smem:$0x3FD2] =	sst s25  }
0xa6: {  	s4 =	sshll.u32 s26, $0x1;
	_ =	strace $0x80000049;
	[dreg:$0x1] =	wrdreg $0xFFFFFFFF  }
0xa7: {  	s28 =	simm.s32 $_size_execute0_lowered;
	s2 =	sadd.s32 s2, s4;
	[dreg:$0x0] =	wrdreg $0x0  }
0xa8: {  	s4 =	sshll.u32 s28, $0x1;
	[dreg:$0x2] =	wrdreg s2  }
0xa9: {  	[dreg:$0x3] =	wrdreg s4  }
0xaa: {  	[dreg:$0x4] =	wrdreg $0xC0  }
0xab: {  	_ =	task [dreg:s6], $0x5FFFF  }
0xac: {  	[dreg:$0x1] =	wrdreg $0xFFFFFFFF  }
0xad: {  	[dreg:$0x0] =	wrdreg $0x60  }
0xae: {  	[dreg:$0x2] =	wrdreg s24  }
0xaf: {  	[dreg:$0x3] =	wrdreg $0x0  }
0xb0: {  	[dreg:$0x4] =	wrdreg $0x9  }
0xb1: {  	_ =	task.clear_ibuf [dreg:s6], $0x5FFFF;
	_ =	strace $0x90000049  }
0xb2: {  	s29 =	simm.s32 $0x9;
	_ =	strace $0x8000004B  }
0xb3: {  	_ =	swait.ge [sflag:s29], $0x1  }
0xb4: {  	[sflag:s29] =	ssyncadd.s32 $0xFFFFFFFF  }
0xb5: {  	_ =	strace $0x9000004B  }
0xb6: {  	_ =	sfence  }
0xb7: {  	s30 =	sld [smem:$0x0];
	_ =	sdelay $0x2  }
0xb8: {  	s31 =	sshll.u32 s1, $0xD;
	s1 =	sshrl.u32 s1, $0x2  }
0xb9: {  	s3 =	sand.u32 $0x4000, s31;
	s1 =	sadd.s32 s1, s30  }
0xba: {  	s0 =	sor.u32 s3, s0;
	s1 =	sshll.u32 s1, $0x11  }
0xbb: {  	s0 =	sor.u32 s1, s0  }
0xbc: {  	s0 =	sadd.s32 $0x8F2B, s0  }
0xbd: {  	[sflag:s0] =	ssyncadd.remote.s32 $0x1  }
0xbe: {  	_ =	sfence.sel $0xFFFF  }
0xbf: {  	[dreg:$0x0] =	wrdreg $0xFFFFFFFF;
	(pc) =	sbr.abs _section_cstart, $3  }
0xc0: {  	[dreg:$0x1] =	wrdreg $0xFFFFFFFF  }
0xc1: {  	_ =	task.clear_ibuf [dreg:s6], $0x2FFFF;
	_ =	strace $0x9FFFFFFF  }
0xc2: {  	(tm) =	ssettm $0x7FFFFFFF  }
0xc3: {  	_ =	shalt  }
tec
execute0_lowered:
.L_overlay_start_1:
0x0: {  	(tag) =	ssettag $0x1  }
0x1: {  	s7 =	rddreg [dreg:$0x0]  }
0x2: {  	s1 =	rddreg [dreg:$0x1]  }
0x3: {  	s0 =	rddreg [dreg:$0x2];
	s2 =	simm.s32 $0x0  }
0x4: {  	s3 =	srdreg.scid;
	s16 =	simm.s32 $0x13880;
	s17 =	simm.s32 $0x17980  }
0x5: {  	s18 =	simm.s32 $0x80;
	s19 =	simm.s32 $0x1;
	s20 =	simm.s32 $0x2  }
0x6: {  	s21 =	simm.s32 $0x13900;
	s22 =	simm.s32 $0x3;
	s23 =	simm.s32 $0x0  }
0x7: {  	[smem:$0x7FF] =	sst s2;
	s10 =	sand.u32 $0x1, s3;
	s3 =	stileid.u32  }
0x8: {  	s4 =	sadd.s32 $0x6A00, s7;
	_ =	strace $0x8000004A;
	s31 =	smul.u32 $0xA000, s3  }
0x9: {  	s5 =	sshll.u32 s10, $0x4;
	s8 =	ssub.s32 $0x2, s10;
	s13 =	smul.u32 $0x138800, s10  }
0xa: {  	p0 =	slt.u32 s3, $0xD;
	s10 =	simm.s32 $0x8;
	s15 =	smul.u32 $0x2800, s3  }
0xb: {  	s6 =	sor.u32 s3, s5;
	s5 =	sadd.s32 $0xA2C600, s7;
	s9 =	sshrl.u32 s8, $0x1  }
0xc: {  	s10 =	simm.s32 @!p0 $0x7;
	s11 =	smul.u32 $0x9C4, s6;
	s6 =	sadd.s32 $0x4E8A00, s7  }
0xd: {  	s7 =	sadd.s32 $0x2DC00, s7;
	s12 =	ssub.s32 s8, s9;
	s14 =	sshrl.u32 s31, $0x2  }
0xe: {  	s13 =	sadd.s32 s15, s13;
	s15 =	simm.s32 $0x4;
	s30 =	sadd.s32 $0x9C4, s11  }
0xf: {  	s8 =	sshrl.u32 s11, $0x5;
	s11 =	smax.u32 s12, $0x1;
	s9 =	sshrl.u32 s30, $0x5  }
0x10: {  	v0 =	vimm.f32 $0.0e+00;
	s12 =	sadd.s32 s14, s1;
	s14 =	simm.s32 $0x13980;
	p0 =	sge.u32 s8, s9  }
.LBB2_1:
0x11: {  	s24 =	simm.s32 $0x0;
	s25 =	simm.s32 $0x200  }
.LBB2_2:
0x12: {  	p1 =	sne.s32 s25, $0x9E00;
	[tilespmem:s24+$0x139F0] =	vst v0  }
0x13: {  	[tilespmem:s24+$0x13980] =	vst v0  }
0x14: {  	[tilespmem:s24+$0x13990] =	vst v0  }
.Ltmp0:
0x15: {  	[tilespmem:s24+$0x139A0] =	vst v0;
	(pc) =	sbr.rel @p1 .LBB2_2-.Ltmp0, $4  }
0x16: {  	[tilespmem:s24+$0x139B0] =	vst v0  }
0x17: {  	[tilespmem:s24+$0x139C0] =	vst v0  }
0x18: {  	[tilespmem:s24+$0x139D0] =	vst v0  }
0x19: {  	[tilespmem:s24+$0x139E0] =	vst v0;
	s24 =	sshra.s32 s25, $0x2;
	s25 =	sadd.s32 $0x200, s25  }
0x1a: {  	[tilespmem:s24+$0x139F0] =	vst v0  }
0x1b: {  	[tilespmem:s24+$0x13980] =	vst v0  }
0x1c: {  	[tilespmem:s24+$0x13990] =	vst v0  }
0x1d: {  	[tilespmem:s24+$0x139A0] =	vst v0  }
0x1e: {  	[tilespmem:s24+$0x139B0] =	vst v0  }
0x1f: {  	[tilespmem:s24+$0x139C0] =	vst v0;
	p1 =	sne.s32 s10, $0x1  }
.Ltmp1:
0x20: {  	[tilespmem:s24+$0x139D0] =	vst v0;
	(pc) =	sbr.rel @!p1 .LBB2_5-.Ltmp1, $4  }
0x21: {  	[tilespmem:s24+$0x139E0] =	vst v0  }
0x22: {  	[spmem:s12] =	stream.linear.scatter [tilespmem:s14], [sflag:$0x4], $0x2800, $0x38;
	[tilespmem:$0x1B980] =	vst v63  }
0x23: {  	_ =	swait.ge [sflag:s15], $0x2800  }
0x24: {  	s24 =	sadd.s32 $0xFFFFFFFF, s10;
	s25 =	smov.u32 s12;
	[sflag:s15] =	ssyncset.done $0x0  }
.LBB2_4:
0x25: {  	p2 =	sne.s32 s24, $0x1;
	[sflag:s15] =	ssyncadd.s32 $0xFFFFD800;
	s25 =	sadd.s32 $0x28000, s25  }
.Ltmp2:
0x26: {  	s24 =	sadd.s32 $0xFFFFFFFF, s24;
	(pc) =	sbr.rel @p2 .LBB2_4-.Ltmp2, $4  }
0x27: {  	_ = 	snop  }
0x28: {  	[spmem:s25] =	stream.linear.scatter [tilespmem:s14], [sflag:$0x4], $0x2800, $0x38;
	[tilespmem:$0x1B980] =	vst v63  }
0x29: {  	_ =	swait.ge [sflag:s15], $0x2800  }
0x2a: {  	[sflag:s15] =	ssyncset.done $0x0  }
.LBB2_5:
.Ltmp3:
0x2b: {  	(pc) =	sbr.rel @p0 .LBB2_10-.Ltmp3, $4  }
0x2c: {  	_ = 	snop  }
0x2d: {  	[sflag:s15] =	ssyncadd.s32 $0xFFFFD800  }
0x2e: {  	[bflag:$0x0] =	sbarrier.arrive $0xFFFF  }
0x2f: {  	s24 =	smov.u32 s8  }
.LBB2_6:
0x30: {  	s25 =	sshll.u32 s24, $0x5  }
0x31: {  	s25 =	sadd.s32 s6, s25  }
0x32: {  	[tilespmem:s16], [sflag:$0x4] =	stream.linear.gather [hbm4b:s25+s2], $0x100, $0x38;
	[tilespmem:$0x1B980] =	vst v63  }
0x33: {  	_ =	swait.ge [sflag:s15], $0x100  }
0x34: {  	s31 =	sshll.u32 s24, $0xB;
	[sflag:s15] =	ssyncset.done $0x0  }
0x35: {  	p2 =	sle.u32 s24, s8;
	s25 =	sadd.s32 s5, s31;
	[sflag:s15] =	ssyncadd.s32 $0xFFFFFF00  }
0x36: {  	[tilespmem:s17], [sflag:$0x2] =	stream.linear.gather [hbm4b:s25+s2], $0x4000, $0x38;
	[tilespmem:$0x1B980] =	vst v63  }
0x37: {  	s25 =	simm.s32 @!p2 $0x3  }
0x38: {  	_ =	swait.ge @!p2 [sflag:s25], $0x4000  }
0x39: {  	[sflag:s25] =	ssyncset.done @!p2 $0x0  }
0x3a: {  	[sflag:s25] =	ssyncadd.s32 @!p2 $0xFFFFC000  }
0x3b: {  	[tilespmem:s14], [sflag:$0x1] =	stream.indirect.gather [hbm4b:s4+s18], $0x80, s16, s18, $0xb8;
	[tilespmem:$0x1B980] =	vst v63  }
0x3c: {  	_ =	swait.ge [sflag:s19], $0x4000  }
0x3d: {  	[sflag:s19] =	ssyncset.done $0x0  }
0x3e: {  	[sflag:s19] =	ssyncadd.s32 $0xFFFFC000  }
0x3f: {  	_ =	swait.ge [sflag:s20], $0x4000  }
0x40: {  	[sflag:s20] =	ssyncset.done $0x0  }
0x41: {  	s25 =	simm.s32 $0x0;
	[sflag:s20] =	ssyncadd.s32 $0xFFFFC000  }
0x42: {  	v7 =	vld [tilespmem:s25+$0x17980]  }
0x43: {  	v12 =	vld [tilespmem:s25+$0x17990]  }
0x44: {  	v6 =	vld [tilespmem:s25+$0x179A0]  }
0x45: {  	v5 =	vld [tilespmem:s25+$0x179B0]  }
0x46: {  	v4 =	vld [tilespmem:s25+$0x17A00]  }
0x47: {  	v3 =	vld [tilespmem:s25+$0x17A10]  }
0x48: {  	v2 =	vld [tilespmem:s25+$0x17A20]  }
0x49: {  	v1 =	vld [tilespmem:s25+$0x17A30]  }
0x4a: {  	v13 =	vld [tilespmem:s25+$0x13980]  }
0x4b: {  	v14 =	vld [tilespmem:s25+$0x13990]  }
0x4c: {  	v11 =	vld [tilespmem:s25+$0x139A0]  }
0x4d: {  	v10 =	vld [tilespmem:s25+$0x139B0]  }
0x4e: {  	v9 =	vld [tilespmem:s25+$0x13A00]  }
0x4f: {  	v8 =	vld [tilespmem:s25+$0x13A10];
	v13 =	vadd.f32 v7, v13  }
0x50: {  	s26 =	simm.s32 $0x400;
	v12 =	vadd.f32 v12, v14;
	v7 =	vld [tilespmem:s25+$0x13A20]  }
.LBB2_7:
0x51: {  	s28 =	sshra.s32 s26, $0x2;
	p2 =	sne.s32 s26, $0xFC00;
	v13 =	vmax.f32 v13, $0.0e+00;
	v6 =	vadd.f32 v6, v11;
	v11 =	vld [tilespmem:s25+$0x13A30]  }
0x52: {  	v14 =	vld [tilespmem:s28+$0x17980];
	[tilespmem:s25+$0x13980] =	vst v13;
	v12 =	vmax.f32 v12, $0.0e+00;
	v5 =	vadd.f32 v5, v10  }
0x53: {  	v15 =	vld [tilespmem:s28+$0x17990];
	[tilespmem:s25+$0x13990] =	vst v12;
	v10 =	vmax.f32 v6, $0.0e+00;
	v4 =	vadd.f32 v4, v9  }
0x54: {  	v6 =	vld [tilespmem:s28+$0x179A0];
	[tilespmem:s25+$0x139A0] =	vst v10;
	v9 =	vmax.f32 v5, $0.0e+00;
	v3 =	vadd.f32 v3, v8  }
0x55: {  	v5 =	vld [tilespmem:s28+$0x179B0];
	[tilespmem:s25+$0x139B0] =	vst v9;
	v8 =	vmax.f32 v4, $0.0e+00;
	v2 =	vadd.f32 v2, v7  }
0x56: {  	v4 =	vld [tilespmem:s28+$0x17A00];
	[tilespmem:s25+$0x13A00] =	vst v8;
	v7 =	vmax.f32 v3, $0.0e+00;
	v1 =	vadd.f32 v1, v11  }
0x57: {  	v3 =	vld [tilespmem:s28+$0x17A10];
	[tilespmem:s25+$0x13A10] =	vst v7;
	v7 =	vmax.f32 v2, $0.0e+00  }
0x58: {  	v2 =	vld [tilespmem:s28+$0x17A20];
	[tilespmem:s25+$0x13A20] =	vst v7;
	v7 =	vmax.f32 v1, $0.0e+00  }
0x59: {  	v1 =	vld [tilespmem:s28+$0x17A30];
	[tilespmem:s25+$0x13A30] =	vst v7;
	s25 =	smov.u32 s28  }
0x5a: {  	v7 =	vld [tilespmem:s25+$0x13980]  }
0x5b: {  	v12 =	vld [tilespmem:s25+$0x13990]  }
.Ltmp4:
0x5c: {  	v11 =	vld [tilespmem:s25+$0x139A0];
	(pc) =	sbr.rel @p2 .LBB2_7-.Ltmp4, $4  }
0x5d: {  	v10 =	vld [tilespmem:s25+$0x139B0]  }
0x5e: {  	v9 =	vld [tilespmem:s25+$0x13A00]  }
0x5f: {  	v13 =	vadd.f32 v14, v7;
	v8 =	vld [tilespmem:s25+$0x13A10]  }
0x60: {  	s26 =	sadd.s32 $0x400, s26;
	v12 =	vadd.f32 v15, v12;
	v7 =	vld [tilespmem:s25+$0x13A20]  }
0x61: {  	v13 =	vmax.f32 v13, $0.0e+00;
	v6 =	vadd.f32 v6, v11;
	v63 =	vld [tilespmem:s25+$0x13A30]  }
0x62: {  	[tilespmem:s25+$0x13980] =	vst v13;
	v12 =	vmax.f32 v12, $0.0e+00;
	v5 =	vadd.f32 v5, v10  }
0x63: {  	[tilespmem:s25+$0x13990] =	vst v12;
	v6 =	vmax.f32 v6, $0.0e+00;
	v4 =	vadd.f32 v4, v9  }
0x64: {  	s24 =	sadd.s32 $0x1, s24;
	[tilespmem:s25+$0x139A0] =	vst v6;
	v5 =	vmax.f32 v5, $0.0e+00;
	v3 =	vadd.f32 v3, v8  }
0x65: {  	p2 =	slt.u32 s24, s9;
	[tilespmem:s25+$0x139B0] =	vst v5;
	v4 =	vmax.f32 v4, $0.0e+00;
	v2 =	vadd.f32 v2, v7  }
.Ltmp5:
0x66: {  	[tilespmem:s25+$0x13A00] =	vst v4;
	v3 =	vmax.f32 v3, $0.0e+00;
	v1 =	vadd.f32 v1, v63;
	(pc) =	sbr.rel @p2 .LBB2_6-.Ltmp5, $4  }
0x67: {  	[tilespmem:s25+$0x13A10] =	vst v3;
	v2 =	vmax.f32 v2, $0.0e+00  }
0x68: {  	[tilespmem:s25+$0x13A20] =	vst v2;
	v1 =	vmax.f32 v1, $0.0e+00  }
0x69: {  	[tilespmem:s25+$0x13A30] =	vst v1  }
0x6a: {  	[spmem:s1] =	stream.indirect.scatter.add.f32 [tilespmem:s14], [sflag:$0x3], $0x80, s21, s18, $0xb8;
	[tilespmem:$0x1B980] =	vst v63  }
0x6b: {  	_ =	swait.ge [sflag:s22], $0x4000  }
0x6c: {  	[sflag:s22] =	ssyncset.done $0x0  }
0x6d: {  	[sflag:s22] =	ssyncadd.s32 $0xFFFFC000  }
.LBB2_10:
.Ltmp6:
0x6e: {  	(pc) =	sbr.rel @!p1 .LBB2_12-.Ltmp6, $4  }
0x6f: {  	[bflag:$0x0] =	sbarrier.arrive $0xFFFF;
	s24 =	sshll.u32 s3, $0x6;
	s25 =	sshrl.u32 s13, $0x3  }
0x70: {  	s26 =	sshrl.u32 s12, $0x3;
	s25 =	sadd.s32 s7, s25;
	s24 =	sor.u32 $0x1C04, s24  }
0x71: {  	[hbm:s25], [sflag:s24] =	dma.local [spmem:s26], $0x500  }
0x72: {  	s28 =	smov.u32 s12;
	s25 =	sadd.s32 $0xFFFFFFFF, s10;
	s26 =	sadd.s32 $0x28000, s13  }
.LBB2_11:
0x73: {  	_ =	swait.ge [sflag:s15], $0x500  }
0x74: {  	s28 =	sadd.s32 $0x28000, s28;
	s29 =	sshrl.u32 s26, $0x3;
	p1 =	sne.s32 s25, $0x1  }
.Ltmp7:
0x75: {  	s30 =	sshrl.u32 s28, $0x3;
	[sflag:s15] =	ssyncset.done $0x0;
	(pc) =	sbr.rel @p1 .LBB2_11-.Ltmp7, $4  }
0x76: {  	s29 =	sadd.s32 s7, s29;
	[sflag:s15] =	ssyncadd.s32 $0xFFFFFB00  }
0x77: {  	[hbm:s29], [sflag:s24] =	dma.local [spmem:s30], $0x500  }
0x78: {  	s25 =	sadd.s32 $0xFFFFFFFF, s25  }
0x79: {  	s26 =	sadd.s32 $0x28000, s26  }
.LBB2_12:
0x7a: {  	s23 =	sadd.s32 $0x1, s23  }
0x7b: {  	p1 =	sne.s32 s23, s11  }
.Ltmp8:
0x7c: {  	_ = 	snop;
	(pc) =	sbr.rel @p1 .LBB2_1-.Ltmp8, $4  }
0x7d: {  	_ = 	snop  }
0x7e: {  	_ =	swait.ge [sflag:s15], $0x500  }
0x7f: {  	[sflag:s15] =	ssyncset.done $0x0  }
0x80: {  	[sflag:s15] =	ssyncadd.s32 $0xFFFFFB00  }
0x81: {  	_ =	sfence.sel $0x180000  }
0x82: {  	[bflag:$0x0] =	sbarrier.arrive $0xFFFF  }
0x83: {  	p0 =	sne.s32 s3, $0x0;
	_ =	strace $0x9000004A  }
0x84: {  	s0 =	sadd.s32 @!p0 $0x100000, s0;
	[bflag:$0x2] =	sbarrier.arrive $0xFFFF  }
0x85: {  	[sflag:s0] =	ssyncadd.tile.s32 @!p0 $0x1;
	_ =	shalt  }
.Lfunc_end2:
_tile_overlayer_lowered:
.L_overlay_start_2:
0x86: {  	(tag) =	ssettag $0x2  }
0x87: {  	s0 =	rddreg [dreg:$0x0];
	s2 =	stileid.u32  }
0x88: {  	s1 =	rddreg [dreg:$0x1];
	p0 =	sne.s32 s2, $0x0  }
0x89: {  	s3 =	rddreg [dreg:$0x2];
	[bflag:$0x3] =	sbarrier.arrive $0xFFFF;
	s2 =	simm.s32 @!p0 $0x1C04  }
0x8a: {  	[timem:s3], [sflag:s2] =	dma.local @!p0 [hbm:s0], s1  }
0x8b: {  	s0 =	simm.s32 @!p0 $0x4  }
0x8c: {  	_ =	swait.ge @!p0 [sflag:s0], s1  }
0x8d: {  	s1 =	ssub.s32 @!p0 $0x0, s1;
	[sflag:s0] =	ssyncset.done @!p0 $0x0  }
0x8e: {  	[sflag:s0] =	ssyncadd.s32 @!p0 s1  }
0x8f: {  	[bflag:$0x3] =	sbarrier.arrive $0xFFFF  }
0x90: {  	_ =	shalt  }

// kernel: kernel.16.cloned.1.call-start
scs
__scs_entry_jumppad:
0x0: {  	(pc) =	sbr.rel $0x88, $3  }
0x1: {  	(tag) =	ssettag $0x0;
	lr =	simm.s32 $0x1  }
0x2: {  	[smem:$0x3F7F] =	sst lr;
	_ =	strace $0xD0000000  }
0x3: {  	_ = 	snop  }
0x4: {  	_ = 	snop  }
0x5: {  	_ = 	snop  }
0x6: {  	_ = 	snop  }
0x7: {  	_ = 	snop  }
__scs_overlays_trampoline_lowered:
0x8: {  	[smem:$0x3F8E] =	sst s0  }
0x9: {  	[smem:$0x3F8F] =	sst s1  }
0xa: {  	[smem:$0x3F90] =	sst s2  }
0xb: {  	[smem:$0x3F91] =	sst s3  }
0xc: {  	[smem:$0x3F92] =	sst s4  }
0xd: {  	[smem:$0x3F93] =	sst s5  }
0xe: {  	[smem:$0x3F94] =	sst s6  }
0xf: {  	[smem:$0x3F95] =	sst s7  }
0x10: {  	[smem:$0x3F96] =	sst s8  }
0x11: {  	[smem:$0x3F97] =	sst s9;
	s0 =	simm.s32 @!p0 $0x0  }
0x12: {  	s1 =	sld [smem:$0x3F7D];
	s0 =	simm.s32 @p0 $0x1  }
0x13: {  	[smem:$0x3F98] =	sst s0;
	s0 =	simm.s32 @!p1 $0x0  }
0x14: {  	s2 =	sld [smem:$0x3F7C];
	s0 =	simm.s32 @p1 $0x1  }
0x15: {  	[smem:$0x3F99] =	sst s0;
	s0 =	simm.s32 @!p2 $0x0  }
0x16: {  	s3 =	sld [smem:$0x3FDB];
	s0 =	simm.s32 @p2 $0x1  }
0x17: {  	s4 =	simm.s32 $0x1BF5;
	[smem:$0x3F9B] =	sst s0  }
0x18: {  	s0 =	sld [smem:$0x3F7E];
	_ =	swait.ge [sflag:s4], $0x0  }
0x19: {  	s7 =	sld [smem:$0x3F7F]  }
0x1a: {  	s8 =	sadd.s32 $0xFFFFE003, lr  }
0x1b: {  	s9 =	sadd.s32 $0xFFFFFEF7, lr;
	s5 =	simm.s32 $0xFFFFFFFF;
	p2 =	slt.u32 s8, $0xFFFFF086  }
0x1c: {  	p1 =	slt.u32 s9, $0xF7A;
	s5 =	simm.s32 @!p2 $0x0  }
0x1d: {  	s5 =	simm.s32 @p1 $0x1;
	p0 =	seq.s32 s7, s2  }
0x1e: {  	s7 =	smul.u32 @!p0 $0xF7A, s2;
	p2 =	seq.s32 @!p0 s5, $0x0  }
0x1f: {  	s9 =	smul.u32 $0xF7A, s1;
	s8 =	simm.s32 @!p0 $0x1BF5;
	p2 =	por !p2, p0  }
0x20: {  	[sflag:s8] =	ssyncset.s32 @!p0 $0xFFFFF086;
	s6 =	sadd.s32 @!p0 s3, s7;
	s7 =	simm.s32 @!p0 $0x108  }
0x21: {  	s3 =	sadd.s32 s3, s9;
	s6 =	sadd.s32 @!p0 $0x88, s6;
	s7 =	simm.s32 @p2 $0x1082  }
0x22: {  	[simem:s7], [sflag:s8] =	dma.local @!p0 [hbm:s6], $0xF7A  }
0x23: {  	s9 =	sor.u32 $0xD0000000, s2;
	s6 =	simm.s32 $0x108;
	_ =	swait.ge @!p0 [sflag:s8], $0x0  }
0x24: {  	s3 =	sadd.s32 $0x88, s3;
	s6 =	simm.s32 @!p1 $0x1082;
	[sflag:s4] =	ssyncset.s32 $0xFFFFF086  }
0x25: {  	[simem:s6], [sflag:s4] =	dma.local [hbm:s3], $0xF7A  }
0x26: {  	[smem:$0x3F7F] =	sst s1;
	(tag) =	ssettag s2;
	_ =	strace s9  }
0x27: {  	s1 =	sld [smem:$0x3F8F]  }
0x28: {  	s2 =	sld [smem:$0x3F90]  }
0x29: {  	s4 =	sld [smem:$0x3F92]  }
0x2a: {  	p0 =	seq.s32 s5, $0x0;
	s5 =	sld [smem:$0x3F93]  }
0x2b: {  	s6 =	sld [smem:$0x3F94]  }
0x2c: {  	s7 =	sld [smem:$0x3F95]  }
0x2d: {  	s3 =	simm.s32 $0x108;
	s8 =	sld [smem:$0x3F96]  }
0x2e: {  	s3 =	simm.s32 @!p0 $0x1082;
	s9 =	sld [smem:$0x3F97]  }
0x2f: {  	lr =	sadd.s32 s0, s3;
	s0 =	sld [smem:$0x3F8E]  }
0x30: {  	s3 =	sld [smem:$0x3F91]  }
0x31: {  	[smem:$0x3F9A] =	sst s10  }
0x32: {  	s10 =	sld [smem:$0x3F98];
	_ =	sdelay $0x3  }
0x33: {  	p0 =	seq.s32 s10, $0x1;
	s10 =	sld [smem:$0x3F9A];
	_ =	sdelay $0x3  }
0x34: {  	[smem:$0x3F9A] =	sst s10  }
0x35: {  	s10 =	sld [smem:$0x3F99];
	_ =	sdelay $0x3  }
0x36: {  	p1 =	seq.s32 s10, $0x1;
	s10 =	sld [smem:$0x3F9A];
	_ =	sdelay $0x3  }
0x37: {  	[smem:$0x3F9A] =	sst s10  }
0x38: {  	s10 =	sld [smem:$0x3F9B]  }
0x39: {  	_ = 	snop;
	(pc) =	sbr.ind lr, $3  }
0x3a: {  	_ = 	snop  }
0x3b: {  	_ = 	snop  }
0x3c: {  	p2 =	seq.s32 s10, $0x1;
	s10 =	sld [smem:$0x3F9A]  }
0x3d: {  	_ =	shalt  }
0x3e: {  	_ =	shalt  }
0x3f: {  	_ =	shalt  }
0x40: {  	_ =	shalt  }
0x41: {  	_ =	shalt  }
0x42: {  	_ =	shalt  }
0x43: {  	_ =	shalt  }
0x44: {  	_ =	shalt  }
0x45: {  	_ =	shalt  }
0x46: {  	_ =	shalt  }
0x47: {  	_ =	shalt  }
0x48: {  	_ =	shalt  }
0x49: {  	_ =	shalt  }
0x4a: {  	_ =	shalt  }
0x4b: {  	_ =	shalt  }
0x4c: {  	_ =	shalt  }
0x4d: {  	_ =	shalt  }
0x4e: {  	_ =	shalt  }
0x4f: {  	_ =	shalt  }
0x50: {  	_ =	shalt  }
0x51: {  	_ =	shalt  }
0x52: {  	_ =	shalt  }
0x53: {  	_ =	shalt  }
0x54: {  	_ =	shalt  }
0x55: {  	_ =	shalt  }
0x56: {  	_ =	shalt  }
0x57: {  	_ =	shalt  }
0x58: {  	_ =	shalt  }
0x59: {  	_ =	shalt  }
0x5a: {  	_ =	shalt  }
0x5b: {  	_ =	shalt  }
0x5c: {  	_ =	shalt  }
0x5d: {  	_ =	shalt  }
0x5e: {  	_ =	shalt  }
0x5f: {  	_ =	shalt  }
0x60: {  	_ =	shalt  }
0x61: {  	_ =	shalt  }
0x62: {  	_ =	shalt  }
0x63: {  	_ =	shalt  }
0x64: {  	_ =	shalt  }
0x65: {  	_ =	shalt  }
0x66: {  	_ =	shalt  }
0x67: {  	_ =	shalt  }
0x68: {  	_ =	shalt  }
0x69: {  	_ =	shalt  }
0x6a: {  	_ =	shalt  }
0x6b: {  	_ =	shalt  }
0x6c: {  	_ =	shalt  }
0x6d: {  	_ =	shalt  }
0x6e: {  	_ =	shalt  }
0x6f: {  	_ =	shalt  }
0x70: {  	_ =	shalt  }
0x71: {  	_ =	shalt  }
0x72: {  	_ =	shalt  }
0x73: {  	_ =	shalt  }
0x74: {  	_ =	shalt  }
0x75: {  	_ =	shalt  }
0x76: {  	_ =	shalt  }
0x77: {  	_ =	shalt  }
0x78: {  	_ =	shalt  }
0x79: {  	_ =	shalt  }
0x7a: {  	_ =	shalt  }
0x7b: {  	_ =	shalt  }
0x7c: {  	_ =	shalt  }
0x7d: {  	_ =	shalt  }
0x7e: {  	_ =	shalt  }
0x7f: {  	_ =	shalt  }
0x80: {  	_ =	shalt  }
0x81: {  	_ =	shalt  }
0x82: {  	_ =	shalt  }
0x83: {  	_ =	shalt  }
0x84: {  	_ =	shalt  }
0x85: {  	_ =	shalt  }
0x86: {  	_ =	shalt  }
0x87: {  	_ =	shalt  }
.Lfunc_end0:
.L_simem_size_0:
called_computation.2_lowered:
.L_overlay_start_0:
0x88: {  	s2 =	sld [smem:$0x3FD9]  }
0x89: {  	s3 =	sld [smem:$0x3FFE];
	_ =	sdelay $0x1  }
0x8a: {  	s1 =	srdreg.scid  }
0x8b: {  	s0 =	sand.u32 $0x1, s1  }
0x8c: {  	s16 =	sshll.u32 s0, $0xA;
	s2 =	sadd.s32 s3, s2  }
0x8d: {  	s2 =	sadd.s32 s2, s16  }
0x8e: {  	[smem:$0x3FA6] =	sst s2  }
0x8f: {  	_ = 	snop  }
0x90: {  	(tm) =	ssettm $0x1  }
0x91: {  	s17 =	sld [smem:$0x3FFB];
	_ =	sdelay $0x3  }
0x92: {  	_ =	strace s17  }
0x93: {  	s2 =	sld [smem:$0x3FFC];
	_ =	sdelay $0x3  }
0x94: {  	_ =	strace s2  }
0x95: {  	s2 =	sld [smem:$0x3FFD];
	_ =	sdelay $0x3  }
0x96: {  	_ =	strace s2  }
0x97: {  	_ =	strace $0x8FFFFFFF  }
0x98: {  	s18 =	sld [smem:$0x3FDB];
	_ =	sdelay $0x1  }
0x99: {  	s19 =	simm.s32 $_scs_section_size  }
0x9a: {  	s4 =	simm.s32 $_size__tile_overlayer_lowered;
	s5 =	simm.s32 $_tile_overlayer_lowered  }
0x9b: {  	s22 =	simm.s32 $0x1BFF;
	s21 =	sshll.u32 s5, $0x1;
	s2 =	sadd.s32 s19, s18  }
0x9c: {  	s6 =	simm.s32 $0x0;
	s20 =	sshll.u32 s4, $0x1;
	s4 =	sadd.s32 s21, s2  }
0x9d: {  	[timem:s6], [sflag:s22] =	dma.local [hbm:s4], s20  }
0x9e: {  	_ =	swait.ge [sflag:s22], s20  }
0x9f: {  	s3 =	ssub.s32 $0x0, s20;
	[sflag:s22] =	ssyncset.done $0x0  }
0xa0: {  	[sflag:s22] =	ssyncadd.s32 s3;
	_ =	sdelay $0x1  }
0xa1: {  	s23 =	simm.s32 $0x1B8B  }
0xa2: {  	_ =	swait.ge [sflag:s23], $0x1  }
0xa3: {  	[sflag:s23] =	ssyncset.done $0x0  }
0xa4: {  	s25 =	simm.s32 $0x1B8E;
	s24 =	sld [smem:$0x3FFE];
	[sflag:s23] =	ssyncadd.s32 $0xFFFFFFFF  }
0xa5: {  	s26 =	simm.s32 $execute0_lowered;
	[smem:$0x3FD2] =	sst s25  }
0xa6: {  	s4 =	sshll.u32 s26, $0x1;
	_ =	strace $0x8000004C;
	[dreg:$0x1] =	wrdreg $0xFFFFFFFF  }
0xa7: {  	s28 =	simm.s32 $_size_execute0_lowered;
	s2 =	sadd.s32 s2, s4;
	[dreg:$0x0] =	wrdreg $0x0  }
0xa8: {  	s4 =	sshll.u32 s28, $0x1;
	[dreg:$0x2] =	wrdreg s2  }
0xa9: {  	[dreg:$0x3] =	wrdreg s4  }
0xaa: {  	[dreg:$0x4] =	wrdreg $0xC0  }
0xab: {  	_ =	task [dreg:s6], $0x5FFFF  }
0xac: {  	[dreg:$0x1] =	wrdreg $0xFFFFFFFF  }
0xad: {  	[dreg:$0x0] =	wrdreg $0x60  }
0xae: {  	[dreg:$0x2] =	wrdreg s24  }
0xaf: {  	[dreg:$0x3] =	wrdreg $0x0  }
0xb0: {  	[dreg:$0x4] =	wrdreg $0x9  }
0xb1: {  	_ =	task.clear_ibuf [dreg:s6], $0x5FFFF;
	_ =	strace $0x9000004C  }
0xb2: {  	s29 =	simm.s32 $0x9;
	_ =	strace $0x8000004E  }
0xb3: {  	_ =	swait.ge [sflag:s29], $0x1  }
0xb4: {  	[sflag:s29] =	ssyncadd.s32 $0xFFFFFFFF  }
0xb5: {  	_ =	strace $0x9000004E  }
0xb6: {  	_ =	sfence  }
0xb7: {  	s30 =	sld [smem:$0x0];
	_ =	sdelay $0x2  }
0xb8: {  	s31 =	sshll.u32 s1, $0xD;
	s1 =	sshrl.u32 s1, $0x2  }
0xb9: {  	s3 =	sand.u32 $0x4000, s31;
	s1 =	sadd.s32 s1, s30  }
0xba: {  	s0 =	sor.u32 s3, s0;
	s1 =	sshll.u32 s1, $0x11  }
0xbb: {  	s0 =	sor.u32 s1, s0  }
0xbc: {  	s0 =	sadd.s32 $0x8F2B, s0  }
0xbd: {  	[sflag:s0] =	ssyncadd.remote.s32 $0x1  }
0xbe: {  	_ =	sfence.sel $0xFFFF  }
0xbf: {  	[dreg:$0x0] =	wrdreg $0xFFFFFFFF;
	(pc) =	sbr.abs _section_cstart, $3  }
0xc0: {  	[dreg:$0x1] =	wrdreg $0xFFFFFFFF  }
0xc1: {  	_ =	task.clear_ibuf [dreg:s6], $0x2FFFF;
	_ =	strace $0x9FFFFFFF  }
0xc2: {  	(tm) =	ssettm $0x7FFFFFFF  }
0xc3: {  	_ =	shalt  }
tec
execute0_lowered:
.L_overlay_start_1:
0x0: {  	(tag) =	ssettag $0x1  }
0x1: {  	s7 =	rddreg [dreg:$0x0]  }
0x2: {  	s1 =	rddreg [dreg:$0x1]  }
0x3: {  	s0 =	rddreg [dreg:$0x2];
	s2 =	simm.s32 $0x0  }
0x4: {  	s3 =	srdreg.scid;
	s16 =	simm.s32 $0x13880;
	s17 =	simm.s32 $0x17980  }
0x5: {  	s18 =	simm.s32 $0x80;
	s19 =	simm.s32 $0x1;
	s20 =	simm.s32 $0x2  }
0x6: {  	s21 =	simm.s32 $0x13900;
	s22 =	simm.s32 $0x3;
	s23 =	simm.s32 $0x0  }
0x7: {  	[smem:$0x7FF] =	sst s2;
	s10 =	sand.u32 $0x1, s3;
	s3 =	stileid.u32  }
0x8: {  	s4 =	sadd.s32 $0x6A00, s7;
	_ =	strace $0x8000004D;
	s31 =	smul.u32 $0xA000, s3  }
0x9: {  	s5 =	sshll.u32 s10, $0x4;
	s8 =	ssub.s32 $0x2, s10;
	s13 =	smul.u32 $0x138800, s10  }
0xa: {  	p0 =	slt.u32 s3, $0xD;
	s10 =	simm.s32 $0x8;
	s15 =	smul.u32 $0x2800, s3  }
0xb: {  	s6 =	sor.u32 s3, s5;
	s5 =	sadd.s32 $0xF0E600, s7;
	s9 =	sshrl.u32 s8, $0x1  }
0xc: {  	s10 =	simm.s32 @!p0 $0x7;
	s11 =	smul.u32 $0x9C4, s6;
	s6 =	sadd.s32 $0x4E8A00, s7  }
0xd: {  	s7 =	sadd.s32 $0x2DC00, s7;
	s12 =	ssub.s32 s8, s9;
	s14 =	sshrl.u32 s31, $0x2  }
0xe: {  	s13 =	sadd.s32 s15, s13;
	s15 =	simm.s32 $0x4;
	s30 =	sadd.s32 $0x9C4, s11  }
0xf: {  	s8 =	sshrl.u32 s11, $0x5;
	s11 =	smax.u32 s12, $0x1;
	s9 =	sshrl.u32 s30, $0x5  }
0x10: {  	v0 =	vimm.f32 $0.0e+00;
	s12 =	sadd.s32 s14, s1;
	s14 =	simm.s32 $0x13980;
	p0 =	sge.u32 s8, s9  }
.LBB2_1:
0x11: {  	s24 =	simm.s32 $0x0;
	s25 =	simm.s32 $0x200  }
.LBB2_2:
0x12: {  	p1 =	sne.s32 s25, $0x9E00;
	[tilespmem:s24+$0x139F0] =	vst v0  }
0x13: {  	[tilespmem:s24+$0x13980] =	vst v0  }
0x14: {  	[tilespmem:s24+$0x13990] =	vst v0  }
.Ltmp0:
0x15: {  	[tilespmem:s24+$0x139A0] =	vst v0;
	(pc) =	sbr.rel @p1 .LBB2_2-.Ltmp0, $4  }
0x16: {  	[tilespmem:s24+$0x139B0] =	vst v0  }
0x17: {  	[tilespmem:s24+$0x139C0] =	vst v0  }
0x18: {  	[tilespmem:s24+$0x139D0] =	vst v0  }
0x19: {  	[tilespmem:s24+$0x139E0] =	vst v0;
	s24 =	sshra.s32 s25, $0x2;
	s25 =	sadd.s32 $0x200, s25  }
0x1a: {  	[tilespmem:s24+$0x139F0] =	vst v0  }
0x1b: {  	[tilespmem:s24+$0x13980] =	vst v0  }
0x1c: {  	[tilespmem:s24+$0x13990] =	vst v0  }
0x1d: {  	[tilespmem:s24+$0x139A0] =	vst v0  }
0x1e: {  	[tilespmem:s24+$0x139B0] =	vst v0  }
0x1f: {  	[tilespmem:s24+$0x139C0] =	vst v0;
	p1 =	sne.s32 s10, $0x1  }
.Ltmp1:
0x20: {  	[tilespmem:s24+$0x139D0] =	vst v0;
	(pc) =	sbr.rel @!p1 .LBB2_5-.Ltmp1, $4  }
0x21: {  	[tilespmem:s24+$0x139E0] =	vst v0  }
0x22: {  	[spmem:s12] =	stream.linear.scatter [tilespmem:s14], [sflag:$0x4], $0x2800, $0x38;
	[tilespmem:$0x1B980] =	vst v63  }
0x23: {  	_ =	swait.ge [sflag:s15], $0x2800  }
0x24: {  	s24 =	sadd.s32 $0xFFFFFFFF, s10;
	s25 =	smov.u32 s12;
	[sflag:s15] =	ssyncset.done $0x0  }
.LBB2_4:
0x25: {  	p2 =	sne.s32 s24, $0x1;
	[sflag:s15] =	ssyncadd.s32 $0xFFFFD800;
	s25 =	sadd.s32 $0x28000, s25  }
.Ltmp2:
0x26: {  	s24 =	sadd.s32 $0xFFFFFFFF, s24;
	(pc) =	sbr.rel @p2 .LBB2_4-.Ltmp2, $4  }
0x27: {  	_ = 	snop  }
0x28: {  	[spmem:s25] =	stream.linear.scatter [tilespmem:s14], [sflag:$0x4], $0x2800, $0x38;
	[tilespmem:$0x1B980] =	vst v63  }
0x29: {  	_ =	swait.ge [sflag:s15], $0x2800  }
0x2a: {  	[sflag:s15] =	ssyncset.done $0x0  }
.LBB2_5:
.Ltmp3:
0x2b: {  	(pc) =	sbr.rel @p0 .LBB2_10-.Ltmp3, $4  }
0x2c: {  	_ = 	snop  }
0x2d: {  	[sflag:s15] =	ssyncadd.s32 $0xFFFFD800  }
0x2e: {  	[bflag:$0x0] =	sbarrier.arrive $0xFFFF  }
0x2f: {  	s24 =	smov.u32 s8  }
.LBB2_6:
0x30: {  	s25 =	sshll.u32 s24, $0x5  }
0x31: {  	s25 =	sadd.s32 s6, s25  }
0x32: {  	[tilespmem:s16], [sflag:$0x4] =	stream.linear.gather [hbm4b:s25+s2], $0x100, $0x38;
	[tilespmem:$0x1B980] =	vst v63  }
0x33: {  	_ =	swait.ge [sflag:s15], $0x100  }
0x34: {  	s31 =	sshll.u32 s24, $0xB;
	[sflag:s15] =	ssyncset.done $0x0  }
0x35: {  	p2 =	sle.u32 s24, s8;
	s25 =	sadd.s32 s5, s31;
	[sflag:s15] =	ssyncadd.s32 $0xFFFFFF00  }
0x36: {  	[tilespmem:s17], [sflag:$0x2] =	stream.linear.gather [hbm4b:s25+s2], $0x4000, $0x38;
	[tilespmem:$0x1B980] =	vst v63  }
0x37: {  	s25 =	simm.s32 @!p2 $0x3  }
0x38: {  	_ =	swait.ge @!p2 [sflag:s25], $0x4000  }
0x39: {  	[sflag:s25] =	ssyncset.done @!p2 $0x0  }
0x3a: {  	[sflag:s25] =	ssyncadd.s32 @!p2 $0xFFFFC000  }
0x3b: {  	[tilespmem:s14], [sflag:$0x1] =	stream.indirect.gather [hbm4b:s4+s18], $0x80, s16, s18, $0xb8;
	[tilespmem:$0x1B980] =	vst v63  }
0x3c: {  	_ =	swait.ge [sflag:s19], $0x4000  }
0x3d: {  	[sflag:s19] =	ssyncset.done $0x0  }
0x3e: {  	[sflag:s19] =	ssyncadd.s32 $0xFFFFC000  }
0x3f: {  	_ =	swait.ge [sflag:s20], $0x4000  }
0x40: {  	[sflag:s20] =	ssyncset.done $0x0  }
0x41: {  	s25 =	simm.s32 $0x0;
	[sflag:s20] =	ssyncadd.s32 $0xFFFFC000  }
0x42: {  	v7 =	vld [tilespmem:s25+$0x17980]  }
0x43: {  	v12 =	vld [tilespmem:s25+$0x17990]  }
0x44: {  	v6 =	vld [tilespmem:s25+$0x179A0]  }
0x45: {  	v5 =	vld [tilespmem:s25+$0x179B0]  }
0x46: {  	v4 =	vld [tilespmem:s25+$0x17A00]  }
0x47: {  	v3 =	vld [tilespmem:s25+$0x17A10]  }
0x48: {  	v2 =	vld [tilespmem:s25+$0x17A20]  }
0x49: {  	v1 =	vld [tilespmem:s25+$0x17A30]  }
0x4a: {  	v13 =	vld [tilespmem:s25+$0x13980]  }
0x4b: {  	v14 =	vld [tilespmem:s25+$0x13990]  }
0x4c: {  	v11 =	vld [tilespmem:s25+$0x139A0]  }
0x4d: {  	v10 =	vld [tilespmem:s25+$0x139B0]  }
0x4e: {  	v9 =	vld [tilespmem:s25+$0x13A00]  }
0x4f: {  	v8 =	vld [tilespmem:s25+$0x13A10];
	v13 =	vadd.f32 v7, v13  }
0x50: {  	s26 =	simm.s32 $0x400;
	v12 =	vadd.f32 v12, v14;
	v7 =	vld [tilespmem:s25+$0x13A20]  }
.LBB2_7:
0x51: {  	s28 =	sshra.s32 s26, $0x2;
	p2 =	sne.s32 s26, $0xFC00;
	v13 =	vmax.f32 v13, $0.0e+00;
	v6 =	vadd.f32 v6, v11;
	v11 =	vld [tilespmem:s25+$0x13A30]  }
0x52: {  	v14 =	vld [tilespmem:s28+$0x17980];
	[tilespmem:s25+$0x13980] =	vst v13;
	v12 =	vmax.f32 v12, $0.0e+00;
	v5 =	vadd.f32 v5, v10  }
0x53: {  	v15 =	vld [tilespmem:s28+$0x17990];
	[tilespmem:s25+$0x13990] =	vst v12;
	v10 =	vmax.f32 v6, $0.0e+00;
	v4 =	vadd.f32 v4, v9  }
0x54: {  	v6 =	vld [tilespmem:s28+$0x179A0];
	[tilespmem:s25+$0x139A0] =	vst v10;
	v9 =	vmax.f32 v5, $0.0e+00;
	v3 =	vadd.f32 v3, v8  }
0x55: {  	v5 =	vld [tilespmem:s28+$0x179B0];
	[tilespmem:s25+$0x139B0] =	vst v9;
	v8 =	vmax.f32 v4, $0.0e+00;
	v2 =	vadd.f32 v2, v7  }
0x56: {  	v4 =	vld [tilespmem:s28+$0x17A00];
	[tilespmem:s25+$0x13A00] =	vst v8;
	v7 =	vmax.f32 v3, $0.0e+00;
	v1 =	vadd.f32 v1, v11  }
0x57: {  	v3 =	vld [tilespmem:s28+$0x17A10];
	[tilespmem:s25+$0x13A10] =	vst v7;
	v7 =	vmax.f32 v2, $0.0e+00  }
0x58: {  	v2 =	vld [tilespmem:s28+$0x17A20];
	[tilespmem:s25+$0x13A20] =	vst v7;
	v7 =	vmax.f32 v1, $0.0e+00  }
0x59: {  	v1 =	vld [tilespmem:s28+$0x17A30];
	[tilespmem:s25+$0x13A30] =	vst v7;
	s25 =	smov.u32 s28  }
0x5a: {  	v7 =	vld [tilespmem:s25+$0x13980]  }
0x5b: {  	v12 =	vld [tilespmem:s25+$0x13990]  }
.Ltmp4:
0x5c: {  	v11 =	vld [tilespmem:s25+$0x139A0];
	(pc) =	sbr.rel @p2 .LBB2_7-.Ltmp4, $4  }
0x5d: {  	v10 =	vld [tilespmem:s25+$0x139B0]  }
0x5e: {  	v9 =	vld [tilespmem:s25+$0x13A00]  }
0x5f: {  	v13 =	vadd.f32 v14, v7;
	v8 =	vld [tilespmem:s25+$0x13A10]  }
0x60: {  	s26 =	sadd.s32 $0x400, s26;
	v12 =	vadd.f32 v15, v12;
	v7 =	vld [tilespmem:s25+$0x13A20]  }
0x61: {  	v13 =	vmax.f32 v13, $0.0e+00;
	v6 =	vadd.f32 v6, v11;
	v63 =	vld [tilespmem:s25+$0x13A30]  }
0x62: {  	[tilespmem:s25+$0x13980] =	vst v13;
	v12 =	vmax.f32 v12, $0.0e+00;
	v5 =	vadd.f32 v5, v10  }
0x63: {  	[tilespmem:s25+$0x13990] =	vst v12;
	v6 =	vmax.f32 v6, $0.0e+00;
	v4 =	vadd.f32 v4, v9  }
0x64: {  	s24 =	sadd.s32 $0x1, s24;
	[tilespmem:s25+$0x139A0] =	vst v6;
	v5 =	vmax.f32 v5, $0.0e+00;
	v3 =	vadd.f32 v3, v8  }
0x65: {  	p2 =	slt.u32 s24, s9;
	[tilespmem:s25+$0x139B0] =	vst v5;
	v4 =	vmax.f32 v4, $0.0e+00;
	v2 =	vadd.f32 v2, v7  }
.Ltmp5:
0x66: {  	[tilespmem:s25+$0x13A00] =	vst v4;
	v3 =	vmax.f32 v3, $0.0e+00;
	v1 =	vadd.f32 v1, v63;
	(pc) =	sbr.rel @p2 .LBB2_6-.Ltmp5, $4  }
0x67: {  	[tilespmem:s25+$0x13A10] =	vst v3;
	v2 =	vmax.f32 v2, $0.0e+00  }
0x68: {  	[tilespmem:s25+$0x13A20] =	vst v2;
	v1 =	vmax.f32 v1, $0.0e+00  }
0x69: {  	[tilespmem:s25+$0x13A30] =	vst v1  }
0x6a: {  	[spmem:s1] =	stream.indirect.scatter.add.f32 [tilespmem:s14], [sflag:$0x3], $0x80, s21, s18, $0xb8;
	[tilespmem:$0x1B980] =	vst v63  }
0x6b: {  	_ =	swait.ge [sflag:s22], $0x4000  }
0x6c: {  	[sflag:s22] =	ssyncset.done $0x0  }
0x6d: {  	[sflag:s22] =	ssyncadd.s32 $0xFFFFC000  }
.LBB2_10:
.Ltmp6:
0x6e: {  	(pc) =	sbr.rel @!p1 .LBB2_12-.Ltmp6, $4  }
0x6f: {  	[bflag:$0x0] =	sbarrier.arrive $0xFFFF;
	s24 =	sshll.u32 s3, $0x6;
	s25 =	sshrl.u32 s13, $0x3  }
0x70: {  	s26 =	sshrl.u32 s12, $0x3;
	s25 =	sadd.s32 s7, s25;
	s24 =	sor.u32 $0x1C04, s24  }
0x71: {  	[hbm:s25], [sflag:s24] =	dma.local [spmem:s26], $0x500  }
0x72: {  	s28 =	smov.u32 s12;
	s25 =	sadd.s32 $0xFFFFFFFF, s10;
	s26 =	sadd.s32 $0x28000, s13  }
.LBB2_11:
0x73: {  	_ =	swait.ge [sflag:s15], $0x500  }
0x74: {  	s28 =	sadd.s32 $0x28000, s28;
	s29 =	sshrl.u32 s26, $0x3;
	p1 =	sne.s32 s25, $0x1  }
.Ltmp7:
0x75: {  	s30 =	sshrl.u32 s28, $0x3;
	[sflag:s15] =	ssyncset.done $0x0;
	(pc) =	sbr.rel @p1 .LBB2_11-.Ltmp7, $4  }
0x76: {  	s29 =	sadd.s32 s7, s29;
	[sflag:s15] =	ssyncadd.s32 $0xFFFFFB00  }
0x77: {  	[hbm:s29], [sflag:s24] =	dma.local [spmem:s30], $0x500  }
0x78: {  	s25 =	sadd.s32 $0xFFFFFFFF, s25  }
0x79: {  	s26 =	sadd.s32 $0x28000, s26  }
.LBB2_12:
0x7a: {  	s23 =	sadd.s32 $0x1, s23  }
0x7b: {  	p1 =	sne.s32 s23, s11  }
.Ltmp8:
0x7c: {  	_ = 	snop;
	(pc) =	sbr.rel @p1 .LBB2_1-.Ltmp8, $4  }
0x7d: {  	_ = 	snop  }
0x7e: {  	_ =	swait.ge [sflag:s15], $0x500  }
0x7f: {  	[sflag:s15] =	ssyncset.done $0x0  }
0x80: {  	[sflag:s15] =	ssyncadd.s32 $0xFFFFFB00  }
0x81: {  	_ =	sfence.sel $0x180000  }
0x82: {  	[bflag:$0x0] =	sbarrier.arrive $0xFFFF  }
0x83: {  	p0 =	sne.s32 s3, $0x0;
	_ =	strace $0x9000004D  }
0x84: {  	s0 =	sadd.s32 @!p0 $0x100000, s0;
	[bflag:$0x2] =	sbarrier.arrive $0xFFFF  }
0x85: {  	[sflag:s0] =	ssyncadd.tile.s32 @!p0 $0x1;
	_ =	shalt  }
.Lfunc_end2:
_tile_overlayer_lowered:
.L_overlay_start_2:
0x86: {  	(tag) =	ssettag $0x2  }
0x87: {  	s0 =	rddreg [dreg:$0x0];
	s2 =	stileid.u32  }
0x88: {  	s1 =	rddreg [dreg:$0x1];
	p0 =	sne.s32 s2, $0x0  }
0x89: {  	s3 =	rddreg [dreg:$0x2];
	[bflag:$0x3] =	sbarrier.arrive $0xFFFF;
	s2 =	simm.s32 @!p0 $0x1C04  }
0x8a: {  	[timem:s3], [sflag:s2] =	dma.local @!p0 [hbm:s0], s1  }
0x8b: {  	s0 =	simm.s32 @!p0 $0x4  }
0x8c: {  	_ =	swait.ge @!p0 [sflag:s0], s1  }
0x8d: {  	s1 =	ssub.s32 @!p0 $0x0, s1;
	[sflag:s0] =	ssyncset.done @!p0 $0x0  }
0x8e: {  	[sflag:s0] =	ssyncadd.s32 @!p0 s1  }
0x8f: {  	[bflag:$0x3] =	sbarrier.arrive $0xFFFF  }
0x90: {  	_ =	shalt  }

</sc_bundles>
